<compile_context>
chip_gen: v7x
topology: tpu7x:2x2x1
jax: 0.10.2.dev20260603
libtpu: 0.0.44.dev20260713+nightly
codegen_flags: <defaults>
</compile_context>

<pallas_src>
import functools

import jax
import jax.numpy as jnp
from jax import lax
from jax.experimental import pallas as pl
from jax.experimental.pallas import tpu as pltpu
from jax.experimental.pallas import tpu_sc as plsc

N = 10000
E = 320000
D_IN = 128
D_HID = 128
D_CLS = 40
D_CLS_PAD = 128

NC = 2
NS = 16
NW = NC * NS

CHUNK = 128
NB = 2
NWIN = 2
NCHUNK = (NB * NWIN) * (-(-E // (NW * CHUNK * NB * NWIN)))
CPW = NCHUNK // NWIN
EPW = NCHUNK * CHUNK
E_PAD = EPW * NW

N_ACC = 10240
ROWS_PER_TILE = N_ACC // NS
R_BLK = 128

NCH0 = 96
NCH1 = 2 * NCHUNK - NCH0
CPW0 = NCH0 // NWIN
CPW1 = NCH1 // NWIN
CPW_MAX = max(CPW0, CPW1)



def _sc_mesh():
    return plsc.VectorSubcoreMesh(core_axis_name="c", subcore_axis_name="s")


def _deg_kernel(src_h, dst_h, out0, out1, dst_i, ones_v, zero_v, dacc,
                ss0, ss1):
    ssem = (ss0, ss1)
    c = lax.axis_index("c")
    s = lax.axis_index("s")
    wid = c * NS + s

    def fill(i, _):
        r = i // 8
        k = i % 8
        ones_v[r, pl.ds(k * 16, 16)] = jnp.ones((16,), jnp.float32)
        zero_v[r, pl.ds(k * 16, 16)] = jnp.zeros((16,), jnp.float32)
        return 0
    lax.fori_loop(0, CHUNK * 8, fill, 0)

    def zacc(i, _):
        pltpu.sync_copy(zero_v, dacc.at[pl.ds(s * ROWS_PER_TILE + i * CHUNK, CHUNK)])
        return 0
    lax.fori_loop(0, ROWS_PER_TILE // CHUNK, zacc, 0)
    pltpu.sync_copy(dst_h.at[pl.ds(wid * NCHUNK, NCHUNK)], dst_i)
    plsc.subcore_barrier()

    def grp(g, _):
        for b in range(NB):
            j = g * NB + b

            @pl.when(g > 0)
            def _():
                pltpu.make_async_copy(ones_v, dacc.at[dst_i.at[j]], ssem[b]).wait()
            pltpu.async_copy(ones_v, dacc.at[dst_i.at[j]], ssem[b], add=True)
        return 0
    lax.fori_loop(0, NCHUNK // NB, grp, 0)
    for b in range(NB):
        pltpu.make_async_copy(ones_v, dacc.at[dst_i.at[0]], ssem[b]).wait()
    plsc.subcore_barrier()

    def wout(i, _):
        r0 = s * ROWS_PER_TILE + i * CHUNK

        @pl.when(c == 0)
        def _():
            pltpu.sync_copy(dacc.at[pl.ds(r0, CHUNK)], out0.at[pl.ds(r0, CHUNK)])

        @pl.when(c == 1)
        def _():
            pltpu.sync_copy(dacc.at[pl.ds(r0, CHUNK)], out1.at[pl.ds(r0, CHUNK)])
        return 0
    lax.fori_loop(0, ROWS_PER_TILE // CHUNK, wout, 0)


def _sc_degree(src_e, dst_e):
    kfn = pl.kernel(
        _deg_kernel,
        out_type=(
            jax.ShapeDtypeStruct((N_ACC, 128), jnp.float32),
            jax.ShapeDtypeStruct((N_ACC, 128), jnp.float32),
        ),
        mesh=_sc_mesh(),
        scratch_types=[
            pltpu.VMEM((NCHUNK, CHUNK), jnp.int32),
            pltpu.VMEM((CHUNK, 128), jnp.float32),
            pltpu.VMEM((CHUNK, 128), jnp.float32),
            pltpu.VMEM_SHARED((N_ACC, 128), jnp.float32),
            pltpu.SemaphoreType.DMA,
            pltpu.SemaphoreType.DMA,
        ],
    )
    return kfn(src_e, dst_e)


def _prop_body(d, table_h, src_h, dst_h, out0, out1,
               src_i, dst_i, rows0, rows1, acc, gs0, gs1, ss0, ss1):
    rows = (rows0, rows1)
    gsem = (gs0, gs1)
    ssem = (ss0, ss1)
    c = lax.axis_index("c")
    s = lax.axis_index("s")
    wid = c * NS + s
    vregs_per_row = d // 16

    def zrow(i, _):
        r = i // vregs_per_row
        k = i % vregs_per_row
        rows0[r, pl.ds(k * 16, 16)] = jnp.zeros((16,), jnp.float32)
        return 0
    lax.fori_loop(0, CHUNK * vregs_per_row, zrow, 0)

    def zacc(i, _):
        pltpu.sync_copy(rows0, acc.at[pl.ds(s * ROWS_PER_TILE + i * CHUNK, CHUNK)])
        return 0
    lax.fori_loop(0, ROWS_PER_TILE // CHUNK, zacc, 0)
    plsc.subcore_barrier()

    row_base = jnp.where(c == 0, s * NCH0, NS * NCH0 + s * NCH1)
    cpw = jnp.where(c == 0, CPW0, CPW1)

    def win(w, _):
        w0 = row_base + w * cpw
        pltpu.sync_copy(src_h.at[pl.ds(w0, CPW_MAX)], src_i)
        pltpu.sync_copy(dst_h.at[pl.ds(w0, CPW_MAX)], dst_i)
        for b in range(NB):
            pltpu.async_copy(table_h.at[src_i.at[b]], rows[b], gsem[b])

        def grp(g, _):
            for b in range(NB):
                j = g * NB + b
                pltpu.make_async_copy(table_h.at[src_i.at[j]], rows[b],
                                      gsem[b]).wait()
                pltpu.async_copy(rows[b], acc.at[dst_i.at[j]], ssem[b], add=True)
                jn = j + NB

                @pl.when(jn < cpw)
                def _():
                    pltpu.make_async_copy(rows[b], acc.at[dst_i.at[j]],
                                          ssem[b]).wait()
                    pltpu.async_copy(table_h.at[src_i.at[jn]], rows[b], gsem[b])
            return 0
        lax.fori_loop(0, cpw // NB, grp, 0)
        for b in range(NB):
            pltpu.make_async_copy(rows[b], acc.at[dst_i.at[0]], ssem[b]).wait()
        return 0
    lax.fori_loop(0, NWIN, win, 0)
    plsc.subcore_barrier()

    def wout(i, _):
        r0 = s * ROWS_PER_TILE + i * CHUNK

        @pl.when(c == 0)
        def _():
            pltpu.sync_copy(acc.at[pl.ds(r0, CHUNK)], out0.at[pl.ds(r0, CHUNK)])

        @pl.when(c == 1)
        def _():
            pltpu.sync_copy(acc.at[pl.ds(r0, CHUNK)], out1.at[pl.ds(r0, CHUNK)])
        return 0
    lax.fori_loop(0, ROWS_PER_TILE // CHUNK, wout, 0)


def _sc_prop(table, src_e, dst_e, d):
    kfn = pl.kernel(
        functools.partial(_prop_body, d),
        out_type=(
            jax.ShapeDtypeStruct((N_ACC, d), jnp.float32),
            jax.ShapeDtypeStruct((N_ACC, d), jnp.float32),
        ),
        mesh=_sc_mesh(),
        scratch_types=(
            [
                pltpu.VMEM((CPW_MAX, CHUNK), jnp.int32),
                pltpu.VMEM((CPW_MAX, CHUNK), jnp.int32),
            ]
            + [pltpu.VMEM((CHUNK, d), jnp.float32) for _ in range(NB)]
            + [pltpu.VMEM_SHARED((N_ACC, d), jnp.float32)]
            + [pltpu.SemaphoreType.DMA for _ in range(2 * NB)]
        ),
    )
    return kfn(table, src_e, dst_e)



def _row_grid(n):
    return -(-n // R_BLK)


def _norm_body(p0_ref, p1_ref, norm_ref):
    deg = jnp.sum(p0_ref[...] + p1_ref[...], axis=1, keepdims=True) * (1.0 / 128.0)
    norm_ref[...] = jnp.where(deg > 0.0, lax.rsqrt(jnp.maximum(deg, 1.0)), 0.0)


def _tc_norm(degp0, degp1):
    return pl.pallas_call(
        _norm_body,
        grid=(N_ACC // R_BLK,),
        in_specs=[
            pl.BlockSpec((R_BLK, 128), lambda i: (i, 0)),
            pl.BlockSpec((R_BLK, 128), lambda i: (i, 0)),
        ],
        out_specs=pl.BlockSpec((R_BLK, 1), lambda i: (i, 0)),
        out_shape=jax.ShapeDtypeStruct((N_ACC, 1), jnp.float32),
    )(degp0, degp1)


def _mm_scale_body(x_ref, w_ref, norm_ref, o_ref):
    o_ref[...] = jnp.dot(x_ref[...], w_ref[...],
                         preferred_element_type=jnp.float32) * norm_ref[...]


def _tc_in_proj(x, w0, norm):
    return pl.pallas_call(
        _mm_scale_body,
        grid=(_row_grid(N),),
        in_specs=[
            pl.BlockSpec((R_BLK, D_IN), lambda i: (i, 0)),
            pl.BlockSpec((D_IN, D_HID), lambda i: (0, 0)),
            pl.BlockSpec((R_BLK, 1), lambda i: (i, 0)),
        ],
        out_specs=pl.BlockSpec((R_BLK, D_HID), lambda i: (i, 0)),
        out_shape=jax.ShapeDtypeStruct((N, D_HID), jnp.float32),
    )(x, w0, norm)


def _relu_scale_body(p0_ref, p1_ref, norm_ref, b_ref, o_ref):
    nrm = norm_ref[...]
    t = (p0_ref[...] + p1_ref[...]) * nrm + b_ref[...][None, :]
    o_ref[...] = jnp.maximum(t, 0.0) * nrm


def _tc_relu_scale(p0, p1, norm, b):
    return pl.pallas_call(
        _relu_scale_body,
        grid=(_row_grid(N),),
        in_specs=[
            pl.BlockSpec((R_BLK, D_HID), lambda i: (i, 0)),
            pl.BlockSpec((R_BLK, D_HID), lambda i: (i, 0)),
            pl.BlockSpec((R_BLK, 1), lambda i: (i, 0)),
            pl.BlockSpec((D_HID,), lambda i: (0,)),
        ],
        out_specs=pl.BlockSpec((R_BLK, D_HID), lambda i: (i, 0)),
        out_shape=jax.ShapeDtypeStruct((N, D_HID), jnp.float32),
    )(p0, p1, norm, b)


def _invdeg_body(p0_ref, p1_ref, norm_ref, o_ref):
    nrm = norm_ref[...]
    o_ref[...] = (p0_ref[...] + p1_ref[...]) * (nrm * nrm)


def _tc_invdeg_scale(p0, p1, norm):
    return pl.pallas_call(
        _invdeg_body,
        grid=(_row_grid(N),),
        in_specs=[
            pl.BlockSpec((R_BLK, D_HID), lambda i: (i, 0)),
            pl.BlockSpec((R_BLK, D_HID), lambda i: (i, 0)),
            pl.BlockSpec((R_BLK, 1), lambda i: (i, 0)),
        ],
        out_specs=pl.BlockSpec((R_BLK, D_HID), lambda i: (i, 0)),
        out_shape=jax.ShapeDtypeStruct((N, D_HID), jnp.float32),
    )(p0, p1, norm)


def _mid_body(p0_ref, p1_ref, norm_ref, w1_ref, b1_ref, w2_ref, o_ref):
    nrm = norm_ref[...]
    t = (p0_ref[...] + p1_ref[...]) * nrm
    h = jnp.dot(t, w1_ref[...], preferred_element_type=jnp.float32)
    h = jnp.maximum(h + b1_ref[...][None, :], 0.0)
    z = jnp.dot(h, w2_ref[...], preferred_element_type=jnp.float32)
    o_ref[...] = z * nrm


def _tc_mid(p0, p1, norm, w1, b1, w2pad):
    return pl.pallas_call(
        _mid_body,
        grid=(_row_grid(N),),
        in_specs=[
            pl.BlockSpec((R_BLK, D_HID), lambda i: (i, 0)),
            pl.BlockSpec((R_BLK, D_HID), lambda i: (i, 0)),
            pl.BlockSpec((R_BLK, 1), lambda i: (i, 0)),
            pl.BlockSpec((D_HID, D_HID), lambda i: (0, 0)),
            pl.BlockSpec((D_HID,), lambda i: (0,)),
            pl.BlockSpec((D_HID, D_CLS_PAD), lambda i: (0, 0)),
        ],
        out_specs=pl.BlockSpec((R_BLK, D_CLS_PAD), lambda i: (i, 0)),
        out_shape=jax.ShapeDtypeStruct((N, D_CLS_PAD), jnp.float32),
    )(p0, p1, norm, w1, b1, w2pad)


def _final_body(q0_ref, q1_ref, norm_ref, b2_ref, o_ref):
    o_ref[...] = ((q0_ref[...] + q1_ref[...]) * norm_ref[...]
                  + b2_ref[...][None, :])


def _tc_final(q0, q1, norm, b2pad):
    return pl.pallas_call(
        _final_body,
        grid=(_row_grid(N),),
        in_specs=[
            pl.BlockSpec((R_BLK, D_CLS_PAD), lambda i: (i, 0)),
            pl.BlockSpec((R_BLK, D_CLS_PAD), lambda i: (i, 0)),
            pl.BlockSpec((R_BLK, 1), lambda i: (i, 0)),
            pl.BlockSpec((D_CLS_PAD,), lambda i: (0,)),
        ],
        out_specs=pl.BlockSpec((R_BLK, D_CLS_PAD), lambda i: (i, 0)),
        out_shape=jax.ShapeDtypeStruct((N, D_CLS_PAD), jnp.float32),
    )(q0, q1, norm, b2pad)



def kernel(x, edge_index, W0, b0, W1, b1, W2, b2):
    src = edge_index[0]
    dst = edge_index[1]
    n_dummy = E_PAD - E
    src_e = jnp.concatenate([src, jnp.zeros((n_dummy,), jnp.int32)])
    dst_e = jnp.concatenate(
        [dst, N + (jnp.arange(n_dummy, dtype=jnp.int32) % (N_ACC - N))])
    src_e = src_e.reshape(NW * NCHUNK, CHUNK)
    dst_e = dst_e.reshape(NW * NCHUNK, CHUNK)

    degp0, degp1 = _sc_degree(src_e, dst_e)
    norm = _tc_norm(degp0, degp1)
    table1 = _tc_in_proj(x, W0, norm)
    p0, p1 = _sc_prop(table1, src_e, dst_e, D_HID)

    g1 = _tc_relu_scale(p0, p1, norm, b0)
    p0, p1 = _sc_prop(g1, src_e, dst_e, D_HID)

    u = _tc_invdeg_scale(p0, p1, norm)
    p0, p1 = _sc_prop(u, src_e, dst_e, D_HID)

    w2pad = jnp.pad(W2, ((0, 0), (0, D_CLS_PAD - D_CLS)))
    table4 = _tc_mid(p0, p1, norm, W1, b1, w2pad)
    q0, q1 = _sc_prop(table4, src_e, dst_e, D_CLS_PAD)

    b2pad = jnp.pad(b2, (0, D_CLS_PAD - D_CLS))
    out = _tc_final(q0, q1, norm, b2pad)
    return out[:, :D_CLS]

# --- scband reference (transcript-rebuilt; emitter-appended) ---
"""Pipeline reference for scband-sgc-1005022347292 (READ-ONLY COPY).

The authoritative reference and input builder live on the scoring server;
editing this copy changes nothing except your own understanding.
"""

import jax, jax.numpy as jnp
import numpy as np

N = 10000
E = 320000
IN_FEATS = 128
N_HIDDEN = 128
N_CLASSES = 40
K_MID = 2


def setup_inputs(seed: int = 0) -> dict:
    key = jax.random.key(seed)
    ks = jax.random.split(key, 8)
    x = jax.random.normal(ks[0], (N, IN_FEATS), dtype=jnp.float32)
    edge_index = jax.random.randint(ks[1], (2, E), 0, N, dtype=jnp.int32)
    W0 = jax.random.normal(ks[2], (IN_FEATS, N_HIDDEN), dtype=jnp.float32) * 0.05
    b0 = jnp.zeros((N_HIDDEN,), dtype=jnp.float32)
    W1 = jax.random.normal(ks[3], (N_HIDDEN, N_HIDDEN), dtype=jnp.float32) * 0.05
    b1 = jnp.zeros((N_HIDDEN,), dtype=jnp.float32)
    W2 = jax.random.normal(ks[4], (N_HIDDEN, N_CLASSES), dtype=jnp.float32) * 0.05
    b2 = jnp.zeros((N_CLASSES,), dtype=jnp.float32)
    return {"x": x, "edge_index": edge_index, "W0": W0, "b0": b0, "W1": W1, "b1": b1, "W2": W2, "b2": b2}


def reference(x, edge_index, W0, b0, W1, b1, W2, b2):
    # SGC with three SGConv layers (k=1, k=K_MID, k=1), DGL norm='both':
    # each propagation step: h = D^{-1/2} A^T (D^{-1/2} h), then fc after k steps.
    src = edge_index[0]
    dst = edge_index[1]
    deg = jax.ops.segment_sum(jnp.ones((E,), dtype=jnp.float32), dst, num_segments=N)
    norm = jnp.where(deg > 0, jnp.power(jnp.maximum(deg, 1.0), -0.5), 0.0)

    def prop(h, k):
        for _ in range(k):
            h = h * norm[:, None]
            m = jnp.take(h, src, axis=0)
            agg = jax.ops.segment_sum(m, dst, num_segments=N)
            h = agg * norm[:, None]
        return h

    h = prop(x, 1) @ W0 + b0       # SGConv(in_feats, n_hidden, k=1)
    h = jax.nn.relu(h)
    # dropout is identity in eval mode
    h = prop(h, K_MID) @ W1 + b1   # SGConv(n_hidden, n_hidden, k=n_layers)
    h = jax.nn.relu(h)
    h = prop(h, 1) @ W2 + b2       # SGConv(n_hidden, n_classes, k=1)
    return h

if __name__ == "__main__":
    import jax
    _d = setup_inputs()
    print(jax.jit(kernel)(*tuple(_d.values())))

</pallas_src>

<mosaic_0001>
#map = affine_map<(d0, d1) -> (0, 0)>
module attributes {stable_mosaic.version = 14 : i64} {
  func.func @_deg_kernel(%arg0: i32, %arg1: i32, %arg2: memref<2560x128xi32, #tpu.memory_space<hbm>>, %arg3: memref<2560x128xi32, #tpu.memory_space<hbm>>, %arg4: memref<10240x128xf32, #tpu.memory_space<hbm>>, %arg5: memref<10240x128xf32, #tpu.memory_space<hbm>>, %arg6: memref<80x128xi32, #tpu.memory_space<vmem>>, %arg7: memref<128x128xf32, #tpu.memory_space<vmem>>, %arg8: memref<128x128xf32, #tpu.memory_space<vmem>>, %arg9: memref<10240x128xf32, #tpu.memory_space<vmem_shared>>, %arg10: memref<!tpu.dma_semaphore, #tpu.memory_space<semaphore_mem>>, %arg11: memref<!tpu.dma_semaphore, #tpu.memory_space<semaphore_mem>>) attributes {dimension_semantics = [#tpu.dimension_semantics<core_parallel>, #tpu.dimension_semantics<subcore_parallel>], iteration_bounds = array<i64: 2, 16>, scalar_prefetch = 0 : i64, scratch_operands = 6 : i64, tpu.core_type = #tpu.core_type<sc_vector_subcore>, window_params = [{transform_indices = #map}, {transform_indices = #map}, {transform_indices = #map}, {transform_indices = #map}]} {
    %mul3A = arith.constant 16 : i32
    %mul3A_0 = arith.muli %arg0, %mul3A : i32
    %add3A = arith.addi %mul3A_0, %arg1 : i32
    %scan3A = arith.constant 0 : i32
    %scan3A_1 = arith.constant 0 : i32
    %scan3A_2 = arith.constant 1024 : i32
    %scan3A_3 = arith.addi %scan3A_1, %scan3A_2 : i32
    %scan3A_4 = arith.constant 1 : i32
    %scan3A_5 = scf.for %scan3A_44 = %scan3A_1 to %scan3A_3 step %scan3A_4 iter_args(%scan3A_45 = %scan3A) -> (i32)  : i32 {
      %jit3A = arith.constant 8 : i32
      %div3A = arith.divsi %scan3A_44, %jit3A : i32
      %sign3A = arith.constant 0 : i32
      %sign3A_46 = arith.cmpi sgt, %scan3A_44, %sign3A : i32
      %sign3A_47 = arith.extui %sign3A_46 : i1 to i32
      %sign3A_48 = arith.constant 0 : i32
      %sign3A_49 = arith.cmpi slt, %scan3A_44, %sign3A_48 : i32
      %sign3A_50 = arith.extui %sign3A_49 : i1 to i32
      %sign3A_51 = arith.subi %sign3A_47, %sign3A_50 : i32
      %sign3A_52 = arith.constant 0 : i32
      %sign3A_53 = arith.cmpi sgt, %jit3A, %sign3A_52 : i32
      %sign3A_54 = arith.extui %sign3A_53 : i1 to i32
      %sign3A_55 = arith.constant 0 : i32
      %sign3A_56 = arith.cmpi slt, %jit3A, %sign3A_55 : i32
      %sign3A_57 = arith.extui %sign3A_56 : i1 to i32
      %sign3A_58 = arith.subi %sign3A_54, %sign3A_57 : i32
      %ne3A = arith.cmpi ne, %sign3A_51, %sign3A_58 : i32
      %rem3A = arith.remsi %scan3A_44, %jit3A : i32
      %ne3A_59 = arith.constant 0 : i32
      %ne3A_60 = arith.cmpi ne, %rem3A, %ne3A_59 : i32
      %and3A = arith.andi %ne3A, %ne3A_60 : i1
      %sub3A = arith.constant 1 : i32
      %sub3A_61 = arith.subi %div3A, %sub3A : i32
      %select_n3A = arith.select %and3A, %sub3A_61, %div3A : i32
      %jit3A_62 = arith.constant 8 : i32
      %eq3A = arith.constant 0 : i32
      %eq3A_63 = arith.cmpi eq, %jit3A_62, %eq3A : i32
      %jit3A_64 = arith.constant 1 : i32
      %select_n3A_65 = arith.select %eq3A_63, %jit3A_64, %jit3A_62 : i32
      %rem3A_66 = arith.remsi %scan3A_44, %select_n3A_65 : i32
      %ne3A_67 = arith.constant 0 : i32
      %ne3A_68 = arith.cmpi ne, %rem3A_66, %ne3A_67 : i32
      %lt3A = arith.constant 0 : i32
      %lt3A_69 = arith.cmpi slt, %rem3A_66, %lt3A : i32
      %lt3A_70 = arith.constant 0 : i32
      %lt3A_71 = arith.cmpi slt, %select_n3A_65, %lt3A_70 : i32
      %ne3A_72 = arith.xori %lt3A_69, %lt3A_71 : i1
      %and3A_73 = arith.andi %ne3A_72, %ne3A_68 : i1
      %add3A_74 = arith.addi %rem3A_66, %select_n3A_65 : i32
      %select_n3A_75 = arith.select %and3A_73, %add3A_74, %rem3A_66 : i32
      %broadcast_in_dim3A = arith.constant 1.000000e+00 : f32
      %broadcast_in_dim3A_76 = vector.broadcast %broadcast_in_dim3A : f32 to vector<16xf32>
      %mul3A_77 = arith.constant 16 : i32
      %mul3A_78 = arith.muli %select_n3A_75, %mul3A_77 : i32
      %swap3A = arith.index_cast %select_n3A : i32 to index
      %swap3A_79 = arith.index_cast %mul3A_78 : i32 to index
      %swap3A_80 = tpu.vector_load %arg7[%swap3A, %swap3A_79] {strides = array<i32>} : memref<128x128xf32, #tpu.memory_space<vmem>>, vector<1x16xf32>,
      %swap3A_81 = vector.shape_cast %swap3A_80 : vector<1x16xf32> to vector<16xf32>
      %swap3A_82 = vector.shape_cast %broadcast_in_dim3A_76 : vector<16xf32> to vector<1x16xf32>
      tpu.vector_store %arg7[%swap3A, %swap3A_79], %swap3A_82 {strides = array<i32>} : memref<128x128xf32, #tpu.memory_space<vmem>>, vector<1x16xf32>,
      %broadcast_in_dim3A_83 = arith.constant 0.000000e+00 : f32
      %broadcast_in_dim3A_84 = vector.broadcast %broadcast_in_dim3A_83 : f32 to vector<16xf32>
      %mul3A_85 = arith.constant 16 : i32
      %mul3A_86 = arith.muli %select_n3A_75, %mul3A_85 : i32
      %swap3A_87 = arith.index_cast %select_n3A : i32 to index
      %swap3A_88 = arith.index_cast %mul3A_86 : i32 to index
      %swap3A_89 = tpu.vector_load %arg8[%swap3A_87, %swap3A_88] {strides = array<i32>} : memref<128x128xf32, #tpu.memory_space<vmem>>, vector<1x16xf32>,
      %swap3A_90 = vector.shape_cast %swap3A_89 : vector<1x16xf32> to vector<16xf32>
      %swap3A_91 = vector.shape_cast %broadcast_in_dim3A_84 : vector<16xf32> to vector<1x16xf32>
      tpu.vector_store %arg8[%swap3A_87, %swap3A_88], %swap3A_91 {strides = array<i32>} : memref<128x128xf32, #tpu.memory_space<vmem>>, vector<1x16xf32>,
      %scan3A_92 = arith.constant 0 : i32
      scf.yield %scan3A_92 : i32
    }
    %scan3A_6 = arith.constant 1024 : i32
    %scan3A_7 = arith.constant 0 : i32
    %scan3A_8 = arith.constant 0 : i32
    %scan3A_9 = arith.constant 5 : i32
    %scan3A_10 = arith.addi %scan3A_8, %scan3A_9 : i32
    %scan3A_11 = arith.constant 1 : i32
    %scan3A_12 = scf.for %scan3A_44 = %scan3A_8 to %scan3A_10 step %scan3A_11 iter_args(%scan3A_45 = %scan3A_7) -> (i32)  : i32 {
      %mul3A_46 = arith.constant 640 : i32
      %mul3A_47 = arith.muli %arg1, %mul3A_46 : i32
      %mul3A_48 = arith.constant 128 : i32
      %mul3A_49 = arith.muli %scan3A_44, %mul3A_48 : i32
      %add3A_50 = arith.addi %mul3A_47, %mul3A_49 : i32
      "tpu.region"() ({
        %run_scoped3A = tpu.sem_alloc : memref<!tpu.dma_semaphore, #tpu.memory_space<semaphore_mem>>
        %dma_start3A = arith.constant 0 : i32
        %dma_start3A_52 = tpu.memref_slice %arg9[%add3A_50, %dma_start3A] : memref<10240x128xf32, #tpu.memory_space<vmem_shared>> -> memref<128x128xf32, #tpu.memory_space<vmem_shared>>
        %dma_start3A_53 = arith.constant 0 : i32
        %dma_start3A_54 = tpu.memref_slice %arg9[%add3A_50, %dma_start3A_53] : memref<10240x128xf32, #tpu.memory_space<vmem_shared>> -> memref<128x128xf32, #tpu.memory_space<vmem_shared>>
        tpu.enqueue_dma source(%arg8 : memref<128x128xf32, #tpu.memory_space<vmem>>) target(%dma_start3A_54 : memref<128x128xf32, #tpu.memory_space<vmem_shared>>) target_semaphore(%run_scoped3A : memref<!tpu.dma_semaphore, #tpu.memory_space<semaphore_mem>>)
        %dma_wait3A_55 = arith.constant 0 : i32
        %dma_wait3A_56 = tpu.memref_slice %arg9[%add3A_50, %dma_wait3A_55] : memref<10240x128xf32, #tpu.memory_space<vmem_shared>> -> memref<128x128xf32, #tpu.memory_space<vmem_shared>>
        %dma_wait3A_57 = arith.constant 0 : i32
        %dma_wait3A_58 = tpu.memref_slice %arg9[%add3A_50, %dma_wait3A_57] : memref<10240x128xf32, #tpu.memory_space<vmem_shared>> -> memref<128x128xf32, #tpu.memory_space<vmem_shared>>
        tpu.wait_dma2 semaphore(%run_scoped3A : memref<!tpu.dma_semaphore, #tpu.memory_space<semaphore_mem>>) src(%arg8 : memref<128x128xf32, #tpu.memory_space<vmem>>) dst(%dma_wait3A_58 : memref<128x128xf32, #tpu.memory_space<vmem_shared>>)
        tpu.yield
      }) : () -> ()
      %scan3A_51 = arith.constant 0 : i32
      scf.yield %scan3A_51 : i32
    }
    %scan3A_13 = arith.constant 5 : i32
    %mul3A_14 = arith.constant 80 : i32
    %mul3A_15 = arith.muli %add3A, %mul3A_14 : i32
    "tpu.region"() ({
      %run_scoped3A = tpu.sem_alloc : memref<!tpu.dma_semaphore, #tpu.memory_space<semaphore_mem>>
      %dma_start3A = arith.constant 0 : i32
      %dma_start3A_44 = tpu.memref_slice %arg3[%mul3A_15, %dma_start3A] : memref<2560x128xi32, #tpu.memory_space<hbm>> -> memref<80x128xi32, #tpu.memory_space<hbm>>
      %dma_start3A_45 = arith.constant 0 : i32
      %dma_start3A_46 = tpu.memref_slice %arg3[%mul3A_15, %dma_start3A_45] : memref<2560x128xi32, #tpu.memory_space<hbm>> -> memref<80x128xi32, #tpu.memory_space<hbm>>
      tpu.enqueue_dma source(%dma_start3A_46 : memref<80x128xi32, #tpu.memory_space<hbm>>) target(%arg6 : memref<80x128xi32, #tpu.memory_space<vmem>>) target_semaphore(%run_scoped3A : memref<!tpu.dma_semaphore, #tpu.memory_space<semaphore_mem>>)
      %dma_wait3A_47 = arith.constant 0 : i32
      %dma_wait3A_48 = tpu.memref_slice %arg3[%mul3A_15, %dma_wait3A_47] : memref<2560x128xi32, #tpu.memory_space<hbm>> -> memref<80x128xi32, #tpu.memory_space<hbm>>
      %dma_wait3A_49 = arith.constant 0 : i32
      %dma_wait3A_50 = tpu.memref_slice %arg3[%mul3A_15, %dma_wait3A_49] : memref<2560x128xi32, #tpu.memory_space<hbm>> -> memref<80x128xi32, #tpu.memory_space<hbm>>
      tpu.wait_dma2 semaphore(%run_scoped3A : memref<!tpu.dma_semaphore, #tpu.memory_space<semaphore_mem>>) src(%dma_wait3A_50 : memref<80x128xi32, #tpu.memory_space<hbm>>) dst(%arg6 : memref<80x128xi32, #tpu.memory_space<vmem>>)
      tpu.yield
    }) : () -> ()
    %barrier3A = arith.constant 0 : index
    tpu.barrier barrier_id(%barrier3A)
    %scan3A_16 = arith.constant 0 : i32
    %scan3A_17 = arith.constant 0 : i32
    %scan3A_18 = arith.constant 40 : i32
    %scan3A_19 = arith.addi %scan3A_17, %scan3A_18 : i32
    %scan3A_20 = arith.constant 1 : i32
    %scan3A_21 = scf.for %scan3A_44 = %scan3A_17 to %scan3A_19 step %scan3A_20 iter_args(%scan3A_45 = %scan3A_16) -> (i32)  : i32 {
      %mul3A_46 = arith.constant 2 : i32
      %mul3A_47 = arith.muli %scan3A_44, %mul3A_46 : i32
      %add3A_48 = arith.constant 0 : i32
      %add3A_49 = arith.addi %mul3A_47, %add3A_48 : i32
      %gt3A = arith.constant 0 : i32
      %gt3A_50 = arith.cmpi sgt, %scan3A_44, %gt3A : i32
      %convert_element_type3A = arith.extui %gt3A_50 : i1 to i32
      %cond3A = arith.constant 0 : i32
      %cond3A_51 = arith.cmpi ne, %convert_element_type3A, %cond3A : i32
      scf.if %cond3A_51 {
        %dma_wait3A_73 = arith.constant 0 : i32
        %dma_wait3A_74 = tpu.memref_slice %arg6[%add3A_49, %dma_wait3A_73] : memref<80x128xi32, #tpu.memory_space<vmem>> -> memref<1x128xi32, #tpu.memory_space<vmem>>
        %dma_wait3A_75 = tpu.memref_squeeze %dma_wait3A_74 : memref<1x128xi32, #tpu.memory_space<vmem>> -> memref<128xi32, #tpu.memory_space<vmem>>
        %dma_wait3A_76 = arith.constant 0 : i32
        %dma_wait3A_77 = arith.constant 0 : i32
        %dma_wait3A_78 = tpu.memref_slice %arg9[%dma_wait3A_76, %dma_wait3A_77] : memref<10240x128xf32, #tpu.memory_space<vmem_shared>> -> memref<10240x128xf32, #tpu.memory_space<vmem_shared>>
        tpu.wait_indirect_dma semaphore(%arg10 : memref<!tpu.dma_semaphore, #tpu.memory_space<semaphore_mem>>) src(%arg7 : memref<128x128xf32, #tpu.memory_space<vmem>>) dst(%dma_wait3A_78 : memref<10240x128xf32, #tpu.memory_space<vmem_shared>>)
      } else {
      }
      %dma_start3A = arith.constant 0 : i32
      %dma_start3A_52 = tpu.memref_slice %arg6[%add3A_49, %dma_start3A] : memref<80x128xi32, #tpu.memory_space<vmem>> -> memref<1x128xi32, #tpu.memory_space<vmem>>
      %dma_start3A_53 = tpu.memref_squeeze %dma_start3A_52 : memref<1x128xi32, #tpu.memory_space<vmem>> -> memref<128xi32, #tpu.memory_space<vmem>>
      %dma_start3A_54 = arith.constant 0 : i32
      %dma_start3A_55 = arith.constant 0 : i32
      %dma_start3A_56 = tpu.memref_slice %arg9[%dma_start3A_54, %dma_start3A_55] : memref<10240x128xf32, #tpu.memory_space<vmem_shared>> -> memref<10240x128xf32, #tpu.memory_space<vmem_shared>>
      tpu.enqueue_indirect_dma source(%arg7 : memref<128x128xf32, #tpu.memory_space<vmem>>) target(%dma_start3A_56 : memref<10240x128xf32, #tpu.memory_space<vmem_shared>>) offsets(%dma_start3A_53 : memref<128xi32, #tpu.memory_space<vmem>>) semaphore(%arg10 : memref<!tpu.dma_semaphore, #tpu.memory_space<semaphore_mem>>) {add = true}
      %mul3A_57 = arith.constant 2 : i32
      %mul3A_58 = arith.muli %scan3A_44, %mul3A_57 : i32
      %add3A_59 = arith.constant 1 : i32
      %add3A_60 = arith.addi %mul3A_58, %add3A_59 : i32
      %gt3A_61 = arith.constant 0 : i32
      %gt3A_62 = arith.cmpi sgt, %scan3A_44, %gt3A_61 : i32
      %convert_element_type3A_63 = arith.extui %gt3A_62 : i1 to i32
      %cond3A_64 = arith.constant 0 : i32
      %cond3A_65 = arith.cmpi ne, %convert_element_type3A_63, %cond3A_64 : i32
      scf.if %cond3A_65 {
        %dma_wait3A_73 = arith.constant 0 : i32
        %dma_wait3A_74 = tpu.memref_slice %arg6[%add3A_60, %dma_wait3A_73] : memref<80x128xi32, #tpu.memory_space<vmem>> -> memref<1x128xi32, #tpu.memory_space<vmem>>
        %dma_wait3A_75 = tpu.memref_squeeze %dma_wait3A_74 : memref<1x128xi32, #tpu.memory_space<vmem>> -> memref<128xi32, #tpu.memory_space<vmem>>
        %dma_wait3A_76 = arith.constant 0 : i32
        %dma_wait3A_77 = arith.constant 0 : i32
        %dma_wait3A_78 = tpu.memref_slice %arg9[%dma_wait3A_76, %dma_wait3A_77] : memref<10240x128xf32, #tpu.memory_space<vmem_shared>> -> memref<10240x128xf32, #tpu.memory_space<vmem_shared>>
        tpu.wait_indirect_dma semaphore(%arg11 : memref<!tpu.dma_semaphore, #tpu.memory_space<semaphore_mem>>) src(%arg7 : memref<128x128xf32, #tpu.memory_space<vmem>>) dst(%dma_wait3A_78 : memref<10240x128xf32, #tpu.memory_space<vmem_shared>>)
      } else {
      }
      %dma_start3A_66 = arith.constant 0 : i32
      %dma_start3A_67 = tpu.memref_slice %arg6[%add3A_60, %dma_start3A_66] : memref<80x128xi32, #tpu.memory_space<vmem>> -> memref<1x128xi32, #tpu.memory_space<vmem>>
      %dma_start3A_68 = tpu.memref_squeeze %dma_start3A_67 : memref<1x128xi32, #tpu.memory_space<vmem>> -> memref<128xi32, #tpu.memory_space<vmem>>
      %dma_start3A_69 = arith.constant 0 : i32
      %dma_start3A_70 = arith.constant 0 : i32
      %dma_start3A_71 = tpu.memref_slice %arg9[%dma_start3A_69, %dma_start3A_70] : memref<10240x128xf32, #tpu.memory_space<vmem_shared>> -> memref<10240x128xf32, #tpu.memory_space<vmem_shared>>
      tpu.enqueue_indirect_dma source(%arg7 : memref<128x128xf32, #tpu.memory_space<vmem>>) target(%dma_start3A_71 : memref<10240x128xf32, #tpu.memory_space<vmem_shared>>) offsets(%dma_start3A_68 : memref<128xi32, #tpu.memory_space<vmem>>) semaphore(%arg11 : memref<!tpu.dma_semaphore, #tpu.memory_space<semaphore_mem>>) {add = true}
      %scan3A_72 = arith.constant 0 : i32
      scf.yield %scan3A_72 : i32
    }
    %scan3A_22 = arith.constant 40 : i32
    %dma_wait3A = arith.constant 0 : i32
    %dma_wait3A_23 = arith.constant 0 : i32
    %dma_wait3A_24 = tpu.memref_slice %arg6[%dma_wait3A, %dma_wait3A_23] : memref<80x128xi32, #tpu.memory_space<vmem>> -> memref<1x128xi32, #tpu.memory_space<vmem>>
    %dma_wait3A_25 = tpu.memref_squeeze %dma_wait3A_24 : memref<1x128xi32, #tpu.memory_space<vmem>> -> memref<128xi32, #tpu.memory_space<vmem>>
    %dma_wait3A_26 = arith.constant 0 : i32
    %dma_wait3A_27 = arith.constant 0 : i32
    %dma_wait3A_28 = tpu.memref_slice %arg9[%dma_wait3A_26, %dma_wait3A_27] : memref<10240x128xf32, #tpu.memory_space<vmem_shared>> -> memref<10240x128xf32, #tpu.memory_space<vmem_shared>>
    tpu.wait_indirect_dma semaphore(%arg10 : memref<!tpu.dma_semaphore, #tpu.memory_space<semaphore_mem>>) src(%arg7 : memref<128x128xf32, #tpu.memory_space<vmem>>) dst(%dma_wait3A_28 : memref<10240x128xf32, #tpu.memory_space<vmem_shared>>)
    %dma_wait3A_29 = arith.constant 0 : i32
    %dma_wait3A_30 = arith.constant 0 : i32
    %dma_wait3A_31 = tpu.memref_slice %arg6[%dma_wait3A_29, %dma_wait3A_30] : memref<80x128xi32, #tpu.memory_space<vmem>> -> memref<1x128xi32, #tpu.memory_space<vmem>>
    %dma_wait3A_32 = tpu.memref_squeeze %dma_wait3A_31 : memref<1x128xi32, #tpu.memory_space<vmem>> -> memref<128xi32, #tpu.memory_space<vmem>>
    %dma_wait3A_33 = arith.constant 0 : i32
    %dma_wait3A_34 = arith.constant 0 : i32
    %dma_wait3A_35 = tpu.memref_slice %arg9[%dma_wait3A_33, %dma_wait3A_34] : memref<10240x128xf32, #tpu.memory_space<vmem_shared>> -> memref<10240x128xf32, #tpu.memory_space<vmem_shared>>
    tpu.wait_indirect_dma semaphore(%arg11 : memref<!tpu.dma_semaphore, #tpu.memory_space<semaphore_mem>>) src(%arg7 : memref<128x128xf32, #tpu.memory_space<vmem>>) dst(%dma_wait3A_35 : memref<10240x128xf32, #tpu.memory_space<vmem_shared>>)
    %barrier3A_36 = arith.constant 0 : index
    tpu.barrier barrier_id(%barrier3A_36)
    %scan3A_37 = arith.constant 0 : i32
    %scan3A_38 = arith.constant 0 : i32
    %scan3A_39 = arith.constant 5 : i32
    %scan3A_40 = arith.addi %scan3A_38, %scan3A_39 : i32
    %scan3A_41 = arith.constant 1 : i32
    %scan3A_42 = scf.for %scan3A_44 = %scan3A_38 to %scan3A_40 step %scan3A_41 iter_args(%scan3A_45 = %scan3A_37) -> (i32)  : i32 {
      %mul3A_46 = arith.constant 640 : i32
      %mul3A_47 = arith.muli %arg1, %mul3A_46 : i32
      %mul3A_48 = arith.constant 128 : i32
      %mul3A_49 = arith.muli %scan3A_44, %mul3A_48 : i32
      %add3A_50 = arith.addi %mul3A_47, %mul3A_49 : i32
      %eq3A = arith.constant 0 : i32
      %eq3A_51 = arith.cmpi eq, %arg0, %eq3A : i32
      %convert_element_type3A = arith.extui %eq3A_51 : i1 to i32
      %cond3A = arith.constant 0 : i32
      %cond3A_52 = arith.cmpi ne, %convert_element_type3A, %cond3A : i32
      scf.if %cond3A_52 {
        "tpu.region"() ({
          %run_scoped3A = tpu.sem_alloc : memref<!tpu.dma_semaphore, #tpu.memory_space<semaphore_mem>>
          %dma_start3A = arith.constant 0 : i32
          %dma_start3A_59 = tpu.memref_slice %arg4[%add3A_50, %dma_start3A] : memref<10240x128xf32, #tpu.memory_space<hbm>> -> memref<128x128xf32, #tpu.memory_space<hbm>>
          %dma_start3A_60 = arith.constant 0 : i32
          %dma_start3A_61 = tpu.memref_slice %arg9[%add3A_50, %dma_start3A_60] : memref<10240x128xf32, #tpu.memory_space<vmem_shared>> -> memref<128x128xf32, #tpu.memory_space<vmem_shared>>
          tpu.enqueue_dma source(%dma_start3A_61 : memref<128x128xf32, #tpu.memory_space<vmem_shared>>) target(%dma_start3A_59 : memref<128x128xf32, #tpu.memory_space<hbm>>) target_semaphore(%run_scoped3A : memref<!tpu.dma_semaphore, #tpu.memory_space<semaphore_mem>>)
          %dma_wait3A_62 = arith.constant 0 : i32
          %dma_wait3A_63 = tpu.memref_slice %arg4[%add3A_50, %dma_wait3A_62] : memref<10240x128xf32, #tpu.memory_space<hbm>> -> memref<128x128xf32, #tpu.memory_space<hbm>>
          %dma_wait3A_64 = arith.constant 0 : i32
          %dma_wait3A_65 = tpu.memref_slice %arg9[%add3A_50, %dma_wait3A_64] : memref<10240x128xf32, #tpu.memory_space<vmem_shared>> -> memref<128x128xf32, #tpu.memory_space<vmem_shared>>
          tpu.wait_dma2 semaphore(%run_scoped3A : memref<!tpu.dma_semaphore, #tpu.memory_space<semaphore_mem>>) src(%dma_wait3A_65 : memref<128x128xf32, #tpu.memory_space<vmem_shared>>) dst(%dma_wait3A_63 : memref<128x128xf32, #tpu.memory_space<hbm>>)
          tpu.yield
        }) : () -> ()
      } else {
      }
      %eq3A_53 = arith.constant 1 : i32
      %eq3A_54 = arith.cmpi eq, %arg0, %eq3A_53 : i32
      %convert_element_type3A_55 = arith.extui %eq3A_54 : i1 to i32
      %cond3A_56 = arith.constant 0 : i32
      %cond3A_57 = arith.cmpi ne, %convert_element_type3A_55, %cond3A_56 : i32
      scf.if %cond3A_57 {
        "tpu.region"() ({
          %run_scoped3A = tpu.sem_alloc : memref<!tpu.dma_semaphore, #tpu.memory_space<semaphore_mem>>
          %dma_start3A = arith.constant 0 : i32
          %dma_start3A_59 = tpu.memref_slice %arg5[%add3A_50, %dma_start3A] : memref<10240x128xf32, #tpu.memory_space<hbm>> -> memref<128x128xf32, #tpu.memory_space<hbm>>
          %dma_start3A_60 = arith.constant 0 : i32
          %dma_start3A_61 = tpu.memref_slice %arg9[%add3A_50, %dma_start3A_60] : memref<10240x128xf32, #tpu.memory_space<vmem_shared>> -> memref<128x128xf32, #tpu.memory_space<vmem_shared>>
          tpu.enqueue_dma source(%dma_start3A_61 : memref<128x128xf32, #tpu.memory_space<vmem_shared>>) target(%dma_start3A_59 : memref<128x128xf32, #tpu.memory_space<hbm>>) target_semaphore(%run_scoped3A : memref<!tpu.dma_semaphore, #tpu.memory_space<semaphore_mem>>)
          %dma_wait3A_62 = arith.constant 0 : i32
          %dma_wait3A_63 = tpu.memref_slice %arg5[%add3A_50, %dma_wait3A_62] : memref<10240x128xf32, #tpu.memory_space<hbm>> -> memref<128x128xf32, #tpu.memory_space<hbm>>
          %dma_wait3A_64 = arith.constant 0 : i32
          %dma_wait3A_65 = tpu.memref_slice %arg9[%add3A_50, %dma_wait3A_64] : memref<10240x128xf32, #tpu.memory_space<vmem_shared>> -> memref<128x128xf32, #tpu.memory_space<vmem_shared>>
          tpu.wait_dma2 semaphore(%run_scoped3A : memref<!tpu.dma_semaphore, #tpu.memory_space<semaphore_mem>>) src(%dma_wait3A_65 : memref<128x128xf32, #tpu.memory_space<vmem_shared>>) dst(%dma_wait3A_63 : memref<128x128xf32, #tpu.memory_space<hbm>>)
          tpu.yield
        }) : () -> ()
      } else {
      }
      %scan3A_58 = arith.constant 0 : i32
      scf.yield %scan3A_58 : i32
    }
    %scan3A_43 = arith.constant 5 : i32
    return
  }
}

#map = affine_map<(d0, d1) -> (0, 0)>
module attributes {stable_mosaic.version = 14 : i64} {
  func.func @_prop_body(%arg0: i32, %arg1: i32, %arg2: memref<10000x128xf32, #tpu.memory_space<hbm>>, %arg3: memref<2560x128xi32, #tpu.memory_space<hbm>>, %arg4: memref<2560x128xi32, #tpu.memory_space<hbm>>, %arg5: memref<10240x128xf32, #tpu.memory_space<hbm>>, %arg6: memref<10240x128xf32, #tpu.memory_space<hbm>>, %arg7: memref<48x128xi32, #tpu.memory_space<vmem>>, %arg8: memref<48x128xi32, #tpu.memory_space<vmem>>, %arg9: memref<128x128xf32, #tpu.memory_space<vmem>>, %arg10: memref<128x128xf32, #tpu.memory_space<vmem>>, %arg11: memref<10240x128xf32, #tpu.memory_space<vmem_shared>>, %arg12: memref<!tpu.dma_semaphore, #tpu.memory_space<semaphore_mem>>, %arg13: memref<!tpu.dma_semaphore, #tpu.memory_space<semaphore_mem>>, %arg14: memref<!tpu.dma_semaphore, #tpu.memory_space<semaphore_mem>>, %arg15: memref<!tpu.dma_semaphore, #tpu.memory_space<semaphore_mem>>) attributes {dimension_semantics = [#tpu.dimension_semantics<core_parallel>, #tpu.dimension_semantics<subcore_parallel>], iteration_bounds = array<i64: 2, 16>, scalar_prefetch = 0 : i64, scratch_operands = 9 : i64, tpu.core_type = #tpu.core_type<sc_vector_subcore>, window_params = [{transform_indices = #map}, {transform_indices = #map}, {transform_indices = #map}, {transform_indices = #map}, {transform_indices = #map}]} {
    %mul3A = arith.constant 16 : i32
    %mul3A_0 = arith.muli %arg0, %mul3A : i32
    %add3A = arith.addi %mul3A_0, %arg1 : i32
    %scan3A = arith.constant 0 : i32
    %scan3A_1 = arith.constant 0 : i32
    %scan3A_2 = arith.constant 1024 : i32
    %scan3A_3 = arith.addi %scan3A_1, %scan3A_2 : i32
    %scan3A_4 = arith.constant 1 : i32
    %scan3A_5 = scf.for %scan3A_40 = %scan3A_1 to %scan3A_3 step %scan3A_4 iter_args(%scan3A_41 = %scan3A) -> (i32)  : i32 {
      %jit3A_42 = arith.constant 8 : i32
      %div3A = arith.divsi %scan3A_40, %jit3A_42 : i32
      %sign3A = arith.constant 0 : i32
      %sign3A_43 = arith.cmpi sgt, %scan3A_40, %sign3A : i32
      %sign3A_44 = arith.extui %sign3A_43 : i1 to i32
      %sign3A_45 = arith.constant 0 : i32
      %sign3A_46 = arith.cmpi slt, %scan3A_40, %sign3A_45 : i32
      %sign3A_47 = arith.extui %sign3A_46 : i1 to i32
      %sign3A_48 = arith.subi %sign3A_44, %sign3A_47 : i32
      %sign3A_49 = arith.constant 0 : i32
      %sign3A_50 = arith.cmpi sgt, %jit3A_42, %sign3A_49 : i32
      %sign3A_51 = arith.extui %sign3A_50 : i1 to i32
      %sign3A_52 = arith.constant 0 : i32
      %sign3A_53 = arith.cmpi slt, %jit3A_42, %sign3A_52 : i32
      %sign3A_54 = arith.extui %sign3A_53 : i1 to i32
      %sign3A_55 = arith.subi %sign3A_51, %sign3A_54 : i32
      %ne3A = arith.cmpi ne, %sign3A_48, %sign3A_55 : i32
      %rem3A = arith.remsi %scan3A_40, %jit3A_42 : i32
      %ne3A_56 = arith.constant 0 : i32
      %ne3A_57 = arith.cmpi ne, %rem3A, %ne3A_56 : i32
      %and3A = arith.andi %ne3A, %ne3A_57 : i1
      %sub3A = arith.constant 1 : i32
      %sub3A_58 = arith.subi %div3A, %sub3A : i32
      %select_n3A_59 = arith.select %and3A, %sub3A_58, %div3A : i32
      %jit3A_60 = arith.constant 8 : i32
      %eq3A_61 = arith.constant 0 : i32
      %eq3A_62 = arith.cmpi eq, %jit3A_60, %eq3A_61 : i32
      %jit3A_63 = arith.constant 1 : i32
      %select_n3A_64 = arith.select %eq3A_62, %jit3A_63, %jit3A_60 : i32
      %rem3A_65 = arith.remsi %scan3A_40, %select_n3A_64 : i32
      %ne3A_66 = arith.constant 0 : i32
      %ne3A_67 = arith.cmpi ne, %rem3A_65, %ne3A_66 : i32
      %lt3A = arith.constant 0 : i32
      %lt3A_68 = arith.cmpi slt, %rem3A_65, %lt3A : i32
      %lt3A_69 = arith.constant 0 : i32
      %lt3A_70 = arith.cmpi slt, %select_n3A_64, %lt3A_69 : i32
      %ne3A_71 = arith.xori %lt3A_68, %lt3A_70 : i1
      %and3A_72 = arith.andi %ne3A_71, %ne3A_67 : i1
      %add3A_73 = arith.addi %rem3A_65, %select_n3A_64 : i32
      %select_n3A_74 = arith.select %and3A_72, %add3A_73, %rem3A_65 : i32
      %broadcast_in_dim3A = arith.constant 0.000000e+00 : f32
      %broadcast_in_dim3A_75 = vector.broadcast %broadcast_in_dim3A : f32 to vector<16xf32>
      %mul3A_76 = arith.constant 16 : i32
      %mul3A_77 = arith.muli %select_n3A_74, %mul3A_76 : i32
      %swap3A = arith.index_cast %select_n3A_59 : i32 to index
      %swap3A_78 = arith.index_cast %mul3A_77 : i32 to index
      %swap3A_79 = tpu.vector_load %arg9[%swap3A, %swap3A_78] {strides = array<i32>} : memref<128x128xf32, #tpu.memory_space<vmem>>, vector<1x16xf32>,
      %swap3A_80 = vector.shape_cast %swap3A_79 : vector<1x16xf32> to vector<16xf32>
      %swap3A_81 = vector.shape_cast %broadcast_in_dim3A_75 : vector<16xf32> to vector<1x16xf32>
      tpu.vector_store %arg9[%swap3A, %swap3A_78], %swap3A_81 {strides = array<i32>} : memref<128x128xf32, #tpu.memory_space<vmem>>, vector<1x16xf32>,
      %scan3A_82 = arith.constant 0 : i32
      scf.yield %scan3A_82 : i32
    }
    %scan3A_6 = arith.constant 1024 : i32
    %scan3A_7 = arith.constant 0 : i32
    %scan3A_8 = arith.constant 0 : i32
    %scan3A_9 = arith.constant 5 : i32
    %scan3A_10 = arith.addi %scan3A_8, %scan3A_9 : i32
    %scan3A_11 = arith.constant 1 : i32
    %scan3A_12 = scf.for %scan3A_40 = %scan3A_8 to %scan3A_10 step %scan3A_11 iter_args(%scan3A_41 = %scan3A_7) -> (i32)  : i32 {
      %mul3A_42 = arith.constant 640 : i32
      %mul3A_43 = arith.muli %arg1, %mul3A_42 : i32
      %mul3A_44 = arith.constant 128 : i32
      %mul3A_45 = arith.muli %scan3A_40, %mul3A_44 : i32
      %add3A_46 = arith.addi %mul3A_43, %mul3A_45 : i32
      "tpu.region"() ({
        %run_scoped3A = tpu.sem_alloc : memref<!tpu.dma_semaphore, #tpu.memory_space<semaphore_mem>>
        %dma_start3A = arith.constant 0 : i32
        %dma_start3A_48 = tpu.memref_slice %arg11[%add3A_46, %dma_start3A] : memref<10240x128xf32, #tpu.memory_space<vmem_shared>> -> memref<128x128xf32, #tpu.memory_space<vmem_shared>>
        %dma_start3A_49 = arith.constant 0 : i32
        %dma_start3A_50 = tpu.memref_slice %arg11[%add3A_46, %dma_start3A_49] : memref<10240x128xf32, #tpu.memory_space<vmem_shared>> -> memref<128x128xf32, #tpu.memory_space<vmem_shared>>
        tpu.enqueue_dma source(%arg9 : memref<128x128xf32, #tpu.memory_space<vmem>>) target(%dma_start3A_50 : memref<128x128xf32, #tpu.memory_space<vmem_shared>>) target_semaphore(%run_scoped3A : memref<!tpu.dma_semaphore, #tpu.memory_space<semaphore_mem>>)
        %dma_wait3A = arith.constant 0 : i32
        %dma_wait3A_51 = tpu.memref_slice %arg11[%add3A_46, %dma_wait3A] : memref<10240x128xf32, #tpu.memory_space<vmem_shared>> -> memref<128x128xf32, #tpu.memory_space<vmem_shared>>
        %dma_wait3A_52 = arith.constant 0 : i32
        %dma_wait3A_53 = tpu.memref_slice %arg11[%add3A_46, %dma_wait3A_52] : memref<10240x128xf32, #tpu.memory_space<vmem_shared>> -> memref<128x128xf32, #tpu.memory_space<vmem_shared>>
        tpu.wait_dma2 semaphore(%run_scoped3A : memref<!tpu.dma_semaphore, #tpu.memory_space<semaphore_mem>>) src(%arg9 : memref<128x128xf32, #tpu.memory_space<vmem>>) dst(%dma_wait3A_53 : memref<128x128xf32, #tpu.memory_space<vmem_shared>>)
        tpu.yield
      }) : () -> ()
      %scan3A_47 = arith.constant 0 : i32
      scf.yield %scan3A_47 : i32
    }
    %scan3A_13 = arith.constant 5 : i32
    %barrier3A = arith.constant 0 : index
    tpu.barrier barrier_id(%barrier3A)
    %eq3A = arith.constant 0 : i32
    %eq3A_14 = arith.cmpi eq, %arg0, %eq3A : i32
    %mul3A_15 = arith.constant 96 : i32
    %mul3A_16 = arith.muli %arg1, %mul3A_15 : i32
    %mul3A_17 = arith.constant 64 : i32
    %mul3A_18 = arith.muli %arg1, %mul3A_17 : i32
    %add3A_19 = arith.constant 1536 : i32
    %add3A_20 = arith.addi %add3A_19, %mul3A_18 : i32
    %select_n3A = arith.select %eq3A_14, %mul3A_16, %add3A_20 : i32
    %eq3A_21 = arith.constant 0 : i32
    %eq3A_22 = arith.cmpi eq, %arg0, %eq3A_21 : i32
    %jit3A = arith.constant 48 : i32
    %jit3A_23 = arith.constant 32 : i32
    %select_n3A_24 = arith.select %eq3A_22, %jit3A, %jit3A_23 : i32
    %scan3A_25 = arith.constant 0 : i32
    %scan3A_26 = arith.constant 0 : i32
    %scan3A_27 = arith.constant 2 : i32
    %scan3A_28 = arith.addi %scan3A_26, %scan3A_27 : i32
    %scan3A_29 = arith.constant 1 : i32
    %scan3A_30 = scf.for %scan3A_40 = %scan3A_26 to %scan3A_28 step %scan3A_29 iter_args(%scan3A_41 = %scan3A_25) -> (i32)  : i32 {
      %mul3A_42 = arith.muli %scan3A_40, %select_n3A_24 : i32
      %add3A_43 = arith.addi %select_n3A, %mul3A_42 : i32
      "tpu.region"() ({
        %run_scoped3A = tpu.sem_alloc : memref<!tpu.dma_semaphore, #tpu.memory_space<semaphore_mem>>
        %dma_start3A_100 = arith.constant 0 : i32
        %dma_start3A_101 = tpu.memref_slice %arg3[%add3A_43, %dma_start3A_100] : memref<2560x128xi32, #tpu.memory_space<hbm>> -> memref<48x128xi32, #tpu.memory_space<hbm>>
        %dma_start3A_102 = arith.constant 0 : i32
        %dma_start3A_103 = tpu.memref_slice %arg3[%add3A_43, %dma_start3A_102] : memref<2560x128xi32, #tpu.memory_space<hbm>> -> memref<48x128xi32, #tpu.memory_space<hbm>>
        tpu.enqueue_dma source(%dma_start3A_103 : memref<48x128xi32, #tpu.memory_space<hbm>>) target(%arg7 : memref<48x128xi32, #tpu.memory_space<vmem>>) target_semaphore(%run_scoped3A : memref<!tpu.dma_semaphore, #tpu.memory_space<semaphore_mem>>)
        %dma_wait3A_104 = arith.constant 0 : i32
        %dma_wait3A_105 = tpu.memref_slice %arg3[%add3A_43, %dma_wait3A_104] : memref<2560x128xi32, #tpu.memory_space<hbm>> -> memref<48x128xi32, #tpu.memory_space<hbm>>
        %dma_wait3A_106 = arith.constant 0 : i32
        %dma_wait3A_107 = tpu.memref_slice %arg3[%add3A_43, %dma_wait3A_106] : memref<2560x128xi32, #tpu.memory_space<hbm>> -> memref<48x128xi32, #tpu.memory_space<hbm>>
        tpu.wait_dma2 semaphore(%run_scoped3A : memref<!tpu.dma_semaphore, #tpu.memory_space<semaphore_mem>>) src(%dma_wait3A_107 : memref<48x128xi32, #tpu.memory_space<hbm>>) dst(%arg7 : memref<48x128xi32, #tpu.memory_space<vmem>>)
        tpu.yield
      }) : () -> ()
      "tpu.region"() ({
        %run_scoped3A = tpu.sem_alloc : memref<!tpu.dma_semaphore, #tpu.memory_space<semaphore_mem>>
        %dma_start3A_100 = arith.constant 0 : i32
        %dma_start3A_101 = tpu.memref_slice %arg4[%add3A_43, %dma_start3A_100] : memref<2560x128xi32, #tpu.memory_space<hbm>> -> memref<48x128xi32, #tpu.memory_space<hbm>>
        %dma_start3A_102 = arith.constant 0 : i32
        %dma_start3A_103 = tpu.memref_slice %arg4[%add3A_43, %dma_start3A_102] : memref<2560x128xi32, #tpu.memory_space<hbm>> -> memref<48x128xi32, #tpu.memory_space<hbm>>
        tpu.enqueue_dma source(%dma_start3A_103 : memref<48x128xi32, #tpu.memory_space<hbm>>) target(%arg8 : memref<48x128xi32, #tpu.memory_space<vmem>>) target_semaphore(%run_scoped3A : memref<!tpu.dma_semaphore, #tpu.memory_space<semaphore_mem>>)
        %dma_wait3A_104 = arith.constant 0 : i32
        %dma_wait3A_105 = tpu.memref_slice %arg4[%add3A_43, %dma_wait3A_104] : memref<2560x128xi32, #tpu.memory_space<hbm>> -> memref<48x128xi32, #tpu.memory_space<hbm>>
        %dma_wait3A_106 = arith.constant 0 : i32
        %dma_wait3A_107 = tpu.memref_slice %arg4[%add3A_43, %dma_wait3A_106] : memref<2560x128xi32, #tpu.memory_space<hbm>> -> memref<48x128xi32, #tpu.memory_space<hbm>>
        tpu.wait_dma2 semaphore(%run_scoped3A : memref<!tpu.dma_semaphore, #tpu.memory_space<semaphore_mem>>) src(%dma_wait3A_107 : memref<48x128xi32, #tpu.memory_space<hbm>>) dst(%arg8 : memref<48x128xi32, #tpu.memory_space<vmem>>)
        tpu.yield
      }) : () -> ()
      %dma_start3A = arith.constant 0 : i32
      %dma_start3A_44 = arith.constant 0 : i32
      %dma_start3A_45 = tpu.memref_slice %arg7[%dma_start3A, %dma_start3A_44] : memref<48x128xi32, #tpu.memory_space<vmem>> -> memref<1x128xi32, #tpu.memory_space<vmem>>
      %dma_start3A_46 = tpu.memref_squeeze %dma_start3A_45 : memref<1x128xi32, #tpu.memory_space<vmem>> -> memref<128xi32, #tpu.memory_space<vmem>>
      %dma_start3A_47 = arith.constant 0 : i32
      %dma_start3A_48 = arith.constant 0 : i32
      %dma_start3A_49 = tpu.memref_slice %arg2[%dma_start3A_47, %dma_start3A_48] : memref<10000x128xf32, #tpu.memory_space<hbm>> -> memref<10000x128xf32, #tpu.memory_space<hbm>>
      tpu.enqueue_indirect_dma source(%dma_start3A_49 : memref<10000x128xf32, #tpu.memory_space<hbm>>) target(%arg9 : memref<128x128xf32, #tpu.memory_space<vmem>>) offsets(%dma_start3A_46 : memref<128xi32, #tpu.memory_space<vmem>>) semaphore(%arg12 : memref<!tpu.dma_semaphore, #tpu.memory_space<semaphore_mem>>)
      %dma_start3A_50 = arith.constant 1 : i32
      %dma_start3A_51 = arith.constant 0 : i32
      %dma_start3A_52 = tpu.memref_slice %arg7[%dma_start3A_50, %dma_start3A_51] : memref<48x128xi32, #tpu.memory_space<vmem>> -> memref<1x128xi32, #tpu.memory_space<vmem>>
      %dma_start3A_53 = tpu.memref_squeeze %dma_start3A_52 : memref<1x128xi32, #tpu.memory_space<vmem>> -> memref<128xi32, #tpu.memory_space<vmem>>
      %dma_start3A_54 = arith.constant 0 : i32
      %dma_start3A_55 = arith.constant 0 : i32
      %dma_start3A_56 = tpu.memref_slice %arg2[%dma_start3A_54, %dma_start3A_55] : memref<10000x128xf32, #tpu.memory_space<hbm>> -> memref<10000x128xf32, #tpu.memory_space<hbm>>
      tpu.enqueue_indirect_dma source(%dma_start3A_56 : memref<10000x128xf32, #tpu.memory_space<hbm>>) target(%arg10 : memref<128x128xf32, #tpu.memory_space<vmem>>) offsets(%dma_start3A_53 : memref<128xi32, #tpu.memory_space<vmem>>) semaphore(%arg13 : memref<!tpu.dma_semaphore, #tpu.memory_space<semaphore_mem>>)
      %jit3A_57 = arith.constant 2 : i32
      %div3A = arith.divsi %select_n3A_24, %jit3A_57 : i32
      %sign3A = arith.constant 0 : i32
      %sign3A_58 = arith.cmpi sgt, %select_n3A_24, %sign3A : i32
      %sign3A_59 = arith.extui %sign3A_58 : i1 to i32
      %sign3A_60 = arith.constant 0 : i32
      %sign3A_61 = arith.cmpi slt, %select_n3A_24, %sign3A_60 : i32
      %sign3A_62 = arith.extui %sign3A_61 : i1 to i32
      %sign3A_63 = arith.subi %sign3A_59, %sign3A_62 : i32
      %sign3A_64 = arith.constant 0 : i32
      %sign3A_65 = arith.cmpi sgt, %jit3A_57, %sign3A_64 : i32
      %sign3A_66 = arith.extui %sign3A_65 : i1 to i32
      %sign3A_67 = arith.constant 0 : i32
      %sign3A_68 = arith.cmpi slt, %jit3A_57, %sign3A_67 : i32
      %sign3A_69 = arith.extui %sign3A_68 : i1 to i32
      %sign3A_70 = arith.subi %sign3A_66, %sign3A_69 : i32
      %ne3A = arith.cmpi ne, %sign3A_63, %sign3A_70 : i32
      %rem3A = arith.remsi %select_n3A_24, %jit3A_57 : i32
      %ne3A_71 = arith.constant 0 : i32
      %ne3A_72 = arith.cmpi ne, %rem3A, %ne3A_71 : i32
      %and3A = arith.andi %ne3A, %ne3A_72 : i1
      %sub3A = arith.constant 1 : i32
      %sub3A_73 = arith.subi %div3A, %sub3A : i32
      %select_n3A_74 = arith.select %and3A, %sub3A_73, %div3A : i32
      %while3A = arith.constant 0 : i32
      %while3A_75 = arith.constant 0 : i32
      %while3A_76 = arith.subi %select_n3A_74, %while3A : i32
      %while3A_77 = arith.addi %while3A, %while3A_76 : i32
      %while3A_78 = arith.constant 1 : i32
      %while3A_79 = arith.divsi %while3A_76, %while3A_78 : i32
      %while3A_80 = arith.muli %while3A_79, %while3A_78 : i32
      %while3A_81 = arith.addi %while3A, %while3A_80 : i32
      %while3A_82 = arith.constant 1 : i32
      %while3A_83 = scf.for %while3A_100 = %while3A to %while3A_81 step %while3A_82 iter_args(%while3A_101 = %while3A_75) -> (i32)  : i32 {
        %mul3A_102 = arith.constant 2 : i32
        %mul3A_103 = arith.muli %while3A_100, %mul3A_102 : i32
        %add3A_104 = arith.constant 0 : i32
        %add3A_105 = arith.addi %mul3A_103, %add3A_104 : i32
        %dma_wait3A_106 = arith.constant 0 : i32
        %dma_wait3A_107 = tpu.memref_slice %arg7[%add3A_105, %dma_wait3A_106] : memref<48x128xi32, #tpu.memory_space<vmem>> -> memref<1x128xi32, #tpu.memory_space<vmem>>
        %dma_wait3A_108 = tpu.memref_squeeze %dma_wait3A_107 : memref<1x128xi32, #tpu.memory_space<vmem>> -> memref<128xi32, #tpu.memory_space<vmem>>
        %dma_wait3A_109 = arith.constant 0 : i32
        %dma_wait3A_110 = arith.constant 0 : i32
        %dma_wait3A_111 = tpu.memref_slice %arg2[%dma_wait3A_109, %dma_wait3A_110] : memref<10000x128xf32, #tpu.memory_space<hbm>> -> memref<10000x128xf32, #tpu.memory_space<hbm>>
        tpu.wait_indirect_dma semaphore(%arg12 : memref<!tpu.dma_semaphore, #tpu.memory_space<semaphore_mem>>) src(%dma_wait3A_111 : memref<10000x128xf32, #tpu.memory_space<hbm>>) dst(%arg9 : memref<128x128xf32, #tpu.memory_space<vmem>>)
        %dma_start3A_112 = arith.constant 0 : i32
        %dma_start3A_113 = tpu.memref_slice %arg8[%add3A_105, %dma_start3A_112] : memref<48x128xi32, #tpu.memory_space<vmem>> -> memref<1x128xi32, #tpu.memory_space<vmem>>
        %dma_start3A_114 = tpu.memref_squeeze %dma_start3A_113 : memref<1x128xi32, #tpu.memory_space<vmem>> -> memref<128xi32, #tpu.memory_space<vmem>>
        %dma_start3A_115 = arith.constant 0 : i32
        %dma_start3A_116 = arith.constant 0 : i32
        %dma_start3A_117 = tpu.memref_slice %arg11[%dma_start3A_115, %dma_start3A_116] : memref<10240x128xf32, #tpu.memory_space<vmem_shared>> -> memref<10240x128xf32, #tpu.memory_space<vmem_shared>>
        tpu.enqueue_indirect_dma source(%arg9 : memref<128x128xf32, #tpu.memory_space<vmem>>) target(%dma_start3A_117 : memref<10240x128xf32, #tpu.memory_space<vmem_shared>>) offsets(%dma_start3A_114 : memref<128xi32, #tpu.memory_space<vmem>>) semaphore(%arg14 : memref<!tpu.dma_semaphore, #tpu.memory_space<semaphore_mem>>) {add = true}
        %add3A_118 = arith.constant 2 : i32
        %add3A_119 = arith.addi %add3A_105, %add3A_118 : i32
        %lt3A = arith.cmpi slt, %add3A_119, %select_n3A_24 : i32
        %convert_element_type3A = arith.extui %lt3A : i1 to i32
        %cond3A = arith.constant 0 : i32
        %cond3A_120 = arith.cmpi ne, %convert_element_type3A, %cond3A : i32
        scf.if %cond3A_120 {
          %dma_wait3A_144 = arith.constant 0 : i32
          %dma_wait3A_145 = tpu.memref_slice %arg8[%add3A_105, %dma_wait3A_144] : memref<48x128xi32, #tpu.memory_space<vmem>> -> memref<1x128xi32, #tpu.memory_space<vmem>>
          %dma_wait3A_146 = tpu.memref_squeeze %dma_wait3A_145 : memref<1x128xi32, #tpu.memory_space<vmem>> -> memref<128xi32, #tpu.memory_space<vmem>>
          %dma_wait3A_147 = arith.constant 0 : i32
          %dma_wait3A_148 = arith.constant 0 : i32
          %dma_wait3A_149 = tpu.memref_slice %arg11[%dma_wait3A_147, %dma_wait3A_148] : memref<10240x128xf32, #tpu.memory_space<vmem_shared>> -> memref<10240x128xf32, #tpu.memory_space<vmem_shared>>
          tpu.wait_indirect_dma semaphore(%arg14 : memref<!tpu.dma_semaphore, #tpu.memory_space<semaphore_mem>>) src(%arg9 : memref<128x128xf32, #tpu.memory_space<vmem>>) dst(%dma_wait3A_149 : memref<10240x128xf32, #tpu.memory_space<vmem_shared>>)
          %dma_start3A_150 = arith.constant 0 : i32
          %dma_start3A_151 = tpu.memref_slice %arg7[%add3A_119, %dma_start3A_150] : memref<48x128xi32, #tpu.memory_space<vmem>> -> memref<1x128xi32, #tpu.memory_space<vmem>>
          %dma_start3A_152 = tpu.memref_squeeze %dma_start3A_151 : memref<1x128xi32, #tpu.memory_space<vmem>> -> memref<128xi32, #tpu.memory_space<vmem>>
          %dma_start3A_153 = arith.constant 0 : i32
          %dma_start3A_154 = arith.constant 0 : i32
          %dma_start3A_155 = tpu.memref_slice %arg2[%dma_start3A_153, %dma_start3A_154] : memref<10000x128xf32, #tpu.memory_space<hbm>> -> memref<10000x128xf32, #tpu.memory_space<hbm>>
          tpu.enqueue_indirect_dma source(%dma_start3A_155 : memref<10000x128xf32, #tpu.memory_space<hbm>>) target(%arg9 : memref<128x128xf32, #tpu.memory_space<vmem>>) offsets(%dma_start3A_152 : memref<128xi32, #tpu.memory_space<vmem>>) semaphore(%arg12 : memref<!tpu.dma_semaphore, #tpu.memory_space<semaphore_mem>>)
        } else {
        }
        %mul3A_121 = arith.constant 2 : i32
        %mul3A_122 = arith.muli %while3A_100, %mul3A_121 : i32
        %add3A_123 = arith.constant 1 : i32
        %add3A_124 = arith.addi %mul3A_122, %add3A_123 : i32
        %dma_wait3A_125 = arith.constant 0 : i32
        %dma_wait3A_126 = tpu.memref_slice %arg7[%add3A_124, %dma_wait3A_125] : memref<48x128xi32, #tpu.memory_space<vmem>> -> memref<1x128xi32, #tpu.memory_space<vmem>>
        %dma_wait3A_127 = tpu.memref_squeeze %dma_wait3A_126 : memref<1x128xi32, #tpu.memory_space<vmem>> -> memref<128xi32, #tpu.memory_space<vmem>>
        %dma_wait3A_128 = arith.constant 0 : i32
        %dma_wait3A_129 = arith.constant 0 : i32
        %dma_wait3A_130 = tpu.memref_slice %arg2[%dma_wait3A_128, %dma_wait3A_129] : memref<10000x128xf32, #tpu.memory_space<hbm>> -> memref<10000x128xf32, #tpu.memory_space<hbm>>
        tpu.wait_indirect_dma semaphore(%arg13 : memref<!tpu.dma_semaphore, #tpu.memory_space<semaphore_mem>>) src(%dma_wait3A_130 : memref<10000x128xf32, #tpu.memory_space<hbm>>) dst(%arg10 : memref<128x128xf32, #tpu.memory_space<vmem>>)
        %dma_start3A_131 = arith.constant 0 : i32
        %dma_start3A_132 = tpu.memref_slice %arg8[%add3A_124, %dma_start3A_131] : memref<48x128xi32, #tpu.memory_space<vmem>> -> memref<1x128xi32, #tpu.memory_space<vmem>>
        %dma_start3A_133 = tpu.memref_squeeze %dma_start3A_132 : memref<1x128xi32, #tpu.memory_space<vmem>> -> memref<128xi32, #tpu.memory_space<vmem>>
        %dma_start3A_134 = arith.constant 0 : i32
        %dma_start3A_135 = arith.constant 0 : i32
        %dma_start3A_136 = tpu.memref_slice %arg11[%dma_start3A_134, %dma_start3A_135] : memref<10240x128xf32, #tpu.memory_space<vmem_shared>> -> memref<10240x128xf32, #tpu.memory_space<vmem_shared>>
        tpu.enqueue_indirect_dma source(%arg10 : memref<128x128xf32, #tpu.memory_space<vmem>>) target(%dma_start3A_136 : memref<10240x128xf32, #tpu.memory_space<vmem_shared>>) offsets(%dma_start3A_133 : memref<128xi32, #tpu.memory_space<vmem>>) semaphore(%arg15 : memref<!tpu.dma_semaphore, #tpu.memory_space<semaphore_mem>>) {add = true}
        %add3A_137 = arith.constant 2 : i32
        %add3A_138 = arith.addi %add3A_124, %add3A_137 : i32
        %lt3A_139 = arith.cmpi slt, %add3A_138, %select_n3A_24 : i32
        %convert_element_type3A_140 = arith.extui %lt3A_139 : i1 to i32
        %cond3A_141 = arith.constant 0 : i32
        %cond3A_142 = arith.cmpi ne, %convert_element_type3A_140, %cond3A_141 : i32
        scf.if %cond3A_142 {
          %dma_wait3A_144 = arith.constant 0 : i32
          %dma_wait3A_145 = tpu.memref_slice %arg8[%add3A_124, %dma_wait3A_144] : memref<48x128xi32, #tpu.memory_space<vmem>> -> memref<1x128xi32, #tpu.memory_space<vmem>>
          %dma_wait3A_146 = tpu.memref_squeeze %dma_wait3A_145 : memref<1x128xi32, #tpu.memory_space<vmem>> -> memref<128xi32, #tpu.memory_space<vmem>>
          %dma_wait3A_147 = arith.constant 0 : i32
          %dma_wait3A_148 = arith.constant 0 : i32
          %dma_wait3A_149 = tpu.memref_slice %arg11[%dma_wait3A_147, %dma_wait3A_148] : memref<10240x128xf32, #tpu.memory_space<vmem_shared>> -> memref<10240x128xf32, #tpu.memory_space<vmem_shared>>
          tpu.wait_indirect_dma semaphore(%arg15 : memref<!tpu.dma_semaphore, #tpu.memory_space<semaphore_mem>>) src(%arg10 : memref<128x128xf32, #tpu.memory_space<vmem>>) dst(%dma_wait3A_149 : memref<10240x128xf32, #tpu.memory_space<vmem_shared>>)
          %dma_start3A_150 = arith.constant 0 : i32
          %dma_start3A_151 = tpu.memref_slice %arg7[%add3A_138, %dma_start3A_150] : memref<48x128xi32, #tpu.memory_space<vmem>> -> memref<1x128xi32, #tpu.memory_space<vmem>>
          %dma_start3A_152 = tpu.memref_squeeze %dma_start3A_151 : memref<1x128xi32, #tpu.memory_space<vmem>> -> memref<128xi32, #tpu.memory_space<vmem>>
          %dma_start3A_153 = arith.constant 0 : i32
          %dma_start3A_154 = arith.constant 0 : i32
          %dma_start3A_155 = tpu.memref_slice %arg2[%dma_start3A_153, %dma_start3A_154] : memref<10000x128xf32, #tpu.memory_space<hbm>> -> memref<10000x128xf32, #tpu.memory_space<hbm>>
          tpu.enqueue_indirect_dma source(%dma_start3A_155 : memref<10000x128xf32, #tpu.memory_space<hbm>>) target(%arg10 : memref<128x128xf32, #tpu.memory_space<vmem>>) offsets(%dma_start3A_152 : memref<128xi32, #tpu.memory_space<vmem>>) semaphore(%arg13 : memref<!tpu.dma_semaphore, #tpu.memory_space<semaphore_mem>>)
        } else {
        }
        %while3A_143 = arith.constant 0 : i32
        scf.yield %while3A_143 : i32
      }
      %while3A_84 = arith.constant 1 : i32
      %while3A_85 = scf.for %while3A_100 = %while3A_81 to %while3A_77 step %while3A_84 iter_args(%while3A_101 = %while3A_83) -> (i32)  : i32 {
        %mul3A_102 = arith.constant 2 : i32
        %mul3A_103 = arith.muli %while3A_100, %mul3A_102 : i32
        %add3A_104 = arith.constant 0 : i32
        %add3A_105 = arith.addi %mul3A_103, %add3A_104 : i32
        %dma_wait3A_106 = arith.constant 0 : i32
        %dma_wait3A_107 = tpu.memref_slice %arg7[%add3A_105, %dma_wait3A_106] : memref<48x128xi32, #tpu.memory_space<vmem>> -> memref<1x128xi32, #tpu.memory_space<vmem>>
        %dma_wait3A_108 = tpu.memref_squeeze %dma_wait3A_107 : memref<1x128xi32, #tpu.memory_space<vmem>> -> memref<128xi32, #tpu.memory_space<vmem>>
        %dma_wait3A_109 = arith.constant 0 : i32
        %dma_wait3A_110 = arith.constant 0 : i32
        %dma_wait3A_111 = tpu.memref_slice %arg2[%dma_wait3A_109, %dma_wait3A_110] : memref<10000x128xf32, #tpu.memory_space<hbm>> -> memref<10000x128xf32, #tpu.memory_space<hbm>>
        tpu.wait_indirect_dma semaphore(%arg12 : memref<!tpu.dma_semaphore, #tpu.memory_space<semaphore_mem>>) src(%dma_wait3A_111 : memref<10000x128xf32, #tpu.memory_space<hbm>>) dst(%arg9 : memref<128x128xf32, #tpu.memory_space<vmem>>)
        %dma_start3A_112 = arith.constant 0 : i32
        %dma_start3A_113 = tpu.memref_slice %arg8[%add3A_105, %dma_start3A_112] : memref<48x128xi32, #tpu.memory_space<vmem>> -> memref<1x128xi32, #tpu.memory_space<vmem>>
        %dma_start3A_114 = tpu.memref_squeeze %dma_start3A_113 : memref<1x128xi32, #tpu.memory_space<vmem>> -> memref<128xi32, #tpu.memory_space<vmem>>
        %dma_start3A_115 = arith.constant 0 : i32
        %dma_start3A_116 = arith.constant 0 : i32
        %dma_start3A_117 = tpu.memref_slice %arg11[%dma_start3A_115, %dma_start3A_116] : memref<10240x128xf32, #tpu.memory_space<vmem_shared>> -> memref<10240x128xf32, #tpu.memory_space<vmem_shared>>
        tpu.enqueue_indirect_dma source(%arg9 : memref<128x128xf32, #tpu.memory_space<vmem>>) target(%dma_start3A_117 : memref<10240x128xf32, #tpu.memory_space<vmem_shared>>) offsets(%dma_start3A_114 : memref<128xi32, #tpu.memory_space<vmem>>) semaphore(%arg14 : memref<!tpu.dma_semaphore, #tpu.memory_space<semaphore_mem>>) {add = true}
        %add3A_118 = arith.constant 2 : i32
        %add3A_119 = arith.addi %add3A_105, %add3A_118 : i32
        %lt3A = arith.cmpi slt, %add3A_119, %select_n3A_24 : i32
        %convert_element_type3A = arith.extui %lt3A : i1 to i32
        %cond3A = arith.constant 0 : i32
        %cond3A_120 = arith.cmpi ne, %convert_element_type3A, %cond3A : i32
        scf.if %cond3A_120 {
          %dma_wait3A_144 = arith.constant 0 : i32
          %dma_wait3A_145 = tpu.memref_slice %arg8[%add3A_105, %dma_wait3A_144] : memref<48x128xi32, #tpu.memory_space<vmem>> -> memref<1x128xi32, #tpu.memory_space<vmem>>
          %dma_wait3A_146 = tpu.memref_squeeze %dma_wait3A_145 : memref<1x128xi32, #tpu.memory_space<vmem>> -> memref<128xi32, #tpu.memory_space<vmem>>
          %dma_wait3A_147 = arith.constant 0 : i32
          %dma_wait3A_148 = arith.constant 0 : i32
          %dma_wait3A_149 = tpu.memref_slice %arg11[%dma_wait3A_147, %dma_wait3A_148] : memref<10240x128xf32, #tpu.memory_space<vmem_shared>> -> memref<10240x128xf32, #tpu.memory_space<vmem_shared>>
          tpu.wait_indirect_dma semaphore(%arg14 : memref<!tpu.dma_semaphore, #tpu.memory_space<semaphore_mem>>) src(%arg9 : memref<128x128xf32, #tpu.memory_space<vmem>>) dst(%dma_wait3A_149 : memref<10240x128xf32, #tpu.memory_space<vmem_shared>>)
          %dma_start3A_150 = arith.constant 0 : i32
          %dma_start3A_151 = tpu.memref_slice %arg7[%add3A_119, %dma_start3A_150] : memref<48x128xi32, #tpu.memory_space<vmem>> -> memref<1x128xi32, #tpu.memory_space<vmem>>
          %dma_start3A_152 = tpu.memref_squeeze %dma_start3A_151 : memref<1x128xi32, #tpu.memory_space<vmem>> -> memref<128xi32, #tpu.memory_space<vmem>>
          %dma_start3A_153 = arith.constant 0 : i32
          %dma_start3A_154 = arith.constant 0 : i32
          %dma_start3A_155 = tpu.memref_slice %arg2[%dma_start3A_153, %dma_start3A_154] : memref<10000x128xf32, #tpu.memory_space<hbm>> -> memref<10000x128xf32, #tpu.memory_space<hbm>>
          tpu.enqueue_indirect_dma source(%dma_start3A_155 : memref<10000x128xf32, #tpu.memory_space<hbm>>) target(%arg9 : memref<128x128xf32, #tpu.memory_space<vmem>>) offsets(%dma_start3A_152 : memref<128xi32, #tpu.memory_space<vmem>>) semaphore(%arg12 : memref<!tpu.dma_semaphore, #tpu.memory_space<semaphore_mem>>)
        } else {
        }
        %mul3A_121 = arith.constant 2 : i32
        %mul3A_122 = arith.muli %while3A_100, %mul3A_121 : i32
        %add3A_123 = arith.constant 1 : i32
        %add3A_124 = arith.addi %mul3A_122, %add3A_123 : i32
        %dma_wait3A_125 = arith.constant 0 : i32
        %dma_wait3A_126 = tpu.memref_slice %arg7[%add3A_124, %dma_wait3A_125] : memref<48x128xi32, #tpu.memory_space<vmem>> -> memref<1x128xi32, #tpu.memory_space<vmem>>
        %dma_wait3A_127 = tpu.memref_squeeze %dma_wait3A_126 : memref<1x128xi32, #tpu.memory_space<vmem>> -> memref<128xi32, #tpu.memory_space<vmem>>
        %dma_wait3A_128 = arith.constant 0 : i32
        %dma_wait3A_129 = arith.constant 0 : i32
        %dma_wait3A_130 = tpu.memref_slice %arg2[%dma_wait3A_128, %dma_wait3A_129] : memref<10000x128xf32, #tpu.memory_space<hbm>> -> memref<10000x128xf32, #tpu.memory_space<hbm>>
        tpu.wait_indirect_dma semaphore(%arg13 : memref<!tpu.dma_semaphore, #tpu.memory_space<semaphore_mem>>) src(%dma_wait3A_130 : memref<10000x128xf32, #tpu.memory_space<hbm>>) dst(%arg10 : memref<128x128xf32, #tpu.memory_space<vmem>>)
        %dma_start3A_131 = arith.constant 0 : i32
        %dma_start3A_132 = tpu.memref_slice %arg8[%add3A_124, %dma_start3A_131] : memref<48x128xi32, #tpu.memory_space<vmem>> -> memref<1x128xi32, #tpu.memory_space<vmem>>
        %dma_start3A_133 = tpu.memref_squeeze %dma_start3A_132 : memref<1x128xi32, #tpu.memory_space<vmem>> -> memref<128xi32, #tpu.memory_space<vmem>>
        %dma_start3A_134 = arith.constant 0 : i32
        %dma_start3A_135 = arith.constant 0 : i32
        %dma_start3A_136 = tpu.memref_slice %arg11[%dma_start3A_134, %dma_start3A_135] : memref<10240x128xf32, #tpu.memory_space<vmem_shared>> -> memref<10240x128xf32, #tpu.memory_space<vmem_shared>>
        tpu.enqueue_indirect_dma source(%arg10 : memref<128x128xf32, #tpu.memory_space<vmem>>) target(%dma_start3A_136 : memref<10240x128xf32, #tpu.memory_space<vmem_shared>>) offsets(%dma_start3A_133 : memref<128xi32, #tpu.memory_space<vmem>>) semaphore(%arg15 : memref<!tpu.dma_semaphore, #tpu.memory_space<semaphore_mem>>) {add = true}
        %add3A_137 = arith.constant 2 : i32
        %add3A_138 = arith.addi %add3A_124, %add3A_137 : i32
        %lt3A_139 = arith.cmpi slt, %add3A_138, %select_n3A_24 : i32
        %convert_element_type3A_140 = arith.extui %lt3A_139 : i1 to i32
        %cond3A_141 = arith.constant 0 : i32
        %cond3A_142 = arith.cmpi ne, %convert_element_type3A_140, %cond3A_141 : i32
        scf.if %cond3A_142 {
          %dma_wait3A_144 = arith.constant 0 : i32
          %dma_wait3A_145 = tpu.memref_slice %arg8[%add3A_124, %dma_wait3A_144] : memref<48x128xi32, #tpu.memory_space<vmem>> -> memref<1x128xi32, #tpu.memory_space<vmem>>
          %dma_wait3A_146 = tpu.memref_squeeze %dma_wait3A_145 : memref<1x128xi32, #tpu.memory_space<vmem>> -> memref<128xi32, #tpu.memory_space<vmem>>
          %dma_wait3A_147 = arith.constant 0 : i32
          %dma_wait3A_148 = arith.constant 0 : i32
          %dma_wait3A_149 = tpu.memref_slice %arg11[%dma_wait3A_147, %dma_wait3A_148] : memref<10240x128xf32, #tpu.memory_space<vmem_shared>> -> memref<10240x128xf32, #tpu.memory_space<vmem_shared>>
          tpu.wait_indirect_dma semaphore(%arg15 : memref<!tpu.dma_semaphore, #tpu.memory_space<semaphore_mem>>) src(%arg10 : memref<128x128xf32, #tpu.memory_space<vmem>>) dst(%dma_wait3A_149 : memref<10240x128xf32, #tpu.memory_space<vmem_shared>>)
          %dma_start3A_150 = arith.constant 0 : i32
          %dma_start3A_151 = tpu.memref_slice %arg7[%add3A_138, %dma_start3A_150] : memref<48x128xi32, #tpu.memory_space<vmem>> -> memref<1x128xi32, #tpu.memory_space<vmem>>
          %dma_start3A_152 = tpu.memref_squeeze %dma_start3A_151 : memref<1x128xi32, #tpu.memory_space<vmem>> -> memref<128xi32, #tpu.memory_space<vmem>>
          %dma_start3A_153 = arith.constant 0 : i32
          %dma_start3A_154 = arith.constant 0 : i32
          %dma_start3A_155 = tpu.memref_slice %arg2[%dma_start3A_153, %dma_start3A_154] : memref<10000x128xf32, #tpu.memory_space<hbm>> -> memref<10000x128xf32, #tpu.memory_space<hbm>>
          tpu.enqueue_indirect_dma source(%dma_start3A_155 : memref<10000x128xf32, #tpu.memory_space<hbm>>) target(%arg10 : memref<128x128xf32, #tpu.memory_space<vmem>>) offsets(%dma_start3A_152 : memref<128xi32, #tpu.memory_space<vmem>>) semaphore(%arg13 : memref<!tpu.dma_semaphore, #tpu.memory_space<semaphore_mem>>)
        } else {
        }
        %while3A_143 = arith.constant 0 : i32
        scf.yield %while3A_143 : i32
      }
      %dma_wait3A = arith.constant 0 : i32
      %dma_wait3A_86 = arith.constant 0 : i32
      %dma_wait3A_87 = tpu.memref_slice %arg8[%dma_wait3A, %dma_wait3A_86] : memref<48x128xi32, #tpu.memory_space<vmem>> -> memref<1x128xi32, #tpu.memory_space<vmem>>
      %dma_wait3A_88 = tpu.memref_squeeze %dma_wait3A_87 : memref<1x128xi32, #tpu.memory_space<vmem>> -> memref<128xi32, #tpu.memory_space<vmem>>
      %dma_wait3A_89 = arith.constant 0 : i32
      %dma_wait3A_90 = arith.constant 0 : i32
      %dma_wait3A_91 = tpu.memref_slice %arg11[%dma_wait3A_89, %dma_wait3A_90] : memref<10240x128xf32, #tpu.memory_space<vmem_shared>> -> memref<10240x128xf32, #tpu.memory_space<vmem_shared>>
      tpu.wait_indirect_dma semaphore(%arg14 : memref<!tpu.dma_semaphore, #tpu.memory_space<semaphore_mem>>) src(%arg9 : memref<128x128xf32, #tpu.memory_space<vmem>>) dst(%dma_wait3A_91 : memref<10240x128xf32, #tpu.memory_space<vmem_shared>>)
      %dma_wait3A_92 = arith.constant 0 : i32
      %dma_wait3A_93 = arith.constant 0 : i32
      %dma_wait3A_94 = tpu.memref_slice %arg8[%dma_wait3A_92, %dma_wait3A_93] : memref<48x128xi32, #tpu.memory_space<vmem>> -> memref<1x128xi32, #tpu.memory_space<vmem>>
      %dma_wait3A_95 = tpu.memref_squeeze %dma_wait3A_94 : memref<1x128xi32, #tpu.memory_space<vmem>> -> memref<128xi32, #tpu.memory_space<vmem>>
      %dma_wait3A_96 = arith.constant 0 : i32
      %dma_wait3A_97 = arith.constant 0 : i32
      %dma_wait3A_98 = tpu.memref_slice %arg11[%dma_wait3A_96, %dma_wait3A_97] : memref<10240x128xf32, #tpu.memory_space<vmem_shared>> -> memref<10240x128xf32, #tpu.memory_space<vmem_shared>>
      tpu.wait_indirect_dma semaphore(%arg15 : memref<!tpu.dma_semaphore, #tpu.memory_space<semaphore_mem>>) src(%arg10 : memref<128x128xf32, #tpu.memory_space<vmem>>) dst(%dma_wait3A_98 : memref<10240x128xf32, #tpu.memory_space<vmem_shared>>)
      %scan3A_99 = arith.constant 0 : i32
      scf.yield %scan3A_99 : i32
    }
    %scan3A_31 = arith.constant 2 : i32
    %barrier3A_32 = arith.constant 0 : index
    tpu.barrier barrier_id(%barrier3A_32)
    %scan3A_33 = arith.constant 0 : i32
    %scan3A_34 = arith.constant 0 : i32
    %scan3A_35 = arith.constant 5 : i32
    %scan3A_36 = arith.addi %scan3A_34, %scan3A_35 : i32
    %scan3A_37 = arith.constant 1 : i32
    %scan3A_38 = scf.for %scan3A_40 = %scan3A_34 to %scan3A_36 step %scan3A_37 iter_args(%scan3A_41 = %scan3A_33) -> (i32)  : i32 {
      %mul3A_42 = arith.constant 640 : i32
      %mul3A_43 = arith.muli %arg1, %mul3A_42 : i32
      %mul3A_44 = arith.constant 128 : i32
      %mul3A_45 = arith.muli %scan3A_40, %mul3A_44 : i32
      %add3A_46 = arith.addi %mul3A_43, %mul3A_45 : i32
      %eq3A_47 = arith.constant 0 : i32
      %eq3A_48 = arith.cmpi eq, %arg0, %eq3A_47 : i32
      %convert_element_type3A = arith.extui %eq3A_48 : i1 to i32
      %cond3A = arith.constant 0 : i32
      %cond3A_49 = arith.cmpi ne, %convert_element_type3A, %cond3A : i32
      scf.if %cond3A_49 {
        "tpu.region"() ({
          %run_scoped3A = tpu.sem_alloc : memref<!tpu.dma_semaphore, #tpu.memory_space<semaphore_mem>>
          %dma_start3A = arith.constant 0 : i32
          %dma_start3A_56 = tpu.memref_slice %arg5[%add3A_46, %dma_start3A] : memref<10240x128xf32, #tpu.memory_space<hbm>> -> memref<128x128xf32, #tpu.memory_space<hbm>>
          %dma_start3A_57 = arith.constant 0 : i32
          %dma_start3A_58 = tpu.memref_slice %arg11[%add3A_46, %dma_start3A_57] : memref<10240x128xf32, #tpu.memory_space<vmem_shared>> -> memref<128x128xf32, #tpu.memory_space<vmem_shared>>
          tpu.enqueue_dma source(%dma_start3A_58 : memref<128x128xf32, #tpu.memory_space<vmem_shared>>) target(%dma_start3A_56 : memref<128x128xf32, #tpu.memory_space<hbm>>) target_semaphore(%run_scoped3A : memref<!tpu.dma_semaphore, #tpu.memory_space<semaphore_mem>>)
          %dma_wait3A = arith.constant 0 : i32
          %dma_wait3A_59 = tpu.memref_slice %arg5[%add3A_46, %dma_wait3A] : memref<10240x128xf32, #tpu.memory_space<hbm>> -> memref<128x128xf32, #tpu.memory_space<hbm>>
          %dma_wait3A_60 = arith.constant 0 : i32
          %dma_wait3A_61 = tpu.memref_slice %arg11[%add3A_46, %dma_wait3A_60] : memref<10240x128xf32, #tpu.memory_space<vmem_shared>> -> memref<128x128xf32, #tpu.memory_space<vmem_shared>>
          tpu.wait_dma2 semaphore(%run_scoped3A : memref<!tpu.dma_semaphore, #tpu.memory_space<semaphore_mem>>) src(%dma_wait3A_61 : memref<128x128xf32, #tpu.memory_space<vmem_shared>>) dst(%dma_wait3A_59 : memref<128x128xf32, #tpu.memory_space<hbm>>)
          tpu.yield
        }) : () -> ()
      } else {
      }
      %eq3A_50 = arith.constant 1 : i32
      %eq3A_51 = arith.cmpi eq, %arg0, %eq3A_50 : i32
      %convert_element_type3A_52 = arith.extui %eq3A_51 : i1 to i32
      %cond3A_53 = arith.constant 0 : i32
      %cond3A_54 = arith.cmpi ne, %convert_element_type3A_52, %cond3A_53 : i32
      scf.if %cond3A_54 {
        "tpu.region"() ({
          %run_scoped3A = tpu.sem_alloc : memref<!tpu.dma_semaphore, #tpu.memory_space<semaphore_mem>>
          %dma_start3A = arith.constant 0 : i32
          %dma_start3A_56 = tpu.memref_slice %arg6[%add3A_46, %dma_start3A] : memref<10240x128xf32, #tpu.memory_space<hbm>> -> memref<128x128xf32, #tpu.memory_space<hbm>>
          %dma_start3A_57 = arith.constant 0 : i32
          %dma_start3A_58 = tpu.memref_slice %arg11[%add3A_46, %dma_start3A_57] : memref<10240x128xf32, #tpu.memory_space<vmem_shared>> -> memref<128x128xf32, #tpu.memory_space<vmem_shared>>
          tpu.enqueue_dma source(%dma_start3A_58 : memref<128x128xf32, #tpu.memory_space<vmem_shared>>) target(%dma_start3A_56 : memref<128x128xf32, #tpu.memory_space<hbm>>) target_semaphore(%run_scoped3A : memref<!tpu.dma_semaphore, #tpu.memory_space<semaphore_mem>>)
          %dma_wait3A = arith.constant 0 : i32
          %dma_wait3A_59 = tpu.memref_slice %arg6[%add3A_46, %dma_wait3A] : memref<10240x128xf32, #tpu.memory_space<hbm>> -> memref<128x128xf32, #tpu.memory_space<hbm>>
          %dma_wait3A_60 = arith.constant 0 : i32
          %dma_wait3A_61 = tpu.memref_slice %arg11[%add3A_46, %dma_wait3A_60] : memref<10240x128xf32, #tpu.memory_space<vmem_shared>> -> memref<128x128xf32, #tpu.memory_space<vmem_shared>>
          tpu.wait_dma2 semaphore(%run_scoped3A : memref<!tpu.dma_semaphore, #tpu.memory_space<semaphore_mem>>) src(%dma_wait3A_61 : memref<128x128xf32, #tpu.memory_space<vmem_shared>>) dst(%dma_wait3A_59 : memref<128x128xf32, #tpu.memory_space<hbm>>)
          tpu.yield
        }) : () -> ()
      } else {
      }
      %scan3A_55 = arith.constant 0 : i32
      scf.yield %scan3A_55 : i32
    }
    %scan3A_39 = arith.constant 5 : i32
    return
  }
}

#map = affine_map<(d0, d1) -> (0, 0)>
module attributes {stable_mosaic.version = 14 : i64} {
  func.func @_prop_body(%arg0: i32, %arg1: i32, %arg2: memref<10000x128xf32, #tpu.memory_space<hbm>>, %arg3: memref<2560x128xi32, #tpu.memory_space<hbm>>, %arg4: memref<2560x128xi32, #tpu.memory_space<hbm>>, %arg5: memref<10240x128xf32, #tpu.memory_space<hbm>>, %arg6: memref<10240x128xf32, #tpu.memory_space<hbm>>, %arg7: memref<48x128xi32, #tpu.memory_space<vmem>>, %arg8: memref<48x128xi32, #tpu.memory_space<vmem>>, %arg9: memref<128x128xf32, #tpu.memory_space<vmem>>, %arg10: memref<128x128xf32, #tpu.memory_space<vmem>>, %arg11: memref<10240x128xf32, #tpu.memory_space<vmem_shared>>, %arg12: memref<!tpu.dma_semaphore, #tpu.memory_space<semaphore_mem>>, %arg13: memref<!tpu.dma_semaphore, #tpu.memory_space<semaphore_mem>>, %arg14: memref<!tpu.dma_semaphore, #tpu.memory_space<semaphore_mem>>, %arg15: memref<!tpu.dma_semaphore, #tpu.memory_space<semaphore_mem>>) attributes {dimension_semantics = [#tpu.dimension_semantics<core_parallel>, #tpu.dimension_semantics<subcore_parallel>], iteration_bounds = array<i64: 2, 16>, scalar_prefetch = 0 : i64, scratch_operands = 9 : i64, tpu.core_type = #tpu.core_type<sc_vector_subcore>, window_params = [{transform_indices = #map}, {transform_indices = #map}, {transform_indices = #map}, {transform_indices = #map}, {transform_indices = #map}]} {
    %mul3A = arith.constant 16 : i32
    %mul3A_0 = arith.muli %arg0, %mul3A : i32
    %add3A = arith.addi %mul3A_0, %arg1 : i32
    %scan3A = arith.constant 0 : i32
    %scan3A_1 = arith.constant 0 : i32
    %scan3A_2 = arith.constant 1024 : i32
    %scan3A_3 = arith.addi %scan3A_1, %scan3A_2 : i32
    %scan3A_4 = arith.constant 1 : i32
    %scan3A_5 = scf.for %scan3A_40 = %scan3A_1 to %scan3A_3 step %scan3A_4 iter_args(%scan3A_41 = %scan3A) -> (i32)  : i32 {
      %jit3A_42 = arith.constant 8 : i32
      %div3A = arith.divsi %scan3A_40, %jit3A_42 : i32
      %sign3A = arith.constant 0 : i32
      %sign3A_43 = arith.cmpi sgt, %scan3A_40, %sign3A : i32
      %sign3A_44 = arith.extui %sign3A_43 : i1 to i32
      %sign3A_45 = arith.constant 0 : i32
      %sign3A_46 = arith.cmpi slt, %scan3A_40, %sign3A_45 : i32
      %sign3A_47 = arith.extui %sign3A_46 : i1 to i32
      %sign3A_48 = arith.subi %sign3A_44, %sign3A_47 : i32
      %sign3A_49 = arith.constant 0 : i32
      %sign3A_50 = arith.cmpi sgt, %jit3A_42, %sign3A_49 : i32
      %sign3A_51 = arith.extui %sign3A_50 : i1 to i32
      %sign3A_52 = arith.constant 0 : i32
      %sign3A_53 = arith.cmpi slt, %jit3A_42, %sign3A_52 : i32
      %sign3A_54 = arith.extui %sign3A_53 : i1 to i32
      %sign3A_55 = arith.subi %sign3A_51, %sign3A_54 : i32
      %ne3A = arith.cmpi ne, %sign3A_48, %sign3A_55 : i32
      %rem3A = arith.remsi %scan3A_40, %jit3A_42 : i32
      %ne3A_56 = arith.constant 0 : i32
      %ne3A_57 = arith.cmpi ne, %rem3A, %ne3A_56 : i32
      %and3A = arith.andi %ne3A, %ne3A_57 : i1
      %sub3A = arith.constant 1 : i32
      %sub3A_58 = arith.subi %div3A, %sub3A : i32
      %select_n3A_59 = arith.select %and3A, %sub3A_58, %div3A : i32
      %jit3A_60 = arith.constant 8 : i32
      %eq3A_61 = arith.constant 0 : i32
      %eq3A_62 = arith.cmpi eq, %jit3A_60, %eq3A_61 : i32
      %jit3A_63 = arith.constant 1 : i32
      %select_n3A_64 = arith.select %eq3A_62, %jit3A_63, %jit3A_60 : i32
      %rem3A_65 = arith.remsi %scan3A_40, %select_n3A_64 : i32
      %ne3A_66 = arith.constant 0 : i32
      %ne3A_67 = arith.cmpi ne, %rem3A_65, %ne3A_66 : i32
      %lt3A = arith.constant 0 : i32
      %lt3A_68 = arith.cmpi slt, %rem3A_65, %lt3A : i32
      %lt3A_69 = arith.constant 0 : i32
      %lt3A_70 = arith.cmpi slt, %select_n3A_64, %lt3A_69 : i32
      %ne3A_71 = arith.xori %lt3A_68, %lt3A_70 : i1
      %and3A_72 = arith.andi %ne3A_71, %ne3A_67 : i1
      %add3A_73 = arith.addi %rem3A_65, %select_n3A_64 : i32
      %select_n3A_74 = arith.select %and3A_72, %add3A_73, %rem3A_65 : i32
      %broadcast_in_dim3A = arith.constant 0.000000e+00 : f32
      %broadcast_in_dim3A_75 = vector.broadcast %broadcast_in_dim3A : f32 to vector<16xf32>
      %mul3A_76 = arith.constant 16 : i32
      %mul3A_77 = arith.muli %select_n3A_74, %mul3A_76 : i32
      %swap3A = arith.index_cast %select_n3A_59 : i32 to index
      %swap3A_78 = arith.index_cast %mul3A_77 : i32 to index
      %swap3A_79 = tpu.vector_load %arg9[%swap3A, %swap3A_78] {strides = array<i32>} : memref<128x128xf32, #tpu.memory_space<vmem>>, vector<1x16xf32>,
      %swap3A_80 = vector.shape_cast %swap3A_79 : vector<1x16xf32> to vector<16xf32>
      %swap3A_81 = vector.shape_cast %broadcast_in_dim3A_75 : vector<16xf32> to vector<1x16xf32>
      tpu.vector_store %arg9[%swap3A, %swap3A_78], %swap3A_81 {strides = array<i32>} : memref<128x128xf32, #tpu.memory_space<vmem>>, vector<1x16xf32>,
      %scan3A_82 = arith.constant 0 : i32
      scf.yield %scan3A_82 : i32
    }
    %scan3A_6 = arith.constant 1024 : i32
    %scan3A_7 = arith.constant 0 : i32
    %scan3A_8 = arith.constant 0 : i32
    %scan3A_9 = arith.constant 5 : i32
    %scan3A_10 = arith.addi %scan3A_8, %scan3A_9 : i32
    %scan3A_11 = arith.constant 1 : i32
    %scan3A_12 = scf.for %scan3A_40 = %scan3A_8 to %scan3A_10 step %scan3A_11 iter_args(%scan3A_41 = %scan3A_7) -> (i32)  : i32 {
      %mul3A_42 = arith.constant 640 : i32
      %mul3A_43 = arith.muli %arg1, %mul3A_42 : i32
      %mul3A_44 = arith.constant 128 : i32
      %mul3A_45 = arith.muli %scan3A_40, %mul3A_44 : i32
      %add3A_46 = arith.addi %mul3A_43, %mul3A_45 : i32
      "tpu.region"() ({
        %run_scoped3A = tpu.sem_alloc : memref<!tpu.dma_semaphore, #tpu.memory_space<semaphore_mem>>
        %dma_start3A = arith.constant 0 : i32
        %dma_start3A_48 = tpu.memref_slice %arg11[%add3A_46, %dma_start3A] : memref<10240x128xf32, #tpu.memory_space<vmem_shared>> -> memref<128x128xf32, #tpu.memory_space<vmem_shared>>
        %dma_start3A_49 = arith.constant 0 : i32
        %dma_start3A_50 = tpu.memref_slice %arg11[%add3A_46, %dma_start3A_49] : memref<10240x128xf32, #tpu.memory_space<vmem_shared>> -> memref<128x128xf32, #tpu.memory_space<vmem_shared>>
        tpu.enqueue_dma source(%arg9 : memref<128x128xf32, #tpu.memory_space<vmem>>) target(%dma_start3A_50 : memref<128x128xf32, #tpu.memory_space<vmem_shared>>) target_semaphore(%run_scoped3A : memref<!tpu.dma_semaphore, #tpu.memory_space<semaphore_mem>>)
        %dma_wait3A = arith.constant 0 : i32
        %dma_wait3A_51 = tpu.memref_slice %arg11[%add3A_46, %dma_wait3A] : memref<10240x128xf32, #tpu.memory_space<vmem_shared>> -> memref<128x128xf32, #tpu.memory_space<vmem_shared>>
        %dma_wait3A_52 = arith.constant 0 : i32
        %dma_wait3A_53 = tpu.memref_slice %arg11[%add3A_46, %dma_wait3A_52] : memref<10240x128xf32, #tpu.memory_space<vmem_shared>> -> memref<128x128xf32, #tpu.memory_space<vmem_shared>>
        tpu.wait_dma2 semaphore(%run_scoped3A : memref<!tpu.dma_semaphore, #tpu.memory_space<semaphore_mem>>) src(%arg9 : memref<128x128xf32, #tpu.memory_space<vmem>>) dst(%dma_wait3A_53 : memref<128x128xf32, #tpu.memory_space<vmem_shared>>)
        tpu.yield
      }) : () -> ()
      %scan3A_47 = arith.constant 0 : i32
      scf.yield %scan3A_47 : i32
    }
    %scan3A_13 = arith.constant 5 : i32
    %barrier3A = arith.constant 0 : index
    tpu.barrier barrier_id(%barrier3A)
    %eq3A = arith.constant 0 : i32
    %eq3A_14 = arith.cmpi eq, %arg0, %eq3A : i32
    %mul3A_15 = arith.constant 96 : i32
    %mul3A_16 = arith.muli %arg1, %mul3A_15 : i32
    %mul3A_17 = arith.constant 64 : i32
    %mul3A_18 = arith.muli %arg1, %mul3A_17 : i32
    %add3A_19 = arith.constant 1536 : i32
    %add3A_20 = arith.addi %add3A_19, %mul3A_18 : i32
    %select_n3A = arith.select %eq3A_14, %mul3A_16, %add3A_20 : i32
    %eq3A_21 = arith.constant 0 : i32
    %eq3A_22 = arith.cmpi eq, %arg0, %eq3A_21 : i32
    %jit3A = arith.constant 48 : i32
    %jit3A_23 = arith.constant 32 : i32
    %select_n3A_24 = arith.select %eq3A_22, %jit3A, %jit3A_23 : i32
    %scan3A_25 = arith.constant 0 : i32
    %scan3A_26 = arith.constant 0 : i32
    %scan3A_27 = arith.constant 2 : i32
    %scan3A_28 = arith.addi %scan3A_26, %scan3A_27 : i32
    %scan3A_29 = arith.constant 1 : i32
    %scan3A_30 = scf.for %scan3A_40 = %scan3A_26 to %scan3A_28 step %scan3A_29 iter_args(%scan3A_41 = %scan3A_25) -> (i32)  : i32 {
      %mul3A_42 = arith.muli %scan3A_40, %select_n3A_24 : i32
      %add3A_43 = arith.addi %select_n3A, %mul3A_42 : i32
      "tpu.region"() ({
        %run_scoped3A = tpu.sem_alloc : memref<!tpu.dma_semaphore, #tpu.memory_space<semaphore_mem>>
        %dma_start3A_100 = arith.constant 0 : i32
        %dma_start3A_101 = tpu.memref_slice %arg3[%add3A_43, %dma_start3A_100] : memref<2560x128xi32, #tpu.memory_space<hbm>> -> memref<48x128xi32, #tpu.memory_space<hbm>>
        %dma_start3A_102 = arith.constant 0 : i32
        %dma_start3A_103 = tpu.memref_slice %arg3[%add3A_43, %dma_start3A_102] : memref<2560x128xi32, #tpu.memory_space<hbm>> -> memref<48x128xi32, #tpu.memory_space<hbm>>
        tpu.enqueue_dma source(%dma_start3A_103 : memref<48x128xi32, #tpu.memory_space<hbm>>) target(%arg7 : memref<48x128xi32, #tpu.memory_space<vmem>>) target_semaphore(%run_scoped3A : memref<!tpu.dma_semaphore, #tpu.memory_space<semaphore_mem>>)
        %dma_wait3A_104 = arith.constant 0 : i32
        %dma_wait3A_105 = tpu.memref_slice %arg3[%add3A_43, %dma_wait3A_104] : memref<2560x128xi32, #tpu.memory_space<hbm>> -> memref<48x128xi32, #tpu.memory_space<hbm>>
        %dma_wait3A_106 = arith.constant 0 : i32
        %dma_wait3A_107 = tpu.memref_slice %arg3[%add3A_43, %dma_wait3A_106] : memref<2560x128xi32, #tpu.memory_space<hbm>> -> memref<48x128xi32, #tpu.memory_space<hbm>>
        tpu.wait_dma2 semaphore(%run_scoped3A : memref<!tpu.dma_semaphore, #tpu.memory_space<semaphore_mem>>) src(%dma_wait3A_107 : memref<48x128xi32, #tpu.memory_space<hbm>>) dst(%arg7 : memref<48x128xi32, #tpu.memory_space<vmem>>)
        tpu.yield
      }) : () -> ()
      "tpu.region"() ({
        %run_scoped3A = tpu.sem_alloc : memref<!tpu.dma_semaphore, #tpu.memory_space<semaphore_mem>>
        %dma_start3A_100 = arith.constant 0 : i32
        %dma_start3A_101 = tpu.memref_slice %arg4[%add3A_43, %dma_start3A_100] : memref<2560x128xi32, #tpu.memory_space<hbm>> -> memref<48x128xi32, #tpu.memory_space<hbm>>
        %dma_start3A_102 = arith.constant 0 : i32
        %dma_start3A_103 = tpu.memref_slice %arg4[%add3A_43, %dma_start3A_102] : memref<2560x128xi32, #tpu.memory_space<hbm>> -> memref<48x128xi32, #tpu.memory_space<hbm>>
        tpu.enqueue_dma source(%dma_start3A_103 : memref<48x128xi32, #tpu.memory_space<hbm>>) target(%arg8 : memref<48x128xi32, #tpu.memory_space<vmem>>) target_semaphore(%run_scoped3A : memref<!tpu.dma_semaphore, #tpu.memory_space<semaphore_mem>>)
        %dma_wait3A_104 = arith.constant 0 : i32
        %dma_wait3A_105 = tpu.memref_slice %arg4[%add3A_43, %dma_wait3A_104] : memref<2560x128xi32, #tpu.memory_space<hbm>> -> memref<48x128xi32, #tpu.memory_space<hbm>>
        %dma_wait3A_106 = arith.constant 0 : i32
        %dma_wait3A_107 = tpu.memref_slice %arg4[%add3A_43, %dma_wait3A_106] : memref<2560x128xi32, #tpu.memory_space<hbm>> -> memref<48x128xi32, #tpu.memory_space<hbm>>
        tpu.wait_dma2 semaphore(%run_scoped3A : memref<!tpu.dma_semaphore, #tpu.memory_space<semaphore_mem>>) src(%dma_wait3A_107 : memref<48x128xi32, #tpu.memory_space<hbm>>) dst(%arg8 : memref<48x128xi32, #tpu.memory_space<vmem>>)
        tpu.yield
      }) : () -> ()
      %dma_start3A = arith.constant 0 : i32
      %dma_start3A_44 = arith.constant 0 : i32
      %dma_start3A_45 = tpu.memref_slice %arg7[%dma_start3A, %dma_start3A_44] : memref<48x128xi32, #tpu.memory_space<vmem>> -> memref<1x128xi32, #tpu.memory_space<vmem>>
      %dma_start3A_46 = tpu.memref_squeeze %dma_start3A_45 : memref<1x128xi32, #tpu.memory_space<vmem>> -> memref<128xi32, #tpu.memory_space<vmem>>
      %dma_start3A_47 = arith.constant 0 : i32
      %dma_start3A_48 = arith.constant 0 : i32
      %dma_start3A_49 = tpu.memref_slice %arg2[%dma_start3A_47, %dma_start3A_48] : memref<10000x128xf32, #tpu.memory_space<hbm>> -> memref<10000x128xf32, #tpu.memory_space<hbm>>
      tpu.enqueue_indirect_dma source(%dma_start3A_49 : memref<10000x128xf32, #tpu.memory_space<hbm>>) target(%arg9 : memref<128x128xf32, #tpu.memory_space<vmem>>) offsets(%dma_start3A_46 : memref<128xi32, #tpu.memory_space<vmem>>) semaphore(%arg12 : memref<!tpu.dma_semaphore, #tpu.memory_space<semaphore_mem>>)
      %dma_start3A_50 = arith.constant 1 : i32
      %dma_start3A_51 = arith.constant 0 : i32
      %dma_start3A_52 = tpu.memref_slice %arg7[%dma_start3A_50, %dma_start3A_51] : memref<48x128xi32, #tpu.memory_space<vmem>> -> memref<1x128xi32, #tpu.memory_space<vmem>>
      %dma_start3A_53 = tpu.memref_squeeze %dma_start3A_52 : memref<1x128xi32, #tpu.memory_space<vmem>> -> memref<128xi32, #tpu.memory_space<vmem>>
      %dma_start3A_54 = arith.constant 0 : i32
      %dma_start3A_55 = arith.constant 0 : i32
      %dma_start3A_56 = tpu.memref_slice %arg2[%dma_start3A_54, %dma_start3A_55] : memref<10000x128xf32, #tpu.memory_space<hbm>> -> memref<10000x128xf32, #tpu.memory_space<hbm>>
      tpu.enqueue_indirect_dma source(%dma_start3A_56 : memref<10000x128xf32, #tpu.memory_space<hbm>>) target(%arg10 : memref<128x128xf32, #tpu.memory_space<vmem>>) offsets(%dma_start3A_53 : memref<128xi32, #tpu.memory_space<vmem>>) semaphore(%arg13 : memref<!tpu.dma_semaphore, #tpu.memory_space<semaphore_mem>>)
      %jit3A_57 = arith.constant 2 : i32
      %div3A = arith.divsi %select_n3A_24, %jit3A_57 : i32
      %sign3A = arith.constant 0 : i32
      %sign3A_58 = arith.cmpi sgt, %select_n3A_24, %sign3A : i32
      %sign3A_59 = arith.extui %sign3A_58 : i1 to i32
      %sign3A_60 = arith.constant 0 : i32
      %sign3A_61 = arith.cmpi slt, %select_n3A_24, %sign3A_60 : i32
      %sign3A_62 = arith.extui %sign3A_61 : i1 to i32
      %sign3A_63 = arith.subi %sign3A_59, %sign3A_62 : i32
      %sign3A_64 = arith.constant 0 : i32
      %sign3A_65 = arith.cmpi sgt, %jit3A_57, %sign3A_64 : i32
      %sign3A_66 = arith.extui %sign3A_65 : i1 to i32
      %sign3A_67 = arith.constant 0 : i32
      %sign3A_68 = arith.cmpi slt, %jit3A_57, %sign3A_67 : i32
      %sign3A_69 = arith.extui %sign3A_68 : i1 to i32
      %sign3A_70 = arith.subi %sign3A_66, %sign3A_69 : i32
      %ne3A = arith.cmpi ne, %sign3A_63, %sign3A_70 : i32
      %rem3A = arith.remsi %select_n3A_24, %jit3A_57 : i32
      %ne3A_71 = arith.constant 0 : i32
      %ne3A_72 = arith.cmpi ne, %rem3A, %ne3A_71 : i32
      %and3A = arith.andi %ne3A, %ne3A_72 : i1
      %sub3A = arith.constant 1 : i32
      %sub3A_73 = arith.subi %div3A, %sub3A : i32
      %select_n3A_74 = arith.select %and3A, %sub3A_73, %div3A : i32
      %while3A = arith.constant 0 : i32
      %while3A_75 = arith.constant 0 : i32
      %while3A_76 = arith.subi %select_n3A_74, %while3A : i32
      %while3A_77 = arith.addi %while3A, %while3A_76 : i32
      %while3A_78 = arith.constant 1 : i32
      %while3A_79 = arith.divsi %while3A_76, %while3A_78 : i32
      %while3A_80 = arith.muli %while3A_79, %while3A_78 : i32
      %while3A_81 = arith.addi %while3A, %while3A_80 : i32
      %while3A_82 = arith.constant 1 : i32
      %while3A_83 = scf.for %while3A_100 = %while3A to %while3A_81 step %while3A_82 iter_args(%while3A_101 = %while3A_75) -> (i32)  : i32 {
        %mul3A_102 = arith.constant 2 : i32
        %mul3A_103 = arith.muli %while3A_100, %mul3A_102 : i32
        %add3A_104 = arith.constant 0 : i32
        %add3A_105 = arith.addi %mul3A_103, %add3A_104 : i32
        %dma_wait3A_106 = arith.constant 0 : i32
        %dma_wait3A_107 = tpu.memref_slice %arg7[%add3A_105, %dma_wait3A_106] : memref<48x128xi32, #tpu.memory_space<vmem>> -> memref<1x128xi32, #tpu.memory_space<vmem>>
        %dma_wait3A_108 = tpu.memref_squeeze %dma_wait3A_107 : memref<1x128xi32, #tpu.memory_space<vmem>> -> memref<128xi32, #tpu.memory_space<vmem>>
        %dma_wait3A_109 = arith.constant 0 : i32
        %dma_wait3A_110 = arith.constant 0 : i32
        %dma_wait3A_111 = tpu.memref_slice %arg2[%dma_wait3A_109, %dma_wait3A_110] : memref<10000x128xf32, #tpu.memory_space<hbm>> -> memref<10000x128xf32, #tpu.memory_space<hbm>>
        tpu.wait_indirect_dma semaphore(%arg12 : memref<!tpu.dma_semaphore, #tpu.memory_space<semaphore_mem>>) src(%dma_wait3A_111 : memref<10000x128xf32, #tpu.memory_space<hbm>>) dst(%arg9 : memref<128x128xf32, #tpu.memory_space<vmem>>)
        %dma_start3A_112 = arith.constant 0 : i32
        %dma_start3A_113 = tpu.memref_slice %arg8[%add3A_105, %dma_start3A_112] : memref<48x128xi32, #tpu.memory_space<vmem>> -> memref<1x128xi32, #tpu.memory_space<vmem>>
        %dma_start3A_114 = tpu.memref_squeeze %dma_start3A_113 : memref<1x128xi32, #tpu.memory_space<vmem>> -> memref<128xi32, #tpu.memory_space<vmem>>
        %dma_start3A_115 = arith.constant 0 : i32
        %dma_start3A_116 = arith.constant 0 : i32
        %dma_start3A_117 = tpu.memref_slice %arg11[%dma_start3A_115, %dma_start3A_116] : memref<10240x128xf32, #tpu.memory_space<vmem_shared>> -> memref<10240x128xf32, #tpu.memory_space<vmem_shared>>
        tpu.enqueue_indirect_dma source(%arg9 : memref<128x128xf32, #tpu.memory_space<vmem>>) target(%dma_start3A_117 : memref<10240x128xf32, #tpu.memory_space<vmem_shared>>) offsets(%dma_start3A_114 : memref<128xi32, #tpu.memory_space<vmem>>) semaphore(%arg14 : memref<!tpu.dma_semaphore, #tpu.memory_space<semaphore_mem>>) {add = true}
        %add3A_118 = arith.constant 2 : i32
        %add3A_119 = arith.addi %add3A_105, %add3A_118 : i32
        %lt3A = arith.cmpi slt, %add3A_119, %select_n3A_24 : i32
        %convert_element_type3A = arith.extui %lt3A : i1 to i32
        %cond3A = arith.constant 0 : i32
        %cond3A_120 = arith.cmpi ne, %convert_element_type3A, %cond3A : i32
        scf.if %cond3A_120 {
          %dma_wait3A_144 = arith.constant 0 : i32
          %dma_wait3A_145 = tpu.memref_slice %arg8[%add3A_105, %dma_wait3A_144] : memref<48x128xi32, #tpu.memory_space<vmem>> -> memref<1x128xi32, #tpu.memory_space<vmem>>
          %dma_wait3A_146 = tpu.memref_squeeze %dma_wait3A_145 : memref<1x128xi32, #tpu.memory_space<vmem>> -> memref<128xi32, #tpu.memory_space<vmem>>
          %dma_wait3A_147 = arith.constant 0 : i32
          %dma_wait3A_148 = arith.constant 0 : i32
          %dma_wait3A_149 = tpu.memref_slice %arg11[%dma_wait3A_147, %dma_wait3A_148] : memref<10240x128xf32, #tpu.memory_space<vmem_shared>> -> memref<10240x128xf32, #tpu.memory_space<vmem_shared>>
          tpu.wait_indirect_dma semaphore(%arg14 : memref<!tpu.dma_semaphore, #tpu.memory_space<semaphore_mem>>) src(%arg9 : memref<128x128xf32, #tpu.memory_space<vmem>>) dst(%dma_wait3A_149 : memref<10240x128xf32, #tpu.memory_space<vmem_shared>>)
          %dma_start3A_150 = arith.constant 0 : i32
          %dma_start3A_151 = tpu.memref_slice %arg7[%add3A_119, %dma_start3A_150] : memref<48x128xi32, #tpu.memory_space<vmem>> -> memref<1x128xi32, #tpu.memory_space<vmem>>
          %dma_start3A_152 = tpu.memref_squeeze %dma_start3A_151 : memref<1x128xi32, #tpu.memory_space<vmem>> -> memref<128xi32, #tpu.memory_space<vmem>>
          %dma_start3A_153 = arith.constant 0 : i32
          %dma_start3A_154 = arith.constant 0 : i32
          %dma_start3A_155 = tpu.memref_slice %arg2[%dma_start3A_153, %dma_start3A_154] : memref<10000x128xf32, #tpu.memory_space<hbm>> -> memref<10000x128xf32, #tpu.memory_space<hbm>>
          tpu.enqueue_indirect_dma source(%dma_start3A_155 : memref<10000x128xf32, #tpu.memory_space<hbm>>) target(%arg9 : memref<128x128xf32, #tpu.memory_space<vmem>>) offsets(%dma_start3A_152 : memref<128xi32, #tpu.memory_space<vmem>>) semaphore(%arg12 : memref<!tpu.dma_semaphore, #tpu.memory_space<semaphore_mem>>)
        } else {
        }
        %mul3A_121 = arith.constant 2 : i32
        %mul3A_122 = arith.muli %while3A_100, %mul3A_121 : i32
        %add3A_123 = arith.constant 1 : i32
        %add3A_124 = arith.addi %mul3A_122, %add3A_123 : i32
        %dma_wait3A_125 = arith.constant 0 : i32
        %dma_wait3A_126 = tpu.memref_slice %arg7[%add3A_124, %dma_wait3A_125] : memref<48x128xi32, #tpu.memory_space<vmem>> -> memref<1x128xi32, #tpu.memory_space<vmem>>
        %dma_wait3A_127 = tpu.memref_squeeze %dma_wait3A_126 : memref<1x128xi32, #tpu.memory_space<vmem>> -> memref<128xi32, #tpu.memory_space<vmem>>
        %dma_wait3A_128 = arith.constant 0 : i32
        %dma_wait3A_129 = arith.constant 0 : i32
        %dma_wait3A_130 = tpu.memref_slice %arg2[%dma_wait3A_128, %dma_wait3A_129] : memref<10000x128xf32, #tpu.memory_space<hbm>> -> memref<10000x128xf32, #tpu.memory_space<hbm>>
        tpu.wait_indirect_dma semaphore(%arg13 : memref<!tpu.dma_semaphore, #tpu.memory_space<semaphore_mem>>) src(%dma_wait3A_130 : memref<10000x128xf32, #tpu.memory_space<hbm>>) dst(%arg10 : memref<128x128xf32, #tpu.memory_space<vmem>>)
        %dma_start3A_131 = arith.constant 0 : i32
        %dma_start3A_132 = tpu.memref_slice %arg8[%add3A_124, %dma_start3A_131] : memref<48x128xi32, #tpu.memory_space<vmem>> -> memref<1x128xi32, #tpu.memory_space<vmem>>
        %dma_start3A_133 = tpu.memref_squeeze %dma_start3A_132 : memref<1x128xi32, #tpu.memory_space<vmem>> -> memref<128xi32, #tpu.memory_space<vmem>>
        %dma_start3A_134 = arith.constant 0 : i32
        %dma_start3A_135 = arith.constant 0 : i32
        %dma_start3A_136 = tpu.memref_slice %arg11[%dma_start3A_134, %dma_start3A_135] : memref<10240x128xf32, #tpu.memory_space<vmem_shared>> -> memref<10240x128xf32, #tpu.memory_space<vmem_shared>>
        tpu.enqueue_indirect_dma source(%arg10 : memref<128x128xf32, #tpu.memory_space<vmem>>) target(%dma_start3A_136 : memref<10240x128xf32, #tpu.memory_space<vmem_shared>>) offsets(%dma_start3A_133 : memref<128xi32, #tpu.memory_space<vmem>>) semaphore(%arg15 : memref<!tpu.dma_semaphore, #tpu.memory_space<semaphore_mem>>) {add = true}
        %add3A_137 = arith.constant 2 : i32
        %add3A_138 = arith.addi %add3A_124, %add3A_137 : i32
        %lt3A_139 = arith.cmpi slt, %add3A_138, %select_n3A_24 : i32
        %convert_element_type3A_140 = arith.extui %lt3A_139 : i1 to i32
        %cond3A_141 = arith.constant 0 : i32
        %cond3A_142 = arith.cmpi ne, %convert_element_type3A_140, %cond3A_141 : i32
        scf.if %cond3A_142 {
          %dma_wait3A_144 = arith.constant 0 : i32
          %dma_wait3A_145 = tpu.memref_slice %arg8[%add3A_124, %dma_wait3A_144] : memref<48x128xi32, #tpu.memory_space<vmem>> -> memref<1x128xi32, #tpu.memory_space<vmem>>
          %dma_wait3A_146 = tpu.memref_squeeze %dma_wait3A_145 : memref<1x128xi32, #tpu.memory_space<vmem>> -> memref<128xi32, #tpu.memory_space<vmem>>
          %dma_wait3A_147 = arith.constant 0 : i32
          %dma_wait3A_148 = arith.constant 0 : i32
          %dma_wait3A_149 = tpu.memref_slice %arg11[%dma_wait3A_147, %dma_wait3A_148] : memref<10240x128xf32, #tpu.memory_space<vmem_shared>> -> memref<10240x128xf32, #tpu.memory_space<vmem_shared>>
          tpu.wait_indirect_dma semaphore(%arg15 : memref<!tpu.dma_semaphore, #tpu.memory_space<semaphore_mem>>) src(%arg10 : memref<128x128xf32, #tpu.memory_space<vmem>>) dst(%dma_wait3A_149 : memref<10240x128xf32, #tpu.memory_space<vmem_shared>>)
          %dma_start3A_150 = arith.constant 0 : i32
          %dma_start3A_151 = tpu.memref_slice %arg7[%add3A_138, %dma_start3A_150] : memref<48x128xi32, #tpu.memory_space<vmem>> -> memref<1x128xi32, #tpu.memory_space<vmem>>
          %dma_start3A_152 = tpu.memref_squeeze %dma_start3A_151 : memref<1x128xi32, #tpu.memory_space<vmem>> -> memref<128xi32, #tpu.memory_space<vmem>>
          %dma_start3A_153 = arith.constant 0 : i32
          %dma_start3A_154 = arith.constant 0 : i32
          %dma_start3A_155 = tpu.memref_slice %arg2[%dma_start3A_153, %dma_start3A_154] : memref<10000x128xf32, #tpu.memory_space<hbm>> -> memref<10000x128xf32, #tpu.memory_space<hbm>>
          tpu.enqueue_indirect_dma source(%dma_start3A_155 : memref<10000x128xf32, #tpu.memory_space<hbm>>) target(%arg10 : memref<128x128xf32, #tpu.memory_space<vmem>>) offsets(%dma_start3A_152 : memref<128xi32, #tpu.memory_space<vmem>>) semaphore(%arg13 : memref<!tpu.dma_semaphore, #tpu.memory_space<semaphore_mem>>)
        } else {
        }
        %while3A_143 = arith.constant 0 : i32
        scf.yield %while3A_143 : i32
      }
      %while3A_84 = arith.constant 1 : i32
      %while3A_85 = scf.for %while3A_100 = %while3A_81 to %while3A_77 step %while3A_84 iter_args(%while3A_101 = %while3A_83) -> (i32)  : i32 {
        %mul3A_102 = arith.constant 2 : i32
        %mul3A_103 = arith.muli %while3A_100, %mul3A_102 : i32
        %add3A_104 = arith.constant 0 : i32
        %add3A_105 = arith.addi %mul3A_103, %add3A_104 : i32
        %dma_wait3A_106 = arith.constant 0 : i32
        %dma_wait3A_107 = tpu.memref_slice %arg7[%add3A_105, %dma_wait3A_106] : memref<48x128xi32, #tpu.memory_space<vmem>> -> memref<1x128xi32, #tpu.memory_space<vmem>>
        %dma_wait3A_108 = tpu.memref_squeeze %dma_wait3A_107 : memref<1x128xi32, #tpu.memory_space<vmem>> -> memref<128xi32, #tpu.memory_space<vmem>>
        %dma_wait3A_109 = arith.constant 0 : i32
        %dma_wait3A_110 = arith.constant 0 : i32
        %dma_wait3A_111 = tpu.memref_slice %arg2[%dma_wait3A_109, %dma_wait3A_110] : memref<10000x128xf32, #tpu.memory_space<hbm>> -> memref<10000x128xf32, #tpu.memory_space<hbm>>
        tpu.wait_indirect_dma semaphore(%arg12 : memref<!tpu.dma_semaphore, #tpu.memory_space<semaphore_mem>>) src(%dma_wait3A_111 : memref<10000x128xf32, #tpu.memory_space<hbm>>) dst(%arg9 : memref<128x128xf32, #tpu.memory_space<vmem>>)
        %dma_start3A_112 = arith.constant 0 : i32
        %dma_start3A_113 = tpu.memref_slice %arg8[%add3A_105, %dma_start3A_112] : memref<48x128xi32, #tpu.memory_space<vmem>> -> memref<1x128xi32, #tpu.memory_space<vmem>>
        %dma_start3A_114 = tpu.memref_squeeze %dma_start3A_113 : memref<1x128xi32, #tpu.memory_space<vmem>> -> memref<128xi32, #tpu.memory_space<vmem>>
        %dma_start3A_115 = arith.constant 0 : i32
        %dma_start3A_116 = arith.constant 0 : i32
        %dma_start3A_117 = tpu.memref_slice %arg11[%dma_start3A_115, %dma_start3A_116] : memref<10240x128xf32, #tpu.memory_space<vmem_shared>> -> memref<10240x128xf32, #tpu.memory_space<vmem_shared>>
        tpu.enqueue_indirect_dma source(%arg9 : memref<128x128xf32, #tpu.memory_space<vmem>>) target(%dma_start3A_117 : memref<10240x128xf32, #tpu.memory_space<vmem_shared>>) offsets(%dma_start3A_114 : memref<128xi32, #tpu.memory_space<vmem>>) semaphore(%arg14 : memref<!tpu.dma_semaphore, #tpu.memory_space<semaphore_mem>>) {add = true}
        %add3A_118 = arith.constant 2 : i32
        %add3A_119 = arith.addi %add3A_105, %add3A_118 : i32
        %lt3A = arith.cmpi slt, %add3A_119, %select_n3A_24 : i32
        %convert_element_type3A = arith.extui %lt3A : i1 to i32
        %cond3A = arith.constant 0 : i32
        %cond3A_120 = arith.cmpi ne, %convert_element_type3A, %cond3A : i32
        scf.if %cond3A_120 {
          %dma_wait3A_144 = arith.constant 0 : i32
          %dma_wait3A_145 = tpu.memref_slice %arg8[%add3A_105, %dma_wait3A_144] : memref<48x128xi32, #tpu.memory_space<vmem>> -> memref<1x128xi32, #tpu.memory_space<vmem>>
          %dma_wait3A_146 = tpu.memref_squeeze %dma_wait3A_145 : memref<1x128xi32, #tpu.memory_space<vmem>> -> memref<128xi32, #tpu.memory_space<vmem>>
          %dma_wait3A_147 = arith.constant 0 : i32
          %dma_wait3A_148 = arith.constant 0 : i32
          %dma_wait3A_149 = tpu.memref_slice %arg11[%dma_wait3A_147, %dma_wait3A_148] : memref<10240x128xf32, #tpu.memory_space<vmem_shared>> -> memref<10240x128xf32, #tpu.memory_space<vmem_shared>>
          tpu.wait_indirect_dma semaphore(%arg14 : memref<!tpu.dma_semaphore, #tpu.memory_space<semaphore_mem>>) src(%arg9 : memref<128x128xf32, #tpu.memory_space<vmem>>) dst(%dma_wait3A_149 : memref<10240x128xf32, #tpu.memory_space<vmem_shared>>)
          %dma_start3A_150 = arith.constant 0 : i32
          %dma_start3A_151 = tpu.memref_slice %arg7[%add3A_119, %dma_start3A_150] : memref<48x128xi32, #tpu.memory_space<vmem>> -> memref<1x128xi32, #tpu.memory_space<vmem>>
          %dma_start3A_152 = tpu.memref_squeeze %dma_start3A_151 : memref<1x128xi32, #tpu.memory_space<vmem>> -> memref<128xi32, #tpu.memory_space<vmem>>
          %dma_start3A_153 = arith.constant 0 : i32
          %dma_start3A_154 = arith.constant 0 : i32
          %dma_start3A_155 = tpu.memref_slice %arg2[%dma_start3A_153, %dma_start3A_154] : memref<10000x128xf32, #tpu.memory_space<hbm>> -> memref<10000x128xf32, #tpu.memory_space<hbm>>
          tpu.enqueue_indirect_dma source(%dma_start3A_155 : memref<10000x128xf32, #tpu.memory_space<hbm>>) target(%arg9 : memref<128x128xf32, #tpu.memory_space<vmem>>) offsets(%dma_start3A_152 : memref<128xi32, #tpu.memory_space<vmem>>) semaphore(%arg12 : memref<!tpu.dma_semaphore, #tpu.memory_space<semaphore_mem>>)
        } else {
        }
        %mul3A_121 = arith.constant 2 : i32
        %mul3A_122 = arith.muli %while3A_100, %mul3A_121 : i32
        %add3A_123 = arith.constant 1 : i32
        %add3A_124 = arith.addi %mul3A_122, %add3A_123 : i32
        %dma_wait3A_125 = arith.constant 0 : i32
        %dma_wait3A_126 = tpu.memref_slice %arg7[%add3A_124, %dma_wait3A_125] : memref<48x128xi32, #tpu.memory_space<vmem>> -> memref<1x128xi32, #tpu.memory_space<vmem>>
        %dma_wait3A_127 = tpu.memref_squeeze %dma_wait3A_126 : memref<1x128xi32, #tpu.memory_space<vmem>> -> memref<128xi32, #tpu.memory_space<vmem>>
        %dma_wait3A_128 = arith.constant 0 : i32
        %dma_wait3A_129 = arith.constant 0 : i32
        %dma_wait3A_130 = tpu.memref_slice %arg2[%dma_wait3A_128, %dma_wait3A_129] : memref<10000x128xf32, #tpu.memory_space<hbm>> -> memref<10000x128xf32, #tpu.memory_space<hbm>>
        tpu.wait_indirect_dma semaphore(%arg13 : memref<!tpu.dma_semaphore, #tpu.memory_space<semaphore_mem>>) src(%dma_wait3A_130 : memref<10000x128xf32, #tpu.memory_space<hbm>>) dst(%arg10 : memref<128x128xf32, #tpu.memory_space<vmem>>)
        %dma_start3A_131 = arith.constant 0 : i32
        %dma_start3A_132 = tpu.memref_slice %arg8[%add3A_124, %dma_start3A_131] : memref<48x128xi32, #tpu.memory_space<vmem>> -> memref<1x128xi32, #tpu.memory_space<vmem>>
        %dma_start3A_133 = tpu.memref_squeeze %dma_start3A_132 : memref<1x128xi32, #tpu.memory_space<vmem>> -> memref<128xi32, #tpu.memory_space<vmem>>
        %dma_start3A_134 = arith.constant 0 : i32
        %dma_start3A_135 = arith.constant 0 : i32
        %dma_start3A_136 = tpu.memref_slice %arg11[%dma_start3A_134, %dma_start3A_135] : memref<10240x128xf32, #tpu.memory_space<vmem_shared>> -> memref<10240x128xf32, #tpu.memory_space<vmem_shared>>
        tpu.enqueue_indirect_dma source(%arg10 : memref<128x128xf32, #tpu.memory_space<vmem>>) target(%dma_start3A_136 : memref<10240x128xf32, #tpu.memory_space<vmem_shared>>) offsets(%dma_start3A_133 : memref<128xi32, #tpu.memory_space<vmem>>) semaphore(%arg15 : memref<!tpu.dma_semaphore, #tpu.memory_space<semaphore_mem>>) {add = true}
        %add3A_137 = arith.constant 2 : i32
        %add3A_138 = arith.addi %add3A_124, %add3A_137 : i32
        %lt3A_139 = arith.cmpi slt, %add3A_138, %select_n3A_24 : i32
        %convert_element_type3A_140 = arith.extui %lt3A_139 : i1 to i32
        %cond3A_141 = arith.constant 0 : i32
        %cond3A_142 = arith.cmpi ne, %convert_element_type3A_140, %cond3A_141 : i32
        scf.if %cond3A_142 {
          %dma_wait3A_144 = arith.constant 0 : i32
          %dma_wait3A_145 = tpu.memref_slice %arg8[%add3A_124, %dma_wait3A_144] : memref<48x128xi32, #tpu.memory_space<vmem>> -> memref<1x128xi32, #tpu.memory_space<vmem>>
          %dma_wait3A_146 = tpu.memref_squeeze %dma_wait3A_145 : memref<1x128xi32, #tpu.memory_space<vmem>> -> memref<128xi32, #tpu.memory_space<vmem>>
          %dma_wait3A_147 = arith.constant 0 : i32
          %dma_wait3A_148 = arith.constant 0 : i32
          %dma_wait3A_149 = tpu.memref_slice %arg11[%dma_wait3A_147, %dma_wait3A_148] : memref<10240x128xf32, #tpu.memory_space<vmem_shared>> -> memref<10240x128xf32, #tpu.memory_space<vmem_shared>>
          tpu.wait_indirect_dma semaphore(%arg15 : memref<!tpu.dma_semaphore, #tpu.memory_space<semaphore_mem>>) src(%arg10 : memref<128x128xf32, #tpu.memory_space<vmem>>) dst(%dma_wait3A_149 : memref<10240x128xf32, #tpu.memory_space<vmem_shared>>)
          %dma_start3A_150 = arith.constant 0 : i32
          %dma_start3A_151 = tpu.memref_slice %arg7[%add3A_138, %dma_start3A_150] : memref<48x128xi32, #tpu.memory_space<vmem>> -> memref<1x128xi32, #tpu.memory_space<vmem>>
          %dma_start3A_152 = tpu.memref_squeeze %dma_start3A_151 : memref<1x128xi32, #tpu.memory_space<vmem>> -> memref<128xi32, #tpu.memory_space<vmem>>
          %dma_start3A_153 = arith.constant 0 : i32
          %dma_start3A_154 = arith.constant 0 : i32
          %dma_start3A_155 = tpu.memref_slice %arg2[%dma_start3A_153, %dma_start3A_154] : memref<10000x128xf32, #tpu.memory_space<hbm>> -> memref<10000x128xf32, #tpu.memory_space<hbm>>
          tpu.enqueue_indirect_dma source(%dma_start3A_155 : memref<10000x128xf32, #tpu.memory_space<hbm>>) target(%arg10 : memref<128x128xf32, #tpu.memory_space<vmem>>) offsets(%dma_start3A_152 : memref<128xi32, #tpu.memory_space<vmem>>) semaphore(%arg13 : memref<!tpu.dma_semaphore, #tpu.memory_space<semaphore_mem>>)
        } else {
        }
        %while3A_143 = arith.constant 0 : i32
        scf.yield %while3A_143 : i32
      }
      %dma_wait3A = arith.constant 0 : i32
      %dma_wait3A_86 = arith.constant 0 : i32
      %dma_wait3A_87 = tpu.memref_slice %arg8[%dma_wait3A, %dma_wait3A_86] : memref<48x128xi32, #tpu.memory_space<vmem>> -> memref<1x128xi32, #tpu.memory_space<vmem>>
      %dma_wait3A_88 = tpu.memref_squeeze %dma_wait3A_87 : memref<1x128xi32, #tpu.memory_space<vmem>> -> memref<128xi32, #tpu.memory_space<vmem>>
      %dma_wait3A_89 = arith.constant 0 : i32
      %dma_wait3A_90 = arith.constant 0 : i32
      %dma_wait3A_91 = tpu.memref_slice %arg11[%dma_wait3A_89, %dma_wait3A_90] : memref<10240x128xf32, #tpu.memory_space<vmem_shared>> -> memref<10240x128xf32, #tpu.memory_space<vmem_shared>>
      tpu.wait_indirect_dma semaphore(%arg14 : memref<!tpu.dma_semaphore, #tpu.memory_space<semaphore_mem>>) src(%arg9 : memref<128x128xf32, #tpu.memory_space<vmem>>) dst(%dma_wait3A_91 : memref<10240x128xf32, #tpu.memory_space<vmem_shared>>)
      %dma_wait3A_92 = arith.constant 0 : i32
      %dma_wait3A_93 = arith.constant 0 : i32
      %dma_wait3A_94 = tpu.memref_slice %arg8[%dma_wait3A_92, %dma_wait3A_93] : memref<48x128xi32, #tpu.memory_space<vmem>> -> memref<1x128xi32, #tpu.memory_space<vmem>>
      %dma_wait3A_95 = tpu.memref_squeeze %dma_wait3A_94 : memref<1x128xi32, #tpu.memory_space<vmem>> -> memref<128xi32, #tpu.memory_space<vmem>>
      %dma_wait3A_96 = arith.constant 0 : i32
      %dma_wait3A_97 = arith.constant 0 : i32
      %dma_wait3A_98 = tpu.memref_slice %arg11[%dma_wait3A_96, %dma_wait3A_97] : memref<10240x128xf32, #tpu.memory_space<vmem_shared>> -> memref<10240x128xf32, #tpu.memory_space<vmem_shared>>
      tpu.wait_indirect_dma semaphore(%arg15 : memref<!tpu.dma_semaphore, #tpu.memory_space<semaphore_mem>>) src(%arg10 : memref<128x128xf32, #tpu.memory_space<vmem>>) dst(%dma_wait3A_98 : memref<10240x128xf32, #tpu.memory_space<vmem_shared>>)
      %scan3A_99 = arith.constant 0 : i32
      scf.yield %scan3A_99 : i32
    }
    %scan3A_31 = arith.constant 2 : i32
    %barrier3A_32 = arith.constant 0 : index
    tpu.barrier barrier_id(%barrier3A_32)
    %scan3A_33 = arith.constant 0 : i32
    %scan3A_34 = arith.constant 0 : i32
    %scan3A_35 = arith.constant 5 : i32
    %scan3A_36 = arith.addi %scan3A_34, %scan3A_35 : i32
    %scan3A_37 = arith.constant 1 : i32
    %scan3A_38 = scf.for %scan3A_40 = %scan3A_34 to %scan3A_36 step %scan3A_37 iter_args(%scan3A_41 = %scan3A_33) -> (i32)  : i32 {
      %mul3A_42 = arith.constant 640 : i32
      %mul3A_43 = arith.muli %arg1, %mul3A_42 : i32
      %mul3A_44 = arith.constant 128 : i32
      %mul3A_45 = arith.muli %scan3A_40, %mul3A_44 : i32
      %add3A_46 = arith.addi %mul3A_43, %mul3A_45 : i32
      %eq3A_47 = arith.constant 0 : i32
      %eq3A_48 = arith.cmpi eq, %arg0, %eq3A_47 : i32
      %convert_element_type3A = arith.extui %eq3A_48 : i1 to i32
      %cond3A = arith.constant 0 : i32
      %cond3A_49 = arith.cmpi ne, %convert_element_type3A, %cond3A : i32
      scf.if %cond3A_49 {
        "tpu.region"() ({
          %run_scoped3A = tpu.sem_alloc : memref<!tpu.dma_semaphore, #tpu.memory_space<semaphore_mem>>
          %dma_start3A = arith.constant 0 : i32
          %dma_start3A_56 = tpu.memref_slice %arg5[%add3A_46, %dma_start3A] : memref<10240x128xf32, #tpu.memory_space<hbm>> -> memref<128x128xf32, #tpu.memory_space<hbm>>
          %dma_start3A_57 = arith.constant 0 : i32
          %dma_start3A_58 = tpu.memref_slice %arg11[%add3A_46, %dma_start3A_57] : memref<10240x128xf32, #tpu.memory_space<vmem_shared>> -> memref<128x128xf32, #tpu.memory_space<vmem_shared>>
          tpu.enqueue_dma source(%dma_start3A_58 : memref<128x128xf32, #tpu.memory_space<vmem_shared>>) target(%dma_start3A_56 : memref<128x128xf32, #tpu.memory_space<hbm>>) target_semaphore(%run_scoped3A : memref<!tpu.dma_semaphore, #tpu.memory_space<semaphore_mem>>)
          %dma_wait3A = arith.constant 0 : i32
          %dma_wait3A_59 = tpu.memref_slice %arg5[%add3A_46, %dma_wait3A] : memref<10240x128xf32, #tpu.memory_space<hbm>> -> memref<128x128xf32, #tpu.memory_space<hbm>>
          %dma_wait3A_60 = arith.constant 0 : i32
          %dma_wait3A_61 = tpu.memref_slice %arg11[%add3A_46, %dma_wait3A_60] : memref<10240x128xf32, #tpu.memory_space<vmem_shared>> -> memref<128x128xf32, #tpu.memory_space<vmem_shared>>
          tpu.wait_dma2 semaphore(%run_scoped3A : memref<!tpu.dma_semaphore, #tpu.memory_space<semaphore_mem>>) src(%dma_wait3A_61 : memref<128x128xf32, #tpu.memory_space<vmem_shared>>) dst(%dma_wait3A_59 : memref<128x128xf32, #tpu.memory_space<hbm>>)
          tpu.yield
        }) : () -> ()
      } else {
      }
      %eq3A_50 = arith.constant 1 : i32
      %eq3A_51 = arith.cmpi eq, %arg0, %eq3A_50 : i32
      %convert_element_type3A_52 = arith.extui %eq3A_51 : i1 to i32
      %cond3A_53 = arith.constant 0 : i32
      %cond3A_54 = arith.cmpi ne, %convert_element_type3A_52, %cond3A_53 : i32
      scf.if %cond3A_54 {
        "tpu.region"() ({
          %run_scoped3A = tpu.sem_alloc : memref<!tpu.dma_semaphore, #tpu.memory_space<semaphore_mem>>
          %dma_start3A = arith.constant 0 : i32
          %dma_start3A_56 = tpu.memref_slice %arg6[%add3A_46, %dma_start3A] : memref<10240x128xf32, #tpu.memory_space<hbm>> -> memref<128x128xf32, #tpu.memory_space<hbm>>
          %dma_start3A_57 = arith.constant 0 : i32
          %dma_start3A_58 = tpu.memref_slice %arg11[%add3A_46, %dma_start3A_57] : memref<10240x128xf32, #tpu.memory_space<vmem_shared>> -> memref<128x128xf32, #tpu.memory_space<vmem_shared>>
          tpu.enqueue_dma source(%dma_start3A_58 : memref<128x128xf32, #tpu.memory_space<vmem_shared>>) target(%dma_start3A_56 : memref<128x128xf32, #tpu.memory_space<hbm>>) target_semaphore(%run_scoped3A : memref<!tpu.dma_semaphore, #tpu.memory_space<semaphore_mem>>)
          %dma_wait3A = arith.constant 0 : i32
          %dma_wait3A_59 = tpu.memref_slice %arg6[%add3A_46, %dma_wait3A] : memref<10240x128xf32, #tpu.memory_space<hbm>> -> memref<128x128xf32, #tpu.memory_space<hbm>>
          %dma_wait3A_60 = arith.constant 0 : i32
          %dma_wait3A_61 = tpu.memref_slice %arg11[%add3A_46, %dma_wait3A_60] : memref<10240x128xf32, #tpu.memory_space<vmem_shared>> -> memref<128x128xf32, #tpu.memory_space<vmem_shared>>
          tpu.wait_dma2 semaphore(%run_scoped3A : memref<!tpu.dma_semaphore, #tpu.memory_space<semaphore_mem>>) src(%dma_wait3A_61 : memref<128x128xf32, #tpu.memory_space<vmem_shared>>) dst(%dma_wait3A_59 : memref<128x128xf32, #tpu.memory_space<hbm>>)
          tpu.yield
        }) : () -> ()
      } else {
      }
      %scan3A_55 = arith.constant 0 : i32
      scf.yield %scan3A_55 : i32
    }
    %scan3A_39 = arith.constant 5 : i32
    return
  }
}

#map = affine_map<(d0, d1) -> (0, 0)>
module attributes {stable_mosaic.version = 14 : i64} {
  func.func @_prop_body(%arg0: i32, %arg1: i32, %arg2: memref<10000x128xf32, #tpu.memory_space<hbm>>, %arg3: memref<2560x128xi32, #tpu.memory_space<hbm>>, %arg4: memref<2560x128xi32, #tpu.memory_space<hbm>>, %arg5: memref<10240x128xf32, #tpu.memory_space<hbm>>, %arg6: memref<10240x128xf32, #tpu.memory_space<hbm>>, %arg7: memref<48x128xi32, #tpu.memory_space<vmem>>, %arg8: memref<48x128xi32, #tpu.memory_space<vmem>>, %arg9: memref<128x128xf32, #tpu.memory_space<vmem>>, %arg10: memref<128x128xf32, #tpu.memory_space<vmem>>, %arg11: memref<10240x128xf32, #tpu.memory_space<vmem_shared>>, %arg12: memref<!tpu.dma_semaphore, #tpu.memory_space<semaphore_mem>>, %arg13: memref<!tpu.dma_semaphore, #tpu.memory_space<semaphore_mem>>, %arg14: memref<!tpu.dma_semaphore, #tpu.memory_space<semaphore_mem>>, %arg15: memref<!tpu.dma_semaphore, #tpu.memory_space<semaphore_mem>>) attributes {dimension_semantics = [#tpu.dimension_semantics<core_parallel>, #tpu.dimension_semantics<subcore_parallel>], iteration_bounds = array<i64: 2, 16>, scalar_prefetch = 0 : i64, scratch_operands = 9 : i64, tpu.core_type = #tpu.core_type<sc_vector_subcore>, window_params = [{transform_indices = #map}, {transform_indices = #map}, {transform_indices = #map}, {transform_indices = #map}, {transform_indices = #map}]} {
    %mul3A = arith.constant 16 : i32
    %mul3A_0 = arith.muli %arg0, %mul3A : i32
    %add3A = arith.addi %mul3A_0, %arg1 : i32
    %scan3A = arith.constant 0 : i32
    %scan3A_1 = arith.constant 0 : i32
    %scan3A_2 = arith.constant 1024 : i32
    %scan3A_3 = arith.addi %scan3A_1, %scan3A_2 : i32
    %scan3A_4 = arith.constant 1 : i32
    %scan3A_5 = scf.for %scan3A_40 = %scan3A_1 to %scan3A_3 step %scan3A_4 iter_args(%scan3A_41 = %scan3A) -> (i32)  : i32 {
      %jit3A_42 = arith.constant 8 : i32
      %div3A = arith.divsi %scan3A_40, %jit3A_42 : i32
      %sign3A = arith.constant 0 : i32
      %sign3A_43 = arith.cmpi sgt, %scan3A_40, %sign3A : i32
      %sign3A_44 = arith.extui %sign3A_43 : i1 to i32
      %sign3A_45 = arith.constant 0 : i32
      %sign3A_46 = arith.cmpi slt, %scan3A_40, %sign3A_45 : i32
      %sign3A_47 = arith.extui %sign3A_46 : i1 to i32
      %sign3A_48 = arith.subi %sign3A_44, %sign3A_47 : i32
      %sign3A_49 = arith.constant 0 : i32
      %sign3A_50 = arith.cmpi sgt, %jit3A_42, %sign3A_49 : i32
      %sign3A_51 = arith.extui %sign3A_50 : i1 to i32
      %sign3A_52 = arith.constant 0 : i32
      %sign3A_53 = arith.cmpi slt, %jit3A_42, %sign3A_52 : i32
      %sign3A_54 = arith.extui %sign3A_53 : i1 to i32
      %sign3A_55 = arith.subi %sign3A_51, %sign3A_54 : i32
      %ne3A = arith.cmpi ne, %sign3A_48, %sign3A_55 : i32
      %rem3A = arith.remsi %scan3A_40, %jit3A_42 : i32
      %ne3A_56 = arith.constant 0 : i32
      %ne3A_57 = arith.cmpi ne, %rem3A, %ne3A_56 : i32
      %and3A = arith.andi %ne3A, %ne3A_57 : i1
      %sub3A = arith.constant 1 : i32
      %sub3A_58 = arith.subi %div3A, %sub3A : i32
      %select_n3A_59 = arith.select %and3A, %sub3A_58, %div3A : i32
      %jit3A_60 = arith.constant 8 : i32
      %eq3A_61 = arith.constant 0 : i32
      %eq3A_62 = arith.cmpi eq, %jit3A_60, %eq3A_61 : i32
      %jit3A_63 = arith.constant 1 : i32
      %select_n3A_64 = arith.select %eq3A_62, %jit3A_63, %jit3A_60 : i32
      %rem3A_65 = arith.remsi %scan3A_40, %select_n3A_64 : i32
      %ne3A_66 = arith.constant 0 : i32
      %ne3A_67 = arith.cmpi ne, %rem3A_65, %ne3A_66 : i32
      %lt3A = arith.constant 0 : i32
      %lt3A_68 = arith.cmpi slt, %rem3A_65, %lt3A : i32
      %lt3A_69 = arith.constant 0 : i32
      %lt3A_70 = arith.cmpi slt, %select_n3A_64, %lt3A_69 : i32
      %ne3A_71 = arith.xori %lt3A_68, %lt3A_70 : i1
      %and3A_72 = arith.andi %ne3A_71, %ne3A_67 : i1
      %add3A_73 = arith.addi %rem3A_65, %select_n3A_64 : i32
      %select_n3A_74 = arith.select %and3A_72, %add3A_73, %rem3A_65 : i32
      %broadcast_in_dim3A = arith.constant 0.000000e+00 : f32
      %broadcast_in_dim3A_75 = vector.broadcast %broadcast_in_dim3A : f32 to vector<16xf32>
      %mul3A_76 = arith.constant 16 : i32
      %mul3A_77 = arith.muli %select_n3A_74, %mul3A_76 : i32
      %swap3A = arith.index_cast %select_n3A_59 : i32 to index
      %swap3A_78 = arith.index_cast %mul3A_77 : i32 to index
      %swap3A_79 = tpu.vector_load %arg9[%swap3A, %swap3A_78] {strides = array<i32>} : memref<128x128xf32, #tpu.memory_space<vmem>>, vector<1x16xf32>,
      %swap3A_80 = vector.shape_cast %swap3A_79 : vector<1x16xf32> to vector<16xf32>
      %swap3A_81 = vector.shape_cast %broadcast_in_dim3A_75 : vector<16xf32> to vector<1x16xf32>
      tpu.vector_store %arg9[%swap3A, %swap3A_78], %swap3A_81 {strides = array<i32>} : memref<128x128xf32, #tpu.memory_space<vmem>>, vector<1x16xf32>,
      %scan3A_82 = arith.constant 0 : i32
      scf.yield %scan3A_82 : i32
    }
    %scan3A_6 = arith.constant 1024 : i32
    %scan3A_7 = arith.constant 0 : i32
    %scan3A_8 = arith.constant 0 : i32
    %scan3A_9 = arith.constant 5 : i32
    %scan3A_10 = arith.addi %scan3A_8, %scan3A_9 : i32
    %scan3A_11 = arith.constant 1 : i32
    %scan3A_12 = scf.for %scan3A_40 = %scan3A_8 to %scan3A_10 step %scan3A_11 iter_args(%scan3A_41 = %scan3A_7) -> (i32)  : i32 {
      %mul3A_42 = arith.constant 640 : i32
      %mul3A_43 = arith.muli %arg1, %mul3A_42 : i32
      %mul3A_44 = arith.constant 128 : i32
      %mul3A_45 = arith.muli %scan3A_40, %mul3A_44 : i32
      %add3A_46 = arith.addi %mul3A_43, %mul3A_45 : i32
      "tpu.region"() ({
        %run_scoped3A = tpu.sem_alloc : memref<!tpu.dma_semaphore, #tpu.memory_space<semaphore_mem>>
        %dma_start3A = arith.constant 0 : i32
        %dma_start3A_48 = tpu.memref_slice %arg11[%add3A_46, %dma_start3A] : memref<10240x128xf32, #tpu.memory_space<vmem_shared>> -> memref<128x128xf32, #tpu.memory_space<vmem_shared>>
        %dma_start3A_49 = arith.constant 0 : i32
        %dma_start3A_50 = tpu.memref_slice %arg11[%add3A_46, %dma_start3A_49] : memref<10240x128xf32, #tpu.memory_space<vmem_shared>> -> memref<128x128xf32, #tpu.memory_space<vmem_shared>>
        tpu.enqueue_dma source(%arg9 : memref<128x128xf32, #tpu.memory_space<vmem>>) target(%dma_start3A_50 : memref<128x128xf32, #tpu.memory_space<vmem_shared>>) target_semaphore(%run_scoped3A : memref<!tpu.dma_semaphore, #tpu.memory_space<semaphore_mem>>)
        %dma_wait3A = arith.constant 0 : i32
        %dma_wait3A_51 = tpu.memref_slice %arg11[%add3A_46, %dma_wait3A] : memref<10240x128xf32, #tpu.memory_space<vmem_shared>> -> memref<128x128xf32, #tpu.memory_space<vmem_shared>>
        %dma_wait3A_52 = arith.constant 0 : i32
        %dma_wait3A_53 = tpu.memref_slice %arg11[%add3A_46, %dma_wait3A_52] : memref<10240x128xf32, #tpu.memory_space<vmem_shared>> -> memref<128x128xf32, #tpu.memory_space<vmem_shared>>
        tpu.wait_dma2 semaphore(%run_scoped3A : memref<!tpu.dma_semaphore, #tpu.memory_space<semaphore_mem>>) src(%arg9 : memref<128x128xf32, #tpu.memory_space<vmem>>) dst(%dma_wait3A_53 : memref<128x128xf32, #tpu.memory_space<vmem_shared>>)
        tpu.yield
      }) : () -> ()
      %scan3A_47 = arith.constant 0 : i32
      scf.yield %scan3A_47 : i32
    }
    %scan3A_13 = arith.constant 5 : i32
    %barrier3A = arith.constant 0 : index
    tpu.barrier barrier_id(%barrier3A)
    %eq3A = arith.constant 0 : i32
    %eq3A_14 = arith.cmpi eq, %arg0, %eq3A : i32
    %mul3A_15 = arith.constant 96 : i32
    %mul3A_16 = arith.muli %arg1, %mul3A_15 : i32
    %mul3A_17 = arith.constant 64 : i32
    %mul3A_18 = arith.muli %arg1, %mul3A_17 : i32
    %add3A_19 = arith.constant 1536 : i32
    %add3A_20 = arith.addi %add3A_19, %mul3A_18 : i32
    %select_n3A = arith.select %eq3A_14, %mul3A_16, %add3A_20 : i32
    %eq3A_21 = arith.constant 0 : i32
    %eq3A_22 = arith.cmpi eq, %arg0, %eq3A_21 : i32
    %jit3A = arith.constant 48 : i32
    %jit3A_23 = arith.constant 32 : i32
    %select_n3A_24 = arith.select %eq3A_22, %jit3A, %jit3A_23 : i32
    %scan3A_25 = arith.constant 0 : i32
    %scan3A_26 = arith.constant 0 : i32
    %scan3A_27 = arith.constant 2 : i32
    %scan3A_28 = arith.addi %scan3A_26, %scan3A_27 : i32
    %scan3A_29 = arith.constant 1 : i32
    %scan3A_30 = scf.for %scan3A_40 = %scan3A_26 to %scan3A_28 step %scan3A_29 iter_args(%scan3A_41 = %scan3A_25) -> (i32)  : i32 {
      %mul3A_42 = arith.muli %scan3A_40, %select_n3A_24 : i32
      %add3A_43 = arith.addi %select_n3A, %mul3A_42 : i32
      "tpu.region"() ({
        %run_scoped3A = tpu.sem_alloc : memref<!tpu.dma_semaphore, #tpu.memory_space<semaphore_mem>>
        %dma_start3A_100 = arith.constant 0 : i32
        %dma_start3A_101 = tpu.memref_slice %arg3[%add3A_43, %dma_start3A_100] : memref<2560x128xi32, #tpu.memory_space<hbm>> -> memref<48x128xi32, #tpu.memory_space<hbm>>
        %dma_start3A_102 = arith.constant 0 : i32
        %dma_start3A_103 = tpu.memref_slice %arg3[%add3A_43, %dma_start3A_102] : memref<2560x128xi32, #tpu.memory_space<hbm>> -> memref<48x128xi32, #tpu.memory_space<hbm>>
        tpu.enqueue_dma source(%dma_start3A_103 : memref<48x128xi32, #tpu.memory_space<hbm>>) target(%arg7 : memref<48x128xi32, #tpu.memory_space<vmem>>) target_semaphore(%run_scoped3A : memref<!tpu.dma_semaphore, #tpu.memory_space<semaphore_mem>>)
        %dma_wait3A_104 = arith.constant 0 : i32
        %dma_wait3A_105 = tpu.memref_slice %arg3[%add3A_43, %dma_wait3A_104] : memref<2560x128xi32, #tpu.memory_space<hbm>> -> memref<48x128xi32, #tpu.memory_space<hbm>>
        %dma_wait3A_106 = arith.constant 0 : i32
        %dma_wait3A_107 = tpu.memref_slice %arg3[%add3A_43, %dma_wait3A_106] : memref<2560x128xi32, #tpu.memory_space<hbm>> -> memref<48x128xi32, #tpu.memory_space<hbm>>
        tpu.wait_dma2 semaphore(%run_scoped3A : memref<!tpu.dma_semaphore, #tpu.memory_space<semaphore_mem>>) src(%dma_wait3A_107 : memref<48x128xi32, #tpu.memory_space<hbm>>) dst(%arg7 : memref<48x128xi32, #tpu.memory_space<vmem>>)
        tpu.yield
      }) : () -> ()
      "tpu.region"() ({
        %run_scoped3A = tpu.sem_alloc : memref<!tpu.dma_semaphore, #tpu.memory_space<semaphore_mem>>
        %dma_start3A_100 = arith.constant 0 : i32
        %dma_start3A_101 = tpu.memref_slice %arg4[%add3A_43, %dma_start3A_100] : memref<2560x128xi32, #tpu.memory_space<hbm>> -> memref<48x128xi32, #tpu.memory_space<hbm>>
        %dma_start3A_102 = arith.constant 0 : i32
        %dma_start3A_103 = tpu.memref_slice %arg4[%add3A_43, %dma_start3A_102] : memref<2560x128xi32, #tpu.memory_space<hbm>> -> memref<48x128xi32, #tpu.memory_space<hbm>>
        tpu.enqueue_dma source(%dma_start3A_103 : memref<48x128xi32, #tpu.memory_space<hbm>>) target(%arg8 : memref<48x128xi32, #tpu.memory_space<vmem>>) target_semaphore(%run_scoped3A : memref<!tpu.dma_semaphore, #tpu.memory_space<semaphore_mem>>)
        %dma_wait3A_104 = arith.constant 0 : i32
        %dma_wait3A_105 = tpu.memref_slice %arg4[%add3A_43, %dma_wait3A_104] : memref<2560x128xi32, #tpu.memory_space<hbm>> -> memref<48x128xi32, #tpu.memory_space<hbm>>
        %dma_wait3A_106 = arith.constant 0 : i32
        %dma_wait3A_107 = tpu.memref_slice %arg4[%add3A_43, %dma_wait3A_106] : memref<2560x128xi32, #tpu.memory_space<hbm>> -> memref<48x128xi32, #tpu.memory_space<hbm>>
        tpu.wait_dma2 semaphore(%run_scoped3A : memref<!tpu.dma_semaphore, #tpu.memory_space<semaphore_mem>>) src(%dma_wait3A_107 : memref<48x128xi32, #tpu.memory_space<hbm>>) dst(%arg8 : memref<48x128xi32, #tpu.memory_space<vmem>>)
        tpu.yield
      }) : () -> ()
      %dma_start3A = arith.constant 0 : i32
      %dma_start3A_44 = arith.constant 0 : i32
      %dma_start3A_45 = tpu.memref_slice %arg7[%dma_start3A, %dma_start3A_44] : memref<48x128xi32, #tpu.memory_space<vmem>> -> memref<1x128xi32, #tpu.memory_space<vmem>>
      %dma_start3A_46 = tpu.memref_squeeze %dma_start3A_45 : memref<1x128xi32, #tpu.memory_space<vmem>> -> memref<128xi32, #tpu.memory_space<vmem>>
      %dma_start3A_47 = arith.constant 0 : i32
      %dma_start3A_48 = arith.constant 0 : i32
      %dma_start3A_49 = tpu.memref_slice %arg2[%dma_start3A_47, %dma_start3A_48] : memref<10000x128xf32, #tpu.memory_space<hbm>> -> memref<10000x128xf32, #tpu.memory_space<hbm>>
      tpu.enqueue_indirect_dma source(%dma_start3A_49 : memref<10000x128xf32, #tpu.memory_space<hbm>>) target(%arg9 : memref<128x128xf32, #tpu.memory_space<vmem>>) offsets(%dma_start3A_46 : memref<128xi32, #tpu.memory_space<vmem>>) semaphore(%arg12 : memref<!tpu.dma_semaphore, #tpu.memory_space<semaphore_mem>>)
      %dma_start3A_50 = arith.constant 1 : i32
      %dma_start3A_51 = arith.constant 0 : i32
      %dma_start3A_52 = tpu.memref_slice %arg7[%dma_start3A_50, %dma_start3A_51] : memref<48x128xi32, #tpu.memory_space<vmem>> -> memref<1x128xi32, #tpu.memory_space<vmem>>
      %dma_start3A_53 = tpu.memref_squeeze %dma_start3A_52 : memref<1x128xi32, #tpu.memory_space<vmem>> -> memref<128xi32, #tpu.memory_space<vmem>>
      %dma_start3A_54 = arith.constant 0 : i32
      %dma_start3A_55 = arith.constant 0 : i32
      %dma_start3A_56 = tpu.memref_slice %arg2[%dma_start3A_54, %dma_start3A_55] : memref<10000x128xf32, #tpu.memory_space<hbm>> -> memref<10000x128xf32, #tpu.memory_space<hbm>>
      tpu.enqueue_indirect_dma source(%dma_start3A_56 : memref<10000x128xf32, #tpu.memory_space<hbm>>) target(%arg10 : memref<128x128xf32, #tpu.memory_space<vmem>>) offsets(%dma_start3A_53 : memref<128xi32, #tpu.memory_space<vmem>>) semaphore(%arg13 : memref<!tpu.dma_semaphore, #tpu.memory_space<semaphore_mem>>)
      %jit3A_57 = arith.constant 2 : i32
      %div3A = arith.divsi %select_n3A_24, %jit3A_57 : i32
      %sign3A = arith.constant 0 : i32
      %sign3A_58 = arith.cmpi sgt, %select_n3A_24, %sign3A : i32
      %sign3A_59 = arith.extui %sign3A_58 : i1 to i32
      %sign3A_60 = arith.constant 0 : i32
      %sign3A_61 = arith.cmpi slt, %select_n3A_24, %sign3A_60 : i32
      %sign3A_62 = arith.extui %sign3A_61 : i1 to i32
      %sign3A_63 = arith.subi %sign3A_59, %sign3A_62 : i32
      %sign3A_64 = arith.constant 0 : i32
      %sign3A_65 = arith.cmpi sgt, %jit3A_57, %sign3A_64 : i32
      %sign3A_66 = arith.extui %sign3A_65 : i1 to i32
      %sign3A_67 = arith.constant 0 : i32
      %sign3A_68 = arith.cmpi slt, %jit3A_57, %sign3A_67 : i32
      %sign3A_69 = arith.extui %sign3A_68 : i1 to i32
      %sign3A_70 = arith.subi %sign3A_66, %sign3A_69 : i32
      %ne3A = arith.cmpi ne, %sign3A_63, %sign3A_70 : i32
      %rem3A = arith.remsi %select_n3A_24, %jit3A_57 : i32
      %ne3A_71 = arith.constant 0 : i32
      %ne3A_72 = arith.cmpi ne, %rem3A, %ne3A_71 : i32
      %and3A = arith.andi %ne3A, %ne3A_72 : i1
      %sub3A = arith.constant 1 : i32
      %sub3A_73 = arith.subi %div3A, %sub3A : i32
      %select_n3A_74 = arith.select %and3A, %sub3A_73, %div3A : i32
      %while3A = arith.constant 0 : i32
      %while3A_75 = arith.constant 0 : i32
      %while3A_76 = arith.subi %select_n3A_74, %while3A : i32
      %while3A_77 = arith.addi %while3A, %while3A_76 : i32
      %while3A_78 = arith.constant 1 : i32
      %while3A_79 = arith.divsi %while3A_76, %while3A_78 : i32
      %while3A_80 = arith.muli %while3A_79, %while3A_78 : i32
      %while3A_81 = arith.addi %while3A, %while3A_80 : i32
      %while3A_82 = arith.constant 1 : i32
      %while3A_83 = scf.for %while3A_100 = %while3A to %while3A_81 step %while3A_82 iter_args(%while3A_101 = %while3A_75) -> (i32)  : i32 {
        %mul3A_102 = arith.constant 2 : i32
        %mul3A_103 = arith.muli %while3A_100, %mul3A_102 : i32
        %add3A_104 = arith.constant 0 : i32
        %add3A_105 = arith.addi %mul3A_103, %add3A_104 : i32
        %dma_wait3A_106 = arith.constant 0 : i32
        %dma_wait3A_107 = tpu.memref_slice %arg7[%add3A_105, %dma_wait3A_106] : memref<48x128xi32, #tpu.memory_space<vmem>> -> memref<1x128xi32, #tpu.memory_space<vmem>>
        %dma_wait3A_108 = tpu.memref_squeeze %dma_wait3A_107 : memref<1x128xi32, #tpu.memory_space<vmem>> -> memref<128xi32, #tpu.memory_space<vmem>>
        %dma_wait3A_109 = arith.constant 0 : i32
        %dma_wait3A_110 = arith.constant 0 : i32
        %dma_wait3A_111 = tpu.memref_slice %arg2[%dma_wait3A_109, %dma_wait3A_110] : memref<10000x128xf32, #tpu.memory_space<hbm>> -> memref<10000x128xf32, #tpu.memory_space<hbm>>
        tpu.wait_indirect_dma semaphore(%arg12 : memref<!tpu.dma_semaphore, #tpu.memory_space<semaphore_mem>>) src(%dma_wait3A_111 : memref<10000x128xf32, #tpu.memory_space<hbm>>) dst(%arg9 : memref<128x128xf32, #tpu.memory_space<vmem>>)
        %dma_start3A_112 = arith.constant 0 : i32
        %dma_start3A_113 = tpu.memref_slice %arg8[%add3A_105, %dma_start3A_112] : memref<48x128xi32, #tpu.memory_space<vmem>> -> memref<1x128xi32, #tpu.memory_space<vmem>>
        %dma_start3A_114 = tpu.memref_squeeze %dma_start3A_113 : memref<1x128xi32, #tpu.memory_space<vmem>> -> memref<128xi32, #tpu.memory_space<vmem>>
        %dma_start3A_115 = arith.constant 0 : i32
        %dma_start3A_116 = arith.constant 0 : i32
        %dma_start3A_117 = tpu.memref_slice %arg11[%dma_start3A_115, %dma_start3A_116] : memref<10240x128xf32, #tpu.memory_space<vmem_shared>> -> memref<10240x128xf32, #tpu.memory_space<vmem_shared>>
        tpu.enqueue_indirect_dma source(%arg9 : memref<128x128xf32, #tpu.memory_space<vmem>>) target(%dma_start3A_117 : memref<10240x128xf32, #tpu.memory_space<vmem_shared>>) offsets(%dma_start3A_114 : memref<128xi32, #tpu.memory_space<vmem>>) semaphore(%arg14 : memref<!tpu.dma_semaphore, #tpu.memory_space<semaphore_mem>>) {add = true}
        %add3A_118 = arith.constant 2 : i32
        %add3A_119 = arith.addi %add3A_105, %add3A_118 : i32
        %lt3A = arith.cmpi slt, %add3A_119, %select_n3A_24 : i32
        %convert_element_type3A = arith.extui %lt3A : i1 to i32
        %cond3A = arith.constant 0 : i32
        %cond3A_120 = arith.cmpi ne, %convert_element_type3A, %cond3A : i32
        scf.if %cond3A_120 {
          %dma_wait3A_144 = arith.constant 0 : i32
          %dma_wait3A_145 = tpu.memref_slice %arg8[%add3A_105, %dma_wait3A_144] : memref<48x128xi32, #tpu.memory_space<vmem>> -> memref<1x128xi32, #tpu.memory_space<vmem>>
          %dma_wait3A_146 = tpu.memref_squeeze %dma_wait3A_145 : memref<1x128xi32, #tpu.memory_space<vmem>> -> memref<128xi32, #tpu.memory_space<vmem>>
          %dma_wait3A_147 = arith.constant 0 : i32
          %dma_wait3A_148 = arith.constant 0 : i32
          %dma_wait3A_149 = tpu.memref_slice %arg11[%dma_wait3A_147, %dma_wait3A_148] : memref<10240x128xf32, #tpu.memory_space<vmem_shared>> -> memref<10240x128xf32, #tpu.memory_space<vmem_shared>>
          tpu.wait_indirect_dma semaphore(%arg14 : memref<!tpu.dma_semaphore, #tpu.memory_space<semaphore_mem>>) src(%arg9 : memref<128x128xf32, #tpu.memory_space<vmem>>) dst(%dma_wait3A_149 : memref<10240x128xf32, #tpu.memory_space<vmem_shared>>)
          %dma_start3A_150 = arith.constant 0 : i32
          %dma_start3A_151 = tpu.memref_slice %arg7[%add3A_119, %dma_start3A_150] : memref<48x128xi32, #tpu.memory_space<vmem>> -> memref<1x128xi32, #tpu.memory_space<vmem>>
          %dma_start3A_152 = tpu.memref_squeeze %dma_start3A_151 : memref<1x128xi32, #tpu.memory_space<vmem>> -> memref<128xi32, #tpu.memory_space<vmem>>
          %dma_start3A_153 = arith.constant 0 : i32
          %dma_start3A_154 = arith.constant 0 : i32
          %dma_start3A_155 = tpu.memref_slice %arg2[%dma_start3A_153, %dma_start3A_154] : memref<10000x128xf32, #tpu.memory_space<hbm>> -> memref<10000x128xf32, #tpu.memory_space<hbm>>
          tpu.enqueue_indirect_dma source(%dma_start3A_155 : memref<10000x128xf32, #tpu.memory_space<hbm>>) target(%arg9 : memref<128x128xf32, #tpu.memory_space<vmem>>) offsets(%dma_start3A_152 : memref<128xi32, #tpu.memory_space<vmem>>) semaphore(%arg12 : memref<!tpu.dma_semaphore, #tpu.memory_space<semaphore_mem>>)
        } else {
        }
        %mul3A_121 = arith.constant 2 : i32
        %mul3A_122 = arith.muli %while3A_100, %mul3A_121 : i32
        %add3A_123 = arith.constant 1 : i32
        %add3A_124 = arith.addi %mul3A_122, %add3A_123 : i32
        %dma_wait3A_125 = arith.constant 0 : i32
        %dma_wait3A_126 = tpu.memref_slice %arg7[%add3A_124, %dma_wait3A_125] : memref<48x128xi32, #tpu.memory_space<vmem>> -> memref<1x128xi32, #tpu.memory_space<vmem>>
        %dma_wait3A_127 = tpu.memref_squeeze %dma_wait3A_126 : memref<1x128xi32, #tpu.memory_space<vmem>> -> memref<128xi32, #tpu.memory_space<vmem>>
        %dma_wait3A_128 = arith.constant 0 : i32
        %dma_wait3A_129 = arith.constant 0 : i32
        %dma_wait3A_130 = tpu.memref_slice %arg2[%dma_wait3A_128, %dma_wait3A_129] : memref<10000x128xf32, #tpu.memory_space<hbm>> -> memref<10000x128xf32, #tpu.memory_space<hbm>>
        tpu.wait_indirect_dma semaphore(%arg13 : memref<!tpu.dma_semaphore, #tpu.memory_space<semaphore_mem>>) src(%dma_wait3A_130 : memref<10000x128xf32, #tpu.memory_space<hbm>>) dst(%arg10 : memref<128x128xf32, #tpu.memory_space<vmem>>)
        %dma_start3A_131 = arith.constant 0 : i32
        %dma_start3A_132 = tpu.memref_slice %arg8[%add3A_124, %dma_start3A_131] : memref<48x128xi32, #tpu.memory_space<vmem>> -> memref<1x128xi32, #tpu.memory_space<vmem>>
        %dma_start3A_133 = tpu.memref_squeeze %dma_start3A_132 : memref<1x128xi32, #tpu.memory_space<vmem>> -> memref<128xi32, #tpu.memory_space<vmem>>
        %dma_start3A_134 = arith.constant 0 : i32
        %dma_start3A_135 = arith.constant 0 : i32
        %dma_start3A_136 = tpu.memref_slice %arg11[%dma_start3A_134, %dma_start3A_135] : memref<10240x128xf32, #tpu.memory_space<vmem_shared>> -> memref<10240x128xf32, #tpu.memory_space<vmem_shared>>
        tpu.enqueue_indirect_dma source(%arg10 : memref<128x128xf32, #tpu.memory_space<vmem>>) target(%dma_start3A_136 : memref<10240x128xf32, #tpu.memory_space<vmem_shared>>) offsets(%dma_start3A_133 : memref<128xi32, #tpu.memory_space<vmem>>) semaphore(%arg15 : memref<!tpu.dma_semaphore, #tpu.memory_space<semaphore_mem>>) {add = true}
        %add3A_137 = arith.constant 2 : i32
        %add3A_138 = arith.addi %add3A_124, %add3A_137 : i32
        %lt3A_139 = arith.cmpi slt, %add3A_138, %select_n3A_24 : i32
        %convert_element_type3A_140 = arith.extui %lt3A_139 : i1 to i32
        %cond3A_141 = arith.constant 0 : i32
        %cond3A_142 = arith.cmpi ne, %convert_element_type3A_140, %cond3A_141 : i32
        scf.if %cond3A_142 {
          %dma_wait3A_144 = arith.constant 0 : i32
          %dma_wait3A_145 = tpu.memref_slice %arg8[%add3A_124, %dma_wait3A_144] : memref<48x128xi32, #tpu.memory_space<vmem>> -> memref<1x128xi32, #tpu.memory_space<vmem>>
          %dma_wait3A_146 = tpu.memref_squeeze %dma_wait3A_145 : memref<1x128xi32, #tpu.memory_space<vmem>> -> memref<128xi32, #tpu.memory_space<vmem>>
          %dma_wait3A_147 = arith.constant 0 : i32
          %dma_wait3A_148 = arith.constant 0 : i32
          %dma_wait3A_149 = tpu.memref_slice %arg11[%dma_wait3A_147, %dma_wait3A_148] : memref<10240x128xf32, #tpu.memory_space<vmem_shared>> -> memref<10240x128xf32, #tpu.memory_space<vmem_shared>>
          tpu.wait_indirect_dma semaphore(%arg15 : memref<!tpu.dma_semaphore, #tpu.memory_space<semaphore_mem>>) src(%arg10 : memref<128x128xf32, #tpu.memory_space<vmem>>) dst(%dma_wait3A_149 : memref<10240x128xf32, #tpu.memory_space<vmem_shared>>)
          %dma_start3A_150 = arith.constant 0 : i32
          %dma_start3A_151 = tpu.memref_slice %arg7[%add3A_138, %dma_start3A_150] : memref<48x128xi32, #tpu.memory_space<vmem>> -> memref<1x128xi32, #tpu.memory_space<vmem>>
          %dma_start3A_152 = tpu.memref_squeeze %dma_start3A_151 : memref<1x128xi32, #tpu.memory_space<vmem>> -> memref<128xi32, #tpu.memory_space<vmem>>
          %dma_start3A_153 = arith.constant 0 : i32
          %dma_start3A_154 = arith.constant 0 : i32
          %dma_start3A_155 = tpu.memref_slice %arg2[%dma_start3A_153, %dma_start3A_154] : memref<10000x128xf32, #tpu.memory_space<hbm>> -> memref<10000x128xf32, #tpu.memory_space<hbm>>
          tpu.enqueue_indirect_dma source(%dma_start3A_155 : memref<10000x128xf32, #tpu.memory_space<hbm>>) target(%arg10 : memref<128x128xf32, #tpu.memory_space<vmem>>) offsets(%dma_start3A_152 : memref<128xi32, #tpu.memory_space<vmem>>) semaphore(%arg13 : memref<!tpu.dma_semaphore, #tpu.memory_space<semaphore_mem>>)
        } else {
        }
        %while3A_143 = arith.constant 0 : i32
        scf.yield %while3A_143 : i32
      }
      %while3A_84 = arith.constant 1 : i32
      %while3A_85 = scf.for %while3A_100 = %while3A_81 to %while3A_77 step %while3A_84 iter_args(%while3A_101 = %while3A_83) -> (i32)  : i32 {
        %mul3A_102 = arith.constant 2 : i32
        %mul3A_103 = arith.muli %while3A_100, %mul3A_102 : i32
        %add3A_104 = arith.constant 0 : i32
        %add3A_105 = arith.addi %mul3A_103, %add3A_104 : i32
        %dma_wait3A_106 = arith.constant 0 : i32
        %dma_wait3A_107 = tpu.memref_slice %arg7[%add3A_105, %dma_wait3A_106] : memref<48x128xi32, #tpu.memory_space<vmem>> -> memref<1x128xi32, #tpu.memory_space<vmem>>
        %dma_wait3A_108 = tpu.memref_squeeze %dma_wait3A_107 : memref<1x128xi32, #tpu.memory_space<vmem>> -> memref<128xi32, #tpu.memory_space<vmem>>
        %dma_wait3A_109 = arith.constant 0 : i32
        %dma_wait3A_110 = arith.constant 0 : i32
        %dma_wait3A_111 = tpu.memref_slice %arg2[%dma_wait3A_109, %dma_wait3A_110] : memref<10000x128xf32, #tpu.memory_space<hbm>> -> memref<10000x128xf32, #tpu.memory_space<hbm>>
        tpu.wait_indirect_dma semaphore(%arg12 : memref<!tpu.dma_semaphore, #tpu.memory_space<semaphore_mem>>) src(%dma_wait3A_111 : memref<10000x128xf32, #tpu.memory_space<hbm>>) dst(%arg9 : memref<128x128xf32, #tpu.memory_space<vmem>>)
        %dma_start3A_112 = arith.constant 0 : i32
        %dma_start3A_113 = tpu.memref_slice %arg8[%add3A_105, %dma_start3A_112] : memref<48x128xi32, #tpu.memory_space<vmem>> -> memref<1x128xi32, #tpu.memory_space<vmem>>
        %dma_start3A_114 = tpu.memref_squeeze %dma_start3A_113 : memref<1x128xi32, #tpu.memory_space<vmem>> -> memref<128xi32, #tpu.memory_space<vmem>>
        %dma_start3A_115 = arith.constant 0 : i32
        %dma_start3A_116 = arith.constant 0 : i32
        %dma_start3A_117 = tpu.memref_slice %arg11[%dma_start3A_115, %dma_start3A_116] : memref<10240x128xf32, #tpu.memory_space<vmem_shared>> -> memref<10240x128xf32, #tpu.memory_space<vmem_shared>>
        tpu.enqueue_indirect_dma source(%arg9 : memref<128x128xf32, #tpu.memory_space<vmem>>) target(%dma_start3A_117 : memref<10240x128xf32, #tpu.memory_space<vmem_shared>>) offsets(%dma_start3A_114 : memref<128xi32, #tpu.memory_space<vmem>>) semaphore(%arg14 : memref<!tpu.dma_semaphore, #tpu.memory_space<semaphore_mem>>) {add = true}
        %add3A_118 = arith.constant 2 : i32
        %add3A_119 = arith.addi %add3A_105, %add3A_118 : i32
        %lt3A = arith.cmpi slt, %add3A_119, %select_n3A_24 : i32
        %convert_element_type3A = arith.extui %lt3A : i1 to i32
        %cond3A = arith.constant 0 : i32
        %cond3A_120 = arith.cmpi ne, %convert_element_type3A, %cond3A : i32
        scf.if %cond3A_120 {
          %dma_wait3A_144 = arith.constant 0 : i32
          %dma_wait3A_145 = tpu.memref_slice %arg8[%add3A_105, %dma_wait3A_144] : memref<48x128xi32, #tpu.memory_space<vmem>> -> memref<1x128xi32, #tpu.memory_space<vmem>>
          %dma_wait3A_146 = tpu.memref_squeeze %dma_wait3A_145 : memref<1x128xi32, #tpu.memory_space<vmem>> -> memref<128xi32, #tpu.memory_space<vmem>>
          %dma_wait3A_147 = arith.constant 0 : i32
          %dma_wait3A_148 = arith.constant 0 : i32
          %dma_wait3A_149 = tpu.memref_slice %arg11[%dma_wait3A_147, %dma_wait3A_148] : memref<10240x128xf32, #tpu.memory_space<vmem_shared>> -> memref<10240x128xf32, #tpu.memory_space<vmem_shared>>
          tpu.wait_indirect_dma semaphore(%arg14 : memref<!tpu.dma_semaphore, #tpu.memory_space<semaphore_mem>>) src(%arg9 : memref<128x128xf32, #tpu.memory_space<vmem>>) dst(%dma_wait3A_149 : memref<10240x128xf32, #tpu.memory_space<vmem_shared>>)
          %dma_start3A_150 = arith.constant 0 : i32
          %dma_start3A_151 = tpu.memref_slice %arg7[%add3A_119, %dma_start3A_150] : memref<48x128xi32, #tpu.memory_space<vmem>> -> memref<1x128xi32, #tpu.memory_space<vmem>>
          %dma_start3A_152 = tpu.memref_squeeze %dma_start3A_151 : memref<1x128xi32, #tpu.memory_space<vmem>> -> memref<128xi32, #tpu.memory_space<vmem>>
          %dma_start3A_153 = arith.constant 0 : i32
          %dma_start3A_154 = arith.constant 0 : i32
          %dma_start3A_155 = tpu.memref_slice %arg2[%dma_start3A_153, %dma_start3A_154] : memref<10000x128xf32, #tpu.memory_space<hbm>> -> memref<10000x128xf32, #tpu.memory_space<hbm>>
          tpu.enqueue_indirect_dma source(%dma_start3A_155 : memref<10000x128xf32, #tpu.memory_space<hbm>>) target(%arg9 : memref<128x128xf32, #tpu.memory_space<vmem>>) offsets(%dma_start3A_152 : memref<128xi32, #tpu.memory_space<vmem>>) semaphore(%arg12 : memref<!tpu.dma_semaphore, #tpu.memory_space<semaphore_mem>>)
        } else {
        }
        %mul3A_121 = arith.constant 2 : i32
        %mul3A_122 = arith.muli %while3A_100, %mul3A_121 : i32
        %add3A_123 = arith.constant 1 : i32
        %add3A_124 = arith.addi %mul3A_122, %add3A_123 : i32
        %dma_wait3A_125 = arith.constant 0 : i32
        %dma_wait3A_126 = tpu.memref_slice %arg7[%add3A_124, %dma_wait3A_125] : memref<48x128xi32, #tpu.memory_space<vmem>> -> memref<1x128xi32, #tpu.memory_space<vmem>>
        %dma_wait3A_127 = tpu.memref_squeeze %dma_wait3A_126 : memref<1x128xi32, #tpu.memory_space<vmem>> -> memref<128xi32, #tpu.memory_space<vmem>>
        %dma_wait3A_128 = arith.constant 0 : i32
        %dma_wait3A_129 = arith.constant 0 : i32
        %dma_wait3A_130 = tpu.memref_slice %arg2[%dma_wait3A_128, %dma_wait3A_129] : memref<10000x128xf32, #tpu.memory_space<hbm>> -> memref<10000x128xf32, #tpu.memory_space<hbm>>
        tpu.wait_indirect_dma semaphore(%arg13 : memref<!tpu.dma_semaphore, #tpu.memory_space<semaphore_mem>>) src(%dma_wait3A_130 : memref<10000x128xf32, #tpu.memory_space<hbm>>) dst(%arg10 : memref<128x128xf32, #tpu.memory_space<vmem>>)
        %dma_start3A_131 = arith.constant 0 : i32
        %dma_start3A_132 = tpu.memref_slice %arg8[%add3A_124, %dma_start3A_131] : memref<48x128xi32, #tpu.memory_space<vmem>> -> memref<1x128xi32, #tpu.memory_space<vmem>>
        %dma_start3A_133 = tpu.memref_squeeze %dma_start3A_132 : memref<1x128xi32, #tpu.memory_space<vmem>> -> memref<128xi32, #tpu.memory_space<vmem>>
        %dma_start3A_134 = arith.constant 0 : i32
        %dma_start3A_135 = arith.constant 0 : i32
        %dma_start3A_136 = tpu.memref_slice %arg11[%dma_start3A_134, %dma_start3A_135] : memref<10240x128xf32, #tpu.memory_space<vmem_shared>> -> memref<10240x128xf32, #tpu.memory_space<vmem_shared>>
        tpu.enqueue_indirect_dma source(%arg10 : memref<128x128xf32, #tpu.memory_space<vmem>>) target(%dma_start3A_136 : memref<10240x128xf32, #tpu.memory_space<vmem_shared>>) offsets(%dma_start3A_133 : memref<128xi32, #tpu.memory_space<vmem>>) semaphore(%arg15 : memref<!tpu.dma_semaphore, #tpu.memory_space<semaphore_mem>>) {add = true}
        %add3A_137 = arith.constant 2 : i32
        %add3A_138 = arith.addi %add3A_124, %add3A_137 : i32
        %lt3A_139 = arith.cmpi slt, %add3A_138, %select_n3A_24 : i32
        %convert_element_type3A_140 = arith.extui %lt3A_139 : i1 to i32
        %cond3A_141 = arith.constant 0 : i32
        %cond3A_142 = arith.cmpi ne, %convert_element_type3A_140, %cond3A_141 : i32
        scf.if %cond3A_142 {
          %dma_wait3A_144 = arith.constant 0 : i32
          %dma_wait3A_145 = tpu.memref_slice %arg8[%add3A_124, %dma_wait3A_144] : memref<48x128xi32, #tpu.memory_space<vmem>> -> memref<1x128xi32, #tpu.memory_space<vmem>>
          %dma_wait3A_146 = tpu.memref_squeeze %dma_wait3A_145 : memref<1x128xi32, #tpu.memory_space<vmem>> -> memref<128xi32, #tpu.memory_space<vmem>>
          %dma_wait3A_147 = arith.constant 0 : i32
          %dma_wait3A_148 = arith.constant 0 : i32
          %dma_wait3A_149 = tpu.memref_slice %arg11[%dma_wait3A_147, %dma_wait3A_148] : memref<10240x128xf32, #tpu.memory_space<vmem_shared>> -> memref<10240x128xf32, #tpu.memory_space<vmem_shared>>
          tpu.wait_indirect_dma semaphore(%arg15 : memref<!tpu.dma_semaphore, #tpu.memory_space<semaphore_mem>>) src(%arg10 : memref<128x128xf32, #tpu.memory_space<vmem>>) dst(%dma_wait3A_149 : memref<10240x128xf32, #tpu.memory_space<vmem_shared>>)
          %dma_start3A_150 = arith.constant 0 : i32
          %dma_start3A_151 = tpu.memref_slice %arg7[%add3A_138, %dma_start3A_150] : memref<48x128xi32, #tpu.memory_space<vmem>> -> memref<1x128xi32, #tpu.memory_space<vmem>>
          %dma_start3A_152 = tpu.memref_squeeze %dma_start3A_151 : memref<1x128xi32, #tpu.memory_space<vmem>> -> memref<128xi32, #tpu.memory_space<vmem>>
          %dma_start3A_153 = arith.constant 0 : i32
          %dma_start3A_154 = arith.constant 0 : i32
          %dma_start3A_155 = tpu.memref_slice %arg2[%dma_start3A_153, %dma_start3A_154] : memref<10000x128xf32, #tpu.memory_space<hbm>> -> memref<10000x128xf32, #tpu.memory_space<hbm>>
          tpu.enqueue_indirect_dma source(%dma_start3A_155 : memref<10000x128xf32, #tpu.memory_space<hbm>>) target(%arg10 : memref<128x128xf32, #tpu.memory_space<vmem>>) offsets(%dma_start3A_152 : memref<128xi32, #tpu.memory_space<vmem>>) semaphore(%arg13 : memref<!tpu.dma_semaphore, #tpu.memory_space<semaphore_mem>>)
        } else {
        }
        %while3A_143 = arith.constant 0 : i32
        scf.yield %while3A_143 : i32
      }
      %dma_wait3A = arith.constant 0 : i32
      %dma_wait3A_86 = arith.constant 0 : i32
      %dma_wait3A_87 = tpu.memref_slice %arg8[%dma_wait3A, %dma_wait3A_86] : memref<48x128xi32, #tpu.memory_space<vmem>> -> memref<1x128xi32, #tpu.memory_space<vmem>>
      %dma_wait3A_88 = tpu.memref_squeeze %dma_wait3A_87 : memref<1x128xi32, #tpu.memory_space<vmem>> -> memref<128xi32, #tpu.memory_space<vmem>>
      %dma_wait3A_89 = arith.constant 0 : i32
      %dma_wait3A_90 = arith.constant 0 : i32
      %dma_wait3A_91 = tpu.memref_slice %arg11[%dma_wait3A_89, %dma_wait3A_90] : memref<10240x128xf32, #tpu.memory_space<vmem_shared>> -> memref<10240x128xf32, #tpu.memory_space<vmem_shared>>
      tpu.wait_indirect_dma semaphore(%arg14 : memref<!tpu.dma_semaphore, #tpu.memory_space<semaphore_mem>>) src(%arg9 : memref<128x128xf32, #tpu.memory_space<vmem>>) dst(%dma_wait3A_91 : memref<10240x128xf32, #tpu.memory_space<vmem_shared>>)
      %dma_wait3A_92 = arith.constant 0 : i32
      %dma_wait3A_93 = arith.constant 0 : i32
      %dma_wait3A_94 = tpu.memref_slice %arg8[%dma_wait3A_92, %dma_wait3A_93] : memref<48x128xi32, #tpu.memory_space<vmem>> -> memref<1x128xi32, #tpu.memory_space<vmem>>
      %dma_wait3A_95 = tpu.memref_squeeze %dma_wait3A_94 : memref<1x128xi32, #tpu.memory_space<vmem>> -> memref<128xi32, #tpu.memory_space<vmem>>
      %dma_wait3A_96 = arith.constant 0 : i32
      %dma_wait3A_97 = arith.constant 0 : i32
      %dma_wait3A_98 = tpu.memref_slice %arg11[%dma_wait3A_96, %dma_wait3A_97] : memref<10240x128xf32, #tpu.memory_space<vmem_shared>> -> memref<10240x128xf32, #tpu.memory_space<vmem_shared>>
      tpu.wait_indirect_dma semaphore(%arg15 : memref<!tpu.dma_semaphore, #tpu.memory_space<semaphore_mem>>) src(%arg10 : memref<128x128xf32, #tpu.memory_space<vmem>>) dst(%dma_wait3A_98 : memref<10240x128xf32, #tpu.memory_space<vmem_shared>>)
      %scan3A_99 = arith.constant 0 : i32
      scf.yield %scan3A_99 : i32
    }
    %scan3A_31 = arith.constant 2 : i32
    %barrier3A_32 = arith.constant 0 : index
    tpu.barrier barrier_id(%barrier3A_32)
    %scan3A_33 = arith.constant 0 : i32
    %scan3A_34 = arith.constant 0 : i32
    %scan3A_35 = arith.constant 5 : i32
    %scan3A_36 = arith.addi %scan3A_34, %scan3A_35 : i32
    %scan3A_37 = arith.constant 1 : i32
    %scan3A_38 = scf.for %scan3A_40 = %scan3A_34 to %scan3A_36 step %scan3A_37 iter_args(%scan3A_41 = %scan3A_33) -> (i32)  : i32 {
      %mul3A_42 = arith.constant 640 : i32
      %mul3A_43 = arith.muli %arg1, %mul3A_42 : i32
      %mul3A_44 = arith.constant 128 : i32
      %mul3A_45 = arith.muli %scan3A_40, %mul3A_44 : i32
      %add3A_46 = arith.addi %mul3A_43, %mul3A_45 : i32
      %eq3A_47 = arith.constant 0 : i32
      %eq3A_48 = arith.cmpi eq, %arg0, %eq3A_47 : i32
      %convert_element_type3A = arith.extui %eq3A_48 : i1 to i32
      %cond3A = arith.constant 0 : i32
      %cond3A_49 = arith.cmpi ne, %convert_element_type3A, %cond3A : i32
      scf.if %cond3A_49 {
        "tpu.region"() ({
          %run_scoped3A = tpu.sem_alloc : memref<!tpu.dma_semaphore, #tpu.memory_space<semaphore_mem>>
          %dma_start3A = arith.constant 0 : i32
          %dma_start3A_56 = tpu.memref_slice %arg5[%add3A_46, %dma_start3A] : memref<10240x128xf32, #tpu.memory_space<hbm>> -> memref<128x128xf32, #tpu.memory_space<hbm>>
          %dma_start3A_57 = arith.constant 0 : i32
          %dma_start3A_58 = tpu.memref_slice %arg11[%add3A_46, %dma_start3A_57] : memref<10240x128xf32, #tpu.memory_space<vmem_shared>> -> memref<128x128xf32, #tpu.memory_space<vmem_shared>>
          tpu.enqueue_dma source(%dma_start3A_58 : memref<128x128xf32, #tpu.memory_space<vmem_shared>>) target(%dma_start3A_56 : memref<128x128xf32, #tpu.memory_space<hbm>>) target_semaphore(%run_scoped3A : memref<!tpu.dma_semaphore, #tpu.memory_space<semaphore_mem>>)
          %dma_wait3A = arith.constant 0 : i32
          %dma_wait3A_59 = tpu.memref_slice %arg5[%add3A_46, %dma_wait3A] : memref<10240x128xf32, #tpu.memory_space<hbm>> -> memref<128x128xf32, #tpu.memory_space<hbm>>
          %dma_wait3A_60 = arith.constant 0 : i32
          %dma_wait3A_61 = tpu.memref_slice %arg11[%add3A_46, %dma_wait3A_60] : memref<10240x128xf32, #tpu.memory_space<vmem_shared>> -> memref<128x128xf32, #tpu.memory_space<vmem_shared>>
          tpu.wait_dma2 semaphore(%run_scoped3A : memref<!tpu.dma_semaphore, #tpu.memory_space<semaphore_mem>>) src(%dma_wait3A_61 : memref<128x128xf32, #tpu.memory_space<vmem_shared>>) dst(%dma_wait3A_59 : memref<128x128xf32, #tpu.memory_space<hbm>>)
          tpu.yield
        }) : () -> ()
      } else {
      }
      %eq3A_50 = arith.constant 1 : i32
      %eq3A_51 = arith.cmpi eq, %arg0, %eq3A_50 : i32
      %convert_element_type3A_52 = arith.extui %eq3A_51 : i1 to i32
      %cond3A_53 = arith.constant 0 : i32
      %cond3A_54 = arith.cmpi ne, %convert_element_type3A_52, %cond3A_53 : i32
      scf.if %cond3A_54 {
        "tpu.region"() ({
          %run_scoped3A = tpu.sem_alloc : memref<!tpu.dma_semaphore, #tpu.memory_space<semaphore_mem>>
          %dma_start3A = arith.constant 0 : i32
          %dma_start3A_56 = tpu.memref_slice %arg6[%add3A_46, %dma_start3A] : memref<10240x128xf32, #tpu.memory_space<hbm>> -> memref<128x128xf32, #tpu.memory_space<hbm>>
          %dma_start3A_57 = arith.constant 0 : i32
          %dma_start3A_58 = tpu.memref_slice %arg11[%add3A_46, %dma_start3A_57] : memref<10240x128xf32, #tpu.memory_space<vmem_shared>> -> memref<128x128xf32, #tpu.memory_space<vmem_shared>>
          tpu.enqueue_dma source(%dma_start3A_58 : memref<128x128xf32, #tpu.memory_space<vmem_shared>>) target(%dma_start3A_56 : memref<128x128xf32, #tpu.memory_space<hbm>>) target_semaphore(%run_scoped3A : memref<!tpu.dma_semaphore, #tpu.memory_space<semaphore_mem>>)
          %dma_wait3A = arith.constant 0 : i32
          %dma_wait3A_59 = tpu.memref_slice %arg6[%add3A_46, %dma_wait3A] : memref<10240x128xf32, #tpu.memory_space<hbm>> -> memref<128x128xf32, #tpu.memory_space<hbm>>
          %dma_wait3A_60 = arith.constant 0 : i32
          %dma_wait3A_61 = tpu.memref_slice %arg11[%add3A_46, %dma_wait3A_60] : memref<10240x128xf32, #tpu.memory_space<vmem_shared>> -> memref<128x128xf32, #tpu.memory_space<vmem_shared>>
          tpu.wait_dma2 semaphore(%run_scoped3A : memref<!tpu.dma_semaphore, #tpu.memory_space<semaphore_mem>>) src(%dma_wait3A_61 : memref<128x128xf32, #tpu.memory_space<vmem_shared>>) dst(%dma_wait3A_59 : memref<128x128xf32, #tpu.memory_space<hbm>>)
          tpu.yield
        }) : () -> ()
      } else {
      }
      %scan3A_55 = arith.constant 0 : i32
      scf.yield %scan3A_55 : i32
    }
    %scan3A_39 = arith.constant 5 : i32
    return
  }
}

#map = affine_map<(d0, d1) -> (0, 0)>
module attributes {stable_mosaic.version = 14 : i64} {
  func.func @_prop_body(%arg0: i32, %arg1: i32, %arg2: memref<10000x128xf32, #tpu.memory_space<hbm>>, %arg3: memref<2560x128xi32, #tpu.memory_space<hbm>>, %arg4: memref<2560x128xi32, #tpu.memory_space<hbm>>, %arg5: memref<10240x128xf32, #tpu.memory_space<hbm>>, %arg6: memref<10240x128xf32, #tpu.memory_space<hbm>>, %arg7: memref<48x128xi32, #tpu.memory_space<vmem>>, %arg8: memref<48x128xi32, #tpu.memory_space<vmem>>, %arg9: memref<128x128xf32, #tpu.memory_space<vmem>>, %arg10: memref<128x128xf32, #tpu.memory_space<vmem>>, %arg11: memref<10240x128xf32, #tpu.memory_space<vmem_shared>>, %arg12: memref<!tpu.dma_semaphore, #tpu.memory_space<semaphore_mem>>, %arg13: memref<!tpu.dma_semaphore, #tpu.memory_space<semaphore_mem>>, %arg14: memref<!tpu.dma_semaphore, #tpu.memory_space<semaphore_mem>>, %arg15: memref<!tpu.dma_semaphore, #tpu.memory_space<semaphore_mem>>) attributes {dimension_semantics = [#tpu.dimension_semantics<core_parallel>, #tpu.dimension_semantics<subcore_parallel>], iteration_bounds = array<i64: 2, 16>, scalar_prefetch = 0 : i64, scratch_operands = 9 : i64, tpu.core_type = #tpu.core_type<sc_vector_subcore>, window_params = [{transform_indices = #map}, {transform_indices = #map}, {transform_indices = #map}, {transform_indices = #map}, {transform_indices = #map}]} {
    %mul3A = arith.constant 16 : i32
    %mul3A_0 = arith.muli %arg0, %mul3A : i32
    %add3A = arith.addi %mul3A_0, %arg1 : i32
    %scan3A = arith.constant 0 : i32
    %scan3A_1 = arith.constant 0 : i32
    %scan3A_2 = arith.constant 1024 : i32
    %scan3A_3 = arith.addi %scan3A_1, %scan3A_2 : i32
    %scan3A_4 = arith.constant 1 : i32
    %scan3A_5 = scf.for %scan3A_40 = %scan3A_1 to %scan3A_3 step %scan3A_4 iter_args(%scan3A_41 = %scan3A) -> (i32)  : i32 {
      %jit3A_42 = arith.constant 8 : i32
      %div3A = arith.divsi %scan3A_40, %jit3A_42 : i32
      %sign3A = arith.constant 0 : i32
      %sign3A_43 = arith.cmpi sgt, %scan3A_40, %sign3A : i32
      %sign3A_44 = arith.extui %sign3A_43 : i1 to i32
      %sign3A_45 = arith.constant 0 : i32
      %sign3A_46 = arith.cmpi slt, %scan3A_40, %sign3A_45 : i32
      %sign3A_47 = arith.extui %sign3A_46 : i1 to i32
      %sign3A_48 = arith.subi %sign3A_44, %sign3A_47 : i32
      %sign3A_49 = arith.constant 0 : i32
      %sign3A_50 = arith.cmpi sgt, %jit3A_42, %sign3A_49 : i32
      %sign3A_51 = arith.extui %sign3A_50 : i1 to i32
      %sign3A_52 = arith.constant 0 : i32
      %sign3A_53 = arith.cmpi slt, %jit3A_42, %sign3A_52 : i32
      %sign3A_54 = arith.extui %sign3A_53 : i1 to i32
      %sign3A_55 = arith.subi %sign3A_51, %sign3A_54 : i32
      %ne3A = arith.cmpi ne, %sign3A_48, %sign3A_55 : i32
      %rem3A = arith.remsi %scan3A_40, %jit3A_42 : i32
      %ne3A_56 = arith.constant 0 : i32
      %ne3A_57 = arith.cmpi ne, %rem3A, %ne3A_56 : i32
      %and3A = arith.andi %ne3A, %ne3A_57 : i1
      %sub3A = arith.constant 1 : i32
      %sub3A_58 = arith.subi %div3A, %sub3A : i32
      %select_n3A_59 = arith.select %and3A, %sub3A_58, %div3A : i32
      %jit3A_60 = arith.constant 8 : i32
      %eq3A_61 = arith.constant 0 : i32
      %eq3A_62 = arith.cmpi eq, %jit3A_60, %eq3A_61 : i32
      %jit3A_63 = arith.constant 1 : i32
      %select_n3A_64 = arith.select %eq3A_62, %jit3A_63, %jit3A_60 : i32
      %rem3A_65 = arith.remsi %scan3A_40, %select_n3A_64 : i32
      %ne3A_66 = arith.constant 0 : i32
      %ne3A_67 = arith.cmpi ne, %rem3A_65, %ne3A_66 : i32
      %lt3A = arith.constant 0 : i32
      %lt3A_68 = arith.cmpi slt, %rem3A_65, %lt3A : i32
      %lt3A_69 = arith.constant 0 : i32
      %lt3A_70 = arith.cmpi slt, %select_n3A_64, %lt3A_69 : i32
      %ne3A_71 = arith.xori %lt3A_68, %lt3A_70 : i1
      %and3A_72 = arith.andi %ne3A_71, %ne3A_67 : i1
      %add3A_73 = arith.addi %rem3A_65, %select_n3A_64 : i32
      %select_n3A_74 = arith.select %and3A_72, %add3A_73, %rem3A_65 : i32
      %broadcast_in_dim3A = arith.constant 0.000000e+00 : f32
      %broadcast_in_dim3A_75 = vector.broadcast %broadcast_in_dim3A : f32 to vector<16xf32>
      %mul3A_76 = arith.constant 16 : i32
      %mul3A_77 = arith.muli %select_n3A_74, %mul3A_76 : i32
      %swap3A = arith.index_cast %select_n3A_59 : i32 to index
      %swap3A_78 = arith.index_cast %mul3A_77 : i32 to index
      %swap3A_79 = tpu.vector_load %arg9[%swap3A, %swap3A_78] {strides = array<i32>} : memref<128x128xf32, #tpu.memory_space<vmem>>, vector<1x16xf32>,
      %swap3A_80 = vector.shape_cast %swap3A_79 : vector<1x16xf32> to vector<16xf32>
      %swap3A_81 = vector.shape_cast %broadcast_in_dim3A_75 : vector<16xf32> to vector<1x16xf32>
      tpu.vector_store %arg9[%swap3A, %swap3A_78], %swap3A_81 {strides = array<i32>} : memref<128x128xf32, #tpu.memory_space<vmem>>, vector<1x16xf32>,
      %scan3A_82 = arith.constant 0 : i32
      scf.yield %scan3A_82 : i32
    }
    %scan3A_6 = arith.constant 1024 : i32
    %scan3A_7 = arith.constant 0 : i32
    %scan3A_8 = arith.constant 0 : i32
    %scan3A_9 = arith.constant 5 : i32
    %scan3A_10 = arith.addi %scan3A_8, %scan3A_9 : i32
    %scan3A_11 = arith.constant 1 : i32
    %scan3A_12 = scf.for %scan3A_40 = %scan3A_8 to %scan3A_10 step %scan3A_11 iter_args(%scan3A_41 = %scan3A_7) -> (i32)  : i32 {
      %mul3A_42 = arith.constant 640 : i32
      %mul3A_43 = arith.muli %arg1, %mul3A_42 : i32
      %mul3A_44 = arith.constant 128 : i32
      %mul3A_45 = arith.muli %scan3A_40, %mul3A_44 : i32
      %add3A_46 = arith.addi %mul3A_43, %mul3A_45 : i32
      "tpu.region"() ({
        %run_scoped3A = tpu.sem_alloc : memref<!tpu.dma_semaphore, #tpu.memory_space<semaphore_mem>>
        %dma_start3A = arith.constant 0 : i32
        %dma_start3A_48 = tpu.memref_slice %arg11[%add3A_46, %dma_start3A] : memref<10240x128xf32, #tpu.memory_space<vmem_shared>> -> memref<128x128xf32, #tpu.memory_space<vmem_shared>>
        %dma_start3A_49 = arith.constant 0 : i32
        %dma_start3A_50 = tpu.memref_slice %arg11[%add3A_46, %dma_start3A_49] : memref<10240x128xf32, #tpu.memory_space<vmem_shared>> -> memref<128x128xf32, #tpu.memory_space<vmem_shared>>
        tpu.enqueue_dma source(%arg9 : memref<128x128xf32, #tpu.memory_space<vmem>>) target(%dma_start3A_50 : memref<128x128xf32, #tpu.memory_space<vmem_shared>>) target_semaphore(%run_scoped3A : memref<!tpu.dma_semaphore, #tpu.memory_space<semaphore_mem>>)
        %dma_wait3A = arith.constant 0 : i32
        %dma_wait3A_51 = tpu.memref_slice %arg11[%add3A_46, %dma_wait3A] : memref<10240x128xf32, #tpu.memory_space<vmem_shared>> -> memref<128x128xf32, #tpu.memory_space<vmem_shared>>
        %dma_wait3A_52 = arith.constant 0 : i32
        %dma_wait3A_53 = tpu.memref_slice %arg11[%add3A_46, %dma_wait3A_52] : memref<10240x128xf32, #tpu.memory_space<vmem_shared>> -> memref<128x128xf32, #tpu.memory_space<vmem_shared>>
        tpu.wait_dma2 semaphore(%run_scoped3A : memref<!tpu.dma_semaphore, #tpu.memory_space<semaphore_mem>>) src(%arg9 : memref<128x128xf32, #tpu.memory_space<vmem>>) dst(%dma_wait3A_53 : memref<128x128xf32, #tpu.memory_space<vmem_shared>>)
        tpu.yield
      }) : () -> ()
      %scan3A_47 = arith.constant 0 : i32
      scf.yield %scan3A_47 : i32
    }
    %scan3A_13 = arith.constant 5 : i32
    %barrier3A = arith.constant 0 : index
    tpu.barrier barrier_id(%barrier3A)
    %eq3A = arith.constant 0 : i32
    %eq3A_14 = arith.cmpi eq, %arg0, %eq3A : i32
    %mul3A_15 = arith.constant 96 : i32
    %mul3A_16 = arith.muli %arg1, %mul3A_15 : i32
    %mul3A_17 = arith.constant 64 : i32
    %mul3A_18 = arith.muli %arg1, %mul3A_17 : i32
    %add3A_19 = arith.constant 1536 : i32
    %add3A_20 = arith.addi %add3A_19, %mul3A_18 : i32
    %select_n3A = arith.select %eq3A_14, %mul3A_16, %add3A_20 : i32
    %eq3A_21 = arith.constant 0 : i32
    %eq3A_22 = arith.cmpi eq, %arg0, %eq3A_21 : i32
    %jit3A = arith.constant 48 : i32
    %jit3A_23 = arith.constant 32 : i32
    %select_n3A_24 = arith.select %eq3A_22, %jit3A, %jit3A_23 : i32
    %scan3A_25 = arith.constant 0 : i32
    %scan3A_26 = arith.constant 0 : i32
    %scan3A_27 = arith.constant 2 : i32
    %scan3A_28 = arith.addi %scan3A_26, %scan3A_27 : i32
    %scan3A_29 = arith.constant 1 : i32
    %scan3A_30 = scf.for %scan3A_40 = %scan3A_26 to %scan3A_28 step %scan3A_29 iter_args(%scan3A_41 = %scan3A_25) -> (i32)  : i32 {
      %mul3A_42 = arith.muli %scan3A_40, %select_n3A_24 : i32
      %add3A_43 = arith.addi %select_n3A, %mul3A_42 : i32
      "tpu.region"() ({
        %run_scoped3A = tpu.sem_alloc : memref<!tpu.dma_semaphore, #tpu.memory_space<semaphore_mem>>
        %dma_start3A_100 = arith.constant 0 : i32
        %dma_start3A_101 = tpu.memref_slice %arg3[%add3A_43, %dma_start3A_100] : memref<2560x128xi32, #tpu.memory_space<hbm>> -> memref<48x128xi32, #tpu.memory_space<hbm>>
        %dma_start3A_102 = arith.constant 0 : i32
        %dma_start3A_103 = tpu.memref_slice %arg3[%add3A_43, %dma_start3A_102] : memref<2560x128xi32, #tpu.memory_space<hbm>> -> memref<48x128xi32, #tpu.memory_space<hbm>>
        tpu.enqueue_dma source(%dma_start3A_103 : memref<48x128xi32, #tpu.memory_space<hbm>>) target(%arg7 : memref<48x128xi32, #tpu.memory_space<vmem>>) target_semaphore(%run_scoped3A : memref<!tpu.dma_semaphore, #tpu.memory_space<semaphore_mem>>)
        %dma_wait3A_104 = arith.constant 0 : i32
        %dma_wait3A_105 = tpu.memref_slice %arg3[%add3A_43, %dma_wait3A_104] : memref<2560x128xi32, #tpu.memory_space<hbm>> -> memref<48x128xi32, #tpu.memory_space<hbm>>
        %dma_wait3A_106 = arith.constant 0 : i32
        %dma_wait3A_107 = tpu.memref_slice %arg3[%add3A_43, %dma_wait3A_106] : memref<2560x128xi32, #tpu.memory_space<hbm>> -> memref<48x128xi32, #tpu.memory_space<hbm>>
        tpu.wait_dma2 semaphore(%run_scoped3A : memref<!tpu.dma_semaphore, #tpu.memory_space<semaphore_mem>>) src(%dma_wait3A_107 : memref<48x128xi32, #tpu.memory_space<hbm>>) dst(%arg7 : memref<48x128xi32, #tpu.memory_space<vmem>>)
        tpu.yield
      }) : () -> ()
      "tpu.region"() ({
        %run_scoped3A = tpu.sem_alloc : memref<!tpu.dma_semaphore, #tpu.memory_space<semaphore_mem>>
        %dma_start3A_100 = arith.constant 0 : i32
        %dma_start3A_101 = tpu.memref_slice %arg4[%add3A_43, %dma_start3A_100] : memref<2560x128xi32, #tpu.memory_space<hbm>> -> memref<48x128xi32, #tpu.memory_space<hbm>>
        %dma_start3A_102 = arith.constant 0 : i32
        %dma_start3A_103 = tpu.memref_slice %arg4[%add3A_43, %dma_start3A_102] : memref<2560x128xi32, #tpu.memory_space<hbm>> -> memref<48x128xi32, #tpu.memory_space<hbm>>
        tpu.enqueue_dma source(%dma_start3A_103 : memref<48x128xi32, #tpu.memory_space<hbm>>) target(%arg8 : memref<48x128xi32, #tpu.memory_space<vmem>>) target_semaphore(%run_scoped3A : memref<!tpu.dma_semaphore, #tpu.memory_space<semaphore_mem>>)
        %dma_wait3A_104 = arith.constant 0 : i32
        %dma_wait3A_105 = tpu.memref_slice %arg4[%add3A_43, %dma_wait3A_104] : memref<2560x128xi32, #tpu.memory_space<hbm>> -> memref<48x128xi32, #tpu.memory_space<hbm>>
        %dma_wait3A_106 = arith.constant 0 : i32
        %dma_wait3A_107 = tpu.memref_slice %arg4[%add3A_43, %dma_wait3A_106] : memref<2560x128xi32, #tpu.memory_space<hbm>> -> memref<48x128xi32, #tpu.memory_space<hbm>>
        tpu.wait_dma2 semaphore(%run_scoped3A : memref<!tpu.dma_semaphore, #tpu.memory_space<semaphore_mem>>) src(%dma_wait3A_107 : memref<48x128xi32, #tpu.memory_space<hbm>>) dst(%arg8 : memref<48x128xi32, #tpu.memory_space<vmem>>)
        tpu.yield
      }) : () -> ()
      %dma_start3A = arith.constant 0 : i32
      %dma_start3A_44 = arith.constant 0 : i32
      %dma_start3A_45 = tpu.memref_slice %arg7[%dma_start3A, %dma_start3A_44] : memref<48x128xi32, #tpu.memory_space<vmem>> -> memref<1x128xi32, #tpu.memory_space<vmem>>
      %dma_start3A_46 = tpu.memref_squeeze %dma_start3A_45 : memref<1x128xi32, #tpu.memory_space<vmem>> -> memref<128xi32, #tpu.memory_space<vmem>>
      %dma_start3A_47 = arith.constant 0 : i32
      %dma_start3A_48 = arith.constant 0 : i32
      %dma_start3A_49 = tpu.memref_slice %arg2[%dma_start3A_47, %dma_start3A_48] : memref<10000x128xf32, #tpu.memory_space<hbm>> -> memref<10000x128xf32, #tpu.memory_space<hbm>>
      tpu.enqueue_indirect_dma source(%dma_start3A_49 : memref<10000x128xf32, #tpu.memory_space<hbm>>) target(%arg9 : memref<128x128xf32, #tpu.memory_space<vmem>>) offsets(%dma_start3A_46 : memref<128xi32, #tpu.memory_space<vmem>>) semaphore(%arg12 : memref<!tpu.dma_semaphore, #tpu.memory_space<semaphore_mem>>)
      %dma_start3A_50 = arith.constant 1 : i32
      %dma_start3A_51 = arith.constant 0 : i32
      %dma_start3A_52 = tpu.memref_slice %arg7[%dma_start3A_50, %dma_start3A_51] : memref<48x128xi32, #tpu.memory_space<vmem>> -> memref<1x128xi32, #tpu.memory_space<vmem>>
      %dma_start3A_53 = tpu.memref_squeeze %dma_start3A_52 : memref<1x128xi32, #tpu.memory_space<vmem>> -> memref<128xi32, #tpu.memory_space<vmem>>
      %dma_start3A_54 = arith.constant 0 : i32
      %dma_start3A_55 = arith.constant 0 : i32
      %dma_start3A_56 = tpu.memref_slice %arg2[%dma_start3A_54, %dma_start3A_55] : memref<10000x128xf32, #tpu.memory_space<hbm>> -> memref<10000x128xf32, #tpu.memory_space<hbm>>
      tpu.enqueue_indirect_dma source(%dma_start3A_56 : memref<10000x128xf32, #tpu.memory_space<hbm>>) target(%arg10 : memref<128x128xf32, #tpu.memory_space<vmem>>) offsets(%dma_start3A_53 : memref<128xi32, #tpu.memory_space<vmem>>) semaphore(%arg13 : memref<!tpu.dma_semaphore, #tpu.memory_space<semaphore_mem>>)
      %jit3A_57 = arith.constant 2 : i32
      %div3A = arith.divsi %select_n3A_24, %jit3A_57 : i32
      %sign3A = arith.constant 0 : i32
      %sign3A_58 = arith.cmpi sgt, %select_n3A_24, %sign3A : i32
      %sign3A_59 = arith.extui %sign3A_58 : i1 to i32
      %sign3A_60 = arith.constant 0 : i32
      %sign3A_61 = arith.cmpi slt, %select_n3A_24, %sign3A_60 : i32
      %sign3A_62 = arith.extui %sign3A_61 : i1 to i32
      %sign3A_63 = arith.subi %sign3A_59, %sign3A_62 : i32
      %sign3A_64 = arith.constant 0 : i32
      %sign3A_65 = arith.cmpi sgt, %jit3A_57, %sign3A_64 : i32
      %sign3A_66 = arith.extui %sign3A_65 : i1 to i32
      %sign3A_67 = arith.constant 0 : i32
      %sign3A_68 = arith.cmpi slt, %jit3A_57, %sign3A_67 : i32
      %sign3A_69 = arith.extui %sign3A_68 : i1 to i32
      %sign3A_70 = arith.subi %sign3A_66, %sign3A_69 : i32
      %ne3A = arith.cmpi ne, %sign3A_63, %sign3A_70 : i32
      %rem3A = arith.remsi %select_n3A_24, %jit3A_57 : i32
      %ne3A_71 = arith.constant 0 : i32
      %ne3A_72 = arith.cmpi ne, %rem3A, %ne3A_71 : i32
      %and3A = arith.andi %ne3A, %ne3A_72 : i1
      %sub3A = arith.constant 1 : i32
      %sub3A_73 = arith.subi %div3A, %sub3A : i32
      %select_n3A_74 = arith.select %and3A, %sub3A_73, %div3A : i32
      %while3A = arith.constant 0 : i32
      %while3A_75 = arith.constant 0 : i32
      %while3A_76 = arith.subi %select_n3A_74, %while3A : i32
      %while3A_77 = arith.addi %while3A, %while3A_76 : i32
      %while3A_78 = arith.constant 1 : i32
      %while3A_79 = arith.divsi %while3A_76, %while3A_78 : i32
      %while3A_80 = arith.muli %while3A_79, %while3A_78 : i32
      %while3A_81 = arith.addi %while3A, %while3A_80 : i32
      %while3A_82 = arith.constant 1 : i32
      %while3A_83 = scf.for %while3A_100 = %while3A to %while3A_81 step %while3A_82 iter_args(%while3A_101 = %while3A_75) -> (i32)  : i32 {
        %mul3A_102 = arith.constant 2 : i32
        %mul3A_103 = arith.muli %while3A_100, %mul3A_102 : i32
        %add3A_104 = arith.constant 0 : i32
        %add3A_105 = arith.addi %mul3A_103, %add3A_104 : i32
        %dma_wait3A_106 = arith.constant 0 : i32
        %dma_wait3A_107 = tpu.memref_slice %arg7[%add3A_105, %dma_wait3A_106] : memref<48x128xi32, #tpu.memory_space<vmem>> -> memref<1x128xi32, #tpu.memory_space<vmem>>
        %dma_wait3A_108 = tpu.memref_squeeze %dma_wait3A_107 : memref<1x128xi32, #tpu.memory_space<vmem>> -> memref<128xi32, #tpu.memory_space<vmem>>
        %dma_wait3A_109 = arith.constant 0 : i32
        %dma_wait3A_110 = arith.constant 0 : i32
        %dma_wait3A_111 = tpu.memref_slice %arg2[%dma_wait3A_109, %dma_wait3A_110] : memref<10000x128xf32, #tpu.memory_space<hbm>> -> memref<10000x128xf32, #tpu.memory_space<hbm>>
        tpu.wait_indirect_dma semaphore(%arg12 : memref<!tpu.dma_semaphore, #tpu.memory_space<semaphore_mem>>) src(%dma_wait3A_111 : memref<10000x128xf32, #tpu.memory_space<hbm>>) dst(%arg9 : memref<128x128xf32, #tpu.memory_space<vmem>>)
        %dma_start3A_112 = arith.constant 0 : i32
        %dma_start3A_113 = tpu.memref_slice %arg8[%add3A_105, %dma_start3A_112] : memref<48x128xi32, #tpu.memory_space<vmem>> -> memref<1x128xi32, #tpu.memory_space<vmem>>
        %dma_start3A_114 = tpu.memref_squeeze %dma_start3A_113 : memref<1x128xi32, #tpu.memory_space<vmem>> -> memref<128xi32, #tpu.memory_space<vmem>>
        %dma_start3A_115 = arith.constant 0 : i32
        %dma_start3A_116 = arith.constant 0 : i32
        %dma_start3A_117 = tpu.memref_slice %arg11[%dma_start3A_115, %dma_start3A_116] : memref<10240x128xf32, #tpu.memory_space<vmem_shared>> -> memref<10240x128xf32, #tpu.memory_space<vmem_shared>>
        tpu.enqueue_indirect_dma source(%arg9 : memref<128x128xf32, #tpu.memory_space<vmem>>) target(%dma_start3A_117 : memref<10240x128xf32, #tpu.memory_space<vmem_shared>>) offsets(%dma_start3A_114 : memref<128xi32, #tpu.memory_space<vmem>>) semaphore(%arg14 : memref<!tpu.dma_semaphore, #tpu.memory_space<semaphore_mem>>) {add = true}
        %add3A_118 = arith.constant 2 : i32
        %add3A_119 = arith.addi %add3A_105, %add3A_118 : i32
        %lt3A = arith.cmpi slt, %add3A_119, %select_n3A_24 : i32
        %convert_element_type3A = arith.extui %lt3A : i1 to i32
        %cond3A = arith.constant 0 : i32
        %cond3A_120 = arith.cmpi ne, %convert_element_type3A, %cond3A : i32
        scf.if %cond3A_120 {
          %dma_wait3A_144 = arith.constant 0 : i32
          %dma_wait3A_145 = tpu.memref_slice %arg8[%add3A_105, %dma_wait3A_144] : memref<48x128xi32, #tpu.memory_space<vmem>> -> memref<1x128xi32, #tpu.memory_space<vmem>>
          %dma_wait3A_146 = tpu.memref_squeeze %dma_wait3A_145 : memref<1x128xi32, #tpu.memory_space<vmem>> -> memref<128xi32, #tpu.memory_space<vmem>>
          %dma_wait3A_147 = arith.constant 0 : i32
          %dma_wait3A_148 = arith.constant 0 : i32
          %dma_wait3A_149 = tpu.memref_slice %arg11[%dma_wait3A_147, %dma_wait3A_148] : memref<10240x128xf32, #tpu.memory_space<vmem_shared>> -> memref<10240x128xf32, #tpu.memory_space<vmem_shared>>
          tpu.wait_indirect_dma semaphore(%arg14 : memref<!tpu.dma_semaphore, #tpu.memory_space<semaphore_mem>>) src(%arg9 : memref<128x128xf32, #tpu.memory_space<vmem>>) dst(%dma_wait3A_149 : memref<10240x128xf32, #tpu.memory_space<vmem_shared>>)
          %dma_start3A_150 = arith.constant 0 : i32
          %dma_start3A_151 = tpu.memref_slice %arg7[%add3A_119, %dma_start3A_150] : memref<48x128xi32, #tpu.memory_space<vmem>> -> memref<1x128xi32, #tpu.memory_space<vmem>>
          %dma_start3A_152 = tpu.memref_squeeze %dma_start3A_151 : memref<1x128xi32, #tpu.memory_space<vmem>> -> memref<128xi32, #tpu.memory_space<vmem>>
          %dma_start3A_153 = arith.constant 0 : i32
          %dma_start3A_154 = arith.constant 0 : i32
          %dma_start3A_155 = tpu.memref_slice %arg2[%dma_start3A_153, %dma_start3A_154] : memref<10000x128xf32, #tpu.memory_space<hbm>> -> memref<10000x128xf32, #tpu.memory_space<hbm>>
          tpu.enqueue_indirect_dma source(%dma_start3A_155 : memref<10000x128xf32, #tpu.memory_space<hbm>>) target(%arg9 : memref<128x128xf32, #tpu.memory_space<vmem>>) offsets(%dma_start3A_152 : memref<128xi32, #tpu.memory_space<vmem>>) semaphore(%arg12 : memref<!tpu.dma_semaphore, #tpu.memory_space<semaphore_mem>>)
        } else {
        }
        %mul3A_121 = arith.constant 2 : i32
        %mul3A_122 = arith.muli %while3A_100, %mul3A_121 : i32
        %add3A_123 = arith.constant 1 : i32
        %add3A_124 = arith.addi %mul3A_122, %add3A_123 : i32
        %dma_wait3A_125 = arith.constant 0 : i32
        %dma_wait3A_126 = tpu.memref_slice %arg7[%add3A_124, %dma_wait3A_125] : memref<48x128xi32, #tpu.memory_space<vmem>> -> memref<1x128xi32, #tpu.memory_space<vmem>>
        %dma_wait3A_127 = tpu.memref_squeeze %dma_wait3A_126 : memref<1x128xi32, #tpu.memory_space<vmem>> -> memref<128xi32, #tpu.memory_space<vmem>>
        %dma_wait3A_128 = arith.constant 0 : i32
        %dma_wait3A_129 = arith.constant 0 : i32
        %dma_wait3A_130 = tpu.memref_slice %arg2[%dma_wait3A_128, %dma_wait3A_129] : memref<10000x128xf32, #tpu.memory_space<hbm>> -> memref<10000x128xf32, #tpu.memory_space<hbm>>
        tpu.wait_indirect_dma semaphore(%arg13 : memref<!tpu.dma_semaphore, #tpu.memory_space<semaphore_mem>>) src(%dma_wait3A_130 : memref<10000x128xf32, #tpu.memory_space<hbm>>) dst(%arg10 : memref<128x128xf32, #tpu.memory_space<vmem>>)
        %dma_start3A_131 = arith.constant 0 : i32
        %dma_start3A_132 = tpu.memref_slice %arg8[%add3A_124, %dma_start3A_131] : memref<48x128xi32, #tpu.memory_space<vmem>> -> memref<1x128xi32, #tpu.memory_space<vmem>>
        %dma_start3A_133 = tpu.memref_squeeze %dma_start3A_132 : memref<1x128xi32, #tpu.memory_space<vmem>> -> memref<128xi32, #tpu.memory_space<vmem>>
        %dma_start3A_134 = arith.constant 0 : i32
        %dma_start3A_135 = arith.constant 0 : i32
        %dma_start3A_136 = tpu.memref_slice %arg11[%dma_start3A_134, %dma_start3A_135] : memref<10240x128xf32, #tpu.memory_space<vmem_shared>> -> memref<10240x128xf32, #tpu.memory_space<vmem_shared>>
        tpu.enqueue_indirect_dma source(%arg10 : memref<128x128xf32, #tpu.memory_space<vmem>>) target(%dma_start3A_136 : memref<10240x128xf32, #tpu.memory_space<vmem_shared>>) offsets(%dma_start3A_133 : memref<128xi32, #tpu.memory_space<vmem>>) semaphore(%arg15 : memref<!tpu.dma_semaphore, #tpu.memory_space<semaphore_mem>>) {add = true}
        %add3A_137 = arith.constant 2 : i32
        %add3A_138 = arith.addi %add3A_124, %add3A_137 : i32
        %lt3A_139 = arith.cmpi slt, %add3A_138, %select_n3A_24 : i32
        %convert_element_type3A_140 = arith.extui %lt3A_139 : i1 to i32
        %cond3A_141 = arith.constant 0 : i32
        %cond3A_142 = arith.cmpi ne, %convert_element_type3A_140, %cond3A_141 : i32
        scf.if %cond3A_142 {
          %dma_wait3A_144 = arith.constant 0 : i32
          %dma_wait3A_145 = tpu.memref_slice %arg8[%add3A_124, %dma_wait3A_144] : memref<48x128xi32, #tpu.memory_space<vmem>> -> memref<1x128xi32, #tpu.memory_space<vmem>>
          %dma_wait3A_146 = tpu.memref_squeeze %dma_wait3A_145 : memref<1x128xi32, #tpu.memory_space<vmem>> -> memref<128xi32, #tpu.memory_space<vmem>>
          %dma_wait3A_147 = arith.constant 0 : i32
          %dma_wait3A_148 = arith.constant 0 : i32
          %dma_wait3A_149 = tpu.memref_slice %arg11[%dma_wait3A_147, %dma_wait3A_148] : memref<10240x128xf32, #tpu.memory_space<vmem_shared>> -> memref<10240x128xf32, #tpu.memory_space<vmem_shared>>
          tpu.wait_indirect_dma semaphore(%arg15 : memref<!tpu.dma_semaphore, #tpu.memory_space<semaphore_mem>>) src(%arg10 : memref<128x128xf32, #tpu.memory_space<vmem>>) dst(%dma_wait3A_149 : memref<10240x128xf32, #tpu.memory_space<vmem_shared>>)
          %dma_start3A_150 = arith.constant 0 : i32
          %dma_start3A_151 = tpu.memref_slice %arg7[%add3A_138, %dma_start3A_150] : memref<48x128xi32, #tpu.memory_space<vmem>> -> memref<1x128xi32, #tpu.memory_space<vmem>>
          %dma_start3A_152 = tpu.memref_squeeze %dma_start3A_151 : memref<1x128xi32, #tpu.memory_space<vmem>> -> memref<128xi32, #tpu.memory_space<vmem>>
          %dma_start3A_153 = arith.constant 0 : i32
          %dma_start3A_154 = arith.constant 0 : i32
          %dma_start3A_155 = tpu.memref_slice %arg2[%dma_start3A_153, %dma_start3A_154] : memref<10000x128xf32, #tpu.memory_space<hbm>> -> memref<10000x128xf32, #tpu.memory_space<hbm>>
          tpu.enqueue_indirect_dma source(%dma_start3A_155 : memref<10000x128xf32, #tpu.memory_space<hbm>>) target(%arg10 : memref<128x128xf32, #tpu.memory_space<vmem>>) offsets(%dma_start3A_152 : memref<128xi32, #tpu.memory_space<vmem>>) semaphore(%arg13 : memref<!tpu.dma_semaphore, #tpu.memory_space<semaphore_mem>>)
        } else {
        }
        %while3A_143 = arith.constant 0 : i32
        scf.yield %while3A_143 : i32
      }
      %while3A_84 = arith.constant 1 : i32
      %while3A_85 = scf.for %while3A_100 = %while3A_81 to %while3A_77 step %while3A_84 iter_args(%while3A_101 = %while3A_83) -> (i32)  : i32 {
        %mul3A_102 = arith.constant 2 : i32
        %mul3A_103 = arith.muli %while3A_100, %mul3A_102 : i32
        %add3A_104 = arith.constant 0 : i32
        %add3A_105 = arith.addi %mul3A_103, %add3A_104 : i32
        %dma_wait3A_106 = arith.constant 0 : i32
        %dma_wait3A_107 = tpu.memref_slice %arg7[%add3A_105, %dma_wait3A_106] : memref<48x128xi32, #tpu.memory_space<vmem>> -> memref<1x128xi32, #tpu.memory_space<vmem>>
        %dma_wait3A_108 = tpu.memref_squeeze %dma_wait3A_107 : memref<1x128xi32, #tpu.memory_space<vmem>> -> memref<128xi32, #tpu.memory_space<vmem>>
        %dma_wait3A_109 = arith.constant 0 : i32
        %dma_wait3A_110 = arith.constant 0 : i32
        %dma_wait3A_111 = tpu.memref_slice %arg2[%dma_wait3A_109, %dma_wait3A_110] : memref<10000x128xf32, #tpu.memory_space<hbm>> -> memref<10000x128xf32, #tpu.memory_space<hbm>>
        tpu.wait_indirect_dma semaphore(%arg12 : memref<!tpu.dma_semaphore, #tpu.memory_space<semaphore_mem>>) src(%dma_wait3A_111 : memref<10000x128xf32, #tpu.memory_space<hbm>>) dst(%arg9 : memref<128x128xf32, #tpu.memory_space<vmem>>)
        %dma_start3A_112 = arith.constant 0 : i32
        %dma_start3A_113 = tpu.memref_slice %arg8[%add3A_105, %dma_start3A_112] : memref<48x128xi32, #tpu.memory_space<vmem>> -> memref<1x128xi32, #tpu.memory_space<vmem>>
        %dma_start3A_114 = tpu.memref_squeeze %dma_start3A_113 : memref<1x128xi32, #tpu.memory_space<vmem>> -> memref<128xi32, #tpu.memory_space<vmem>>
        %dma_start3A_115 = arith.constant 0 : i32
        %dma_start3A_116 = arith.constant 0 : i32
        %dma_start3A_117 = tpu.memref_slice %arg11[%dma_start3A_115, %dma_start3A_116] : memref<10240x128xf32, #tpu.memory_space<vmem_shared>> -> memref<10240x128xf32, #tpu.memory_space<vmem_shared>>
        tpu.enqueue_indirect_dma source(%arg9 : memref<128x128xf32, #tpu.memory_space<vmem>>) target(%dma_start3A_117 : memref<10240x128xf32, #tpu.memory_space<vmem_shared>>) offsets(%dma_start3A_114 : memref<128xi32, #tpu.memory_space<vmem>>) semaphore(%arg14 : memref<!tpu.dma_semaphore, #tpu.memory_space<semaphore_mem>>) {add = true}
        %add3A_118 = arith.constant 2 : i32
        %add3A_119 = arith.addi %add3A_105, %add3A_118 : i32
        %lt3A = arith.cmpi slt, %add3A_119, %select_n3A_24 : i32
        %convert_element_type3A = arith.extui %lt3A : i1 to i32
        %cond3A = arith.constant 0 : i32
        %cond3A_120 = arith.cmpi ne, %convert_element_type3A, %cond3A : i32
        scf.if %cond3A_120 {
          %dma_wait3A_144 = arith.constant 0 : i32
          %dma_wait3A_145 = tpu.memref_slice %arg8[%add3A_105, %dma_wait3A_144] : memref<48x128xi32, #tpu.memory_space<vmem>> -> memref<1x128xi32, #tpu.memory_space<vmem>>
          %dma_wait3A_146 = tpu.memref_squeeze %dma_wait3A_145 : memref<1x128xi32, #tpu.memory_space<vmem>> -> memref<128xi32, #tpu.memory_space<vmem>>
          %dma_wait3A_147 = arith.constant 0 : i32
          %dma_wait3A_148 = arith.constant 0 : i32
          %dma_wait3A_149 = tpu.memref_slice %arg11[%dma_wait3A_147, %dma_wait3A_148] : memref<10240x128xf32, #tpu.memory_space<vmem_shared>> -> memref<10240x128xf32, #tpu.memory_space<vmem_shared>>
          tpu.wait_indirect_dma semaphore(%arg14 : memref<!tpu.dma_semaphore, #tpu.memory_space<semaphore_mem>>) src(%arg9 : memref<128x128xf32, #tpu.memory_space<vmem>>) dst(%dma_wait3A_149 : memref<10240x128xf32, #tpu.memory_space<vmem_shared>>)
          %dma_start3A_150 = arith.constant 0 : i32
          %dma_start3A_151 = tpu.memref_slice %arg7[%add3A_119, %dma_start3A_150] : memref<48x128xi32, #tpu.memory_space<vmem>> -> memref<1x128xi32, #tpu.memory_space<vmem>>
          %dma_start3A_152 = tpu.memref_squeeze %dma_start3A_151 : memref<1x128xi32, #tpu.memory_space<vmem>> -> memref<128xi32, #tpu.memory_space<vmem>>
          %dma_start3A_153 = arith.constant 0 : i32
          %dma_start3A_154 = arith.constant 0 : i32
          %dma_start3A_155 = tpu.memref_slice %arg2[%dma_start3A_153, %dma_start3A_154] : memref<10000x128xf32, #tpu.memory_space<hbm>> -> memref<10000x128xf32, #tpu.memory_space<hbm>>
          tpu.enqueue_indirect_dma source(%dma_start3A_155 : memref<10000x128xf32, #tpu.memory_space<hbm>>) target(%arg9 : memref<128x128xf32, #tpu.memory_space<vmem>>) offsets(%dma_start3A_152 : memref<128xi32, #tpu.memory_space<vmem>>) semaphore(%arg12 : memref<!tpu.dma_semaphore, #tpu.memory_space<semaphore_mem>>)
        } else {
        }
        %mul3A_121 = arith.constant 2 : i32
        %mul3A_122 = arith.muli %while3A_100, %mul3A_121 : i32
        %add3A_123 = arith.constant 1 : i32
        %add3A_124 = arith.addi %mul3A_122, %add3A_123 : i32
        %dma_wait3A_125 = arith.constant 0 : i32
        %dma_wait3A_126 = tpu.memref_slice %arg7[%add3A_124, %dma_wait3A_125] : memref<48x128xi32, #tpu.memory_space<vmem>> -> memref<1x128xi32, #tpu.memory_space<vmem>>
        %dma_wait3A_127 = tpu.memref_squeeze %dma_wait3A_126 : memref<1x128xi32, #tpu.memory_space<vmem>> -> memref<128xi32, #tpu.memory_space<vmem>>
        %dma_wait3A_128 = arith.constant 0 : i32
        %dma_wait3A_129 = arith.constant 0 : i32
        %dma_wait3A_130 = tpu.memref_slice %arg2[%dma_wait3A_128, %dma_wait3A_129] : memref<10000x128xf32, #tpu.memory_space<hbm>> -> memref<10000x128xf32, #tpu.memory_space<hbm>>
        tpu.wait_indirect_dma semaphore(%arg13 : memref<!tpu.dma_semaphore, #tpu.memory_space<semaphore_mem>>) src(%dma_wait3A_130 : memref<10000x128xf32, #tpu.memory_space<hbm>>) dst(%arg10 : memref<128x128xf32, #tpu.memory_space<vmem>>)
        %dma_start3A_131 = arith.constant 0 : i32
        %dma_start3A_132 = tpu.memref_slice %arg8[%add3A_124, %dma_start3A_131] : memref<48x128xi32, #tpu.memory_space<vmem>> -> memref<1x128xi32, #tpu.memory_space<vmem>>
        %dma_start3A_133 = tpu.memref_squeeze %dma_start3A_132 : memref<1x128xi32, #tpu.memory_space<vmem>> -> memref<128xi32, #tpu.memory_space<vmem>>
        %dma_start3A_134 = arith.constant 0 : i32
        %dma_start3A_135 = arith.constant 0 : i32
        %dma_start3A_136 = tpu.memref_slice %arg11[%dma_start3A_134, %dma_start3A_135] : memref<10240x128xf32, #tpu.memory_space<vmem_shared>> -> memref<10240x128xf32, #tpu.memory_space<vmem_shared>>
        tpu.enqueue_indirect_dma source(%arg10 : memref<128x128xf32, #tpu.memory_space<vmem>>) target(%dma_start3A_136 : memref<10240x128xf32, #tpu.memory_space<vmem_shared>>) offsets(%dma_start3A_133 : memref<128xi32, #tpu.memory_space<vmem>>) semaphore(%arg15 : memref<!tpu.dma_semaphore, #tpu.memory_space<semaphore_mem>>) {add = true}
        %add3A_137 = arith.constant 2 : i32
        %add3A_138 = arith.addi %add3A_124, %add3A_137 : i32
        %lt3A_139 = arith.cmpi slt, %add3A_138, %select_n3A_24 : i32
        %convert_element_type3A_140 = arith.extui %lt3A_139 : i1 to i32
        %cond3A_141 = arith.constant 0 : i32
        %cond3A_142 = arith.cmpi ne, %convert_element_type3A_140, %cond3A_141 : i32
        scf.if %cond3A_142 {
          %dma_wait3A_144 = arith.constant 0 : i32
          %dma_wait3A_145 = tpu.memref_slice %arg8[%add3A_124, %dma_wait3A_144] : memref<48x128xi32, #tpu.memory_space<vmem>> -> memref<1x128xi32, #tpu.memory_space<vmem>>
          %dma_wait3A_146 = tpu.memref_squeeze %dma_wait3A_145 : memref<1x128xi32, #tpu.memory_space<vmem>> -> memref<128xi32, #tpu.memory_space<vmem>>
          %dma_wait3A_147 = arith.constant 0 : i32
          %dma_wait3A_148 = arith.constant 0 : i32
          %dma_wait3A_149 = tpu.memref_slice %arg11[%dma_wait3A_147, %dma_wait3A_148] : memref<10240x128xf32, #tpu.memory_space<vmem_shared>> -> memref<10240x128xf32, #tpu.memory_space<vmem_shared>>
          tpu.wait_indirect_dma semaphore(%arg15 : memref<!tpu.dma_semaphore, #tpu.memory_space<semaphore_mem>>) src(%arg10 : memref<128x128xf32, #tpu.memory_space<vmem>>) dst(%dma_wait3A_149 : memref<10240x128xf32, #tpu.memory_space<vmem_shared>>)
          %dma_start3A_150 = arith.constant 0 : i32
          %dma_start3A_151 = tpu.memref_slice %arg7[%add3A_138, %dma_start3A_150] : memref<48x128xi32, #tpu.memory_space<vmem>> -> memref<1x128xi32, #tpu.memory_space<vmem>>
          %dma_start3A_152 = tpu.memref_squeeze %dma_start3A_151 : memref<1x128xi32, #tpu.memory_space<vmem>> -> memref<128xi32, #tpu.memory_space<vmem>>
          %dma_start3A_153 = arith.constant 0 : i32
          %dma_start3A_154 = arith.constant 0 : i32
          %dma_start3A_155 = tpu.memref_slice %arg2[%dma_start3A_153, %dma_start3A_154] : memref<10000x128xf32, #tpu.memory_space<hbm>> -> memref<10000x128xf32, #tpu.memory_space<hbm>>
          tpu.enqueue_indirect_dma source(%dma_start3A_155 : memref<10000x128xf32, #tpu.memory_space<hbm>>) target(%arg10 : memref<128x128xf32, #tpu.memory_space<vmem>>) offsets(%dma_start3A_152 : memref<128xi32, #tpu.memory_space<vmem>>) semaphore(%arg13 : memref<!tpu.dma_semaphore, #tpu.memory_space<semaphore_mem>>)
        } else {
        }
        %while3A_143 = arith.constant 0 : i32
        scf.yield %while3A_143 : i32
      }
      %dma_wait3A = arith.constant 0 : i32
      %dma_wait3A_86 = arith.constant 0 : i32
      %dma_wait3A_87 = tpu.memref_slice %arg8[%dma_wait3A, %dma_wait3A_86] : memref<48x128xi32, #tpu.memory_space<vmem>> -> memref<1x128xi32, #tpu.memory_space<vmem>>
      %dma_wait3A_88 = tpu.memref_squeeze %dma_wait3A_87 : memref<1x128xi32, #tpu.memory_space<vmem>> -> memref<128xi32, #tpu.memory_space<vmem>>
      %dma_wait3A_89 = arith.constant 0 : i32
      %dma_wait3A_90 = arith.constant 0 : i32
      %dma_wait3A_91 = tpu.memref_slice %arg11[%dma_wait3A_89, %dma_wait3A_90] : memref<10240x128xf32, #tpu.memory_space<vmem_shared>> -> memref<10240x128xf32, #tpu.memory_space<vmem_shared>>
      tpu.wait_indirect_dma semaphore(%arg14 : memref<!tpu.dma_semaphore, #tpu.memory_space<semaphore_mem>>) src(%arg9 : memref<128x128xf32, #tpu.memory_space<vmem>>) dst(%dma_wait3A_91 : memref<10240x128xf32, #tpu.memory_space<vmem_shared>>)
      %dma_wait3A_92 = arith.constant 0 : i32
      %dma_wait3A_93 = arith.constant 0 : i32
      %dma_wait3A_94 = tpu.memref_slice %arg8[%dma_wait3A_92, %dma_wait3A_93] : memref<48x128xi32, #tpu.memory_space<vmem>> -> memref<1x128xi32, #tpu.memory_space<vmem>>
      %dma_wait3A_95 = tpu.memref_squeeze %dma_wait3A_94 : memref<1x128xi32, #tpu.memory_space<vmem>> -> memref<128xi32, #tpu.memory_space<vmem>>
      %dma_wait3A_96 = arith.constant 0 : i32
      %dma_wait3A_97 = arith.constant 0 : i32
      %dma_wait3A_98 = tpu.memref_slice %arg11[%dma_wait3A_96, %dma_wait3A_97] : memref<10240x128xf32, #tpu.memory_space<vmem_shared>> -> memref<10240x128xf32, #tpu.memory_space<vmem_shared>>
      tpu.wait_indirect_dma semaphore(%arg15 : memref<!tpu.dma_semaphore, #tpu.memory_space<semaphore_mem>>) src(%arg10 : memref<128x128xf32, #tpu.memory_space<vmem>>) dst(%dma_wait3A_98 : memref<10240x128xf32, #tpu.memory_space<vmem_shared>>)
      %scan3A_99 = arith.constant 0 : i32
      scf.yield %scan3A_99 : i32
    }
    %scan3A_31 = arith.constant 2 : i32
    %barrier3A_32 = arith.constant 0 : index
    tpu.barrier barrier_id(%barrier3A_32)
    %scan3A_33 = arith.constant 0 : i32
    %scan3A_34 = arith.constant 0 : i32
    %scan3A_35 = arith.constant 5 : i32
    %scan3A_36 = arith.addi %scan3A_34, %scan3A_35 : i32
    %scan3A_37 = arith.constant 1 : i32
    %scan3A_38 = scf.for %scan3A_40 = %scan3A_34 to %scan3A_36 step %scan3A_37 iter_args(%scan3A_41 = %scan3A_33) -> (i32)  : i32 {
      %mul3A_42 = arith.constant 640 : i32
      %mul3A_43 = arith.muli %arg1, %mul3A_42 : i32
      %mul3A_44 = arith.constant 128 : i32
      %mul3A_45 = arith.muli %scan3A_40, %mul3A_44 : i32
      %add3A_46 = arith.addi %mul3A_43, %mul3A_45 : i32
      %eq3A_47 = arith.constant 0 : i32
      %eq3A_48 = arith.cmpi eq, %arg0, %eq3A_47 : i32
      %convert_element_type3A = arith.extui %eq3A_48 : i1 to i32
      %cond3A = arith.constant 0 : i32
      %cond3A_49 = arith.cmpi ne, %convert_element_type3A, %cond3A : i32
      scf.if %cond3A_49 {
        "tpu.region"() ({
          %run_scoped3A = tpu.sem_alloc : memref<!tpu.dma_semaphore, #tpu.memory_space<semaphore_mem>>
          %dma_start3A = arith.constant 0 : i32
          %dma_start3A_56 = tpu.memref_slice %arg5[%add3A_46, %dma_start3A] : memref<10240x128xf32, #tpu.memory_space<hbm>> -> memref<128x128xf32, #tpu.memory_space<hbm>>
          %dma_start3A_57 = arith.constant 0 : i32
          %dma_start3A_58 = tpu.memref_slice %arg11[%add3A_46, %dma_start3A_57] : memref<10240x128xf32, #tpu.memory_space<vmem_shared>> -> memref<128x128xf32, #tpu.memory_space<vmem_shared>>
          tpu.enqueue_dma source(%dma_start3A_58 : memref<128x128xf32, #tpu.memory_space<vmem_shared>>) target(%dma_start3A_56 : memref<128x128xf32, #tpu.memory_space<hbm>>) target_semaphore(%run_scoped3A : memref<!tpu.dma_semaphore, #tpu.memory_space<semaphore_mem>>)
          %dma_wait3A = arith.constant 0 : i32
          %dma_wait3A_59 = tpu.memref_slice %arg5[%add3A_46, %dma_wait3A] : memref<10240x128xf32, #tpu.memory_space<hbm>> -> memref<128x128xf32, #tpu.memory_space<hbm>>
          %dma_wait3A_60 = arith.constant 0 : i32
          %dma_wait3A_61 = tpu.memref_slice %arg11[%add3A_46, %dma_wait3A_60] : memref<10240x128xf32, #tpu.memory_space<vmem_shared>> -> memref<128x128xf32, #tpu.memory_space<vmem_shared>>
          tpu.wait_dma2 semaphore(%run_scoped3A : memref<!tpu.dma_semaphore, #tpu.memory_space<semaphore_mem>>) src(%dma_wait3A_61 : memref<128x128xf32, #tpu.memory_space<vmem_shared>>) dst(%dma_wait3A_59 : memref<128x128xf32, #tpu.memory_space<hbm>>)
          tpu.yield
        }) : () -> ()
      } else {
      }
      %eq3A_50 = arith.constant 1 : i32
      %eq3A_51 = arith.cmpi eq, %arg0, %eq3A_50 : i32
      %convert_element_type3A_52 = arith.extui %eq3A_51 : i1 to i32
      %cond3A_53 = arith.constant 0 : i32
      %cond3A_54 = arith.cmpi ne, %convert_element_type3A_52, %cond3A_53 : i32
      scf.if %cond3A_54 {
        "tpu.region"() ({
          %run_scoped3A = tpu.sem_alloc : memref<!tpu.dma_semaphore, #tpu.memory_space<semaphore_mem>>
          %dma_start3A = arith.constant 0 : i32
          %dma_start3A_56 = tpu.memref_slice %arg6[%add3A_46, %dma_start3A] : memref<10240x128xf32, #tpu.memory_space<hbm>> -> memref<128x128xf32, #tpu.memory_space<hbm>>
          %dma_start3A_57 = arith.constant 0 : i32
          %dma_start3A_58 = tpu.memref_slice %arg11[%add3A_46, %dma_start3A_57] : memref<10240x128xf32, #tpu.memory_space<vmem_shared>> -> memref<128x128xf32, #tpu.memory_space<vmem_shared>>
          tpu.enqueue_dma source(%dma_start3A_58 : memref<128x128xf32, #tpu.memory_space<vmem_shared>>) target(%dma_start3A_56 : memref<128x128xf32, #tpu.memory_space<hbm>>) target_semaphore(%run_scoped3A : memref<!tpu.dma_semaphore, #tpu.memory_space<semaphore_mem>>)
          %dma_wait3A = arith.constant 0 : i32
          %dma_wait3A_59 = tpu.memref_slice %arg6[%add3A_46, %dma_wait3A] : memref<10240x128xf32, #tpu.memory_space<hbm>> -> memref<128x128xf32, #tpu.memory_space<hbm>>
          %dma_wait3A_60 = arith.constant 0 : i32
          %dma_wait3A_61 = tpu.memref_slice %arg11[%add3A_46, %dma_wait3A_60] : memref<10240x128xf32, #tpu.memory_space<vmem_shared>> -> memref<128x128xf32, #tpu.memory_space<vmem_shared>>
          tpu.wait_dma2 semaphore(%run_scoped3A : memref<!tpu.dma_semaphore, #tpu.memory_space<semaphore_mem>>) src(%dma_wait3A_61 : memref<128x128xf32, #tpu.memory_space<vmem_shared>>) dst(%dma_wait3A_59 : memref<128x128xf32, #tpu.memory_space<hbm>>)
          tpu.yield
        }) : () -> ()
      } else {
      }
      %scan3A_55 = arith.constant 0 : i32
      scf.yield %scan3A_55 : i32
    }
    %scan3A_39 = arith.constant 5 : i32
    return
  }
}

module attributes {stable_mosaic.version = 14 : i64} {
  func.func @_norm_body(%arg0: i32, %arg1: memref<128x128xf32, #tpu.memory_space<vmem>>, %arg2: memref<128x128xf32, #tpu.memory_space<vmem>>, %arg3: memref<128x1xf32, #tpu.memory_space<vmem>>) attributes {dimension_semantics = [#tpu.dimension_semantics<arbitrary>], iteration_bounds = array<i64: 80>, scalar_prefetch = 0 : i64, scratch_operands = 0 : i64, tpu.core_type = #tpu.core_type<tc>, window_params = [{transform_indices = @transform_0, window_bounds = array<i64: 128, 128>}, {transform_indices = @transform_1, window_bounds = array<i64: 128, 128>}, {transform_indices = @transform_2, window_bounds = array<i64: 128, 1>}]} {
    %get3A = arith.constant 0 : index
    %get3A_0 = arith.constant 0 : index
    %get3A_1 = vector.load %arg1[%get3A, %get3A_0] : memref<128x128xf32, #tpu.memory_space<vmem>>, vector<128x128xf32>
    %get3A_2 = arith.constant 0 : index
    %get3A_3 = arith.constant 0 : index
    %get3A_4 = vector.load %arg2[%get3A_2, %get3A_3] : memref<128x128xf32, #tpu.memory_space<vmem>>, vector<128x128xf32>
    %add3A = arith.addf %get3A_1, %get3A_4 : vector<128x128xf32>
    %reduce_sum3A = arith.constant dense<0.000000e+00> : vector<128xf32>
    %reduce_sum3A_5 = vector.multi_reduction <add>, %add3A, %reduce_sum3A [1] : vector<128x128xf32> to vector<128xf32>
    %broadcast_in_dim3A = vector.shape_cast %reduce_sum3A_5 : vector<128xf32> to vector<128x1xf32>
    %mul3A = arith.constant 7.812500e-03 : f32
    %mul3A_6 = vector.broadcast %mul3A : f32 to vector<128x1xf32>
    %mul3A_7 = arith.mulf %broadcast_in_dim3A, %mul3A_6 : vector<128x1xf32>
    %gt3A = arith.constant 0.000000e+00 : f32
    %gt3A_8 = vector.broadcast %gt3A : f32 to vector<128x1xf32>
    %gt3A_9 = arith.cmpf ogt, %mul3A_7, %gt3A_8 : vector<128x1xf32>
    %max3A = arith.constant 1.000000e+00 : f32
    %max3A_10 = vector.broadcast %max3A : f32 to vector<128x1xf32>
    %max3A_11 = arith.maximumf %mul3A_7, %max3A_10 : vector<128x1xf32>
    %rsqrt3A = math.rsqrt %max3A_11 : vector<128x1xf32>
    %jit3A = arith.constant 0.000000e+00 : f32
    %broadcast_in_dim3A_12 = vector.broadcast %jit3A : f32 to vector<128x1xf32>
    %select_n3A = arith.select %gt3A_9, %rsqrt3A, %broadcast_in_dim3A_12 : vector<128x1xi1>, vector<128x1xf32>
    %swap3A = arith.constant 0 : index
    %swap3A_13 = arith.constant 0 : index
    %swap3A_14 = vector.load %arg3[%swap3A, %swap3A_13] : memref<128x1xf32, #tpu.memory_space<vmem>>, vector<128x1xf32>
    tpu.vector_store %arg3[%swap3A, %swap3A_13], %select_n3A {strides = array<i32>} : memref<128x1xf32, #tpu.memory_space<vmem>>, vector<128x1xf32>,
    return
  }
  func.func @transform_0(%arg0: i32) -> (i32, i32) {
    %c0_i32 = arith.constant 0 : i32
    %c0_i32_0 = arith.constant 0 : i32
    return %arg0, %c0_i32 : i32, i32
  }
  func.func @transform_1(%arg0: i32) -> (i32, i32) {
    %c0_i32 = arith.constant 0 : i32
    %c0_i32_0 = arith.constant 0 : i32
    return %arg0, %c0_i32 : i32, i32
  }
  func.func @transform_2(%arg0: i32) -> (i32, i32) {
    %c0_i32 = arith.constant 0 : i32
    %c0_i32_0 = arith.constant 0 : i32
    return %arg0, %c0_i32 : i32, i32
  }
}

module attributes {stable_mosaic.version = 14 : i64} {
  func.func @_mm_scale_body(%arg0: i32, %arg1: memref<128x128xf32, #tpu.memory_space<vmem>>, %arg2: memref<128x128xf32, #tpu.memory_space<vmem>>, %arg3: memref<128x1xf32, #tpu.memory_space<vmem>>, %arg4: memref<128x128xf32, #tpu.memory_space<vmem>>) attributes {dimension_semantics = [#tpu.dimension_semantics<arbitrary>], iteration_bounds = array<i64: 79>, scalar_prefetch = 0 : i64, scratch_operands = 0 : i64, tpu.core_type = #tpu.core_type<tc>, window_params = [{transform_indices = @transform_0, window_bounds = array<i64: 128, 128>}, {pipeline_mode = #tpu.pipeline_mode<synchronous>, transform_indices = @transform_1, window_bounds = array<i64: 128, 128>}, {transform_indices = @transform_2, window_bounds = array<i64: 128, 1>}, {transform_indices = @transform_3, window_bounds = array<i64: 128, 128>}]} {
    %get3A = arith.constant 0 : index
    %get3A_0 = arith.constant 0 : index
    %get3A_1 = vector.load %arg1[%get3A, %get3A_0] : memref<128x128xf32, #tpu.memory_space<vmem>>, vector<128x128xf32>
    %get3A_2 = arith.constant 0 : index
    %get3A_3 = arith.constant 0 : index
    %get3A_4 = vector.load %arg2[%get3A_2, %get3A_3] : memref<128x128xf32, #tpu.memory_space<vmem>>, vector<128x128xf32>
    %dot_general3A = arith.constant dense<0.000000e+00> : vector<128x128xf32>
    %dot_general3A_5 = tpu.matmul %get3A_1, %get3A_4, %dot_general3A {dimension_numbers = #tpu.dot_dimension_numbers<[1], [0], [0], [1], [0, 0, 1, 1], [], []>, transpose_lhs_hint = false} : vector<128x128xf32>, vector<128x128xf32>, vector<128x128xf32> -> vector<128x128xf32>
    %get3A_6 = arith.constant 0 : index
    %get3A_7 = arith.constant 0 : index
    %get3A_8 = vector.load %arg3[%get3A_6, %get3A_7] : memref<128x1xf32, #tpu.memory_space<vmem>>, vector<128x1xf32>
    %mul3A = vector.broadcast %get3A_8 : vector<128x1xf32> to vector<128x128xf32>
    %mul3A_9 = arith.mulf %dot_general3A_5, %mul3A : vector<128x128xf32>
    %swap3A = arith.constant 0 : index
    %swap3A_10 = arith.constant 0 : index
    %swap3A_11 = vector.load %arg4[%swap3A, %swap3A_10] : memref<128x128xf32, #tpu.memory_space<vmem>>, vector<128x128xf32>
    tpu.vector_store %arg4[%swap3A, %swap3A_10], %mul3A_9 {strides = array<i32>} : memref<128x128xf32, #tpu.memory_space<vmem>>, vector<128x128xf32>,
    return
  }
  func.func @transform_0(%arg0: i32) -> (i32, i32) {
    %c0_i32 = arith.constant 0 : i32
    %c0_i32_0 = arith.constant 0 : i32
    return %arg0, %c0_i32 : i32, i32
  }
  func.func @transform_1(%arg0: i32) -> (i32, i32) {
    %c0_i32 = arith.constant 0 : i32
    %c0_i32_0 = arith.constant 0 : i32
    %c0_i32_1 = arith.constant 0 : i32
    return %c0_i32, %c0_i32_0 : i32, i32
  }
  func.func @transform_2(%arg0: i32) -> (i32, i32) {
    %c0_i32 = arith.constant 0 : i32
    %c0_i32_0 = arith.constant 0 : i32
    return %arg0, %c0_i32 : i32, i32
  }
  func.func @transform_3(%arg0: i32) -> (i32, i32) {
    %c0_i32 = arith.constant 0 : i32
    %c0_i32_0 = arith.constant 0 : i32
    return %arg0, %c0_i32 : i32, i32
  }
}

module attributes {stable_mosaic.version = 14 : i64} {
  func.func @_relu_scale_body(%arg0: i32, %arg1: memref<128x128xf32, #tpu.memory_space<vmem>>, %arg2: memref<128x128xf32, #tpu.memory_space<vmem>>, %arg3: memref<128x1xf32, #tpu.memory_space<vmem>>, %arg4: memref<128xf32, #tpu.memory_space<vmem>>, %arg5: memref<128x128xf32, #tpu.memory_space<vmem>>) attributes {dimension_semantics = [#tpu.dimension_semantics<arbitrary>], iteration_bounds = array<i64: 79>, scalar_prefetch = 0 : i64, scratch_operands = 0 : i64, tpu.core_type = #tpu.core_type<tc>, window_params = [{transform_indices = @transform_0, window_bounds = array<i64: 128, 128>}, {transform_indices = @transform_1, window_bounds = array<i64: 128, 128>}, {transform_indices = @transform_2, window_bounds = array<i64: 128, 1>}, {pipeline_mode = #tpu.pipeline_mode<synchronous>, transform_indices = @transform_3, window_bounds = array<i64: 128>}, {transform_indices = @transform_4, window_bounds = array<i64: 128, 128>}]} {
    %get3A = arith.constant 0 : index
    %get3A_0 = arith.constant 0 : index
    %get3A_1 = vector.load %arg3[%get3A, %get3A_0] : memref<128x1xf32, #tpu.memory_space<vmem>>, vector<128x1xf32>
    %get3A_2 = arith.constant 0 : index
    %get3A_3 = arith.constant 0 : index
    %get3A_4 = vector.load %arg1[%get3A_2, %get3A_3] : memref<128x128xf32, #tpu.memory_space<vmem>>, vector<128x128xf32>
    %get3A_5 = arith.constant 0 : index
    %get3A_6 = arith.constant 0 : index
    %get3A_7 = vector.load %arg2[%get3A_5, %get3A_6] : memref<128x128xf32, #tpu.memory_space<vmem>>, vector<128x128xf32>
    %add3A = arith.addf %get3A_4, %get3A_7 : vector<128x128xf32>
    %mul3A = vector.broadcast %get3A_1 : vector<128x1xf32> to vector<128x128xf32>
    %mul3A_8 = arith.mulf %add3A, %mul3A : vector<128x128xf32>
    %get3A_9 = arith.constant 0 : index
    %get3A_10 = vector.load %arg4[%get3A_9] : memref<128xf32, #tpu.memory_space<vmem>>, vector<128xf32>
    %broadcast_in_dim3A = vector.shape_cast %get3A_10 : vector<128xf32> to vector<1x128xf32>
    %add3A_11 = vector.broadcast %broadcast_in_dim3A : vector<1x128xf32> to vector<128x128xf32>
    %add3A_12 = arith.addf %mul3A_8, %add3A_11 : vector<128x128xf32>
    %max3A = arith.constant 0.000000e+00 : f32
    %max3A_13 = vector.broadcast %max3A : f32 to vector<128x128xf32>
    %max3A_14 = arith.maximumf %add3A_12, %max3A_13 : vector<128x128xf32>
    %mul3A_15 = vector.broadcast %get3A_1 : vector<128x1xf32> to vector<128x128xf32>
    %mul3A_16 = arith.mulf %max3A_14, %mul3A_15 : vector<128x128xf32>
    %swap3A = arith.constant 0 : index
    %swap3A_17 = arith.constant 0 : index
    %swap3A_18 = vector.load %arg5[%swap3A, %swap3A_17] : memref<128x128xf32, #tpu.memory_space<vmem>>, vector<128x128xf32>
    tpu.vector_store %arg5[%swap3A, %swap3A_17], %mul3A_16 {strides = array<i32>} : memref<128x128xf32, #tpu.memory_space<vmem>>, vector<128x128xf32>,
    return
  }
  func.func @transform_0(%arg0: i32) -> (i32, i32) {
    %c0_i32 = arith.constant 0 : i32
    %c0_i32_0 = arith.constant 0 : i32
    return %arg0, %c0_i32 : i32, i32
  }
  func.func @transform_1(%arg0: i32) -> (i32, i32) {
    %c0_i32 = arith.constant 0 : i32
    %c0_i32_0 = arith.constant 0 : i32
    return %arg0, %c0_i32 : i32, i32
  }
  func.func @transform_2(%arg0: i32) -> (i32, i32) {
    %c0_i32 = arith.constant 0 : i32
    %c0_i32_0 = arith.constant 0 : i32
    return %arg0, %c0_i32 : i32, i32
  }
  func.func @transform_3(%arg0: i32) -> i32 {
    %c0_i32 = arith.constant 0 : i32
    %c0_i32_0 = arith.constant 0 : i32
    return %c0_i32 : i32
  }
  func.func @transform_4(%arg0: i32) -> (i32, i32) {
    %c0_i32 = arith.constant 0 : i32
    %c0_i32_0 = arith.constant 0 : i32
    return %arg0, %c0_i32 : i32, i32
  }
}

module attributes {stable_mosaic.version = 14 : i64} {
  func.func @_invdeg_body(%arg0: i32, %arg1: memref<128x128xf32, #tpu.memory_space<vmem>>, %arg2: memref<128x128xf32, #tpu.memory_space<vmem>>, %arg3: memref<128x1xf32, #tpu.memory_space<vmem>>, %arg4: memref<128x128xf32, #tpu.memory_space<vmem>>) attributes {dimension_semantics = [#tpu.dimension_semantics<arbitrary>], iteration_bounds = array<i64: 79>, scalar_prefetch = 0 : i64, scratch_operands = 0 : i64, tpu.core_type = #tpu.core_type<tc>, window_params = [{transform_indices = @transform_0, window_bounds = array<i64: 128, 128>}, {transform_indices = @transform_1, window_bounds = array<i64: 128, 128>}, {transform_indices = @transform_2, window_bounds = array<i64: 128, 1>}, {transform_indices = @transform_3, window_bounds = array<i64: 128, 128>}]} {
    %get3A = arith.constant 0 : index
    %get3A_0 = arith.constant 0 : index
    %get3A_1 = vector.load %arg3[%get3A, %get3A_0] : memref<128x1xf32, #tpu.memory_space<vmem>>, vector<128x1xf32>
    %get3A_2 = arith.constant 0 : index
    %get3A_3 = arith.constant 0 : index
    %get3A_4 = vector.load %arg1[%get3A_2, %get3A_3] : memref<128x128xf32, #tpu.memory_space<vmem>>, vector<128x128xf32>
    %get3A_5 = arith.constant 0 : index
    %get3A_6 = arith.constant 0 : index
    %get3A_7 = vector.load %arg2[%get3A_5, %get3A_6] : memref<128x128xf32, #tpu.memory_space<vmem>>, vector<128x128xf32>
    %add3A = arith.addf %get3A_4, %get3A_7 : vector<128x128xf32>
    %mul3A = arith.mulf %get3A_1, %get3A_1 : vector<128x1xf32>
    %mul3A_8 = vector.broadcast %mul3A : vector<128x1xf32> to vector<128x128xf32>
    %mul3A_9 = arith.mulf %add3A, %mul3A_8 : vector<128x128xf32>
    %swap3A = arith.constant 0 : index
    %swap3A_10 = arith.constant 0 : index
    %swap3A_11 = vector.load %arg4[%swap3A, %swap3A_10] : memref<128x128xf32, #tpu.memory_space<vmem>>, vector<128x128xf32>
    tpu.vector_store %arg4[%swap3A, %swap3A_10], %mul3A_9 {strides = array<i32>} : memref<128x128xf32, #tpu.memory_space<vmem>>, vector<128x128xf32>,
    return
  }
  func.func @transform_0(%arg0: i32) -> (i32, i32) {
    %c0_i32 = arith.constant 0 : i32
    %c0_i32_0 = arith.constant 0 : i32
    return %arg0, %c0_i32 : i32, i32
  }
  func.func @transform_1(%arg0: i32) -> (i32, i32) {
    %c0_i32 = arith.constant 0 : i32
    %c0_i32_0 = arith.constant 0 : i32
    return %arg0, %c0_i32 : i32, i32
  }
  func.func @transform_2(%arg0: i32) -> (i32, i32) {
    %c0_i32 = arith.constant 0 : i32
    %c0_i32_0 = arith.constant 0 : i32
    return %arg0, %c0_i32 : i32, i32
  }
  func.func @transform_3(%arg0: i32) -> (i32, i32) {
    %c0_i32 = arith.constant 0 : i32
    %c0_i32_0 = arith.constant 0 : i32
    return %arg0, %c0_i32 : i32, i32
  }
}

module attributes {stable_mosaic.version = 14 : i64} {
  func.func @_final_body(%arg0: i32, %arg1: memref<128x128xf32, #tpu.memory_space<vmem>>, %arg2: memref<128x128xf32, #tpu.memory_space<vmem>>, %arg3: memref<128x1xf32, #tpu.memory_space<vmem>>, %arg4: memref<128xf32, #tpu.memory_space<vmem>>, %arg5: memref<128x128xf32, #tpu.memory_space<vmem>>) attributes {dimension_semantics = [#tpu.dimension_semantics<arbitrary>], iteration_bounds = array<i64: 79>, scalar_prefetch = 0 : i64, scratch_operands = 0 : i64, tpu.core_type = #tpu.core_type<tc>, window_params = [{transform_indices = @transform_0, window_bounds = array<i64: 128, 128>}, {transform_indices = @transform_1, window_bounds = array<i64: 128, 128>}, {transform_indices = @transform_2, window_bounds = array<i64: 128, 1>}, {pipeline_mode = #tpu.pipeline_mode<synchronous>, transform_indices = @transform_3, window_bounds = array<i64: 128>}, {transform_indices = @transform_4, window_bounds = array<i64: 128, 128>}]} {
    %get3A = arith.constant 0 : index
    %get3A_0 = arith.constant 0 : index
    %get3A_1 = vector.load %arg1[%get3A, %get3A_0] : memref<128x128xf32, #tpu.memory_space<vmem>>, vector<128x128xf32>
    %get3A_2 = arith.constant 0 : index
    %get3A_3 = arith.constant 0 : index
    %get3A_4 = vector.load %arg2[%get3A_2, %get3A_3] : memref<128x128xf32, #tpu.memory_space<vmem>>, vector<128x128xf32>
    %add3A = arith.addf %get3A_1, %get3A_4 : vector<128x128xf32>
    %get3A_5 = arith.constant 0 : index
    %get3A_6 = arith.constant 0 : index
    %get3A_7 = vector.load %arg3[%get3A_5, %get3A_6] : memref<128x1xf32, #tpu.memory_space<vmem>>, vector<128x1xf32>
    %mul3A = vector.broadcast %get3A_7 : vector<128x1xf32> to vector<128x128xf32>
    %mul3A_8 = arith.mulf %add3A, %mul3A : vector<128x128xf32>
    %get3A_9 = arith.constant 0 : index
    %get3A_10 = vector.load %arg4[%get3A_9] : memref<128xf32, #tpu.memory_space<vmem>>, vector<128xf32>
    %broadcast_in_dim3A = vector.shape_cast %get3A_10 : vector<128xf32> to vector<1x128xf32>
    %add3A_11 = vector.broadcast %broadcast_in_dim3A : vector<1x128xf32> to vector<128x128xf32>
    %add3A_12 = arith.addf %mul3A_8, %add3A_11 : vector<128x128xf32>
    %swap3A = arith.constant 0 : index
    %swap3A_13 = arith.constant 0 : index
    %swap3A_14 = vector.load %arg5[%swap3A, %swap3A_13] : memref<128x128xf32, #tpu.memory_space<vmem>>, vector<128x128xf32>
    tpu.vector_store %arg5[%swap3A, %swap3A_13], %add3A_12 {strides = array<i32>} : memref<128x128xf32, #tpu.memory_space<vmem>>, vector<128x128xf32>,
    return
  }
  func.func @transform_0(%arg0: i32) -> (i32, i32) {
    %c0_i32 = arith.constant 0 : i32
    %c0_i32_0 = arith.constant 0 : i32
    return %arg0, %c0_i32 : i32, i32
  }
  func.func @transform_1(%arg0: i32) -> (i32, i32) {
    %c0_i32 = arith.constant 0 : i32
    %c0_i32_0 = arith.constant 0 : i32
    return %arg0, %c0_i32 : i32, i32
  }
  func.func @transform_2(%arg0: i32) -> (i32, i32) {
    %c0_i32 = arith.constant 0 : i32
    %c0_i32_0 = arith.constant 0 : i32
    return %arg0, %c0_i32 : i32, i32
  }
  func.func @transform_3(%arg0: i32) -> i32 {
    %c0_i32 = arith.constant 0 : i32
    %c0_i32_0 = arith.constant 0 : i32
    return %c0_i32 : i32
  }
  func.func @transform_4(%arg0: i32) -> (i32, i32) {
    %c0_i32 = arith.constant 0 : i32
    %c0_i32_0 = arith.constant 0 : i32
    return %arg0, %c0_i32 : i32, i32
  }
}

module attributes {stable_mosaic.version = 14 : i64} {
  func.func @_mid_body(%arg0: i32, %arg1: memref<128x128xf32, #tpu.memory_space<vmem>>, %arg2: memref<128x128xf32, #tpu.memory_space<vmem>>, %arg3: memref<128x1xf32, #tpu.memory_space<vmem>>, %arg4: memref<128x128xf32, #tpu.memory_space<vmem>>, %arg5: memref<128xf32, #tpu.memory_space<vmem>>, %arg6: memref<128x128xf32, #tpu.memory_space<vmem>>, %arg7: memref<128x128xf32, #tpu.memory_space<vmem>>) attributes {dimension_semantics = [#tpu.dimension_semantics<arbitrary>], iteration_bounds = array<i64: 79>, scalar_prefetch = 0 : i64, scratch_operands = 0 : i64, tpu.core_type = #tpu.core_type<tc>, window_params = [{transform_indices = @transform_0, window_bounds = array<i64: 128, 128>}, {transform_indices = @transform_1, window_bounds = array<i64: 128, 128>}, {transform_indices = @transform_2, window_bounds = array<i64: 128, 1>}, {pipeline_mode = #tpu.pipeline_mode<synchronous>, transform_indices = @transform_3, window_bounds = array<i64: 128, 128>}, {pipeline_mode = #tpu.pipeline_mode<synchronous>, transform_indices = @transform_4, window_bounds = array<i64: 128>}, {pipeline_mode = #tpu.pipeline_mode<synchronous>, transform_indices = @transform_5, window_bounds = array<i64: 128, 128>}, {transform_indices = @transform_6, window_bounds = array<i64: 128, 128>}]} {
    %get3A = arith.constant 0 : index
    %get3A_0 = arith.constant 0 : index
    %get3A_1 = vector.load %arg3[%get3A, %get3A_0] : memref<128x1xf32, #tpu.memory_space<vmem>>, vector<128x1xf32>
    %get3A_2 = arith.constant 0 : index
    %get3A_3 = arith.constant 0 : index
    %get3A_4 = vector.load %arg1[%get3A_2, %get3A_3] : memref<128x128xf32, #tpu.memory_space<vmem>>, vector<128x128xf32>
    %get3A_5 = arith.constant 0 : index
    %get3A_6 = arith.constant 0 : index
    %get3A_7 = vector.load %arg2[%get3A_5, %get3A_6] : memref<128x128xf32, #tpu.memory_space<vmem>>, vector<128x128xf32>
    %add3A = arith.addf %get3A_4, %get3A_7 : vector<128x128xf32>
    %mul3A = vector.broadcast %get3A_1 : vector<128x1xf32> to vector<128x128xf32>
    %mul3A_8 = arith.mulf %add3A, %mul3A : vector<128x128xf32>
    %get3A_9 = arith.constant 0 : index
    %get3A_10 = arith.constant 0 : index
    %get3A_11 = vector.load %arg4[%get3A_9, %get3A_10] : memref<128x128xf32, #tpu.memory_space<vmem>>, vector<128x128xf32>
    %dot_general3A = arith.constant dense<0.000000e+00> : vector<128x128xf32>
    %dot_general3A_12 = tpu.matmul %mul3A_8, %get3A_11, %dot_general3A {dimension_numbers = #tpu.dot_dimension_numbers<[1], [0], [0], [1], [0, 0, 1, 1], [], []>, transpose_lhs_hint = false} : vector<128x128xf32>, vector<128x128xf32>, vector<128x128xf32> -> vector<128x128xf32>
    %get3A_13 = arith.constant 0 : index
    %get3A_14 = vector.load %arg5[%get3A_13] : memref<128xf32, #tpu.memory_space<vmem>>, vector<128xf32>
    %broadcast_in_dim3A = vector.shape_cast %get3A_14 : vector<128xf32> to vector<1x128xf32>
    %add3A_15 = vector.broadcast %broadcast_in_dim3A : vector<1x128xf32> to vector<128x128xf32>
    %add3A_16 = arith.addf %dot_general3A_12, %add3A_15 : vector<128x128xf32>
    %max3A = arith.constant 0.000000e+00 : f32
    %max3A_17 = vector.broadcast %max3A : f32 to vector<128x128xf32>
    %max3A_18 = arith.maximumf %add3A_16, %max3A_17 : vector<128x128xf32>
    %get3A_19 = arith.constant 0 : index
    %get3A_20 = arith.constant 0 : index
    %get3A_21 = vector.load %arg6[%get3A_19, %get3A_20] : memref<128x128xf32, #tpu.memory_space<vmem>>, vector<128x128xf32>
    %dot_general3A_22 = arith.constant dense<0.000000e+00> : vector<128x128xf32>
    %dot_general3A_23 = tpu.matmul %max3A_18, %get3A_21, %dot_general3A_22 {dimension_numbers = #tpu.dot_dimension_numbers<[1], [0], [0], [1], [0, 0, 1, 1], [], []>, transpose_lhs_hint = false} : vector<128x128xf32>, vector<128x128xf32>, vector<128x128xf32> -> vector<128x128xf32>
    %mul3A_24 = vector.broadcast %get3A_1 : vector<128x1xf32> to vector<128x128xf32>
    %mul3A_25 = arith.mulf %dot_general3A_23, %mul3A_24 : vector<128x128xf32>
    %swap3A = arith.constant 0 : index
    %swap3A_26 = arith.constant 0 : index
    %swap3A_27 = vector.load %arg7[%swap3A, %swap3A_26] : memref<128x128xf32, #tpu.memory_space<vmem>>, vector<128x128xf32>
    tpu.vector_store %arg7[%swap3A, %swap3A_26], %mul3A_25 {strides = array<i32>} : memref<128x128xf32, #tpu.memory_space<vmem>>, vector<128x128xf32>,
    return
  }
  func.func @transform_0(%arg0: i32) -> (i32, i32) {
    %c0_i32 = arith.constant 0 : i32
    %c0_i32_0 = arith.constant 0 : i32
    return %arg0, %c0_i32 : i32, i32
  }
  func.func @transform_1(%arg0: i32) -> (i32, i32) {
    %c0_i32 = arith.constant 0 : i32
    %c0_i32_0 = arith.constant 0 : i32
    return %arg0, %c0_i32 : i32, i32
  }
  func.func @transform_2(%arg0: i32) -> (i32, i32) {
    %c0_i32 = arith.constant 0 : i32
    %c0_i32_0 = arith.constant 0 : i32
    return %arg0, %c0_i32 : i32, i32
  }
  func.func @transform_3(%arg0: i32) -> (i32, i32) {
    %c0_i32 = arith.constant 0 : i32
    %c0_i32_0 = arith.constant 0 : i32
    %c0_i32_1 = arith.constant 0 : i32
    return %c0_i32, %c0_i32_0 : i32, i32
  }
  func.func @transform_4(%arg0: i32) -> i32 {
    %c0_i32 = arith.constant 0 : i32
    %c0_i32_0 = arith.constant 0 : i32
    return %c0_i32 : i32
  }
  func.func @transform_5(%arg0: i32) -> (i32, i32) {
    %c0_i32 = arith.constant 0 : i32
    %c0_i32_0 = arith.constant 0 : i32
    %c0_i32_1 = arith.constant 0 : i32
    return %c0_i32, %c0_i32_0 : i32, i32
  }
  func.func @transform_6(%arg0: i32) -> (i32, i32) {
    %c0_i32 = arith.constant 0 : i32
    %c0_i32_0 = arith.constant 0 : i32
    return %arg0, %c0_i32 : i32, i32
  }
}

</mosaic_0001>

<sc_bundles>
// kernel: kernel.13.cloned.1.call-start
scs
__scs_entry_jumppad:
0x0: {  	(pc) =	sbr.rel $0x88, $3  }
0x1: {  	(tag) =	ssettag $0x0;
	lr =	simm.s32 $0x1  }
0x2: {  	[smem:$0x3F99] =	sst lr;
	_ =	strace $0xD0000000  }
0x3: {  	_ = 	snop  }
0x4: {  	_ = 	snop  }
0x5: {  	_ = 	snop  }
0x6: {  	_ = 	snop  }
0x7: {  	_ = 	snop  }
__scs_overlays_trampoline_lowered:
0x8: {  	[smem:$0x3FA8] =	sst s0  }
0x9: {  	[smem:$0x3FA9] =	sst s1  }
0xa: {  	[smem:$0x3FAA] =	sst s2  }
0xb: {  	[smem:$0x3FAB] =	sst s3  }
0xc: {  	[smem:$0x3FAC] =	sst s4  }
0xd: {  	[smem:$0x3FAD] =	sst s5  }
0xe: {  	[smem:$0x3FAE] =	sst s6  }
0xf: {  	[smem:$0x3FAF] =	sst s7  }
0x10: {  	[smem:$0x3FB0] =	sst s8  }
0x11: {  	[smem:$0x3FB1] =	sst s9;
	s0 =	simm.s32 @!p0 $0x0  }
0x12: {  	s1 =	sld [smem:$0x3F97];
	s0 =	simm.s32 @p0 $0x1  }
0x13: {  	[smem:$0x3FB2] =	sst s0;
	s0 =	simm.s32 @!p1 $0x0  }
0x14: {  	s2 =	sld [smem:$0x3F96];
	s0 =	simm.s32 @p1 $0x1  }
0x15: {  	[smem:$0x3FB3] =	sst s0;
	s0 =	simm.s32 @!p2 $0x0  }
0x16: {  	s3 =	sld [smem:$0x3FDB];
	s0 =	simm.s32 @p2 $0x1  }
0x17: {  	s4 =	simm.s32 $0x1BF5;
	[smem:$0x3FB5] =	sst s0  }
0x18: {  	s0 =	sld [smem:$0x3F98];
	_ =	swait.ge [sflag:s4], $0x0  }
0x19: {  	s7 =	sld [smem:$0x3F99]  }
0x1a: {  	s8 =	sadd.s32 $0xFFFFE003, lr  }
0x1b: {  	s9 =	sadd.s32 $0xFFFFFEF7, lr;
	s5 =	simm.s32 $0xFFFFFFFF;
	p2 =	slt.u32 s8, $0xFFFFF086  }
0x1c: {  	p1 =	slt.u32 s9, $0xF7A;
	s5 =	simm.s32 @!p2 $0x0  }
0x1d: {  	s5 =	simm.s32 @p1 $0x1;
	p0 =	seq.s32 s7, s2  }
0x1e: {  	s7 =	smul.u32 @!p0 $0xF7A, s2;
	p2 =	seq.s32 @!p0 s5, $0x0  }
0x1f: {  	s9 =	smul.u32 $0xF7A, s1;
	s8 =	simm.s32 @!p0 $0x1BF5;
	p2 =	por !p2, p0  }
0x20: {  	[sflag:s8] =	ssyncset.s32 @!p0 $0xFFFFF086;
	s6 =	sadd.s32 @!p0 s3, s7;
	s7 =	simm.s32 @!p0 $0x108  }
0x21: {  	s3 =	sadd.s32 s3, s9;
	s6 =	sadd.s32 @!p0 $0x88, s6;
	s7 =	simm.s32 @p2 $0x1082  }
0x22: {  	[simem:s7], [sflag:s8] =	dma.local @!p0 [hbm:s6], $0xF7A  }
0x23: {  	s9 =	sor.u32 $0xD0000000, s2;
	s6 =	simm.s32 $0x108;
	_ =	swait.ge @!p0 [sflag:s8], $0x0  }
0x24: {  	s3 =	sadd.s32 $0x88, s3;
	s6 =	simm.s32 @!p1 $0x1082;
	[sflag:s4] =	ssyncset.s32 $0xFFFFF086  }
0x25: {  	[simem:s6], [sflag:s4] =	dma.local [hbm:s3], $0xF7A  }
0x26: {  	[smem:$0x3F99] =	sst s1;
	(tag) =	ssettag s2;
	_ =	strace s9  }
0x27: {  	s1 =	sld [smem:$0x3FA9]  }
0x28: {  	s2 =	sld [smem:$0x3FAA]  }
0x29: {  	s4 =	sld [smem:$0x3FAC]  }
0x2a: {  	p0 =	seq.s32 s5, $0x0;
	s5 =	sld [smem:$0x3FAD]  }
0x2b: {  	s6 =	sld [smem:$0x3FAE]  }
0x2c: {  	s7 =	sld [smem:$0x3FAF]  }
0x2d: {  	s3 =	simm.s32 $0x108;
	s8 =	sld [smem:$0x3FB0]  }
0x2e: {  	s3 =	simm.s32 @!p0 $0x1082;
	s9 =	sld [smem:$0x3FB1]  }
0x2f: {  	lr =	sadd.s32 s0, s3;
	s0 =	sld [smem:$0x3FA8]  }
0x30: {  	s3 =	sld [smem:$0x3FAB]  }
0x31: {  	[smem:$0x3FB4] =	sst s10  }
0x32: {  	s10 =	sld [smem:$0x3FB2];
	_ =	sdelay $0x3  }
0x33: {  	p0 =	seq.s32 s10, $0x1;
	s10 =	sld [smem:$0x3FB4];
	_ =	sdelay $0x3  }
0x34: {  	[smem:$0x3FB4] =	sst s10  }
0x35: {  	s10 =	sld [smem:$0x3FB3];
	_ =	sdelay $0x3  }
0x36: {  	p1 =	seq.s32 s10, $0x1;
	s10 =	sld [smem:$0x3FB4];
	_ =	sdelay $0x3  }
0x37: {  	[smem:$0x3FB4] =	sst s10  }
0x38: {  	s10 =	sld [smem:$0x3FB5]  }
0x39: {  	_ = 	snop;
	(pc) =	sbr.ind lr, $3  }
0x3a: {  	_ = 	snop  }
0x3b: {  	_ = 	snop  }
0x3c: {  	p2 =	seq.s32 s10, $0x1;
	s10 =	sld [smem:$0x3FB4]  }
0x3d: {  	_ =	shalt  }
0x3e: {  	_ =	shalt  }
0x3f: {  	_ =	shalt  }
0x40: {  	_ =	shalt  }
0x41: {  	_ =	shalt  }
0x42: {  	_ =	shalt  }
0x43: {  	_ =	shalt  }
0x44: {  	_ =	shalt  }
0x45: {  	_ =	shalt  }
0x46: {  	_ =	shalt  }
0x47: {  	_ =	shalt  }
0x48: {  	_ =	shalt  }
0x49: {  	_ =	shalt  }
0x4a: {  	_ =	shalt  }
0x4b: {  	_ =	shalt  }
0x4c: {  	_ =	shalt  }
0x4d: {  	_ =	shalt  }
0x4e: {  	_ =	shalt  }
0x4f: {  	_ =	shalt  }
0x50: {  	_ =	shalt  }
0x51: {  	_ =	shalt  }
0x52: {  	_ =	shalt  }
0x53: {  	_ =	shalt  }
0x54: {  	_ =	shalt  }
0x55: {  	_ =	shalt  }
0x56: {  	_ =	shalt  }
0x57: {  	_ =	shalt  }
0x58: {  	_ =	shalt  }
0x59: {  	_ =	shalt  }
0x5a: {  	_ =	shalt  }
0x5b: {  	_ =	shalt  }
0x5c: {  	_ =	shalt  }
0x5d: {  	_ =	shalt  }
0x5e: {  	_ =	shalt  }
0x5f: {  	_ =	shalt  }
0x60: {  	_ =	shalt  }
0x61: {  	_ =	shalt  }
0x62: {  	_ =	shalt  }
0x63: {  	_ =	shalt  }
0x64: {  	_ =	shalt  }
0x65: {  	_ =	shalt  }
0x66: {  	_ =	shalt  }
0x67: {  	_ =	shalt  }
0x68: {  	_ =	shalt  }
0x69: {  	_ =	shalt  }
0x6a: {  	_ =	shalt  }
0x6b: {  	_ =	shalt  }
0x6c: {  	_ =	shalt  }
0x6d: {  	_ =	shalt  }
0x6e: {  	_ =	shalt  }
0x6f: {  	_ =	shalt  }
0x70: {  	_ =	shalt  }
0x71: {  	_ =	shalt  }
0x72: {  	_ =	shalt  }
0x73: {  	_ =	shalt  }
0x74: {  	_ =	shalt  }
0x75: {  	_ =	shalt  }
0x76: {  	_ =	shalt  }
0x77: {  	_ =	shalt  }
0x78: {  	_ =	shalt  }
0x79: {  	_ =	shalt  }
0x7a: {  	_ =	shalt  }
0x7b: {  	_ =	shalt  }
0x7c: {  	_ =	shalt  }
0x7d: {  	_ =	shalt  }
0x7e: {  	_ =	shalt  }
0x7f: {  	_ =	shalt  }
0x80: {  	_ =	shalt  }
0x81: {  	_ =	shalt  }
0x82: {  	_ =	shalt  }
0x83: {  	_ =	shalt  }
0x84: {  	_ =	shalt  }
0x85: {  	_ =	shalt  }
0x86: {  	_ =	shalt  }
0x87: {  	_ =	shalt  }
.Lfunc_end0:
.L_simem_size_0:
called_computation_lowered:
.L_overlay_start_0:
0x88: {  	s2 =	sld [smem:$0x3FD9]  }
0x89: {  	s3 =	sld [smem:$0x3FFE];
	_ =	sdelay $0x1  }
0x8a: {  	s1 =	srdreg.scid  }
0x8b: {  	s0 =	sand.u32 $0x1, s1  }
0x8c: {  	s17 =	sshll.u32 s0, $0xA;
	s2 =	sadd.s32 s3, s2  }
0x8d: {  	s2 =	sadd.s32 s2, s17  }
0x8e: {  	[smem:$0x3FC0] =	sst s2  }
0x8f: {  	_ = 	snop  }
0x90: {  	s2 =	sld [smem:$0x3FD0];
	(tm) =	ssettm $0x1  }
0x91: {  	s18 =	sld [smem:$0x3FFB];
	_ =	sdelay $0x3  }
0x92: {  	_ =	strace s18  }
0x93: {  	s3 =	sld [smem:$0x3FFC];
	_ =	sdelay $0x3  }
0x94: {  	_ =	strace s3  }
0x95: {  	s3 =	sld [smem:$0x3FFD];
	_ =	sdelay $0x3  }
0x96: {  	_ =	strace s3  }
0x97: {  	_ =	strace $0x8FFFFFFF  }
0x98: {  	s19 =	sld [smem:$0x3FDB];
	_ =	sdelay $0x1  }
0x99: {  	s4 =	simm.s32 $_scs_section_size  }
0x9a: {  	s5 =	simm.s32 $_size__tile_overlayer_lowered;
	s6 =	simm.s32 $_tile_overlayer_lowered  }
0x9b: {  	s22 =	simm.s32 $0x1BFF;
	s21 =	sshll.u32 s6, $0x1;
	s3 =	sadd.s32 s4, s19  }
0x9c: {  	s7 =	simm.s32 $0x0;
	s20 =	sshll.u32 s5, $0x1;
	s5 =	sadd.s32 s21, s3  }
0x9d: {  	[timem:s7], [sflag:s22] =	dma.local [hbm:s5], s20  }
0x9e: {  	_ =	swait.ge [sflag:s22], s20  }
0x9f: {  	s4 =	ssub.s32 $0x0, s20;
	[sflag:s22] =	ssyncset.done $0x0  }
0xa0: {  	[sflag:s22] =	ssyncadd.s32 s4;
	_ =	sdelay $0x1  }
0xa1: {  	s23 =	simm.s32 $0x1B8B  }
0xa2: {  	_ =	swait.ge [sflag:s23], $0x1  }
0xa3: {  	[sflag:s23] =	ssyncset.done $0x0  }
0xa4: {  	s25 =	simm.s32 $0x1B8E;
	s24 =	sld [smem:$0x3FFE];
	[sflag:s23] =	ssyncadd.s32 $0xFFFFFFFF  }
0xa5: {  	s26 =	simm.s32 $execute0_lowered;
	[smem:$0x3FD2] =	sst s25  }
0xa6: {  	s5 =	sshll.u32 s26, $0x1;
	_ =	strace $0x80000046;
	[dreg:$0x1] =	wrdreg $0xFFFFFFFF  }
0xa7: {  	s28 =	simm.s32 $_size_execute0_lowered;
	s3 =	sadd.s32 s3, s5;
	[dreg:$0x0] =	wrdreg $0x0  }
0xa8: {  	s5 =	sshll.u32 s28, $0x1;
	[dreg:$0x2] =	wrdreg s3  }
0xa9: {  	[dreg:$0x3] =	wrdreg s5  }
0xaa: {  	[dreg:$0x4] =	wrdreg $0xC0  }
0xab: {  	_ =	task [dreg:s7], $0x5FFFF  }
0xac: {  	[dreg:$0x1] =	wrdreg $0xFFFFFFFF  }
0xad: {  	[dreg:$0x0] =	wrdreg $0x60  }
0xae: {  	[dreg:$0x2] =	wrdreg s2  }
0xaf: {  	[dreg:$0x3] =	wrdreg s24  }
0xb0: {  	[dreg:$0x4] =	wrdreg $0xA8000  }
0xb1: {  	[dreg:$0x5] =	wrdreg $0x9  }
0xb2: {  	_ =	task.clear_ibuf [dreg:s7], $0x6FFFF;
	_ =	strace $0x90000046  }
0xb3: {  	s29 =	simm.s32 $0x9;
	_ =	strace $0x80000048  }
0xb4: {  	_ =	swait.ge [sflag:s29], $0x1  }
0xb5: {  	[sflag:s29] =	ssyncadd.s32 $0xFFFFFFFF  }
0xb6: {  	_ =	strace $0x90000048  }
0xb7: {  	_ =	sfence  }
0xb8: {  	s30 =	sld [smem:$0x0];
	_ =	sdelay $0x2  }
0xb9: {  	s31 =	sshll.u32 s1, $0xD;
	s1 =	sshrl.u32 s1, $0x2  }
0xba: {  	s3 =	sand.u32 $0x4000, s31;
	s1 =	sadd.s32 s1, s30  }
0xbb: {  	s0 =	sor.u32 s3, s0;
	s1 =	sshll.u32 s1, $0x11  }
0xbc: {  	s0 =	sor.u32 s1, s0  }
0xbd: {  	s0 =	sadd.s32 $0x8F2B, s0  }
0xbe: {  	[sflag:s0] =	ssyncadd.remote.s32 $0x1  }
0xbf: {  	_ =	sfence.sel $0xFFFF  }
0xc0: {  	[dreg:$0x0] =	wrdreg $0xFFFFFFFF;
	(pc) =	sbr.abs _section_cstart, $3  }
0xc1: {  	[dreg:$0x1] =	wrdreg $0xFFFFFFFF  }
0xc2: {  	_ =	task.clear_ibuf [dreg:s7], $0x2FFFF;
	_ =	strace $0x9FFFFFFF  }
0xc3: {  	(tm) =	ssettm $0x7FFFFFFF  }
tec
execute0_lowered:
.L_overlay_start_1:
0x0: {  	(tag) =	ssettag $0x1  }
0x1: {  	s0 =	rddreg [dreg:$0x0]  }
0x2: {  	s2 =	rddreg [dreg:$0x1]  }
0x3: {  	s1 =	rddreg [dreg:$0x2];
	s4 =	simm.s32 $0x0;
	s3 =	srdreg.scid  }
0x4: {  	s28 =	simm.s32 $0x3;
	s29 =	simm.s32 $0x80;
	s30 =	simm.s32 $0x2800  }
0x5: {  	s31 =	simm.s32 $0x1;
	s7 =	sand.u32 $0x1, s3;
	s3 =	stileid.u32  }
0x6: {  	[smem:$0x7FF] =	sst s4;
	s4 =	sadd.s32 $0xF200, s2;
	s8 =	smul.u32 $0x50000, s3  }
0x7: {  	_ =	strace $0x80000047;
	s18 =	sshll.u32 s7, $0x4;
	s21 =	smul.u32 $0x280, s3  }
0x8: {  	s6 =	ssub.s32 $0x2, s7;
	s23 =	smul.u32 $0x2800, s3;
	s5 =	sor.u32 s3, s18  }
0x9: {  	p0 =	seq.s32 s7, $0x0;
	s9 =	sshrl.u32 s6, $0x1;
	s10 =	smul.u32 $0x500, s5  }
0xa: {  	s5 =	sadd.s32 $0x37200, s2;
	s19 =	ssub.s32 s6, s9;
	s20 =	sshrl.u32 s8, $0x2  }
0xb: {  	s26 =	sadd.s32 $0x80, s21;
	s17 =	sadd.s32 $0x100, s21;
	s6 =	sadd.s32 s20, s1  }
0xc: {  	s2 =	smax.u32 s19, $0x1;
	s13 =	sadd.s32 s5, s23;
	s14 =	sshll.u32 s26, $0x7  }
0xd: {  	s8 =	sshll.u32 s26, $0x4;
	s16 =	sshll.u32 s17, $0x7;
	s19 =	sadd.s32 $0x180, s21  }
0xe: {  	s24 =	sshll.u32 s17, $0x4;
	s20 =	sadd.s32 $0x200, s21;
	s26 =	simm.s32 $0x6800  }
0xf: {  	s0 =	sadd.s32 s0, s10;
	[dreg:$0x5] =	wrdreg s2;
	s22 =	sadd.s32 $0x4000, s6  }
0x10: {  	s25 =	sadd.s32 $0x8000, s6;
	s11 =	sadd.s32 $0xC000, s6;
	s12 =	sadd.s32 $0x10000, s6  }
0x11: {  	s14 =	sadd.s32 s14, s1;
	s15 =	sadd.s32 s5, s8;
	s16 =	sadd.s32 s16, s1  }
0x12: {  	s18 =	sshll.u32 s19, $0x7;
	s17 =	sadd.s32 s5, s24;
	[dreg:$0x4] =	wrdreg s0  }
0x13: {  	s21 =	sshll.u32 s20, $0x4;
	s24 =	sadd.s32 s4, s24;
	[dreg:$0x6] =	wrdreg s22  }
0x14: {  	s2 =	simm.s32 $0x0;
	[dreg:$0x7] =	wrdreg s25;
	s18 =	sadd.s32 s18, s1  }
0x15: {  	s25 =	sshll.u32 s19, $0x4;
	s22 =	sadd.s32 s4, s23;
	s23 =	sadd.s32 s4, s8  }
0x16: {  	v0 =	vimm.f32 $1.000000000e+00;
	v1 =	vimm.f32 $0.0e+00;
	s0 =	simm.s32 $0x2;
	s19 =	sadd.s32 s5, s25;
	s25 =	sadd.s32 s4, s25  }
.LBB2_1:
0x17: {  	s7 =	simm.s32 $0x40;
	s8 =	simm.s32 $0x0  }
.LBB2_2:
0x18: {  	p1 =	sne.s32 s7, $0xFFC0;
	[tilespmem:s8+$0x2800] =	vst v0;
	s9 =	smov.u32 s7;
	s7 =	sadd.s32 $0x40, s7  }
.Ltmp0:
0x19: {  	[tilespmem:s8+$0x6800] =	vst v1;
	(pc) =	sbr.rel @p1 .LBB2_2-.Ltmp0, $2  }
0x1a: {  	_ =	sdelay $0x2  }
0x1b: {  	s8 =	sshra.s32 s9, $0x2  }
0x1c: {  	[tilespmem:s8+$0x2800] =	vst v0  }
0x1d: {  	[tilespmem:s8+$0x6800] =	vst v1  }
0x1e: {  	[spmem:s6] =	stream.linear.scatter [tilespmem:s26], [sflag:$0x3], $0x4000, $0x38;
	[tilespmem:$0x1E800] =	vst v63  }
0x1f: {  	_ =	swait.ge [sflag:s28], $0x4000  }
0x20: {  	[sflag:s28] =	ssyncset.done $0x0  }
0x21: {  	s7 =	rddreg [dreg:$0x6];
	[sflag:s28] =	ssyncadd.s32 $0xFFFFC000  }
0x22: {  	[spmem:s7] =	stream.linear.scatter [tilespmem:s26], [sflag:$0x3], $0x4000, $0x38;
	[tilespmem:$0x1E800] =	vst v63  }
0x23: {  	_ =	swait.ge [sflag:s28], $0x4000  }
0x24: {  	[sflag:s28] =	ssyncset.done $0x0  }
0x25: {  	s9 =	rddreg [dreg:$0x7];
	[sflag:s28] =	ssyncadd.s32 $0xFFFFC000  }
0x26: {  	[spmem:s9] =	stream.linear.scatter [tilespmem:s26], [sflag:$0x3], $0x4000, $0x38;
	[tilespmem:$0x1E800] =	vst v63  }
0x27: {  	_ =	swait.ge [sflag:s28], $0x4000  }
0x28: {  	[sflag:s28] =	ssyncset.done $0x0  }
0x29: {  	[sflag:s28] =	ssyncadd.s32 $0xFFFFC000  }
0x2a: {  	[spmem:s11] =	stream.linear.scatter [tilespmem:s26], [sflag:$0x3], $0x4000, $0x38;
	[tilespmem:$0x1E800] =	vst v63  }
0x2b: {  	_ =	swait.ge [sflag:s28], $0x4000  }
0x2c: {  	[sflag:s28] =	ssyncset.done $0x0  }
0x2d: {  	[sflag:s28] =	ssyncadd.s32 $0xFFFFC000  }
0x2e: {  	[spmem:s12] =	stream.linear.scatter [tilespmem:s26], [sflag:$0x3], $0x4000, $0x38;
	[tilespmem:$0x1E800] =	vst v63  }
0x2f: {  	_ =	swait.ge [sflag:s28], $0x4000  }
0x30: {  	[sflag:s28] =	ssyncset.done $0x0  }
0x31: {  	s10 =	simm.s32 $0x0;
	s9 =	rddreg [dreg:$0x4];
	[sflag:s28] =	ssyncadd.s32 $0xFFFFC000  }
0x32: {  	[tilespmem:s10], [sflag:$0x3] =	stream.linear.gather [hbm4b:s9+s10], $0x2800, $0x38;
	[tilespmem:$0x1E800] =	vst v63  }
0x33: {  	_ =	swait.ge [sflag:s28], $0x2800  }
0x34: {  	[sflag:s28] =	ssyncset.done $0x0  }
0x35: {  	[sflag:s28] =	ssyncadd.s32 $0xFFFFD800  }
0x36: {  	[bflag:$0x0] =	sbarrier.arrive $0xFFFF  }
0x37: {  	[spmem:s1] =	stream.indirect.scatter.add.f32 [tilespmem:s30], [sflag:$0x1], $0x80, s10, s29, $0xb8;
	[tilespmem:$0x1E800] =	vst v63  }
0x38: {  	_ = 	snop  }
0x39: {  	[spmem:s1] =	stream.indirect.scatter.add.f32 [tilespmem:s30], [sflag:$0x2], $0x80, s29, s29, $0xb8;
	[tilespmem:$0x1E800] =	vst v63  }
0x3a: {  	_ =	swait.ge [sflag:s31], $0x4000  }
0x3b: {  	[sflag:s31] =	ssyncset.done $0x0  }
0x3c: {  	s10 =	simm.s32 $0x100;
	[sflag:s31] =	ssyncadd.s32 $0xFFFFC000  }
0x3d: {  	[spmem:s1] =	stream.indirect.scatter.add.f32 [tilespmem:s30], [sflag:$0x1], $0x80, s10, s29, $0xb8;
	[tilespmem:$0x1E800] =	vst v63  }
0x3e: {  	_ =	swait.ge [sflag:s0], $0x4000  }
0x3f: {  	[sflag:s0] =	ssyncset.done $0x0  }
0x40: {  	s8 =	simm.s32 $0x180;
	s7 =	simm.s32 $0xFFFF6800;
	[sflag:s0] =	ssyncadd.s32 $0xFFFFC000  }
.LBB2_4:
0x41: {  	[spmem:s1] =	stream.indirect.scatter.add.f32 [tilespmem:s30], [sflag:$0x2], $0x80, s8, s29, $0xb8;
	[tilespmem:$0x1E800] =	vst v63  }
0x42: {  	s8 =	smov.u32 s7  }
0x43: {  	p1 =	sne.s32 s7, $0xFFFFFC00;
	s7 =	sadd.s32 $0x400, s7;
	_ =	swait.ge [sflag:s31], $0x4000  }
0x44: {  	s8 =	sshra.s32 s8, $0x2;
	[sflag:s31] =	ssyncset.done $0x0  }
.Ltmp1:
0x45: {  	s9 =	sadd.s32 $0x2800, s8;
	[sflag:s31] =	ssyncadd.s32 $0xFFFFC000;
	(pc) =	sbr.rel @p1 .LBB2_4-.Ltmp1, $4  }
0x46: {  	[spmem:s1] =	stream.indirect.scatter.add.f32 [tilespmem:s30], [sflag:$0x1], $0x80, s9, s29, $0xb8;
	[tilespmem:$0x1E800] =	vst v63  }
0x47: {  	_ =	swait.ge [sflag:s0], $0x4000  }
0x48: {  	[sflag:s0] =	ssyncset.done $0x0  }
0x49: {  	s8 =	sadd.s32 $0x2880, s8;
	[sflag:s0] =	ssyncadd.s32 $0xFFFFC000  }
0x4a: {  	[spmem:s1] =	stream.indirect.scatter.add.f32 [tilespmem:s30], [sflag:$0x2], $0x80, s8, s29, $0xb8;
	[tilespmem:$0x1E800] =	vst v63  }
0x4b: {  	_ =	swait.ge [sflag:s31], $0x4000  }
0x4c: {  	[sflag:s31] =	ssyncset.done $0x0  }
0x4d: {  	[sflag:s31] =	ssyncadd.s32 $0xFFFFC000  }
0x4e: {  	_ =	swait.ge [sflag:s0], $0x4000  }
0x4f: {  	[sflag:s0] =	ssyncset.done $0x0  }
0x50: {  	s7 =	sshll.u32 @p0 s3, $0x6;
	[sflag:s0] =	ssyncadd.s32 $0xFFFFC000  }
0x51: {  	s8 =	sshrl.u32 @p0 s6, $0x3;
	s7 =	sor.u32 @p0 $0x1C04, s7;
	[bflag:$0x0] =	sbarrier.arrive $0xFFFF  }
0x52: {  	[hbm:s22], [sflag:s7] =	dma.local @p0 [spmem:s8], $0x800  }
0x53: {  	s8 =	simm.s32 @p0 $0x4  }
0x54: {  	_ =	swait.ge @p0 [sflag:s8], $0x800  }
0x55: {  	[sflag:s8] =	ssyncset.done @p0 $0x0  }
0x56: {  	s9 =	sshrl.u32 @p0 s14, $0x3;
	[sflag:s8] =	ssyncadd.s32 @p0 $0xFFFFF800  }
0x57: {  	[hbm:s23], [sflag:s7] =	dma.local @p0 [spmem:s9], $0x800  }
0x58: {  	_ =	swait.ge @p0 [sflag:s8], $0x800  }
0x59: {  	[sflag:s8] =	ssyncset.done @p0 $0x0  }
0x5a: {  	s9 =	sshrl.u32 @p0 s16, $0x3;
	[sflag:s8] =	ssyncadd.s32 @p0 $0xFFFFF800  }
0x5b: {  	[hbm:s24], [sflag:s7] =	dma.local @p0 [spmem:s9], $0x800  }
0x5c: {  	_ =	swait.ge @p0 [sflag:s8], $0x800  }
0x5d: {  	[sflag:s8] =	ssyncset.done @p0 $0x0  }
0x5e: {  	s9 =	sshrl.u32 @p0 s18, $0x3;
	[sflag:s8] =	ssyncadd.s32 @p0 $0xFFFFF800  }
0x5f: {  	[hbm:s25], [sflag:s7] =	dma.local @p0 [spmem:s9], $0x800  }
0x60: {  	_ =	swait.ge @p0 [sflag:s8], $0x800  }
0x61: {  	s7 =	sshll.u32 @!p0 s3, $0x6;
	[sflag:s8] =	ssyncset.done @p0 $0x0  }
0x62: {  	s7 =	sor.u32 @!p0 $0x1C03, s7;
	[sflag:s8] =	ssyncadd.s32 @p0 $0xFFFFF800;
	s8 =	sshrl.u32 @!p0 s6, $0x3  }
0x63: {  	[hbm:s13], [sflag:s7] =	dma.local @!p0 [spmem:s8], $0x800  }
0x64: {  	s8 =	simm.s32 @!p0 $0x3  }
0x65: {  	_ =	swait.ge @!p0 [sflag:s8], $0x800  }
0x66: {  	[sflag:s8] =	ssyncset.done @!p0 $0x0  }
0x67: {  	s9 =	sshrl.u32 @!p0 s14, $0x3;
	[sflag:s8] =	ssyncadd.s32 @!p0 $0xFFFFF800  }
0x68: {  	[hbm:s15], [sflag:s7] =	dma.local @!p0 [spmem:s9], $0x800  }
0x69: {  	_ =	swait.ge @!p0 [sflag:s8], $0x800  }
0x6a: {  	[sflag:s8] =	ssyncset.done @!p0 $0x0  }
0x6b: {  	s9 =	sshrl.u32 @!p0 s16, $0x3;
	[sflag:s8] =	ssyncadd.s32 @!p0 $0xFFFFF800  }
0x6c: {  	[hbm:s17], [sflag:s7] =	dma.local @!p0 [spmem:s9], $0x800  }
0x6d: {  	_ =	swait.ge @!p0 [sflag:s8], $0x800  }
0x6e: {  	[sflag:s8] =	ssyncset.done @!p0 $0x0  }
0x6f: {  	s9 =	sshrl.u32 @!p0 s18, $0x3;
	[sflag:s8] =	ssyncadd.s32 @!p0 $0xFFFFF800  }
0x70: {  	[hbm:s19], [sflag:s7] =	dma.local @!p0 [spmem:s9], $0x800  }
0x71: {  	_ =	swait.ge @!p0 [sflag:s8], $0x800  }
0x72: {  	s10 =	sshll.u32 s3, $0x6;
	s7 =	smov.u32 s5;
	[sflag:s8] =	ssyncset.done @!p0 $0x0  }
0x73: {  	s9 =	sshll.u32 s20, $0x7;
	[sflag:s8] =	ssyncadd.s32 @!p0 $0xFFFFF800;
	s8 =	simm.s32 @p0 $0x4  }
0x74: {  	s7 =	smov.u32 @p0 s4;
	s9 =	sadd.s32 s9, s1;
	s10 =	sadd.s32 s8, s10  }
0x75: {  	s7 =	sadd.s32 s7, s21;
	s9 =	sshrl.u32 s9, $0x3;
	s10 =	sadd.s32 $0x1C00, s10  }
0x76: {  	[hbm:s7], [sflag:s10] =	dma.local [spmem:s9], $0x800  }
0x77: {  	_ =	swait.ge [sflag:s8], $0x800  }
0x78: {  	s2 =	sadd.s32 $0x1, s2;
	s10 =	rddreg [dreg:$0x5]  }
0x79: {  	p1 =	sne.s32 s2, s10  }
.Ltmp2:
0x7a: {  	_ = 	snop;
	(pc) =	sbr.rel @p1 .LBB2_1-.Ltmp2, $3  }
0x7b: {  	_ =	sdelay $0x1  }
0x7c: {  	[sflag:s8] =	ssyncset.done $0x0  }
0x7d: {  	[sflag:s8] =	ssyncadd.s32 $0xFFFFF800  }
0x7e: {  	_ =	sfence.sel $0x180000  }
0x7f: {  	[bflag:$0x0] =	sbarrier.arrive $0xFFFF  }
0x80: {  	_ =	strace $0x90000047  }
0x81: {  	[bflag:$0x2] =	sbarrier.arrive $0xFFFF  }
0x82: {  	p0 =	sne.s32 s3, $0x0;
	s0 =	rddreg [dreg:$0x3]  }
0x83: {  	s0 =	sadd.s32 @!p0 $0x100000, s0  }
0x84: {  	[sflag:s0] =	ssyncadd.tile.s32 @!p0 $0x1;
	_ =	shalt  }
.Lfunc_end2:
_tile_overlayer_lowered:
.L_overlay_start_2:
0x85: {  	(tag) =	ssettag $0x2  }
0x86: {  	s0 =	rddreg [dreg:$0x0];
	s2 =	stileid.u32  }
0x87: {  	s1 =	rddreg [dreg:$0x1];
	p0 =	sne.s32 s2, $0x0  }
0x88: {  	s3 =	rddreg [dreg:$0x2];
	[bflag:$0x3] =	sbarrier.arrive $0xFFFF;
	s2 =	simm.s32 @!p0 $0x1C03  }
0x89: {  	[timem:s3], [sflag:s2] =	dma.local @!p0 [hbm:s0], s1  }
0x8a: {  	s0 =	simm.s32 @!p0 $0x3  }
0x8b: {  	_ =	swait.ge @!p0 [sflag:s0], s1  }
0x8c: {  	s1 =	ssub.s32 @!p0 $0x0, s1;
	[sflag:s0] =	ssyncset.done @!p0 $0x0  }
0x8d: {  	[sflag:s0] =	ssyncadd.s32 @!p0 s1  }
0x8e: {  	[bflag:$0x3] =	sbarrier.arrive $0xFFFF  }
0x8f: {  	_ =	shalt  }

// kernel: kernel.16.cloned.1.call-start
scs
__scs_entry_jumppad:
0x0: {  	(pc) =	sbr.rel $0x88, $3  }
0x1: {  	(tag) =	ssettag $0x0;
	lr =	simm.s32 $0x1  }
0x2: {  	[smem:$0x3F99] =	sst lr;
	_ =	strace $0xD0000000  }
0x3: {  	_ = 	snop  }
0x4: {  	_ = 	snop  }
0x5: {  	_ = 	snop  }
0x6: {  	_ = 	snop  }
0x7: {  	_ = 	snop  }
__scs_overlays_trampoline_lowered:
0x8: {  	[smem:$0x3FA8] =	sst s0  }
0x9: {  	[smem:$0x3FA9] =	sst s1  }
0xa: {  	[smem:$0x3FAA] =	sst s2  }
0xb: {  	[smem:$0x3FAB] =	sst s3  }
0xc: {  	[smem:$0x3FAC] =	sst s4  }
0xd: {  	[smem:$0x3FAD] =	sst s5  }
0xe: {  	[smem:$0x3FAE] =	sst s6  }
0xf: {  	[smem:$0x3FAF] =	sst s7  }
0x10: {  	[smem:$0x3FB0] =	sst s8  }
0x11: {  	[smem:$0x3FB1] =	sst s9;
	s0 =	simm.s32 @!p0 $0x0  }
0x12: {  	s1 =	sld [smem:$0x3F97];
	s0 =	simm.s32 @p0 $0x1  }
0x13: {  	[smem:$0x3FB2] =	sst s0;
	s0 =	simm.s32 @!p1 $0x0  }
0x14: {  	s2 =	sld [smem:$0x3F96];
	s0 =	simm.s32 @p1 $0x1  }
0x15: {  	[smem:$0x3FB3] =	sst s0;
	s0 =	simm.s32 @!p2 $0x0  }
0x16: {  	s3 =	sld [smem:$0x3FDB];
	s0 =	simm.s32 @p2 $0x1  }
0x17: {  	s4 =	simm.s32 $0x1BF5;
	[smem:$0x3FB5] =	sst s0  }
0x18: {  	s0 =	sld [smem:$0x3F98];
	_ =	swait.ge [sflag:s4], $0x0  }
0x19: {  	s7 =	sld [smem:$0x3F99]  }
0x1a: {  	s8 =	sadd.s32 $0xFFFFE003, lr  }
0x1b: {  	s9 =	sadd.s32 $0xFFFFFEF7, lr;
	s5 =	simm.s32 $0xFFFFFFFF;
	p2 =	slt.u32 s8, $0xFFFFF086  }
0x1c: {  	p1 =	slt.u32 s9, $0xF7A;
	s5 =	simm.s32 @!p2 $0x0  }
0x1d: {  	s5 =	simm.s32 @p1 $0x1;
	p0 =	seq.s32 s7, s2  }
0x1e: {  	s7 =	smul.u32 @!p0 $0xF7A, s2;
	p2 =	seq.s32 @!p0 s5, $0x0  }
0x1f: {  	s9 =	smul.u32 $0xF7A, s1;
	s8 =	simm.s32 @!p0 $0x1BF5;
	p2 =	por !p2, p0  }
0x20: {  	[sflag:s8] =	ssyncset.s32 @!p0 $0xFFFFF086;
	s6 =	sadd.s32 @!p0 s3, s7;
	s7 =	simm.s32 @!p0 $0x108  }
0x21: {  	s3 =	sadd.s32 s3, s9;
	s6 =	sadd.s32 @!p0 $0x88, s6;
	s7 =	simm.s32 @p2 $0x1082  }
0x22: {  	[simem:s7], [sflag:s8] =	dma.local @!p0 [hbm:s6], $0xF7A  }
0x23: {  	s9 =	sor.u32 $0xD0000000, s2;
	s6 =	simm.s32 $0x108;
	_ =	swait.ge @!p0 [sflag:s8], $0x0  }
0x24: {  	s3 =	sadd.s32 $0x88, s3;
	s6 =	simm.s32 @!p1 $0x1082;
	[sflag:s4] =	ssyncset.s32 $0xFFFFF086  }
0x25: {  	[simem:s6], [sflag:s4] =	dma.local [hbm:s3], $0xF7A  }
0x26: {  	[smem:$0x3F99] =	sst s1;
	(tag) =	ssettag s2;
	_ =	strace s9  }
0x27: {  	s1 =	sld [smem:$0x3FA9]  }
0x28: {  	s2 =	sld [smem:$0x3FAA]  }
0x29: {  	s4 =	sld [smem:$0x3FAC]  }
0x2a: {  	p0 =	seq.s32 s5, $0x0;
	s5 =	sld [smem:$0x3FAD]  }
0x2b: {  	s6 =	sld [smem:$0x3FAE]  }
0x2c: {  	s7 =	sld [smem:$0x3FAF]  }
0x2d: {  	s3 =	simm.s32 $0x108;
	s8 =	sld [smem:$0x3FB0]  }
0x2e: {  	s3 =	simm.s32 @!p0 $0x1082;
	s9 =	sld [smem:$0x3FB1]  }
0x2f: {  	lr =	sadd.s32 s0, s3;
	s0 =	sld [smem:$0x3FA8]  }
0x30: {  	s3 =	sld [smem:$0x3FAB]  }
0x31: {  	[smem:$0x3FB4] =	sst s10  }
0x32: {  	s10 =	sld [smem:$0x3FB2];
	_ =	sdelay $0x3  }
0x33: {  	p0 =	seq.s32 s10, $0x1;
	s10 =	sld [smem:$0x3FB4];
	_ =	sdelay $0x3  }
0x34: {  	[smem:$0x3FB4] =	sst s10  }
0x35: {  	s10 =	sld [smem:$0x3FB3];
	_ =	sdelay $0x3  }
0x36: {  	p1 =	seq.s32 s10, $0x1;
	s10 =	sld [smem:$0x3FB4];
	_ =	sdelay $0x3  }
0x37: {  	[smem:$0x3FB4] =	sst s10  }
0x38: {  	s10 =	sld [smem:$0x3FB5]  }
0x39: {  	_ = 	snop;
	(pc) =	sbr.ind lr, $3  }
0x3a: {  	_ = 	snop  }
0x3b: {  	_ = 	snop  }
0x3c: {  	p2 =	seq.s32 s10, $0x1;
	s10 =	sld [smem:$0x3FB4]  }
0x3d: {  	_ =	shalt  }
0x3e: {  	_ =	shalt  }
0x3f: {  	_ =	shalt  }
0x40: {  	_ =	shalt  }
0x41: {  	_ =	shalt  }
0x42: {  	_ =	shalt  }
0x43: {  	_ =	shalt  }
0x44: {  	_ =	shalt  }
0x45: {  	_ =	shalt  }
0x46: {  	_ =	shalt  }
0x47: {  	_ =	shalt  }
0x48: {  	_ =	shalt  }
0x49: {  	_ =	shalt  }
0x4a: {  	_ =	shalt  }
0x4b: {  	_ =	shalt  }
0x4c: {  	_ =	shalt  }
0x4d: {  	_ =	shalt  }
0x4e: {  	_ =	shalt  }
0x4f: {  	_ =	shalt  }
0x50: {  	_ =	shalt  }
0x51: {  	_ =	shalt  }
0x52: {  	_ =	shalt  }
0x53: {  	_ =	shalt  }
0x54: {  	_ =	shalt  }
0x55: {  	_ =	shalt  }
0x56: {  	_ =	shalt  }
0x57: {  	_ =	shalt  }
0x58: {  	_ =	shalt  }
0x59: {  	_ =	shalt  }
0x5a: {  	_ =	shalt  }
0x5b: {  	_ =	shalt  }
0x5c: {  	_ =	shalt  }
0x5d: {  	_ =	shalt  }
0x5e: {  	_ =	shalt  }
0x5f: {  	_ =	shalt  }
0x60: {  	_ =	shalt  }
0x61: {  	_ =	shalt  }
0x62: {  	_ =	shalt  }
0x63: {  	_ =	shalt  }
0x64: {  	_ =	shalt  }
0x65: {  	_ =	shalt  }
0x66: {  	_ =	shalt  }
0x67: {  	_ =	shalt  }
0x68: {  	_ =	shalt  }
0x69: {  	_ =	shalt  }
0x6a: {  	_ =	shalt  }
0x6b: {  	_ =	shalt  }
0x6c: {  	_ =	shalt  }
0x6d: {  	_ =	shalt  }
0x6e: {  	_ =	shalt  }
0x6f: {  	_ =	shalt  }
0x70: {  	_ =	shalt  }
0x71: {  	_ =	shalt  }
0x72: {  	_ =	shalt  }
0x73: {  	_ =	shalt  }
0x74: {  	_ =	shalt  }
0x75: {  	_ =	shalt  }
0x76: {  	_ =	shalt  }
0x77: {  	_ =	shalt  }
0x78: {  	_ =	shalt  }
0x79: {  	_ =	shalt  }
0x7a: {  	_ =	shalt  }
0x7b: {  	_ =	shalt  }
0x7c: {  	_ =	shalt  }
0x7d: {  	_ =	shalt  }
0x7e: {  	_ =	shalt  }
0x7f: {  	_ =	shalt  }
0x80: {  	_ =	shalt  }
0x81: {  	_ =	shalt  }
0x82: {  	_ =	shalt  }
0x83: {  	_ =	shalt  }
0x84: {  	_ =	shalt  }
0x85: {  	_ =	shalt  }
0x86: {  	_ =	shalt  }
0x87: {  	_ =	shalt  }
.Lfunc_end0:
.L_simem_size_0:
called_computation.1_lowered:
.L_overlay_start_0:
0x88: {  	s2 =	sld [smem:$0x3FD9]  }
0x89: {  	s3 =	sld [smem:$0x3FFE];
	_ =	sdelay $0x1  }
0x8a: {  	s1 =	srdreg.scid  }
0x8b: {  	s0 =	sand.u32 $0x1, s1  }
0x8c: {  	s17 =	sshll.u32 s0, $0xA;
	s2 =	sadd.s32 s3, s2  }
0x8d: {  	s2 =	sadd.s32 s2, s17  }
0x8e: {  	[smem:$0x3FC0] =	sst s2  }
0x8f: {  	_ = 	snop  }
0x90: {  	s2 =	sld [smem:$0x3FD0];
	(tm) =	ssettm $0x1  }
0x91: {  	s18 =	sld [smem:$0x3FFB];
	_ =	sdelay $0x3  }
0x92: {  	_ =	strace s18  }
0x93: {  	s3 =	sld [smem:$0x3FFC];
	_ =	sdelay $0x3  }
0x94: {  	_ =	strace s3  }
0x95: {  	s3 =	sld [smem:$0x3FFD];
	_ =	sdelay $0x3  }
0x96: {  	_ =	strace s3  }
0x97: {  	_ =	strace $0x8FFFFFFF  }
0x98: {  	s19 =	sld [smem:$0x3FDB];
	_ =	sdelay $0x1  }
0x99: {  	s4 =	simm.s32 $_scs_section_size  }
0x9a: {  	s5 =	simm.s32 $_size__tile_overlayer_lowered;
	s6 =	simm.s32 $_tile_overlayer_lowered  }
0x9b: {  	s22 =	simm.s32 $0x1BFF;
	s21 =	sshll.u32 s6, $0x1;
	s3 =	sadd.s32 s4, s19  }
0x9c: {  	s7 =	simm.s32 $0x0;
	s20 =	sshll.u32 s5, $0x1;
	s5 =	sadd.s32 s21, s3  }
0x9d: {  	[timem:s7], [sflag:s22] =	dma.local [hbm:s5], s20  }
0x9e: {  	_ =	swait.ge [sflag:s22], s20  }
0x9f: {  	s4 =	ssub.s32 $0x0, s20;
	[sflag:s22] =	ssyncset.done $0x0  }
0xa0: {  	[sflag:s22] =	ssyncadd.s32 s4;
	_ =	sdelay $0x1  }
0xa1: {  	s23 =	simm.s32 $0x1B8B  }
0xa2: {  	_ =	swait.ge [sflag:s23], $0x1  }
0xa3: {  	[sflag:s23] =	ssyncset.done $0x0  }
0xa4: {  	s25 =	simm.s32 $0x1B8E;
	s24 =	sld [smem:$0x3FFE];
	[sflag:s23] =	ssyncadd.s32 $0xFFFFFFFF  }
0xa5: {  	s26 =	simm.s32 $execute0_lowered;
	[smem:$0x3FD2] =	sst s25  }
0xa6: {  	s5 =	sshll.u32 s26, $0x1;
	_ =	strace $0x80000049;
	[dreg:$0x1] =	wrdreg $0xFFFFFFFF  }
0xa7: {  	s28 =	simm.s32 $_size_execute0_lowered;
	s3 =	sadd.s32 s3, s5;
	[dreg:$0x0] =	wrdreg $0x0  }
0xa8: {  	s5 =	sshll.u32 s28, $0x1;
	[dreg:$0x2] =	wrdreg s3  }
0xa9: {  	[dreg:$0x3] =	wrdreg s5  }
0xaa: {  	[dreg:$0x4] =	wrdreg $0xC0  }
0xab: {  	_ =	task [dreg:s7], $0x5FFFF  }
0xac: {  	[dreg:$0x1] =	wrdreg $0xFFFFFFFF  }
0xad: {  	[dreg:$0x0] =	wrdreg $0x60  }
0xae: {  	[dreg:$0x2] =	wrdreg s24  }
0xaf: {  	[dreg:$0x3] =	wrdreg s2  }
0xb0: {  	[dreg:$0x4] =	wrdreg $0xB0000  }
0xb1: {  	[dreg:$0x5] =	wrdreg $0x9  }
0xb2: {  	_ =	task.clear_ibuf [dreg:s7], $0x6FFFF;
	_ =	strace $0x90000049  }
0xb3: {  	s29 =	simm.s32 $0x9;
	_ =	strace $0x8000004B  }
0xb4: {  	_ =	swait.ge [sflag:s29], $0x1  }
0xb5: {  	[sflag:s29] =	ssyncadd.s32 $0xFFFFFFFF  }
0xb6: {  	_ =	strace $0x9000004B  }
0xb7: {  	_ =	sfence  }
0xb8: {  	s30 =	sld [smem:$0x0];
	_ =	sdelay $0x2  }
0xb9: {  	s31 =	sshll.u32 s1, $0xD;
	s1 =	sshrl.u32 s1, $0x2  }
0xba: {  	s3 =	sand.u32 $0x4000, s31;
	s1 =	sadd.s32 s1, s30  }
0xbb: {  	s0 =	sor.u32 s3, s0;
	s1 =	sshll.u32 s1, $0x11  }
0xbc: {  	s0 =	sor.u32 s1, s0  }
0xbd: {  	s0 =	sadd.s32 $0x8F2B, s0  }
0xbe: {  	[sflag:s0] =	ssyncadd.remote.s32 $0x1  }
0xbf: {  	_ =	sfence.sel $0xFFFF  }
0xc0: {  	[dreg:$0x0] =	wrdreg $0xFFFFFFFF;
	(pc) =	sbr.abs _section_cstart, $3  }
0xc1: {  	[dreg:$0x1] =	wrdreg $0xFFFFFFFF  }
0xc2: {  	_ =	task.clear_ibuf [dreg:s7], $0x2FFFF;
	_ =	strace $0x9FFFFFFF  }
0xc3: {  	(tm) =	ssettm $0x7FFFFFFF  }
tec
execute0_lowered:
.L_overlay_start_1:
0x0: {  	(tag) =	ssettag $0x1  }
0x1: {  	s0 =	rddreg [dreg:$0x0]  }
0x2: {  	s1 =	rddreg [dreg:$0x1]  }
0x3: {  	s2 =	rddreg [dreg:$0x2]  }
0x4: {  	s3 =	simm.s32 $0x0;
	s4 =	srdreg.scid;
	s9 =	stileid.u32  }
0x5: {  	s11 =	simm.s32 $0x30;
	[smem:$0x7FF] =	sst s3;
	s5 =	sadd.s32 $0xF200, s0  }
0x6: {  	s6 =	sadd.s32 $0x5200, s0;
	s4 =	sand.u32 $0x1, s4;
	s15 =	sadd.s32 $0x36400, s0  }
0x7: {  	s16 =	sadd.s32 $0x5E400, s0;
	s8 =	smul.u32 $0x50000, s9;
	s10 =	sshll.u32 s9, $0x6  }
0x8: {  	s29 =	smul.u32 $0x280, s9;
	_ =	strace $0x8000004A;
	[dreg:$0x6] =	wrdreg s10  }
0x9: {  	s30 =	smul.u32 $0x2800, s9;
	s7 =	ssub.s32 $0x2, s4;
	[dreg:$0x5] =	wrdreg s16  }
0xa: {  	p0 =	seq.s32 s4, $0x0;
	s10 =	sadd.s32 $0x600, s10;
	[dreg:$0x4] =	wrdreg s15  }
0xb: {  	s28 =	sshrl.u32 s7, $0x1;
	s8 =	sshrl.u32 s8, $0x2;
	s11 =	simm.s32 @!p0 $0x20  }
0xc: {  	s13 =	sadd.s32 $0x80, s29;
	s18 =	sadd.s32 $0x100, s29;
	s4 =	sadd.s32 $0x200, s29  }
0xd: {  	s0 =	ssub.s32 s7, s28;
	s7 =	smul.u32 $0x60, s9;
	s12 =	sadd.s32 s8, s2  }
0xe: {  	s31 =	sshrl.u32 s11, $0x1;
	s9 =	sadd.s32 s16, s30;
	[dreg:$0xd] =	wrdreg s4  }
0xf: {  	s14 =	sshll.u32 s13, $0x7;
	s0 =	smax.u32 s0, $0x1;
	[dreg:$0x8] =	wrdreg s9  }
0x10: {  	s9 =	sadd.s32 s14, s2;
	s14 =	sadd.s32 $0x180, s29;
	[dreg:$0x7] =	wrdreg s0  }
0x11: {  	s26 =	sadd.s32 $0xFFFFFFFF, s31;
	s25 =	sadd.s32 $0x4000, s12;
	[dreg:$0x9] =	wrdreg s9  }
0x12: {  	s28 =	sadd.s32 $0x8000, s12;
	s29 =	sadd.s32 $0xC000, s12;
	[dreg:$0x13] =	wrdreg s25  }
0x13: {  	s31 =	sshll.u32 s4, $0x4;
	s4 =	simm.s32 $0x80;
	[dreg:$0x14] =	wrdreg s28  }
0x14: {  	s10 =	smov.u32 @p0 s7;
	s0 =	sshll.u32 s13, $0x4;
	[dreg:$0x15] =	wrdreg s29  }
0x15: {  	s13 =	sshll.u32 s18, $0x7;
	s7 =	sadd.s32 s15, s30;
	[dreg:$0x17] =	wrdreg s31  }
0x16: {  	s9 =	sshll.u32 s18, $0x4;
	s30 =	sadd.s32 $0x10000, s12;
	[dreg:$0xe] =	wrdreg s7  }
0x17: {  	s20 =	sshll.u32 s14, $0x7;
	s17 =	sadd.s32 s16, s0;
	[dreg:$0x16] =	wrdreg s30  }
0x18: {  	s21 =	sshll.u32 s14, $0x4;
	s13 =	sadd.s32 s13, s2;
	[dreg:$0xa] =	wrdreg s17  }
0x19: {  	s14 =	simm.s32 $0x1800;
	s19 =	sadd.s32 s16, s9;
	[dreg:$0xb] =	wrdreg s13  }
0x1a: {  	s18 =	simm.s32 $0x1;
	s0 =	sadd.s32 s15, s0;
	[dreg:$0xc] =	wrdreg s19  }
0x1b: {  	s22 =	sadd.s32 s15, s9;
	s23 =	sadd.s32 s16, s21;
	[dreg:$0xf] =	wrdreg s0  }
0x1c: {  	s24 =	sadd.s32 s15, s21;
	s9 =	simm.s32 $0x3000;
	[dreg:$0x10] =	wrdreg s22  }
0x1d: {  	s16 =	simm.s32 $0x7000;
	s21 =	simm.s32 $0x2;
	[dreg:$0x11] =	wrdreg s23  }
0x1e: {  	s7 =	simm.s32 $0x4;
	s19 =	sadd.s32 s20, s2;
	[dreg:$0x12] =	wrdreg s24  }
0x1f: {  	v0 =	vimm.f32 $0.0e+00;
	s13 =	simm.s32 $0x5;
	s22 =	simm.s32 $0x3;
	s23 =	simm.s32 $0x0  }
.LBB2_1:
0x20: {  	s0 =	sand.u32 $0xFE00, s3  }
0x21: {  	s8 =	sand.u32 $0x70, s3;
	s15 =	sshrl.u32 s0, $0x2  }
0x22: {  	s0 =	simm.s32 $0x40;
	s15 =	sor.u32 s8, s15;
	s8 =	simm.s32 $0x0  }
.LBB2_2:
0x23: {  	p1 =	sne.s32 s0, $0xFFC0  }
0x24: {  	[tilespmem:s15+$0x3000] =	vst v0;
	s8 =	sadd.s32 $0x10, s8;
	s15 =	smov.u32 s0;
	s0 =	sadd.s32 $0x40, s0  }
.Ltmp0:
0x25: {  	(pc) =	sbr.rel @p1 .LBB2_2-.Ltmp0, $4  }
0x26: {  	_ = 	snop  }
0x27: {  	s15 =	sand.u32 $0xFE00, s15  }
0x28: {  	s20 =	sand.u32 $0x70, s8;
	s15 =	sshrl.u32 s15, $0x2  }
0x29: {  	s15 =	sor.u32 s20, s15  }
0x2a: {  	[tilespmem:s15+$0x3000] =	vst v0  }
0x2b: {  	[spmem:s12] =	stream.linear.scatter [tilespmem:s9], [sflag:$0x5], $0x4000, $0x38;
	[tilespmem:$0x1F000] =	vst v63  }
0x2c: {  	_ =	swait.ge [sflag:s13], $0x4000  }
0x2d: {  	[sflag:s13] =	ssyncset.done $0x0  }
0x2e: {  	s0 =	rddreg [dreg:$0x13];
	[sflag:s13] =	ssyncadd.s32 $0xFFFFC000  }
0x2f: {  	[spmem:s0] =	stream.linear.scatter [tilespmem:s9], [sflag:$0x5], $0x4000, $0x38;
	[tilespmem:$0x1F000] =	vst v63  }
0x30: {  	_ =	swait.ge [sflag:s13], $0x4000  }
0x31: {  	[sflag:s13] =	ssyncset.done $0x0  }
0x32: {  	s29 =	rddreg [dreg:$0x14];
	[sflag:s13] =	ssyncadd.s32 $0xFFFFC000  }
0x33: {  	[spmem:s29] =	stream.linear.scatter [tilespmem:s9], [sflag:$0x5], $0x4000, $0x38;
	[tilespmem:$0x1F000] =	vst v63  }
0x34: {  	_ =	swait.ge [sflag:s13], $0x4000  }
0x35: {  	[sflag:s13] =	ssyncset.done $0x0  }
0x36: {  	s30 =	rddreg [dreg:$0x15];
	[sflag:s13] =	ssyncadd.s32 $0xFFFFC000  }
0x37: {  	[spmem:s30] =	stream.linear.scatter [tilespmem:s9], [sflag:$0x5], $0x4000, $0x38;
	[tilespmem:$0x1F000] =	vst v63  }
0x38: {  	_ =	swait.ge [sflag:s13], $0x4000  }
0x39: {  	[sflag:s13] =	ssyncset.done $0x0  }
0x3a: {  	s31 =	rddreg [dreg:$0x16];
	[sflag:s13] =	ssyncadd.s32 $0xFFFFC000  }
0x3b: {  	[spmem:s31] =	stream.linear.scatter [tilespmem:s9], [sflag:$0x5], $0x4000, $0x38;
	[tilespmem:$0x1F000] =	vst v63  }
0x3c: {  	_ =	swait.ge [sflag:s13], $0x4000  }
0x3d: {  	[sflag:s13] =	ssyncset.done $0x0  }
0x3e: {  	[sflag:s13] =	ssyncadd.s32 $0xFFFFC000  }
0x3f: {  	p2 =	por $0x1, $0x1;
	s0 =	simm.s32 $0x0;
	[bflag:$0x0] =	sbarrier.arrive $0xFFFF  }
.LBB2_4:
0x40: {  	s0 =	sadd.s32 s10, s0  }
0x41: {  	s0 =	sshll.u32 s0, $0x4  }
0x42: {  	s8 =	sadd.s32 s6, s0  }
0x43: {  	[tilespmem:s3], [sflag:$0x5] =	stream.linear.gather [hbm4b:s8+s3], $0x1800, $0x38;
	[tilespmem:$0x1F000] =	vst v63  }
0x44: {  	_ =	swait.ge [sflag:s13], $0x1800  }
0x45: {  	[sflag:s13] =	ssyncset.done $0x0  }
0x46: {  	s0 =	sadd.s32 s1, s0;
	[sflag:s13] =	ssyncadd.s32 $0xFFFFE800  }
0x47: {  	[tilespmem:s14], [sflag:$0x5] =	stream.linear.gather [hbm4b:s0+s3], $0x1800, $0x38;
	[tilespmem:$0x1F000] =	vst v63  }
0x48: {  	_ =	swait.ge [sflag:s13], $0x1800  }
0x49: {  	[sflag:s13] =	ssyncset.done $0x0  }
0x4a: {  	[sflag:s13] =	ssyncadd.s32 $0xFFFFE800  }
0x4b: {  	[tilespmem:s9], [sflag:$0x1] =	stream.indirect.gather [hbm4b:s5+s4], $0x80, s3, s4, $0xb8;
	[tilespmem:$0x1F000] =	vst v63  }
0x4c: {  	_ = 	snop  }
0x4d: {  	[tilespmem:s16], [sflag:$0x2] =	stream.indirect.gather [hbm4b:s5+s4], $0x80, s4, s4, $0xb8;
	[tilespmem:$0x1F000] =	vst v63  }
0x4e: {  	_ =	swait.ge [sflag:s18], $0x4000  }
0x4f: {  	p1 =	sle.u32 s11, $0x2;
	s25 =	simm.s32 $0x1800;
	[sflag:s18] =	ssyncset.done $0x0  }
0x50: {  	s24 =	simm.s32 $0x180;
	s8 =	simm.s32 @!p1 $0x3;
	[sflag:s18] =	ssyncadd.s32 $0xFFFFC000  }
0x51: {  	[spmem:s2] =	stream.indirect.scatter.add.f32 [tilespmem:s9], [sflag:$0x3], $0x80, s25, s4, $0xb8;
	[tilespmem:$0x1F000] =	vst v63  }
0x52: {  	p3 =	sle.u32 s11, $0x3;
	s29 =	sadd.s32 $0xFFFFFFFF, s26;
	_ =	swait.ge @!p1 [sflag:s8], $0x4000  }
0x53: {  	s28 =	simm.s32 $0x1980;
	s15 =	simm.s32 @!p1 $0x100;
	[sflag:s8] =	ssyncset.done @!p1 $0x0  }
0x54: {  	s20 =	simm.s32 @!p1 $0x80;
	s0 =	simm.s32 @!p1 $0x3000;
	[sflag:s8] =	ssyncadd.s32 @!p1 $0xFFFFC000  }
0x55: {  	[tilespmem:s0], [sflag:$0x1] =	stream.indirect.gather @!p1 [hbm4b:s5+s20], $0x80, s15, s20, $0xb8;
	[tilespmem:$0x1F000] =	vst v63  }
0x56: {  	s30 =	simm.s32 $0x180;
	p4 =	sne.s32 s29, $0x0;
	_ =	swait.ge [sflag:s21], $0x4000  }
.Ltmp1:
0x57: {  	s31 =	simm.s32 @!p3 $0x4;
	[sflag:s21] =	ssyncset.done $0x0;
	(pc) =	sbr.rel @!p4 .LBB2_6-.Ltmp1, $4  }
0x58: {  	s25 =	simm.s32 $0x5;
	s8 =	simm.s32 $0x1880;
	[sflag:s21] =	ssyncadd.s32 $0xFFFFC000  }
0x59: {  	[spmem:s2] =	stream.indirect.scatter.add.f32 [tilespmem:s16], [sflag:$0x4], $0x80, s8, s4, $0xb8;
	[tilespmem:$0x1F000] =	vst v63  }
0x5a: {  	s0 =	simm.s32 @!p3 $0x80;
	p1 =	por p2, p2;
	_ =	swait.ge @!p3 [sflag:s31], $0x4000  }
0x5b: {  	s15 =	simm.s32 @!p3 $0x7000;
	s20 =	simm.s32 $0x180;
	[sflag:s31] =	ssyncset.done @!p3 $0x0  }
.LBB2_5:
0x5c: {  	s30 =	smov.u32 s24;
	s8 =	smov.u32 s28  }
0x5d: {  	s29 =	sadd.s32 $0xFFFFFFFF, s29;
	s24 =	sadd.s32 $0x100, s24;
	[sflag:s31] =	ssyncadd.s32 @!p3 $0xFFFFC000  }
0x5e: {  	[tilespmem:s15], [sflag:$0x2] =	stream.indirect.gather @!p3 [hbm4b:s5+s0], $0x80, s20, s0, $0xb8;
	[tilespmem:$0x1F000] =	vst v63  }
0x5f: {  	p2 =	sne.s32 s29, $0x0;
	s0 =	sadd.s32 $0xFFFFFFFF, s25;
	_ =	swait.ge [sflag:s18], $0x4000  }
0x60: {  	s15 =	sadd.s32 $0xFFFFFF80, s28;
	p3 =	sge.u32 s0, s11;
	[sflag:s18] =	ssyncset.done $0x0  }
0x61: {  	s20 =	smov.u32 s24;
	s0 =	simm.s32 @!p3 $0x3;
	[sflag:s18] =	ssyncadd.s32 $0xFFFFC000  }
0x62: {  	[spmem:s2] =	stream.indirect.scatter.add.f32 [tilespmem:s9], [sflag:$0x3], $0x80, s15, s4, $0xb8;
	[tilespmem:$0x1F000] =	vst v63  }
0x63: {  	s15 =	simm.s32 @!p3 $0x3000;
	_ =	swait.ge @!p3 [sflag:s0], $0x4000  }
0x64: {  	s31 =	sadd.s32 @!p3 $0xFFFFFF80, s24;
	s17 =	simm.s32 @!p3 $0x80;
	[sflag:s0] =	ssyncset.done @!p3 $0x0  }
0x65: {  	[sflag:s0] =	ssyncadd.s32 @!p3 $0xFFFFC000  }
0x66: {  	[tilespmem:s15], [sflag:$0x1] =	stream.indirect.gather @!p3 [hbm4b:s5+s17], $0x80, s31, s17, $0xb8;
	[tilespmem:$0x1F000] =	vst v63  }
0x67: {  	_ =	swait.ge [sflag:s21], $0x4000  }
.Ltmp2:
0x68: {  	p3 =	sge.u32 s25, s11;
	[sflag:s21] =	ssyncset.done $0x0;
	(pc) =	sbr.rel @p2 .LBB2_5-.Ltmp2, $4  }
0x69: {  	s31 =	simm.s32 @!p3 $0x4;
	[sflag:s21] =	ssyncadd.s32 $0xFFFFC000  }
0x6a: {  	[spmem:s2] =	stream.indirect.scatter.add.f32 [tilespmem:s16], [sflag:$0x4], $0x80, s28, s4, $0xb8;
	[tilespmem:$0x1F000] =	vst v63  }
0x6b: {  	s25 =	sadd.s32 $0x2, s25;
	s28 =	sadd.s32 $0x100, s28;
	_ =	swait.ge @!p3 [sflag:s31], $0x4000  }
0x6c: {  	s0 =	simm.s32 @!p3 $0x80;
	s15 =	simm.s32 @!p3 $0x7000;
	[sflag:s31] =	ssyncset.done @!p3 $0x0  }
.LBB2_6:
0x6d: {  	[sflag:s31] =	ssyncadd.s32 @!p3 $0xFFFFC000  }
0x6e: {  	[tilespmem:s15], [sflag:$0x2] =	stream.indirect.gather @!p3 [hbm4b:s5+s0], $0x80, s20, s0, $0xb8;
	[tilespmem:$0x1F000] =	vst v63  }
0x6f: {  	s31 =	sadd.s32 $0xFFFFFFFF, s25;
	_ =	swait.ge [sflag:s18], $0x4000  }
0x70: {  	p2 =	sge.u32 s31, s11;
	[sflag:s18] =	ssyncset.done $0x0  }
0x71: {  	s29 =	sadd.s32 $0x80, s8;
	s0 =	simm.s32 @!p2 $0x3;
	[sflag:s18] =	ssyncadd.s32 $0xFFFFC000  }
0x72: {  	[spmem:s2] =	stream.indirect.scatter.add.f32 [tilespmem:s9], [sflag:$0x3], $0x80, s29, s4, $0xb8;
	[tilespmem:$0x1F000] =	vst v63  }
0x73: {  	_ =	swait.ge @!p2 [sflag:s0], $0x4000  }
0x74: {  	s8 =	simm.s32 @!p2 $0x80;
	[sflag:s0] =	ssyncset.done @!p2 $0x0  }
0x75: {  	s15 =	simm.s32 @!p2 $0x3000;
	[sflag:s0] =	ssyncadd.s32 @!p2 $0xFFFFC000;
	s0 =	sadd.s32 @!p2 $0x80, s30  }
0x76: {  	[tilespmem:s15], [sflag:$0x1] =	stream.indirect.gather @!p2 [hbm4b:s5+s8], $0x80, s0, s8, $0xb8;
	[tilespmem:$0x1F000] =	vst v63  }
0x77: {  	_ =	swait.ge [sflag:s21], $0x4000  }
0x78: {  	p2 =	sge.u32 s25, s11;
	[sflag:s21] =	ssyncset.done $0x0  }
0x79: {  	s0 =	simm.s32 @!p2 $0x4;
	[sflag:s21] =	ssyncadd.s32 $0xFFFFC000  }
0x7a: {  	[spmem:s2] =	stream.indirect.scatter.add.f32 [tilespmem:s16], [sflag:$0x4], $0x80, s28, s4, $0xb8;
	[tilespmem:$0x1F000] =	vst v63  }
0x7b: {  	_ =	swait.ge @!p2 [sflag:s0], $0x4000  }
0x7c: {  	s8 =	sadd.s32 $0x100, s24;
	[sflag:s0] =	ssyncset.done @!p2 $0x0  }
0x7d: {  	s15 =	simm.s32 @!p2 $0x7000;
	[sflag:s0] =	ssyncadd.s32 @!p2 $0xFFFFC000;
	s0 =	simm.s32 @!p2 $0x80  }
0x7e: {  	[tilespmem:s15], [sflag:$0x2] =	stream.indirect.gather @!p2 [hbm4b:s5+s0], $0x80, s8, s0, $0xb8;
	[tilespmem:$0x1F000] =	vst v63  }
0x7f: {  	_ =	swait.ge [sflag:s22], $0x4000  }
.Ltmp3:
0x80: {  	[sflag:s22] =	ssyncset.done $0x0;
	(pc) =	sbr.rel @p1 .LBB2_4-.Ltmp3, $4  }
0x81: {  	[sflag:s22] =	ssyncadd.s32 $0xFFFFC000  }
0x82: {  	_ =	swait.ge [sflag:s7], $0x4000  }
0x83: {  	[sflag:s7] =	ssyncset.done $0x0  }
0x84: {  	p2 =	por $0x0, $0x0;
	s0 =	smov.u32 s11;
	[sflag:s7] =	ssyncadd.s32 $0xFFFFC000  }
0x85: {  	s17 =	stileid.u32  }
0x86: {  	[bflag:$0x0] =	sbarrier.arrive $0xFFFF;
	s0 =	sshll.u32 @p0 s17, $0x6  }
0x87: {  	s8 =	sshrl.u32 @p0 s12, $0x3;
	s15 =	rddreg [dreg:$0xe];
	s0 =	sor.u32 @p0 $0x1C06, s0  }
0x88: {  	[hbm:s15], [sflag:s0] =	dma.local @p0 [spmem:s8], $0x800  }
0x89: {  	s8 =	simm.s32 @p0 $0x6  }
0x8a: {  	_ =	swait.ge @p0 [sflag:s8], $0x800  }
0x8b: {  	[sflag:s8] =	ssyncset.done @p0 $0x0;
	s24 =	rddreg [dreg:$0x9]  }
0x8c: {  	s20 =	rddreg [dreg:$0xf];
	[sflag:s8] =	ssyncadd.s32 @p0 $0xFFFFF800;
	s15 =	sshrl.u32 @p0 s24, $0x3  }
0x8d: {  	[hbm:s20], [sflag:s0] =	dma.local @p0 [spmem:s15], $0x800  }
0x8e: {  	_ =	swait.ge @p0 [sflag:s8], $0x800  }
0x8f: {  	[sflag:s8] =	ssyncset.done @p0 $0x0;
	s25 =	rddreg [dreg:$0xb]  }
0x90: {  	s20 =	rddreg [dreg:$0x10];
	[sflag:s8] =	ssyncadd.s32 @p0 $0xFFFFF800;
	s15 =	sshrl.u32 @p0 s25, $0x3  }
0x91: {  	[hbm:s20], [sflag:s0] =	dma.local @p0 [spmem:s15], $0x800  }
0x92: {  	_ =	swait.ge @p0 [sflag:s8], $0x800  }
0x93: {  	[sflag:s8] =	ssyncset.done @p0 $0x0  }
0x94: {  	s15 =	sshrl.u32 @p0 s19, $0x3;
	s20 =	rddreg [dreg:$0x12];
	[sflag:s8] =	ssyncadd.s32 @p0 $0xFFFFF800  }
0x95: {  	[hbm:s20], [sflag:s0] =	dma.local @p0 [spmem:s15], $0x800  }
0x96: {  	s0 =	sshll.u32 @!p0 s17, $0x6;
	_ =	swait.ge @p0 [sflag:s8], $0x800  }
0x97: {  	s0 =	sor.u32 @!p0 $0x1C05, s0;
	[sflag:s8] =	ssyncset.done @p0 $0x0  }
0x98: {  	s15 =	rddreg [dreg:$0x8];
	[sflag:s8] =	ssyncadd.s32 @p0 $0xFFFFF800;
	s8 =	sshrl.u32 @!p0 s12, $0x3  }
0x99: {  	[hbm:s15], [sflag:s0] =	dma.local @!p0 [spmem:s8], $0x800  }
0x9a: {  	s8 =	simm.s32 @!p0 $0x5  }
0x9b: {  	_ =	swait.ge @!p0 [sflag:s8], $0x800  }
0x9c: {  	[sflag:s8] =	ssyncset.done @!p0 $0x0  }
0x9d: {  	s15 =	sshrl.u32 @!p0 s24, $0x3;
	s17 =	rddreg [dreg:$0xa];
	[sflag:s8] =	ssyncadd.s32 @!p0 $0xFFFFF800  }
0x9e: {  	[hbm:s17], [sflag:s0] =	dma.local @!p0 [spmem:s15], $0x800  }
0x9f: {  	_ =	swait.ge @!p0 [sflag:s8], $0x800  }
0xa0: {  	[sflag:s8] =	ssyncset.done @!p0 $0x0  }
0xa1: {  	s15 =	sshrl.u32 @!p0 s25, $0x3;
	s17 =	rddreg [dreg:$0xc];
	[sflag:s8] =	ssyncadd.s32 @!p0 $0xFFFFF800  }
0xa2: {  	[hbm:s17], [sflag:s0] =	dma.local @!p0 [spmem:s15], $0x800  }
0xa3: {  	_ =	swait.ge @!p0 [sflag:s8], $0x800  }
0xa4: {  	[sflag:s8] =	ssyncset.done @!p0 $0x0  }
0xa5: {  	s15 =	sshrl.u32 @!p0 s19, $0x3;
	s17 =	rddreg [dreg:$0x11];
	[sflag:s8] =	ssyncadd.s32 @!p0 $0xFFFFF800  }
0xa6: {  	[hbm:s17], [sflag:s0] =	dma.local @!p0 [spmem:s15], $0x800  }
0xa7: {  	_ =	swait.ge @!p0 [sflag:s8], $0x800  }
0xa8: {  	s0 =	rddreg [dreg:$0x5]  }
0xa9: {  	s28 =	rddreg [dreg:$0xd]  }
0xaa: {  	s17 =	rddreg [dreg:$0x4]  }
0xab: {  	s29 =	rddreg [dreg:$0x6]  }
0xac: {  	[sflag:s8] =	ssyncset.done @!p0 $0x0;
	s30 =	rddreg [dreg:$0x17]  }
0xad: {  	[sflag:s8] =	ssyncadd.s32 @!p0 $0xFFFFF800;
	s8 =	simm.s32 @p0 $0x6;
	s15 =	sshll.u32 s28, $0x7  }
0xae: {  	s0 =	smov.u32 @p0 s17;
	s15 =	sadd.s32 s15, s2;
	s17 =	sadd.s32 s8, s29  }
0xaf: {  	s0 =	sadd.s32 s0, s30;
	s17 =	sadd.s32 $0x1C00, s17;
	s15 =	sshrl.u32 s15, $0x3  }
0xb0: {  	[hbm:s0], [sflag:s17] =	dma.local [spmem:s15], $0x800  }
0xb1: {  	_ =	swait.ge [sflag:s8], $0x800  }
0xb2: {  	s23 =	sadd.s32 $0x1, s23;
	s31 =	rddreg [dreg:$0x7]  }
0xb3: {  	p1 =	sne.s32 s23, s31  }
.Ltmp4:
0xb4: {  	_ = 	snop;
	(pc) =	sbr.rel @p1 .LBB2_1-.Ltmp4, $3  }
0xb5: {  	_ =	sdelay $0x1  }
0xb6: {  	[sflag:s8] =	ssyncset.done $0x0  }
0xb7: {  	s20 =	stileid.u32;
	[sflag:s8] =	ssyncadd.s32 $0xFFFFF800  }
0xb8: {  	_ =	sfence.sel $0x180000  }
0xb9: {  	[bflag:$0x0] =	sbarrier.arrive $0xFFFF  }
0xba: {  	_ =	strace $0x9000004A  }
0xbb: {  	[bflag:$0x2] =	sbarrier.arrive $0xFFFF  }
0xbc: {  	p0 =	sne.s32 s20, $0x0;
	s0 =	rddreg [dreg:$0x3]  }
0xbd: {  	s0 =	sadd.s32 @!p0 $0x100000, s0  }
0xbe: {  	[sflag:s0] =	ssyncadd.tile.s32 @!p0 $0x1;
	_ =	shalt  }
.Lfunc_end2:
_tile_overlayer_lowered:
.L_overlay_start_2:
0xbf: {  	(tag) =	ssettag $0x2  }
0xc0: {  	s0 =	rddreg [dreg:$0x0];
	s2 =	stileid.u32  }
0xc1: {  	s1 =	rddreg [dreg:$0x1];
	p0 =	sne.s32 s2, $0x0  }
0xc2: {  	s3 =	rddreg [dreg:$0x2];
	[bflag:$0x3] =	sbarrier.arrive $0xFFFF;
	s2 =	simm.s32 @!p0 $0x1C05  }
0xc3: {  	[timem:s3], [sflag:s2] =	dma.local @!p0 [hbm:s0], s1  }
0xc4: {  	s0 =	simm.s32 @!p0 $0x5  }
0xc5: {  	_ =	swait.ge @!p0 [sflag:s0], s1  }
0xc6: {  	s1 =	ssub.s32 @!p0 $0x0, s1;
	[sflag:s0] =	ssyncset.done @!p0 $0x0  }
0xc7: {  	[sflag:s0] =	ssyncadd.s32 @!p0 s1  }
0xc8: {  	[bflag:$0x3] =	sbarrier.arrive $0xFFFF  }
0xc9: {  	_ =	shalt  }

// kernel: kernel.19.cloned.1.call-start
scs
__scs_entry_jumppad:
0x0: {  	(pc) =	sbr.rel $0x88, $3  }
0x1: {  	(tag) =	ssettag $0x0;
	lr =	simm.s32 $0x1  }
0x2: {  	[smem:$0x3F99] =	sst lr;
	_ =	strace $0xD0000000  }
0x3: {  	_ = 	snop  }
0x4: {  	_ = 	snop  }
0x5: {  	_ = 	snop  }
0x6: {  	_ = 	snop  }
0x7: {  	_ = 	snop  }
__scs_overlays_trampoline_lowered:
0x8: {  	[smem:$0x3FA8] =	sst s0  }
0x9: {  	[smem:$0x3FA9] =	sst s1  }
0xa: {  	[smem:$0x3FAA] =	sst s2  }
0xb: {  	[smem:$0x3FAB] =	sst s3  }
0xc: {  	[smem:$0x3FAC] =	sst s4  }
0xd: {  	[smem:$0x3FAD] =	sst s5  }
0xe: {  	[smem:$0x3FAE] =	sst s6  }
0xf: {  	[smem:$0x3FAF] =	sst s7  }
0x10: {  	[smem:$0x3FB0] =	sst s8  }
0x11: {  	[smem:$0x3FB1] =	sst s9;
	s0 =	simm.s32 @!p0 $0x0  }
0x12: {  	s1 =	sld [smem:$0x3F97];
	s0 =	simm.s32 @p0 $0x1  }
0x13: {  	[smem:$0x3FB2] =	sst s0;
	s0 =	simm.s32 @!p1 $0x0  }
0x14: {  	s2 =	sld [smem:$0x3F96];
	s0 =	simm.s32 @p1 $0x1  }
0x15: {  	[smem:$0x3FB3] =	sst s0;
	s0 =	simm.s32 @!p2 $0x0  }
0x16: {  	s3 =	sld [smem:$0x3FDB];
	s0 =	simm.s32 @p2 $0x1  }
0x17: {  	s4 =	simm.s32 $0x1BF5;
	[smem:$0x3FB5] =	sst s0  }
0x18: {  	s0 =	sld [smem:$0x3F98];
	_ =	swait.ge [sflag:s4], $0x0  }
0x19: {  	s7 =	sld [smem:$0x3F99]  }
0x1a: {  	s8 =	sadd.s32 $0xFFFFE003, lr  }
0x1b: {  	s9 =	sadd.s32 $0xFFFFFEF7, lr;
	s5 =	simm.s32 $0xFFFFFFFF;
	p2 =	slt.u32 s8, $0xFFFFF086  }
0x1c: {  	p1 =	slt.u32 s9, $0xF7A;
	s5 =	simm.s32 @!p2 $0x0  }
0x1d: {  	s5 =	simm.s32 @p1 $0x1;
	p0 =	seq.s32 s7, s2  }
0x1e: {  	s7 =	smul.u32 @!p0 $0xF7A, s2;
	p2 =	seq.s32 @!p0 s5, $0x0  }
0x1f: {  	s9 =	smul.u32 $0xF7A, s1;
	s8 =	simm.s32 @!p0 $0x1BF5;
	p2 =	por !p2, p0  }
0x20: {  	[sflag:s8] =	ssyncset.s32 @!p0 $0xFFFFF086;
	s6 =	sadd.s32 @!p0 s3, s7;
	s7 =	simm.s32 @!p0 $0x108  }
0x21: {  	s3 =	sadd.s32 s3, s9;
	s6 =	sadd.s32 @!p0 $0x88, s6;
	s7 =	simm.s32 @p2 $0x1082  }
0x22: {  	[simem:s7], [sflag:s8] =	dma.local @!p0 [hbm:s6], $0xF7A  }
0x23: {  	s9 =	sor.u32 $0xD0000000, s2;
	s6 =	simm.s32 $0x108;
	_ =	swait.ge @!p0 [sflag:s8], $0x0  }
0x24: {  	s3 =	sadd.s32 $0x88, s3;
	s6 =	simm.s32 @!p1 $0x1082;
	[sflag:s4] =	ssyncset.s32 $0xFFFFF086  }
0x25: {  	[simem:s6], [sflag:s4] =	dma.local [hbm:s3], $0xF7A  }
0x26: {  	[smem:$0x3F99] =	sst s1;
	(tag) =	ssettag s2;
	_ =	strace s9  }
0x27: {  	s1 =	sld [smem:$0x3FA9]  }
0x28: {  	s2 =	sld [smem:$0x3FAA]  }
0x29: {  	s4 =	sld [smem:$0x3FAC]  }
0x2a: {  	p0 =	seq.s32 s5, $0x0;
	s5 =	sld [smem:$0x3FAD]  }
0x2b: {  	s6 =	sld [smem:$0x3FAE]  }
0x2c: {  	s7 =	sld [smem:$0x3FAF]  }
0x2d: {  	s3 =	simm.s32 $0x108;
	s8 =	sld [smem:$0x3FB0]  }
0x2e: {  	s3 =	simm.s32 @!p0 $0x1082;
	s9 =	sld [smem:$0x3FB1]  }
0x2f: {  	lr =	sadd.s32 s0, s3;
	s0 =	sld [smem:$0x3FA8]  }
0x30: {  	s3 =	sld [smem:$0x3FAB]  }
0x31: {  	[smem:$0x3FB4] =	sst s10  }
0x32: {  	s10 =	sld [smem:$0x3FB2];
	_ =	sdelay $0x3  }
0x33: {  	p0 =	seq.s32 s10, $0x1;
	s10 =	sld [smem:$0x3FB4];
	_ =	sdelay $0x3  }
0x34: {  	[smem:$0x3FB4] =	sst s10  }
0x35: {  	s10 =	sld [smem:$0x3FB3];
	_ =	sdelay $0x3  }
0x36: {  	p1 =	seq.s32 s10, $0x1;
	s10 =	sld [smem:$0x3FB4];
	_ =	sdelay $0x3  }
0x37: {  	[smem:$0x3FB4] =	sst s10  }
0x38: {  	s10 =	sld [smem:$0x3FB5]  }
0x39: {  	_ = 	snop;
	(pc) =	sbr.ind lr, $3  }
0x3a: {  	_ = 	snop  }
0x3b: {  	_ = 	snop  }
0x3c: {  	p2 =	seq.s32 s10, $0x1;
	s10 =	sld [smem:$0x3FB4]  }
0x3d: {  	_ =	shalt  }
0x3e: {  	_ =	shalt  }
0x3f: {  	_ =	shalt  }
0x40: {  	_ =	shalt  }
0x41: {  	_ =	shalt  }
0x42: {  	_ =	shalt  }
0x43: {  	_ =	shalt  }
0x44: {  	_ =	shalt  }
0x45: {  	_ =	shalt  }
0x46: {  	_ =	shalt  }
0x47: {  	_ =	shalt  }
0x48: {  	_ =	shalt  }
0x49: {  	_ =	shalt  }
0x4a: {  	_ =	shalt  }
0x4b: {  	_ =	shalt  }
0x4c: {  	_ =	shalt  }
0x4d: {  	_ =	shalt  }
0x4e: {  	_ =	shalt  }
0x4f: {  	_ =	shalt  }
0x50: {  	_ =	shalt  }
0x51: {  	_ =	shalt  }
0x52: {  	_ =	shalt  }
0x53: {  	_ =	shalt  }
0x54: {  	_ =	shalt  }
0x55: {  	_ =	shalt  }
0x56: {  	_ =	shalt  }
0x57: {  	_ =	shalt  }
0x58: {  	_ =	shalt  }
0x59: {  	_ =	shalt  }
0x5a: {  	_ =	shalt  }
0x5b: {  	_ =	shalt  }
0x5c: {  	_ =	shalt  }
0x5d: {  	_ =	shalt  }
0x5e: {  	_ =	shalt  }
0x5f: {  	_ =	shalt  }
0x60: {  	_ =	shalt  }
0x61: {  	_ =	shalt  }
0x62: {  	_ =	shalt  }
0x63: {  	_ =	shalt  }
0x64: {  	_ =	shalt  }
0x65: {  	_ =	shalt  }
0x66: {  	_ =	shalt  }
0x67: {  	_ =	shalt  }
0x68: {  	_ =	shalt  }
0x69: {  	_ =	shalt  }
0x6a: {  	_ =	shalt  }
0x6b: {  	_ =	shalt  }
0x6c: {  	_ =	shalt  }
0x6d: {  	_ =	shalt  }
0x6e: {  	_ =	shalt  }
0x6f: {  	_ =	shalt  }
0x70: {  	_ =	shalt  }
0x71: {  	_ =	shalt  }
0x72: {  	_ =	shalt  }
0x73: {  	_ =	shalt  }
0x74: {  	_ =	shalt  }
0x75: {  	_ =	shalt  }
0x76: {  	_ =	shalt  }
0x77: {  	_ =	shalt  }
0x78: {  	_ =	shalt  }
0x79: {  	_ =	shalt  }
0x7a: {  	_ =	shalt  }
0x7b: {  	_ =	shalt  }
0x7c: {  	_ =	shalt  }
0x7d: {  	_ =	shalt  }
0x7e: {  	_ =	shalt  }
0x7f: {  	_ =	shalt  }
0x80: {  	_ =	shalt  }
0x81: {  	_ =	shalt  }
0x82: {  	_ =	shalt  }
0x83: {  	_ =	shalt  }
0x84: {  	_ =	shalt  }
0x85: {  	_ =	shalt  }
0x86: {  	_ =	shalt  }
0x87: {  	_ =	shalt  }
.Lfunc_end0:
.L_simem_size_0:
called_computation.2_lowered:
.L_overlay_start_0:
0x88: {  	s2 =	sld [smem:$0x3FD9]  }
0x89: {  	s3 =	sld [smem:$0x3FFE];
	_ =	sdelay $0x1  }
0x8a: {  	s1 =	srdreg.scid  }
0x8b: {  	s0 =	sand.u32 $0x1, s1  }
0x8c: {  	s17 =	sshll.u32 s0, $0xA;
	s2 =	sadd.s32 s3, s2  }
0x8d: {  	s2 =	sadd.s32 s2, s17  }
0x8e: {  	[smem:$0x3FC0] =	sst s2  }
0x8f: {  	_ = 	snop  }
0x90: {  	s2 =	sld [smem:$0x3FD0];
	(tm) =	ssettm $0x1  }
0x91: {  	s18 =	sld [smem:$0x3FFB];
	_ =	sdelay $0x3  }
0x92: {  	_ =	strace s18  }
0x93: {  	s3 =	sld [smem:$0x3FFC];
	_ =	sdelay $0x3  }
0x94: {  	_ =	strace s3  }
0x95: {  	s3 =	sld [smem:$0x3FFD];
	_ =	sdelay $0x3  }
0x96: {  	_ =	strace s3  }
0x97: {  	_ =	strace $0x8FFFFFFF  }
0x98: {  	s19 =	sld [smem:$0x3FDB];
	_ =	sdelay $0x1  }
0x99: {  	s4 =	simm.s32 $_scs_section_size  }
0x9a: {  	s5 =	simm.s32 $_size__tile_overlayer_lowered;
	s6 =	simm.s32 $_tile_overlayer_lowered  }
0x9b: {  	s22 =	simm.s32 $0x1BFF;
	s21 =	sshll.u32 s6, $0x1;
	s3 =	sadd.s32 s4, s19  }
0x9c: {  	s7 =	simm.s32 $0x0;
	s20 =	sshll.u32 s5, $0x1;
	s5 =	sadd.s32 s21, s3  }
0x9d: {  	[timem:s7], [sflag:s22] =	dma.local [hbm:s5], s20  }
0x9e: {  	_ =	swait.ge [sflag:s22], s20  }
0x9f: {  	s4 =	ssub.s32 $0x0, s20;
	[sflag:s22] =	ssyncset.done $0x0  }
0xa0: {  	[sflag:s22] =	ssyncadd.s32 s4;
	_ =	sdelay $0x1  }
0xa1: {  	s23 =	simm.s32 $0x1B8B  }
0xa2: {  	_ =	swait.ge [sflag:s23], $0x1  }
0xa3: {  	[sflag:s23] =	ssyncset.done $0x0  }
0xa4: {  	s25 =	simm.s32 $0x1B8E;
	s24 =	sld [smem:$0x3FFE];
	[sflag:s23] =	ssyncadd.s32 $0xFFFFFFFF  }
0xa5: {  	s26 =	simm.s32 $execute0_lowered;
	[smem:$0x3FD2] =	sst s25  }
0xa6: {  	s5 =	sshll.u32 s26, $0x1;
	_ =	strace $0x8000004C;
	[dreg:$0x1] =	wrdreg $0xFFFFFFFF  }
0xa7: {  	s28 =	simm.s32 $_size_execute0_lowered;
	s3 =	sadd.s32 s3, s5;
	[dreg:$0x0] =	wrdreg $0x0  }
0xa8: {  	s5 =	sshll.u32 s28, $0x1;
	[dreg:$0x2] =	wrdreg s3  }
0xa9: {  	[dreg:$0x3] =	wrdreg s5  }
0xaa: {  	[dreg:$0x4] =	wrdreg $0xC0  }
0xab: {  	_ =	task [dreg:s7], $0x5FFFF  }
0xac: {  	[dreg:$0x1] =	wrdreg $0xFFFFFFFF  }
0xad: {  	[dreg:$0x0] =	wrdreg $0x60  }
0xae: {  	[dreg:$0x2] =	wrdreg s24  }
0xaf: {  	[dreg:$0x3] =	wrdreg s2  }
0xb0: {  	[dreg:$0x4] =	wrdreg $0xB0000  }
0xb1: {  	[dreg:$0x5] =	wrdreg $0x9  }
0xb2: {  	_ =	task.clear_ibuf [dreg:s7], $0x6FFFF;
	_ =	strace $0x9000004C  }
0xb3: {  	s29 =	simm.s32 $0x9;
	_ =	strace $0x8000004E  }
0xb4: {  	_ =	swait.ge [sflag:s29], $0x1  }
0xb5: {  	[sflag:s29] =	ssyncadd.s32 $0xFFFFFFFF  }
0xb6: {  	_ =	strace $0x9000004E  }
0xb7: {  	_ =	sfence  }
0xb8: {  	s30 =	sld [smem:$0x0];
	_ =	sdelay $0x2  }
0xb9: {  	s31 =	sshll.u32 s1, $0xD;
	s1 =	sshrl.u32 s1, $0x2  }
0xba: {  	s3 =	sand.u32 $0x4000, s31;
	s1 =	sadd.s32 s1, s30  }
0xbb: {  	s0 =	sor.u32 s3, s0;
	s1 =	sshll.u32 s1, $0x11  }
0xbc: {  	s0 =	sor.u32 s1, s0  }
0xbd: {  	s0 =	sadd.s32 $0x8F2B, s0  }
0xbe: {  	[sflag:s0] =	ssyncadd.remote.s32 $0x1  }
0xbf: {  	_ =	sfence.sel $0xFFFF  }
0xc0: {  	[dreg:$0x0] =	wrdreg $0xFFFFFFFF;
	(pc) =	sbr.abs _section_cstart, $3  }
0xc1: {  	[dreg:$0x1] =	wrdreg $0xFFFFFFFF  }
0xc2: {  	_ =	task.clear_ibuf [dreg:s7], $0x2FFFF;
	_ =	strace $0x9FFFFFFF  }
0xc3: {  	(tm) =	ssettm $0x7FFFFFFF  }
tec
execute0_lowered:
.L_overlay_start_1:
0x0: {  	(tag) =	ssettag $0x1  }
0x1: {  	s0 =	rddreg [dreg:$0x0]  }
0x2: {  	s1 =	rddreg [dreg:$0x1]  }
0x3: {  	s2 =	rddreg [dreg:$0x2]  }
0x4: {  	s3 =	simm.s32 $0x0;
	s4 =	srdreg.scid;
	s9 =	stileid.u32  }
0x5: {  	s11 =	simm.s32 $0x30;
	[smem:$0x7FF] =	sst s3;
	s5 =	sadd.s32 $0xF200, s0  }
0x6: {  	s6 =	sadd.s32 $0x5200, s0;
	s4 =	sand.u32 $0x1, s4;
	s15 =	sadd.s32 $0x36400, s0  }
0x7: {  	s16 =	sadd.s32 $0x5E400, s0;
	s8 =	smul.u32 $0x50000, s9;
	s10 =	sshll.u32 s9, $0x6  }
0x8: {  	s29 =	smul.u32 $0x280, s9;
	_ =	strace $0x8000004D;
	[dreg:$0x6] =	wrdreg s10  }
0x9: {  	s30 =	smul.u32 $0x2800, s9;
	s7 =	ssub.s32 $0x2, s4;
	[dreg:$0x5] =	wrdreg s16  }
0xa: {  	p0 =	seq.s32 s4, $0x0;
	s10 =	sadd.s32 $0x600, s10;
	[dreg:$0x4] =	wrdreg s15  }
0xb: {  	s28 =	sshrl.u32 s7, $0x1;
	s8 =	sshrl.u32 s8, $0x2;
	s11 =	simm.s32 @!p0 $0x20  }
0xc: {  	s13 =	sadd.s32 $0x80, s29;
	s18 =	sadd.s32 $0x100, s29;
	s4 =	sadd.s32 $0x200, s29  }
0xd: {  	s0 =	ssub.s32 s7, s28;
	s7 =	smul.u32 $0x60, s9;
	s12 =	sadd.s32 s8, s2  }
0xe: {  	s31 =	sshrl.u32 s11, $0x1;
	s9 =	sadd.s32 s16, s30;
	[dreg:$0xd] =	wrdreg s4  }
0xf: {  	s14 =	sshll.u32 s13, $0x7;
	s0 =	smax.u32 s0, $0x1;
	[dreg:$0x8] =	wrdreg s9  }
0x10: {  	s9 =	sadd.s32 s14, s2;
	s14 =	sadd.s32 $0x180, s29;
	[dreg:$0x7] =	wrdreg s0  }
0x11: {  	s26 =	sadd.s32 $0xFFFFFFFF, s31;
	s25 =	sadd.s32 $0x4000, s12;
	[dreg:$0x9] =	wrdreg s9  }
0x12: {  	s28 =	sadd.s32 $0x8000, s12;
	s29 =	sadd.s32 $0xC000, s12;
	[dreg:$0x13] =	wrdreg s25  }
0x13: {  	s31 =	sshll.u32 s4, $0x4;
	s4 =	simm.s32 $0x80;
	[dreg:$0x14] =	wrdreg s28  }
0x14: {  	s10 =	smov.u32 @p0 s7;
	s0 =	sshll.u32 s13, $0x4;
	[dreg:$0x15] =	wrdreg s29  }
0x15: {  	s13 =	sshll.u32 s18, $0x7;
	s7 =	sadd.s32 s15, s30;
	[dreg:$0x17] =	wrdreg s31  }
0x16: {  	s9 =	sshll.u32 s18, $0x4;
	s30 =	sadd.s32 $0x10000, s12;
	[dreg:$0xe] =	wrdreg s7  }
0x17: {  	s20 =	sshll.u32 s14, $0x7;
	s17 =	sadd.s32 s16, s0;
	[dreg:$0x16] =	wrdreg s30  }
0x18: {  	s21 =	sshll.u32 s14, $0x4;
	s13 =	sadd.s32 s13, s2;
	[dreg:$0xa] =	wrdreg s17  }
0x19: {  	s14 =	simm.s32 $0x1800;
	s19 =	sadd.s32 s16, s9;
	[dreg:$0xb] =	wrdreg s13  }
0x1a: {  	s18 =	simm.s32 $0x1;
	s0 =	sadd.s32 s15, s0;
	[dreg:$0xc] =	wrdreg s19  }
0x1b: {  	s22 =	sadd.s32 s15, s9;
	s23 =	sadd.s32 s16, s21;
	[dreg:$0xf] =	wrdreg s0  }
0x1c: {  	s24 =	sadd.s32 s15, s21;
	s9 =	simm.s32 $0x3000;
	[dreg:$0x10] =	wrdreg s22  }
0x1d: {  	s16 =	simm.s32 $0x7000;
	s21 =	simm.s32 $0x2;
	[dreg:$0x11] =	wrdreg s23  }
0x1e: {  	s7 =	simm.s32 $0x4;
	s19 =	sadd.s32 s20, s2;
	[dreg:$0x12] =	wrdreg s24  }
0x1f: {  	v0 =	vimm.f32 $0.0e+00;
	s13 =	simm.s32 $0x5;
	s22 =	simm.s32 $0x3;
	s23 =	simm.s32 $0x0  }
.LBB2_1:
0x20: {  	s0 =	sand.u32 $0xFE00, s3  }
0x21: {  	s8 =	sand.u32 $0x70, s3;
	s15 =	sshrl.u32 s0, $0x2  }
0x22: {  	s0 =	simm.s32 $0x40;
	s15 =	sor.u32 s8, s15;
	s8 =	simm.s32 $0x0  }
.LBB2_2:
0x23: {  	p1 =	sne.s32 s0, $0xFFC0  }
0x24: {  	[tilespmem:s15+$0x3000] =	vst v0;
	s8 =	sadd.s32 $0x10, s8;
	s15 =	smov.u32 s0;
	s0 =	sadd.s32 $0x40, s0  }
.Ltmp0:
0x25: {  	(pc) =	sbr.rel @p1 .LBB2_2-.Ltmp0, $4  }
0x26: {  	_ = 	snop  }
0x27: {  	s15 =	sand.u32 $0xFE00, s15  }
0x28: {  	s20 =	sand.u32 $0x70, s8;
	s15 =	sshrl.u32 s15, $0x2  }
0x29: {  	s15 =	sor.u32 s20, s15  }
0x2a: {  	[tilespmem:s15+$0x3000] =	vst v0  }
0x2b: {  	[spmem:s12] =	stream.linear.scatter [tilespmem:s9], [sflag:$0x5], $0x4000, $0x38;
	[tilespmem:$0x1F000] =	vst v63  }
0x2c: {  	_ =	swait.ge [sflag:s13], $0x4000  }
0x2d: {  	[sflag:s13] =	ssyncset.done $0x0  }
0x2e: {  	s0 =	rddreg [dreg:$0x13];
	[sflag:s13] =	ssyncadd.s32 $0xFFFFC000  }
0x2f: {  	[spmem:s0] =	stream.linear.scatter [tilespmem:s9], [sflag:$0x5], $0x4000, $0x38;
	[tilespmem:$0x1F000] =	vst v63  }
0x30: {  	_ =	swait.ge [sflag:s13], $0x4000  }
0x31: {  	[sflag:s13] =	ssyncset.done $0x0  }
0x32: {  	s29 =	rddreg [dreg:$0x14];
	[sflag:s13] =	ssyncadd.s32 $0xFFFFC000  }
0x33: {  	[spmem:s29] =	stream.linear.scatter [tilespmem:s9], [sflag:$0x5], $0x4000, $0x38;
	[tilespmem:$0x1F000] =	vst v63  }
0x34: {  	_ =	swait.ge [sflag:s13], $0x4000  }
0x35: {  	[sflag:s13] =	ssyncset.done $0x0  }
0x36: {  	s30 =	rddreg [dreg:$0x15];
	[sflag:s13] =	ssyncadd.s32 $0xFFFFC000  }
0x37: {  	[spmem:s30] =	stream.linear.scatter [tilespmem:s9], [sflag:$0x5], $0x4000, $0x38;
	[tilespmem:$0x1F000] =	vst v63  }
0x38: {  	_ =	swait.ge [sflag:s13], $0x4000  }
0x39: {  	[sflag:s13] =	ssyncset.done $0x0  }
0x3a: {  	s31 =	rddreg [dreg:$0x16];
	[sflag:s13] =	ssyncadd.s32 $0xFFFFC000  }
0x3b: {  	[spmem:s31] =	stream.linear.scatter [tilespmem:s9], [sflag:$0x5], $0x4000, $0x38;
	[tilespmem:$0x1F000] =	vst v63  }
0x3c: {  	_ =	swait.ge [sflag:s13], $0x4000  }
0x3d: {  	[sflag:s13] =	ssyncset.done $0x0  }
0x3e: {  	[sflag:s13] =	ssyncadd.s32 $0xFFFFC000  }
0x3f: {  	p2 =	por $0x1, $0x1;
	s0 =	simm.s32 $0x0;
	[bflag:$0x0] =	sbarrier.arrive $0xFFFF  }
.LBB2_4:
0x40: {  	s0 =	sadd.s32 s10, s0  }
0x41: {  	s0 =	sshll.u32 s0, $0x4  }
0x42: {  	s8 =	sadd.s32 s6, s0  }
0x43: {  	[tilespmem:s3], [sflag:$0x5] =	stream.linear.gather [hbm4b:s8+s3], $0x1800, $0x38;
	[tilespmem:$0x1F000] =	vst v63  }
0x44: {  	_ =	swait.ge [sflag:s13], $0x1800  }
0x45: {  	[sflag:s13] =	ssyncset.done $0x0  }
0x46: {  	s0 =	sadd.s32 s1, s0;
	[sflag:s13] =	ssyncadd.s32 $0xFFFFE800  }
0x47: {  	[tilespmem:s14], [sflag:$0x5] =	stream.linear.gather [hbm4b:s0+s3], $0x1800, $0x38;
	[tilespmem:$0x1F000] =	vst v63  }
0x48: {  	_ =	swait.ge [sflag:s13], $0x1800  }
0x49: {  	[sflag:s13] =	ssyncset.done $0x0  }
0x4a: {  	[sflag:s13] =	ssyncadd.s32 $0xFFFFE800  }
0x4b: {  	[tilespmem:s9], [sflag:$0x1] =	stream.indirect.gather [hbm4b:s5+s4], $0x80, s3, s4, $0xb8;
	[tilespmem:$0x1F000] =	vst v63  }
0x4c: {  	_ = 	snop  }
0x4d: {  	[tilespmem:s16], [sflag:$0x2] =	stream.indirect.gather [hbm4b:s5+s4], $0x80, s4, s4, $0xb8;
	[tilespmem:$0x1F000] =	vst v63  }
0x4e: {  	_ =	swait.ge [sflag:s18], $0x4000  }
0x4f: {  	p1 =	sle.u32 s11, $0x2;
	s25 =	simm.s32 $0x1800;
	[sflag:s18] =	ssyncset.done $0x0  }
0x50: {  	s24 =	simm.s32 $0x180;
	s8 =	simm.s32 @!p1 $0x3;
	[sflag:s18] =	ssyncadd.s32 $0xFFFFC000  }
0x51: {  	[spmem:s2] =	stream.indirect.scatter.add.f32 [tilespmem:s9], [sflag:$0x3], $0x80, s25, s4, $0xb8;
	[tilespmem:$0x1F000] =	vst v63  }
0x52: {  	p3 =	sle.u32 s11, $0x3;
	s29 =	sadd.s32 $0xFFFFFFFF, s26;
	_ =	swait.ge @!p1 [sflag:s8], $0x4000  }
0x53: {  	s28 =	simm.s32 $0x1980;
	s15 =	simm.s32 @!p1 $0x100;
	[sflag:s8] =	ssyncset.done @!p1 $0x0  }
0x54: {  	s20 =	simm.s32 @!p1 $0x80;
	s0 =	simm.s32 @!p1 $0x3000;
	[sflag:s8] =	ssyncadd.s32 @!p1 $0xFFFFC000  }
0x55: {  	[tilespmem:s0], [sflag:$0x1] =	stream.indirect.gather @!p1 [hbm4b:s5+s20], $0x80, s15, s20, $0xb8;
	[tilespmem:$0x1F000] =	vst v63  }
0x56: {  	s30 =	simm.s32 $0x180;
	p4 =	sne.s32 s29, $0x0;
	_ =	swait.ge [sflag:s21], $0x4000  }
.Ltmp1:
0x57: {  	s31 =	simm.s32 @!p3 $0x4;
	[sflag:s21] =	ssyncset.done $0x0;
	(pc) =	sbr.rel @!p4 .LBB2_6-.Ltmp1, $4  }
0x58: {  	s25 =	simm.s32 $0x5;
	s8 =	simm.s32 $0x1880;
	[sflag:s21] =	ssyncadd.s32 $0xFFFFC000  }
0x59: {  	[spmem:s2] =	stream.indirect.scatter.add.f32 [tilespmem:s16], [sflag:$0x4], $0x80, s8, s4, $0xb8;
	[tilespmem:$0x1F000] =	vst v63  }
0x5a: {  	s0 =	simm.s32 @!p3 $0x80;
	p1 =	por p2, p2;
	_ =	swait.ge @!p3 [sflag:s31], $0x4000  }
0x5b: {  	s15 =	simm.s32 @!p3 $0x7000;
	s20 =	simm.s32 $0x180;
	[sflag:s31] =	ssyncset.done @!p3 $0x0  }
.LBB2_5:
0x5c: {  	s30 =	smov.u32 s24;
	s8 =	smov.u32 s28  }
0x5d: {  	s29 =	sadd.s32 $0xFFFFFFFF, s29;
	s24 =	sadd.s32 $0x100, s24;
	[sflag:s31] =	ssyncadd.s32 @!p3 $0xFFFFC000  }
0x5e: {  	[tilespmem:s15], [sflag:$0x2] =	stream.indirect.gather @!p3 [hbm4b:s5+s0], $0x80, s20, s0, $0xb8;
	[tilespmem:$0x1F000] =	vst v63  }
0x5f: {  	p2 =	sne.s32 s29, $0x0;
	s0 =	sadd.s32 $0xFFFFFFFF, s25;
	_ =	swait.ge [sflag:s18], $0x4000  }
0x60: {  	s15 =	sadd.s32 $0xFFFFFF80, s28;
	p3 =	sge.u32 s0, s11;
	[sflag:s18] =	ssyncset.done $0x0  }
0x61: {  	s20 =	smov.u32 s24;
	s0 =	simm.s32 @!p3 $0x3;
	[sflag:s18] =	ssyncadd.s32 $0xFFFFC000  }
0x62: {  	[spmem:s2] =	stream.indirect.scatter.add.f32 [tilespmem:s9], [sflag:$0x3], $0x80, s15, s4, $0xb8;
	[tilespmem:$0x1F000] =	vst v63  }
0x63: {  	s15 =	simm.s32 @!p3 $0x3000;
	_ =	swait.ge @!p3 [sflag:s0], $0x4000  }
0x64: {  	s31 =	sadd.s32 @!p3 $0xFFFFFF80, s24;
	s17 =	simm.s32 @!p3 $0x80;
	[sflag:s0] =	ssyncset.done @!p3 $0x0  }
0x65: {  	[sflag:s0] =	ssyncadd.s32 @!p3 $0xFFFFC000  }
0x66: {  	[tilespmem:s15], [sflag:$0x1] =	stream.indirect.gather @!p3 [hbm4b:s5+s17], $0x80, s31, s17, $0xb8;
	[tilespmem:$0x1F000] =	vst v63  }
0x67: {  	_ =	swait.ge [sflag:s21], $0x4000  }
.Ltmp2:
0x68: {  	p3 =	sge.u32 s25, s11;
	[sflag:s21] =	ssyncset.done $0x0;
	(pc) =	sbr.rel @p2 .LBB2_5-.Ltmp2, $4  }
0x69: {  	s31 =	simm.s32 @!p3 $0x4;
	[sflag:s21] =	ssyncadd.s32 $0xFFFFC000  }
0x6a: {  	[spmem:s2] =	stream.indirect.scatter.add.f32 [tilespmem:s16], [sflag:$0x4], $0x80, s28, s4, $0xb8;
	[tilespmem:$0x1F000] =	vst v63  }
0x6b: {  	s25 =	sadd.s32 $0x2, s25;
	s28 =	sadd.s32 $0x100, s28;
	_ =	swait.ge @!p3 [sflag:s31], $0x4000  }
0x6c: {  	s0 =	simm.s32 @!p3 $0x80;
	s15 =	simm.s32 @!p3 $0x7000;
	[sflag:s31] =	ssyncset.done @!p3 $0x0  }
.LBB2_6:
0x6d: {  	[sflag:s31] =	ssyncadd.s32 @!p3 $0xFFFFC000  }
0x6e: {  	[tilespmem:s15], [sflag:$0x2] =	stream.indirect.gather @!p3 [hbm4b:s5+s0], $0x80, s20, s0, $0xb8;
	[tilespmem:$0x1F000] =	vst v63  }
0x6f: {  	s31 =	sadd.s32 $0xFFFFFFFF, s25;
	_ =	swait.ge [sflag:s18], $0x4000  }
0x70: {  	p2 =	sge.u32 s31, s11;
	[sflag:s18] =	ssyncset.done $0x0  }
0x71: {  	s29 =	sadd.s32 $0x80, s8;
	s0 =	simm.s32 @!p2 $0x3;
	[sflag:s18] =	ssyncadd.s32 $0xFFFFC000  }
0x72: {  	[spmem:s2] =	stream.indirect.scatter.add.f32 [tilespmem:s9], [sflag:$0x3], $0x80, s29, s4, $0xb8;
	[tilespmem:$0x1F000] =	vst v63  }
0x73: {  	_ =	swait.ge @!p2 [sflag:s0], $0x4000  }
0x74: {  	s8 =	simm.s32 @!p2 $0x80;
	[sflag:s0] =	ssyncset.done @!p2 $0x0  }
0x75: {  	s15 =	simm.s32 @!p2 $0x3000;
	[sflag:s0] =	ssyncadd.s32 @!p2 $0xFFFFC000;
	s0 =	sadd.s32 @!p2 $0x80, s30  }
0x76: {  	[tilespmem:s15], [sflag:$0x1] =	stream.indirect.gather @!p2 [hbm4b:s5+s8], $0x80, s0, s8, $0xb8;
	[tilespmem:$0x1F000] =	vst v63  }
0x77: {  	_ =	swait.ge [sflag:s21], $0x4000  }
0x78: {  	p2 =	sge.u32 s25, s11;
	[sflag:s21] =	ssyncset.done $0x0  }
0x79: {  	s0 =	simm.s32 @!p2 $0x4;
	[sflag:s21] =	ssyncadd.s32 $0xFFFFC000  }
0x7a: {  	[spmem:s2] =	stream.indirect.scatter.add.f32 [tilespmem:s16], [sflag:$0x4], $0x80, s28, s4, $0xb8;
	[tilespmem:$0x1F000] =	vst v63  }
0x7b: {  	_ =	swait.ge @!p2 [sflag:s0], $0x4000  }
0x7c: {  	s8 =	sadd.s32 $0x100, s24;
	[sflag:s0] =	ssyncset.done @!p2 $0x0  }
0x7d: {  	s15 =	simm.s32 @!p2 $0x7000;
	[sflag:s0] =	ssyncadd.s32 @!p2 $0xFFFFC000;
	s0 =	simm.s32 @!p2 $0x80  }
0x7e: {  	[tilespmem:s15], [sflag:$0x2] =	stream.indirect.gather @!p2 [hbm4b:s5+s0], $0x80, s8, s0, $0xb8;
	[tilespmem:$0x1F000] =	vst v63  }
0x7f: {  	_ =	swait.ge [sflag:s22], $0x4000  }
.Ltmp3:
0x80: {  	[sflag:s22] =	ssyncset.done $0x0;
	(pc) =	sbr.rel @p1 .LBB2_4-.Ltmp3, $4  }
0x81: {  	[sflag:s22] =	ssyncadd.s32 $0xFFFFC000  }
0x82: {  	_ =	swait.ge [sflag:s7], $0x4000  }
0x83: {  	[sflag:s7] =	ssyncset.done $0x0  }
0x84: {  	p2 =	por $0x0, $0x0;
	s0 =	smov.u32 s11;
	[sflag:s7] =	ssyncadd.s32 $0xFFFFC000  }
0x85: {  	s17 =	stileid.u32  }
0x86: {  	[bflag:$0x0] =	sbarrier.arrive $0xFFFF;
	s0 =	sshll.u32 @p0 s17, $0x6  }
0x87: {  	s8 =	sshrl.u32 @p0 s12, $0x3;
	s15 =	rddreg [dreg:$0xe];
	s0 =	sor.u32 @p0 $0x1C06, s0  }
0x88: {  	[hbm:s15], [sflag:s0] =	dma.local @p0 [spmem:s8], $0x800  }
0x89: {  	s8 =	simm.s32 @p0 $0x6  }
0x8a: {  	_ =	swait.ge @p0 [sflag:s8], $0x800  }
0x8b: {  	[sflag:s8] =	ssyncset.done @p0 $0x0;
	s24 =	rddreg [dreg:$0x9]  }
0x8c: {  	s20 =	rddreg [dreg:$0xf];
	[sflag:s8] =	ssyncadd.s32 @p0 $0xFFFFF800;
	s15 =	sshrl.u32 @p0 s24, $0x3  }
0x8d: {  	[hbm:s20], [sflag:s0] =	dma.local @p0 [spmem:s15], $0x800  }
0x8e: {  	_ =	swait.ge @p0 [sflag:s8], $0x800  }
0x8f: {  	[sflag:s8] =	ssyncset.done @p0 $0x0;
	s25 =	rddreg [dreg:$0xb]  }
0x90: {  	s20 =	rddreg [dreg:$0x10];
	[sflag:s8] =	ssyncadd.s32 @p0 $0xFFFFF800;
	s15 =	sshrl.u32 @p0 s25, $0x3  }
0x91: {  	[hbm:s20], [sflag:s0] =	dma.local @p0 [spmem:s15], $0x800  }
0x92: {  	_ =	swait.ge @p0 [sflag:s8], $0x800  }
0x93: {  	[sflag:s8] =	ssyncset.done @p0 $0x0  }
0x94: {  	s15 =	sshrl.u32 @p0 s19, $0x3;
	s20 =	rddreg [dreg:$0x12];
	[sflag:s8] =	ssyncadd.s32 @p0 $0xFFFFF800  }
0x95: {  	[hbm:s20], [sflag:s0] =	dma.local @p0 [spmem:s15], $0x800  }
0x96: {  	s0 =	sshll.u32 @!p0 s17, $0x6;
	_ =	swait.ge @p0 [sflag:s8], $0x800  }
0x97: {  	s0 =	sor.u32 @!p0 $0x1C05, s0;
	[sflag:s8] =	ssyncset.done @p0 $0x0  }
0x98: {  	s15 =	rddreg [dreg:$0x8];
	[sflag:s8] =	ssyncadd.s32 @p0 $0xFFFFF800;
	s8 =	sshrl.u32 @!p0 s12, $0x3  }
0x99: {  	[hbm:s15], [sflag:s0] =	dma.local @!p0 [spmem:s8], $0x800  }
0x9a: {  	s8 =	simm.s32 @!p0 $0x5  }
0x9b: {  	_ =	swait.ge @!p0 [sflag:s8], $0x800  }
0x9c: {  	[sflag:s8] =	ssyncset.done @!p0 $0x0  }
0x9d: {  	s15 =	sshrl.u32 @!p0 s24, $0x3;
	s17 =	rddreg [dreg:$0xa];
	[sflag:s8] =	ssyncadd.s32 @!p0 $0xFFFFF800  }
0x9e: {  	[hbm:s17], [sflag:s0] =	dma.local @!p0 [spmem:s15], $0x800  }
0x9f: {  	_ =	swait.ge @!p0 [sflag:s8], $0x800  }
0xa0: {  	[sflag:s8] =	ssyncset.done @!p0 $0x0  }
0xa1: {  	s15 =	sshrl.u32 @!p0 s25, $0x3;
	s17 =	rddreg [dreg:$0xc];
	[sflag:s8] =	ssyncadd.s32 @!p0 $0xFFFFF800  }
0xa2: {  	[hbm:s17], [sflag:s0] =	dma.local @!p0 [spmem:s15], $0x800  }
0xa3: {  	_ =	swait.ge @!p0 [sflag:s8], $0x800  }
0xa4: {  	[sflag:s8] =	ssyncset.done @!p0 $0x0  }
0xa5: {  	s15 =	sshrl.u32 @!p0 s19, $0x3;
	s17 =	rddreg [dreg:$0x11];
	[sflag:s8] =	ssyncadd.s32 @!p0 $0xFFFFF800  }
0xa6: {  	[hbm:s17], [sflag:s0] =	dma.local @!p0 [spmem:s15], $0x800  }
0xa7: {  	_ =	swait.ge @!p0 [sflag:s8], $0x800  }
0xa8: {  	s0 =	rddreg [dreg:$0x5]  }
0xa9: {  	s28 =	rddreg [dreg:$0xd]  }
0xaa: {  	s17 =	rddreg [dreg:$0x4]  }
0xab: {  	s29 =	rddreg [dreg:$0x6]  }
0xac: {  	[sflag:s8] =	ssyncset.done @!p0 $0x0;
	s30 =	rddreg [dreg:$0x17]  }
0xad: {  	[sflag:s8] =	ssyncadd.s32 @!p0 $0xFFFFF800;
	s8 =	simm.s32 @p0 $0x6;
	s15 =	sshll.u32 s28, $0x7  }
0xae: {  	s0 =	smov.u32 @p0 s17;
	s15 =	sadd.s32 s15, s2;
	s17 =	sadd.s32 s8, s29  }
0xaf: {  	s0 =	sadd.s32 s0, s30;
	s17 =	sadd.s32 $0x1C00, s17;
	s15 =	sshrl.u32 s15, $0x3  }
0xb0: {  	[hbm:s0], [sflag:s17] =	dma.local [spmem:s15], $0x800  }
0xb1: {  	_ =	swait.ge [sflag:s8], $0x800  }
0xb2: {  	s23 =	sadd.s32 $0x1, s23;
	s31 =	rddreg [dreg:$0x7]  }
0xb3: {  	p1 =	sne.s32 s23, s31  }
.Ltmp4:
0xb4: {  	_ = 	snop;
	(pc) =	sbr.rel @p1 .LBB2_1-.Ltmp4, $3  }
0xb5: {  	_ =	sdelay $0x1  }
0xb6: {  	[sflag:s8] =	ssyncset.done $0x0  }
0xb7: {  	s20 =	stileid.u32;
	[sflag:s8] =	ssyncadd.s32 $0xFFFFF800  }
0xb8: {  	_ =	sfence.sel $0x180000  }
0xb9: {  	[bflag:$0x0] =	sbarrier.arrive $0xFFFF  }
0xba: {  	_ =	strace $0x9000004D  }
0xbb: {  	[bflag:$0x2] =	sbarrier.arrive $0xFFFF  }
0xbc: {  	p0 =	sne.s32 s20, $0x0;
	s0 =	rddreg [dreg:$0x3]  }
0xbd: {  	s0 =	sadd.s32 @!p0 $0x100000, s0  }
0xbe: {  	[sflag:s0] =	ssyncadd.tile.s32 @!p0 $0x1;
	_ =	shalt  }
.Lfunc_end2:
_tile_overlayer_lowered:
.L_overlay_start_2:
0xbf: {  	(tag) =	ssettag $0x2  }
0xc0: {  	s0 =	rddreg [dreg:$0x0];
	s2 =	stileid.u32  }
0xc1: {  	s1 =	rddreg [dreg:$0x1];
	p0 =	sne.s32 s2, $0x0  }
0xc2: {  	s3 =	rddreg [dreg:$0x2];
	[bflag:$0x3] =	sbarrier.arrive $0xFFFF;
	s2 =	simm.s32 @!p0 $0x1C05  }
0xc3: {  	[timem:s3], [sflag:s2] =	dma.local @!p0 [hbm:s0], s1  }
0xc4: {  	s0 =	simm.s32 @!p0 $0x5  }
0xc5: {  	_ =	swait.ge @!p0 [sflag:s0], s1  }
0xc6: {  	s1 =	ssub.s32 @!p0 $0x0, s1;
	[sflag:s0] =	ssyncset.done @!p0 $0x0  }
0xc7: {  	[sflag:s0] =	ssyncadd.s32 @!p0 s1  }
0xc8: {  	[bflag:$0x3] =	sbarrier.arrive $0xFFFF  }
0xc9: {  	_ =	shalt  }

// kernel: kernel.22.cloned.1.call-start
scs
__scs_entry_jumppad:
0x0: {  	(pc) =	sbr.rel $0x88, $3  }
0x1: {  	(tag) =	ssettag $0x0;
	lr =	simm.s32 $0x1  }
0x2: {  	[smem:$0x3F99] =	sst lr;
	_ =	strace $0xD0000000  }
0x3: {  	_ = 	snop  }
0x4: {  	_ = 	snop  }
0x5: {  	_ = 	snop  }
0x6: {  	_ = 	snop  }
0x7: {  	_ = 	snop  }
__scs_overlays_trampoline_lowered:
0x8: {  	[smem:$0x3FA8] =	sst s0  }
0x9: {  	[smem:$0x3FA9] =	sst s1  }
0xa: {  	[smem:$0x3FAA] =	sst s2  }
0xb: {  	[smem:$0x3FAB] =	sst s3  }
0xc: {  	[smem:$0x3FAC] =	sst s4  }
0xd: {  	[smem:$0x3FAD] =	sst s5  }
0xe: {  	[smem:$0x3FAE] =	sst s6  }
0xf: {  	[smem:$0x3FAF] =	sst s7  }
0x10: {  	[smem:$0x3FB0] =	sst s8  }
0x11: {  	[smem:$0x3FB1] =	sst s9;
	s0 =	simm.s32 @!p0 $0x0  }
0x12: {  	s1 =	sld [smem:$0x3F97];
	s0 =	simm.s32 @p0 $0x1  }
0x13: {  	[smem:$0x3FB2] =	sst s0;
	s0 =	simm.s32 @!p1 $0x0  }
0x14: {  	s2 =	sld [smem:$0x3F96];
	s0 =	simm.s32 @p1 $0x1  }
0x15: {  	[smem:$0x3FB3] =	sst s0;
	s0 =	simm.s32 @!p2 $0x0  }
0x16: {  	s3 =	sld [smem:$0x3FDB];
	s0 =	simm.s32 @p2 $0x1  }
0x17: {  	s4 =	simm.s32 $0x1BF5;
	[smem:$0x3FB5] =	sst s0  }
0x18: {  	s0 =	sld [smem:$0x3F98];
	_ =	swait.ge [sflag:s4], $0x0  }
0x19: {  	s7 =	sld [smem:$0x3F99]  }
0x1a: {  	s8 =	sadd.s32 $0xFFFFE003, lr  }
0x1b: {  	s9 =	sadd.s32 $0xFFFFFEF7, lr;
	s5 =	simm.s32 $0xFFFFFFFF;
	p2 =	slt.u32 s8, $0xFFFFF086  }
0x1c: {  	p1 =	slt.u32 s9, $0xF7A;
	s5 =	simm.s32 @!p2 $0x0  }
0x1d: {  	s5 =	simm.s32 @p1 $0x1;
	p0 =	seq.s32 s7, s2  }
0x1e: {  	s7 =	smul.u32 @!p0 $0xF7A, s2;
	p2 =	seq.s32 @!p0 s5, $0x0  }
0x1f: {  	s9 =	smul.u32 $0xF7A, s1;
	s8 =	simm.s32 @!p0 $0x1BF5;
	p2 =	por !p2, p0  }
0x20: {  	[sflag:s8] =	ssyncset.s32 @!p0 $0xFFFFF086;
	s6 =	sadd.s32 @!p0 s3, s7;
	s7 =	simm.s32 @!p0 $0x108  }
0x21: {  	s3 =	sadd.s32 s3, s9;
	s6 =	sadd.s32 @!p0 $0x88, s6;
	s7 =	simm.s32 @p2 $0x1082  }
0x22: {  	[simem:s7], [sflag:s8] =	dma.local @!p0 [hbm:s6], $0xF7A  }
0x23: {  	s9 =	sor.u32 $0xD0000000, s2;
	s6 =	simm.s32 $0x108;
	_ =	swait.ge @!p0 [sflag:s8], $0x0  }
0x24: {  	s3 =	sadd.s32 $0x88, s3;
	s6 =	simm.s32 @!p1 $0x1082;
	[sflag:s4] =	ssyncset.s32 $0xFFFFF086  }
0x25: {  	[simem:s6], [sflag:s4] =	dma.local [hbm:s3], $0xF7A  }
0x26: {  	[smem:$0x3F99] =	sst s1;
	(tag) =	ssettag s2;
	_ =	strace s9  }
0x27: {  	s1 =	sld [smem:$0x3FA9]  }
0x28: {  	s2 =	sld [smem:$0x3FAA]  }
0x29: {  	s4 =	sld [smem:$0x3FAC]  }
0x2a: {  	p0 =	seq.s32 s5, $0x0;
	s5 =	sld [smem:$0x3FAD]  }
0x2b: {  	s6 =	sld [smem:$0x3FAE]  }
0x2c: {  	s7 =	sld [smem:$0x3FAF]  }
0x2d: {  	s3 =	simm.s32 $0x108;
	s8 =	sld [smem:$0x3FB0]  }
0x2e: {  	s3 =	simm.s32 @!p0 $0x1082;
	s9 =	sld [smem:$0x3FB1]  }
0x2f: {  	lr =	sadd.s32 s0, s3;
	s0 =	sld [smem:$0x3FA8]  }
0x30: {  	s3 =	sld [smem:$0x3FAB]  }
0x31: {  	[smem:$0x3FB4] =	sst s10  }
0x32: {  	s10 =	sld [smem:$0x3FB2];
	_ =	sdelay $0x3  }
0x33: {  	p0 =	seq.s32 s10, $0x1;
	s10 =	sld [smem:$0x3FB4];
	_ =	sdelay $0x3  }
0x34: {  	[smem:$0x3FB4] =	sst s10  }
0x35: {  	s10 =	sld [smem:$0x3FB3];
	_ =	sdelay $0x3  }
0x36: {  	p1 =	seq.s32 s10, $0x1;
	s10 =	sld [smem:$0x3FB4];
	_ =	sdelay $0x3  }
0x37: {  	[smem:$0x3FB4] =	sst s10  }
0x38: {  	s10 =	sld [smem:$0x3FB5]  }
0x39: {  	_ = 	snop;
	(pc) =	sbr.ind lr, $3  }
0x3a: {  	_ = 	snop  }
0x3b: {  	_ = 	snop  }
0x3c: {  	p2 =	seq.s32 s10, $0x1;
	s10 =	sld [smem:$0x3FB4]  }
0x3d: {  	_ =	shalt  }
0x3e: {  	_ =	shalt  }
0x3f: {  	_ =	shalt  }
0x40: {  	_ =	shalt  }
0x41: {  	_ =	shalt  }
0x42: {  	_ =	shalt  }
0x43: {  	_ =	shalt  }
0x44: {  	_ =	shalt  }
0x45: {  	_ =	shalt  }
0x46: {  	_ =	shalt  }
0x47: {  	_ =	shalt  }
0x48: {  	_ =	shalt  }
0x49: {  	_ =	shalt  }
0x4a: {  	_ =	shalt  }
0x4b: {  	_ =	shalt  }
0x4c: {  	_ =	shalt  }
0x4d: {  	_ =	shalt  }
0x4e: {  	_ =	shalt  }
0x4f: {  	_ =	shalt  }
0x50: {  	_ =	shalt  }
0x51: {  	_ =	shalt  }
0x52: {  	_ =	shalt  }
0x53: {  	_ =	shalt  }
0x54: {  	_ =	shalt  }
0x55: {  	_ =	shalt  }
0x56: {  	_ =	shalt  }
0x57: {  	_ =	shalt  }
0x58: {  	_ =	shalt  }
0x59: {  	_ =	shalt  }
0x5a: {  	_ =	shalt  }
0x5b: {  	_ =	shalt  }
0x5c: {  	_ =	shalt  }
0x5d: {  	_ =	shalt  }
0x5e: {  	_ =	shalt  }
0x5f: {  	_ =	shalt  }
0x60: {  	_ =	shalt  }
0x61: {  	_ =	shalt  }
0x62: {  	_ =	shalt  }
0x63: {  	_ =	shalt  }
0x64: {  	_ =	shalt  }
0x65: {  	_ =	shalt  }
0x66: {  	_ =	shalt  }
0x67: {  	_ =	shalt  }
0x68: {  	_ =	shalt  }
0x69: {  	_ =	shalt  }
0x6a: {  	_ =	shalt  }
0x6b: {  	_ =	shalt  }
0x6c: {  	_ =	shalt  }
0x6d: {  	_ =	shalt  }
0x6e: {  	_ =	shalt  }
0x6f: {  	_ =	shalt  }
0x70: {  	_ =	shalt  }
0x71: {  	_ =	shalt  }
0x72: {  	_ =	shalt  }
0x73: {  	_ =	shalt  }
0x74: {  	_ =	shalt  }
0x75: {  	_ =	shalt  }
0x76: {  	_ =	shalt  }
0x77: {  	_ =	shalt  }
0x78: {  	_ =	shalt  }
0x79: {  	_ =	shalt  }
0x7a: {  	_ =	shalt  }
0x7b: {  	_ =	shalt  }
0x7c: {  	_ =	shalt  }
0x7d: {  	_ =	shalt  }
0x7e: {  	_ =	shalt  }
0x7f: {  	_ =	shalt  }
0x80: {  	_ =	shalt  }
0x81: {  	_ =	shalt  }
0x82: {  	_ =	shalt  }
0x83: {  	_ =	shalt  }
0x84: {  	_ =	shalt  }
0x85: {  	_ =	shalt  }
0x86: {  	_ =	shalt  }
0x87: {  	_ =	shalt  }
.Lfunc_end0:
.L_simem_size_0:
called_computation.3_lowered:
.L_overlay_start_0:
0x88: {  	s2 =	sld [smem:$0x3FD9]  }
0x89: {  	s3 =	sld [smem:$0x3FFE];
	_ =	sdelay $0x1  }
0x8a: {  	s1 =	srdreg.scid  }
0x8b: {  	s0 =	sand.u32 $0x1, s1  }
0x8c: {  	s17 =	sshll.u32 s0, $0xA;
	s2 =	sadd.s32 s3, s2  }
0x8d: {  	s2 =	sadd.s32 s2, s17  }
0x8e: {  	[smem:$0x3FC0] =	sst s2  }
0x8f: {  	_ = 	snop  }
0x90: {  	s2 =	sld [smem:$0x3FD0];
	(tm) =	ssettm $0x1  }
0x91: {  	s18 =	sld [smem:$0x3FFB];
	_ =	sdelay $0x3  }
0x92: {  	_ =	strace s18  }
0x93: {  	s3 =	sld [smem:$0x3FFC];
	_ =	sdelay $0x3  }
0x94: {  	_ =	strace s3  }
0x95: {  	s3 =	sld [smem:$0x3FFD];
	_ =	sdelay $0x3  }
0x96: {  	_ =	strace s3  }
0x97: {  	_ =	strace $0x8FFFFFFF  }
0x98: {  	s19 =	sld [smem:$0x3FDB];
	_ =	sdelay $0x1  }
0x99: {  	s4 =	simm.s32 $_scs_section_size  }
0x9a: {  	s5 =	simm.s32 $_size__tile_overlayer_lowered;
	s6 =	simm.s32 $_tile_overlayer_lowered  }
0x9b: {  	s22 =	simm.s32 $0x1BFF;
	s21 =	sshll.u32 s6, $0x1;
	s3 =	sadd.s32 s4, s19  }
0x9c: {  	s7 =	simm.s32 $0x0;
	s20 =	sshll.u32 s5, $0x1;
	s5 =	sadd.s32 s21, s3  }
0x9d: {  	[timem:s7], [sflag:s22] =	dma.local [hbm:s5], s20  }
0x9e: {  	_ =	swait.ge [sflag:s22], s20  }
0x9f: {  	s4 =	ssub.s32 $0x0, s20;
	[sflag:s22] =	ssyncset.done $0x0  }
0xa0: {  	[sflag:s22] =	ssyncadd.s32 s4;
	_ =	sdelay $0x1  }
0xa1: {  	s23 =	simm.s32 $0x1B8B  }
0xa2: {  	_ =	swait.ge [sflag:s23], $0x1  }
0xa3: {  	[sflag:s23] =	ssyncset.done $0x0  }
0xa4: {  	s25 =	simm.s32 $0x1B8E;
	s24 =	sld [smem:$0x3FFE];
	[sflag:s23] =	ssyncadd.s32 $0xFFFFFFFF  }
0xa5: {  	s26 =	simm.s32 $execute0_lowered;
	[smem:$0x3FD2] =	sst s25  }
0xa6: {  	s5 =	sshll.u32 s26, $0x1;
	_ =	strace $0x8000004F;
	[dreg:$0x1] =	wrdreg $0xFFFFFFFF  }
0xa7: {  	s28 =	simm.s32 $_size_execute0_lowered;
	s3 =	sadd.s32 s3, s5;
	[dreg:$0x0] =	wrdreg $0x0  }
0xa8: {  	s5 =	sshll.u32 s28, $0x1;
	[dreg:$0x2] =	wrdreg s3  }
0xa9: {  	[dreg:$0x3] =	wrdreg s5  }
0xaa: {  	[dreg:$0x4] =	wrdreg $0xC0  }
0xab: {  	_ =	task [dreg:s7], $0x5FFFF  }
0xac: {  	[dreg:$0x1] =	wrdreg $0xFFFFFFFF  }
0xad: {  	[dreg:$0x0] =	wrdreg $0x60  }
0xae: {  	[dreg:$0x2] =	wrdreg s24  }
0xaf: {  	[dreg:$0x3] =	wrdreg s2  }
0xb0: {  	[dreg:$0x4] =	wrdreg $0xB0000  }
0xb1: {  	[dreg:$0x5] =	wrdreg $0x9  }
0xb2: {  	_ =	task.clear_ibuf [dreg:s7], $0x6FFFF;
	_ =	strace $0x9000004F  }
0xb3: {  	s29 =	simm.s32 $0x9;
	_ =	strace $0x80000051  }
0xb4: {  	_ =	swait.ge [sflag:s29], $0x1  }
0xb5: {  	[sflag:s29] =	ssyncadd.s32 $0xFFFFFFFF  }
0xb6: {  	_ =	strace $0x90000051  }
0xb7: {  	_ =	sfence  }
0xb8: {  	s30 =	sld [smem:$0x0];
	_ =	sdelay $0x2  }
0xb9: {  	s31 =	sshll.u32 s1, $0xD;
	s1 =	sshrl.u32 s1, $0x2  }
0xba: {  	s3 =	sand.u32 $0x4000, s31;
	s1 =	sadd.s32 s1, s30  }
0xbb: {  	s0 =	sor.u32 s3, s0;
	s1 =	sshll.u32 s1, $0x11  }
0xbc: {  	s0 =	sor.u32 s1, s0  }
0xbd: {  	s0 =	sadd.s32 $0x8F2B, s0  }
0xbe: {  	[sflag:s0] =	ssyncadd.remote.s32 $0x1  }
0xbf: {  	_ =	sfence.sel $0xFFFF  }
0xc0: {  	[dreg:$0x0] =	wrdreg $0xFFFFFFFF;
	(pc) =	sbr.abs _section_cstart, $3  }
0xc1: {  	[dreg:$0x1] =	wrdreg $0xFFFFFFFF  }
0xc2: {  	_ =	task.clear_ibuf [dreg:s7], $0x2FFFF;
	_ =	strace $0x9FFFFFFF  }
0xc3: {  	(tm) =	ssettm $0x7FFFFFFF  }
tec
execute0_lowered:
.L_overlay_start_1:
0x0: {  	(tag) =	ssettag $0x1  }
0x1: {  	s0 =	rddreg [dreg:$0x0]  }
0x2: {  	s1 =	rddreg [dreg:$0x1]  }
0x3: {  	s2 =	rddreg [dreg:$0x2]  }
0x4: {  	s3 =	simm.s32 $0x0;
	s4 =	srdreg.scid;
	s9 =	stileid.u32  }
0x5: {  	s11 =	simm.s32 $0x30;
	[smem:$0x7FF] =	sst s3;
	s5 =	sadd.s32 $0xF200, s0  }
0x6: {  	s6 =	sadd.s32 $0x5200, s0;
	s4 =	sand.u32 $0x1, s4;
	s15 =	sadd.s32 $0x36400, s0  }
0x7: {  	s16 =	sadd.s32 $0x5E400, s0;
	s8 =	smul.u32 $0x50000, s9;
	s10 =	sshll.u32 s9, $0x6  }
0x8: {  	s29 =	smul.u32 $0x280, s9;
	_ =	strace $0x80000050;
	[dreg:$0x6] =	wrdreg s10  }
0x9: {  	s30 =	smul.u32 $0x2800, s9;
	s7 =	ssub.s32 $0x2, s4;
	[dreg:$0x5] =	wrdreg s16  }
0xa: {  	p0 =	seq.s32 s4, $0x0;
	s10 =	sadd.s32 $0x600, s10;
	[dreg:$0x4] =	wrdreg s15  }
0xb: {  	s28 =	sshrl.u32 s7, $0x1;
	s8 =	sshrl.u32 s8, $0x2;
	s11 =	simm.s32 @!p0 $0x20  }
0xc: {  	s13 =	sadd.s32 $0x80, s29;
	s18 =	sadd.s32 $0x100, s29;
	s4 =	sadd.s32 $0x200, s29  }
0xd: {  	s0 =	ssub.s32 s7, s28;
	s7 =	smul.u32 $0x60, s9;
	s12 =	sadd.s32 s8, s2  }
0xe: {  	s31 =	sshrl.u32 s11, $0x1;
	s9 =	sadd.s32 s16, s30;
	[dreg:$0xd] =	wrdreg s4  }
0xf: {  	s14 =	sshll.u32 s13, $0x7;
	s0 =	smax.u32 s0, $0x1;
	[dreg:$0x8] =	wrdreg s9  }
0x10: {  	s9 =	sadd.s32 s14, s2;
	s14 =	sadd.s32 $0x180, s29;
	[dreg:$0x7] =	wrdreg s0  }
0x11: {  	s26 =	sadd.s32 $0xFFFFFFFF, s31;
	s25 =	sadd.s32 $0x4000, s12;
	[dreg:$0x9] =	wrdreg s9  }
0x12: {  	s28 =	sadd.s32 $0x8000, s12;
	s29 =	sadd.s32 $0xC000, s12;
	[dreg:$0x13] =	wrdreg s25  }
0x13: {  	s31 =	sshll.u32 s4, $0x4;
	s4 =	simm.s32 $0x80;
	[dreg:$0x14] =	wrdreg s28  }
0x14: {  	s10 =	smov.u32 @p0 s7;
	s0 =	sshll.u32 s13, $0x4;
	[dreg:$0x15] =	wrdreg s29  }
0x15: {  	s13 =	sshll.u32 s18, $0x7;
	s7 =	sadd.s32 s15, s30;
	[dreg:$0x17] =	wrdreg s31  }
0x16: {  	s9 =	sshll.u32 s18, $0x4;
	s30 =	sadd.s32 $0x10000, s12;
	[dreg:$0xe] =	wrdreg s7  }
0x17: {  	s20 =	sshll.u32 s14, $0x7;
	s17 =	sadd.s32 s16, s0;
	[dreg:$0x16] =	wrdreg s30  }
0x18: {  	s21 =	sshll.u32 s14, $0x4;
	s13 =	sadd.s32 s13, s2;
	[dreg:$0xa] =	wrdreg s17  }
0x19: {  	s14 =	simm.s32 $0x1800;
	s19 =	sadd.s32 s16, s9;
	[dreg:$0xb] =	wrdreg s13  }
0x1a: {  	s18 =	simm.s32 $0x1;
	s0 =	sadd.s32 s15, s0;
	[dreg:$0xc] =	wrdreg s19  }
0x1b: {  	s22 =	sadd.s32 s15, s9;
	s23 =	sadd.s32 s16, s21;
	[dreg:$0xf] =	wrdreg s0  }
0x1c: {  	s24 =	sadd.s32 s15, s21;
	s9 =	simm.s32 $0x3000;
	[dreg:$0x10] =	wrdreg s22  }
0x1d: {  	s16 =	simm.s32 $0x7000;
	s21 =	simm.s32 $0x2;
	[dreg:$0x11] =	wrdreg s23  }
0x1e: {  	s7 =	simm.s32 $0x4;
	s19 =	sadd.s32 s20, s2;
	[dreg:$0x12] =	wrdreg s24  }
0x1f: {  	v0 =	vimm.f32 $0.0e+00;
	s13 =	simm.s32 $0x5;
	s22 =	simm.s32 $0x3;
	s23 =	simm.s32 $0x0  }
.LBB2_1:
0x20: {  	s0 =	sand.u32 $0xFE00, s3  }
0x21: {  	s8 =	sand.u32 $0x70, s3;
	s15 =	sshrl.u32 s0, $0x2  }
0x22: {  	s0 =	simm.s32 $0x40;
	s15 =	sor.u32 s8, s15;
	s8 =	simm.s32 $0x0  }
.LBB2_2:
0x23: {  	p1 =	sne.s32 s0, $0xFFC0  }
0x24: {  	[tilespmem:s15+$0x3000] =	vst v0;
	s8 =	sadd.s32 $0x10, s8;
	s15 =	smov.u32 s0;
	s0 =	sadd.s32 $0x40, s0  }
.Ltmp0:
0x25: {  	(pc) =	sbr.rel @p1 .LBB2_2-.Ltmp0, $4  }
0x26: {  	_ = 	snop  }
0x27: {  	s15 =	sand.u32 $0xFE00, s15  }
0x28: {  	s20 =	sand.u32 $0x70, s8;
	s15 =	sshrl.u32 s15, $0x2  }
0x29: {  	s15 =	sor.u32 s20, s15  }
0x2a: {  	[tilespmem:s15+$0x3000] =	vst v0  }
0x2b: {  	[spmem:s12] =	stream.linear.scatter [tilespmem:s9], [sflag:$0x5], $0x4000, $0x38;
	[tilespmem:$0x1F000] =	vst v63  }
0x2c: {  	_ =	swait.ge [sflag:s13], $0x4000  }
0x2d: {  	[sflag:s13] =	ssyncset.done $0x0  }
0x2e: {  	s0 =	rddreg [dreg:$0x13];
	[sflag:s13] =	ssyncadd.s32 $0xFFFFC000  }
0x2f: {  	[spmem:s0] =	stream.linear.scatter [tilespmem:s9], [sflag:$0x5], $0x4000, $0x38;
	[tilespmem:$0x1F000] =	vst v63  }
0x30: {  	_ =	swait.ge [sflag:s13], $0x4000  }
0x31: {  	[sflag:s13] =	ssyncset.done $0x0  }
0x32: {  	s29 =	rddreg [dreg:$0x14];
	[sflag:s13] =	ssyncadd.s32 $0xFFFFC000  }
0x33: {  	[spmem:s29] =	stream.linear.scatter [tilespmem:s9], [sflag:$0x5], $0x4000, $0x38;
	[tilespmem:$0x1F000] =	vst v63  }
0x34: {  	_ =	swait.ge [sflag:s13], $0x4000  }
0x35: {  	[sflag:s13] =	ssyncset.done $0x0  }
0x36: {  	s30 =	rddreg [dreg:$0x15];
	[sflag:s13] =	ssyncadd.s32 $0xFFFFC000  }
0x37: {  	[spmem:s30] =	stream.linear.scatter [tilespmem:s9], [sflag:$0x5], $0x4000, $0x38;
	[tilespmem:$0x1F000] =	vst v63  }
0x38: {  	_ =	swait.ge [sflag:s13], $0x4000  }
0x39: {  	[sflag:s13] =	ssyncset.done $0x0  }
0x3a: {  	s31 =	rddreg [dreg:$0x16];
	[sflag:s13] =	ssyncadd.s32 $0xFFFFC000  }
0x3b: {  	[spmem:s31] =	stream.linear.scatter [tilespmem:s9], [sflag:$0x5], $0x4000, $0x38;
	[tilespmem:$0x1F000] =	vst v63  }
0x3c: {  	_ =	swait.ge [sflag:s13], $0x4000  }
0x3d: {  	[sflag:s13] =	ssyncset.done $0x0  }
0x3e: {  	[sflag:s13] =	ssyncadd.s32 $0xFFFFC000  }
0x3f: {  	p2 =	por $0x1, $0x1;
	s0 =	simm.s32 $0x0;
	[bflag:$0x0] =	sbarrier.arrive $0xFFFF  }
.LBB2_4:
0x40: {  	s0 =	sadd.s32 s10, s0  }
0x41: {  	s0 =	sshll.u32 s0, $0x4  }
0x42: {  	s8 =	sadd.s32 s6, s0  }
0x43: {  	[tilespmem:s3], [sflag:$0x5] =	stream.linear.gather [hbm4b:s8+s3], $0x1800, $0x38;
	[tilespmem:$0x1F000] =	vst v63  }
0x44: {  	_ =	swait.ge [sflag:s13], $0x1800  }
0x45: {  	[sflag:s13] =	ssyncset.done $0x0  }
0x46: {  	s0 =	sadd.s32 s1, s0;
	[sflag:s13] =	ssyncadd.s32 $0xFFFFE800  }
0x47: {  	[tilespmem:s14], [sflag:$0x5] =	stream.linear.gather [hbm4b:s0+s3], $0x1800, $0x38;
	[tilespmem:$0x1F000] =	vst v63  }
0x48: {  	_ =	swait.ge [sflag:s13], $0x1800  }
0x49: {  	[sflag:s13] =	ssyncset.done $0x0  }
0x4a: {  	[sflag:s13] =	ssyncadd.s32 $0xFFFFE800  }
0x4b: {  	[tilespmem:s9], [sflag:$0x1] =	stream.indirect.gather [hbm4b:s5+s4], $0x80, s3, s4, $0xb8;
	[tilespmem:$0x1F000] =	vst v63  }
0x4c: {  	_ = 	snop  }
0x4d: {  	[tilespmem:s16], [sflag:$0x2] =	stream.indirect.gather [hbm4b:s5+s4], $0x80, s4, s4, $0xb8;
	[tilespmem:$0x1F000] =	vst v63  }
0x4e: {  	_ =	swait.ge [sflag:s18], $0x4000  }
0x4f: {  	p1 =	sle.u32 s11, $0x2;
	s25 =	simm.s32 $0x1800;
	[sflag:s18] =	ssyncset.done $0x0  }
0x50: {  	s24 =	simm.s32 $0x180;
	s8 =	simm.s32 @!p1 $0x3;
	[sflag:s18] =	ssyncadd.s32 $0xFFFFC000  }
0x51: {  	[spmem:s2] =	stream.indirect.scatter.add.f32 [tilespmem:s9], [sflag:$0x3], $0x80, s25, s4, $0xb8;
	[tilespmem:$0x1F000] =	vst v63  }
0x52: {  	p3 =	sle.u32 s11, $0x3;
	s29 =	sadd.s32 $0xFFFFFFFF, s26;
	_ =	swait.ge @!p1 [sflag:s8], $0x4000  }
0x53: {  	s28 =	simm.s32 $0x1980;
	s15 =	simm.s32 @!p1 $0x100;
	[sflag:s8] =	ssyncset.done @!p1 $0x0  }
0x54: {  	s20 =	simm.s32 @!p1 $0x80;
	s0 =	simm.s32 @!p1 $0x3000;
	[sflag:s8] =	ssyncadd.s32 @!p1 $0xFFFFC000  }
0x55: {  	[tilespmem:s0], [sflag:$0x1] =	stream.indirect.gather @!p1 [hbm4b:s5+s20], $0x80, s15, s20, $0xb8;
	[tilespmem:$0x1F000] =	vst v63  }
0x56: {  	s30 =	simm.s32 $0x180;
	p4 =	sne.s32 s29, $0x0;
	_ =	swait.ge [sflag:s21], $0x4000  }
.Ltmp1:
0x57: {  	s31 =	simm.s32 @!p3 $0x4;
	[sflag:s21] =	ssyncset.done $0x0;
	(pc) =	sbr.rel @!p4 .LBB2_6-.Ltmp1, $4  }
0x58: {  	s25 =	simm.s32 $0x5;
	s8 =	simm.s32 $0x1880;
	[sflag:s21] =	ssyncadd.s32 $0xFFFFC000  }
0x59: {  	[spmem:s2] =	stream.indirect.scatter.add.f32 [tilespmem:s16], [sflag:$0x4], $0x80, s8, s4, $0xb8;
	[tilespmem:$0x1F000] =	vst v63  }
0x5a: {  	s0 =	simm.s32 @!p3 $0x80;
	p1 =	por p2, p2;
	_ =	swait.ge @!p3 [sflag:s31], $0x4000  }
0x5b: {  	s15 =	simm.s32 @!p3 $0x7000;
	s20 =	simm.s32 $0x180;
	[sflag:s31] =	ssyncset.done @!p3 $0x0  }
.LBB2_5:
0x5c: {  	s30 =	smov.u32 s24;
	s8 =	smov.u32 s28  }
0x5d: {  	s29 =	sadd.s32 $0xFFFFFFFF, s29;
	s24 =	sadd.s32 $0x100, s24;
	[sflag:s31] =	ssyncadd.s32 @!p3 $0xFFFFC000  }
0x5e: {  	[tilespmem:s15], [sflag:$0x2] =	stream.indirect.gather @!p3 [hbm4b:s5+s0], $0x80, s20, s0, $0xb8;
	[tilespmem:$0x1F000] =	vst v63  }
0x5f: {  	p2 =	sne.s32 s29, $0x0;
	s0 =	sadd.s32 $0xFFFFFFFF, s25;
	_ =	swait.ge [sflag:s18], $0x4000  }
0x60: {  	s15 =	sadd.s32 $0xFFFFFF80, s28;
	p3 =	sge.u32 s0, s11;
	[sflag:s18] =	ssyncset.done $0x0  }
0x61: {  	s20 =	smov.u32 s24;
	s0 =	simm.s32 @!p3 $0x3;
	[sflag:s18] =	ssyncadd.s32 $0xFFFFC000  }
0x62: {  	[spmem:s2] =	stream.indirect.scatter.add.f32 [tilespmem:s9], [sflag:$0x3], $0x80, s15, s4, $0xb8;
	[tilespmem:$0x1F000] =	vst v63  }
0x63: {  	s15 =	simm.s32 @!p3 $0x3000;
	_ =	swait.ge @!p3 [sflag:s0], $0x4000  }
0x64: {  	s31 =	sadd.s32 @!p3 $0xFFFFFF80, s24;
	s17 =	simm.s32 @!p3 $0x80;
	[sflag:s0] =	ssyncset.done @!p3 $0x0  }
0x65: {  	[sflag:s0] =	ssyncadd.s32 @!p3 $0xFFFFC000  }
0x66: {  	[tilespmem:s15], [sflag:$0x1] =	stream.indirect.gather @!p3 [hbm4b:s5+s17], $0x80, s31, s17, $0xb8;
	[tilespmem:$0x1F000] =	vst v63  }
0x67: {  	_ =	swait.ge [sflag:s21], $0x4000  }
.Ltmp2:
0x68: {  	p3 =	sge.u32 s25, s11;
	[sflag:s21] =	ssyncset.done $0x0;
	(pc) =	sbr.rel @p2 .LBB2_5-.Ltmp2, $4  }
0x69: {  	s31 =	simm.s32 @!p3 $0x4;
	[sflag:s21] =	ssyncadd.s32 $0xFFFFC000  }
0x6a: {  	[spmem:s2] =	stream.indirect.scatter.add.f32 [tilespmem:s16], [sflag:$0x4], $0x80, s28, s4, $0xb8;
	[tilespmem:$0x1F000] =	vst v63  }
0x6b: {  	s25 =	sadd.s32 $0x2, s25;
	s28 =	sadd.s32 $0x100, s28;
	_ =	swait.ge @!p3 [sflag:s31], $0x4000  }
0x6c: {  	s0 =	simm.s32 @!p3 $0x80;
	s15 =	simm.s32 @!p3 $0x7000;
	[sflag:s31] =	ssyncset.done @!p3 $0x0  }
.LBB2_6:
0x6d: {  	[sflag:s31] =	ssyncadd.s32 @!p3 $0xFFFFC000  }
0x6e: {  	[tilespmem:s15], [sflag:$0x2] =	stream.indirect.gather @!p3 [hbm4b:s5+s0], $0x80, s20, s0, $0xb8;
	[tilespmem:$0x1F000] =	vst v63  }
0x6f: {  	s31 =	sadd.s32 $0xFFFFFFFF, s25;
	_ =	swait.ge [sflag:s18], $0x4000  }
0x70: {  	p2 =	sge.u32 s31, s11;
	[sflag:s18] =	ssyncset.done $0x0  }
0x71: {  	s29 =	sadd.s32 $0x80, s8;
	s0 =	simm.s32 @!p2 $0x3;
	[sflag:s18] =	ssyncadd.s32 $0xFFFFC000  }
0x72: {  	[spmem:s2] =	stream.indirect.scatter.add.f32 [tilespmem:s9], [sflag:$0x3], $0x80, s29, s4, $0xb8;
	[tilespmem:$0x1F000] =	vst v63  }
0x73: {  	_ =	swait.ge @!p2 [sflag:s0], $0x4000  }
0x74: {  	s8 =	simm.s32 @!p2 $0x80;
	[sflag:s0] =	ssyncset.done @!p2 $0x0  }
0x75: {  	s15 =	simm.s32 @!p2 $0x3000;
	[sflag:s0] =	ssyncadd.s32 @!p2 $0xFFFFC000;
	s0 =	sadd.s32 @!p2 $0x80, s30  }
0x76: {  	[tilespmem:s15], [sflag:$0x1] =	stream.indirect.gather @!p2 [hbm4b:s5+s8], $0x80, s0, s8, $0xb8;
	[tilespmem:$0x1F000] =	vst v63  }
0x77: {  	_ =	swait.ge [sflag:s21], $0x4000  }
0x78: {  	p2 =	sge.u32 s25, s11;
	[sflag:s21] =	ssyncset.done $0x0  }
0x79: {  	s0 =	simm.s32 @!p2 $0x4;
	[sflag:s21] =	ssyncadd.s32 $0xFFFFC000  }
0x7a: {  	[spmem:s2] =	stream.indirect.scatter.add.f32 [tilespmem:s16], [sflag:$0x4], $0x80, s28, s4, $0xb8;
	[tilespmem:$0x1F000] =	vst v63  }
0x7b: {  	_ =	swait.ge @!p2 [sflag:s0], $0x4000  }
0x7c: {  	s8 =	sadd.s32 $0x100, s24;
	[sflag:s0] =	ssyncset.done @!p2 $0x0  }
0x7d: {  	s15 =	simm.s32 @!p2 $0x7000;
	[sflag:s0] =	ssyncadd.s32 @!p2 $0xFFFFC000;
	s0 =	simm.s32 @!p2 $0x80  }
0x7e: {  	[tilespmem:s15], [sflag:$0x2] =	stream.indirect.gather @!p2 [hbm4b:s5+s0], $0x80, s8, s0, $0xb8;
	[tilespmem:$0x1F000] =	vst v63  }
0x7f: {  	_ =	swait.ge [sflag:s22], $0x4000  }
.Ltmp3:
0x80: {  	[sflag:s22] =	ssyncset.done $0x0;
	(pc) =	sbr.rel @p1 .LBB2_4-.Ltmp3, $4  }
0x81: {  	[sflag:s22] =	ssyncadd.s32 $0xFFFFC000  }
0x82: {  	_ =	swait.ge [sflag:s7], $0x4000  }
0x83: {  	[sflag:s7] =	ssyncset.done $0x0  }
0x84: {  	p2 =	por $0x0, $0x0;
	s0 =	smov.u32 s11;
	[sflag:s7] =	ssyncadd.s32 $0xFFFFC000  }
0x85: {  	s17 =	stileid.u32  }
0x86: {  	[bflag:$0x0] =	sbarrier.arrive $0xFFFF;
	s0 =	sshll.u32 @p0 s17, $0x6  }
0x87: {  	s8 =	sshrl.u32 @p0 s12, $0x3;
	s15 =	rddreg [dreg:$0xe];
	s0 =	sor.u32 @p0 $0x1C06, s0  }
0x88: {  	[hbm:s15], [sflag:s0] =	dma.local @p0 [spmem:s8], $0x800  }
0x89: {  	s8 =	simm.s32 @p0 $0x6  }
0x8a: {  	_ =	swait.ge @p0 [sflag:s8], $0x800  }
0x8b: {  	[sflag:s8] =	ssyncset.done @p0 $0x0;
	s24 =	rddreg [dreg:$0x9]  }
0x8c: {  	s20 =	rddreg [dreg:$0xf];
	[sflag:s8] =	ssyncadd.s32 @p0 $0xFFFFF800;
	s15 =	sshrl.u32 @p0 s24, $0x3  }
0x8d: {  	[hbm:s20], [sflag:s0] =	dma.local @p0 [spmem:s15], $0x800  }
0x8e: {  	_ =	swait.ge @p0 [sflag:s8], $0x800  }
0x8f: {  	[sflag:s8] =	ssyncset.done @p0 $0x0;
	s25 =	rddreg [dreg:$0xb]  }
0x90: {  	s20 =	rddreg [dreg:$0x10];
	[sflag:s8] =	ssyncadd.s32 @p0 $0xFFFFF800;
	s15 =	sshrl.u32 @p0 s25, $0x3  }
0x91: {  	[hbm:s20], [sflag:s0] =	dma.local @p0 [spmem:s15], $0x800  }
0x92: {  	_ =	swait.ge @p0 [sflag:s8], $0x800  }
0x93: {  	[sflag:s8] =	ssyncset.done @p0 $0x0  }
0x94: {  	s15 =	sshrl.u32 @p0 s19, $0x3;
	s20 =	rddreg [dreg:$0x12];
	[sflag:s8] =	ssyncadd.s32 @p0 $0xFFFFF800  }
0x95: {  	[hbm:s20], [sflag:s0] =	dma.local @p0 [spmem:s15], $0x800  }
0x96: {  	s0 =	sshll.u32 @!p0 s17, $0x6;
	_ =	swait.ge @p0 [sflag:s8], $0x800  }
0x97: {  	s0 =	sor.u32 @!p0 $0x1C05, s0;
	[sflag:s8] =	ssyncset.done @p0 $0x0  }
0x98: {  	s15 =	rddreg [dreg:$0x8];
	[sflag:s8] =	ssyncadd.s32 @p0 $0xFFFFF800;
	s8 =	sshrl.u32 @!p0 s12, $0x3  }
0x99: {  	[hbm:s15], [sflag:s0] =	dma.local @!p0 [spmem:s8], $0x800  }
0x9a: {  	s8 =	simm.s32 @!p0 $0x5  }
0x9b: {  	_ =	swait.ge @!p0 [sflag:s8], $0x800  }
0x9c: {  	[sflag:s8] =	ssyncset.done @!p0 $0x0  }
0x9d: {  	s15 =	sshrl.u32 @!p0 s24, $0x3;
	s17 =	rddreg [dreg:$0xa];
	[sflag:s8] =	ssyncadd.s32 @!p0 $0xFFFFF800  }
0x9e: {  	[hbm:s17], [sflag:s0] =	dma.local @!p0 [spmem:s15], $0x800  }
0x9f: {  	_ =	swait.ge @!p0 [sflag:s8], $0x800  }
0xa0: {  	[sflag:s8] =	ssyncset.done @!p0 $0x0  }
0xa1: {  	s15 =	sshrl.u32 @!p0 s25, $0x3;
	s17 =	rddreg [dreg:$0xc];
	[sflag:s8] =	ssyncadd.s32 @!p0 $0xFFFFF800  }
0xa2: {  	[hbm:s17], [sflag:s0] =	dma.local @!p0 [spmem:s15], $0x800  }
0xa3: {  	_ =	swait.ge @!p0 [sflag:s8], $0x800  }
0xa4: {  	[sflag:s8] =	ssyncset.done @!p0 $0x0  }
0xa5: {  	s15 =	sshrl.u32 @!p0 s19, $0x3;
	s17 =	rddreg [dreg:$0x11];
	[sflag:s8] =	ssyncadd.s32 @!p0 $0xFFFFF800  }
0xa6: {  	[hbm:s17], [sflag:s0] =	dma.local @!p0 [spmem:s15], $0x800  }
0xa7: {  	_ =	swait.ge @!p0 [sflag:s8], $0x800  }
0xa8: {  	s0 =	rddreg [dreg:$0x5]  }
0xa9: {  	s28 =	rddreg [dreg:$0xd]  }
0xaa: {  	s17 =	rddreg [dreg:$0x4]  }
0xab: {  	s29 =	rddreg [dreg:$0x6]  }
0xac: {  	[sflag:s8] =	ssyncset.done @!p0 $0x0;
	s30 =	rddreg [dreg:$0x17]  }
0xad: {  	[sflag:s8] =	ssyncadd.s32 @!p0 $0xFFFFF800;
	s8 =	simm.s32 @p0 $0x6;
	s15 =	sshll.u32 s28, $0x7  }
0xae: {  	s0 =	smov.u32 @p0 s17;
	s15 =	sadd.s32 s15, s2;
	s17 =	sadd.s32 s8, s29  }
0xaf: {  	s0 =	sadd.s32 s0, s30;
	s17 =	sadd.s32 $0x1C00, s17;
	s15 =	sshrl.u32 s15, $0x3  }
0xb0: {  	[hbm:s0], [sflag:s17] =	dma.local [spmem:s15], $0x800  }
0xb1: {  	_ =	swait.ge [sflag:s8], $0x800  }
0xb2: {  	s23 =	sadd.s32 $0x1, s23;
	s31 =	rddreg [dreg:$0x7]  }
0xb3: {  	p1 =	sne.s32 s23, s31  }
.Ltmp4:
0xb4: {  	_ = 	snop;
	(pc) =	sbr.rel @p1 .LBB2_1-.Ltmp4, $3  }
0xb5: {  	_ =	sdelay $0x1  }
0xb6: {  	[sflag:s8] =	ssyncset.done $0x0  }
0xb7: {  	s20 =	stileid.u32;
	[sflag:s8] =	ssyncadd.s32 $0xFFFFF800  }
0xb8: {  	_ =	sfence.sel $0x180000  }
0xb9: {  	[bflag:$0x0] =	sbarrier.arrive $0xFFFF  }
0xba: {  	_ =	strace $0x90000050  }
0xbb: {  	[bflag:$0x2] =	sbarrier.arrive $0xFFFF  }
0xbc: {  	p0 =	sne.s32 s20, $0x0;
	s0 =	rddreg [dreg:$0x3]  }
0xbd: {  	s0 =	sadd.s32 @!p0 $0x100000, s0  }
0xbe: {  	[sflag:s0] =	ssyncadd.tile.s32 @!p0 $0x1;
	_ =	shalt  }
.Lfunc_end2:
_tile_overlayer_lowered:
.L_overlay_start_2:
0xbf: {  	(tag) =	ssettag $0x2  }
0xc0: {  	s0 =	rddreg [dreg:$0x0];
	s2 =	stileid.u32  }
0xc1: {  	s1 =	rddreg [dreg:$0x1];
	p0 =	sne.s32 s2, $0x0  }
0xc2: {  	s3 =	rddreg [dreg:$0x2];
	[bflag:$0x3] =	sbarrier.arrive $0xFFFF;
	s2 =	simm.s32 @!p0 $0x1C05  }
0xc3: {  	[timem:s3], [sflag:s2] =	dma.local @!p0 [hbm:s0], s1  }
0xc4: {  	s0 =	simm.s32 @!p0 $0x5  }
0xc5: {  	_ =	swait.ge @!p0 [sflag:s0], s1  }
0xc6: {  	s1 =	ssub.s32 @!p0 $0x0, s1;
	[sflag:s0] =	ssyncset.done @!p0 $0x0  }
0xc7: {  	[sflag:s0] =	ssyncadd.s32 @!p0 s1  }
0xc8: {  	[bflag:$0x3] =	sbarrier.arrive $0xFFFF  }
0xc9: {  	_ =	shalt  }

// kernel: kernel.25.cloned.1.call-start
scs
__scs_entry_jumppad:
0x0: {  	(pc) =	sbr.rel $0x88, $3  }
0x1: {  	(tag) =	ssettag $0x0;
	lr =	simm.s32 $0x1  }
0x2: {  	[smem:$0x3F99] =	sst lr;
	_ =	strace $0xD0000000  }
0x3: {  	_ = 	snop  }
0x4: {  	_ = 	snop  }
0x5: {  	_ = 	snop  }
0x6: {  	_ = 	snop  }
0x7: {  	_ = 	snop  }
__scs_overlays_trampoline_lowered:
0x8: {  	[smem:$0x3FA8] =	sst s0  }
0x9: {  	[smem:$0x3FA9] =	sst s1  }
0xa: {  	[smem:$0x3FAA] =	sst s2  }
0xb: {  	[smem:$0x3FAB] =	sst s3  }
0xc: {  	[smem:$0x3FAC] =	sst s4  }
0xd: {  	[smem:$0x3FAD] =	sst s5  }
0xe: {  	[smem:$0x3FAE] =	sst s6  }
0xf: {  	[smem:$0x3FAF] =	sst s7  }
0x10: {  	[smem:$0x3FB0] =	sst s8  }
0x11: {  	[smem:$0x3FB1] =	sst s9;
	s0 =	simm.s32 @!p0 $0x0  }
0x12: {  	s1 =	sld [smem:$0x3F97];
	s0 =	simm.s32 @p0 $0x1  }
0x13: {  	[smem:$0x3FB2] =	sst s0;
	s0 =	simm.s32 @!p1 $0x0  }
0x14: {  	s2 =	sld [smem:$0x3F96];
	s0 =	simm.s32 @p1 $0x1  }
0x15: {  	[smem:$0x3FB3] =	sst s0;
	s0 =	simm.s32 @!p2 $0x0  }
0x16: {  	s3 =	sld [smem:$0x3FDB];
	s0 =	simm.s32 @p2 $0x1  }
0x17: {  	s4 =	simm.s32 $0x1BF5;
	[smem:$0x3FB5] =	sst s0  }
0x18: {  	s0 =	sld [smem:$0x3F98];
	_ =	swait.ge [sflag:s4], $0x0  }
0x19: {  	s7 =	sld [smem:$0x3F99]  }
0x1a: {  	s8 =	sadd.s32 $0xFFFFE003, lr  }
0x1b: {  	s9 =	sadd.s32 $0xFFFFFEF7, lr;
	s5 =	simm.s32 $0xFFFFFFFF;
	p2 =	slt.u32 s8, $0xFFFFF086  }
0x1c: {  	p1 =	slt.u32 s9, $0xF7A;
	s5 =	simm.s32 @!p2 $0x0  }
0x1d: {  	s5 =	simm.s32 @p1 $0x1;
	p0 =	seq.s32 s7, s2  }
0x1e: {  	s7 =	smul.u32 @!p0 $0xF7A, s2;
	p2 =	seq.s32 @!p0 s5, $0x0  }
0x1f: {  	s9 =	smul.u32 $0xF7A, s1;
	s8 =	simm.s32 @!p0 $0x1BF5;
	p2 =	por !p2, p0  }
0x20: {  	[sflag:s8] =	ssyncset.s32 @!p0 $0xFFFFF086;
	s6 =	sadd.s32 @!p0 s3, s7;
	s7 =	simm.s32 @!p0 $0x108  }
0x21: {  	s3 =	sadd.s32 s3, s9;
	s6 =	sadd.s32 @!p0 $0x88, s6;
	s7 =	simm.s32 @p2 $0x1082  }
0x22: {  	[simem:s7], [sflag:s8] =	dma.local @!p0 [hbm:s6], $0xF7A  }
0x23: {  	s9 =	sor.u32 $0xD0000000, s2;
	s6 =	simm.s32 $0x108;
	_ =	swait.ge @!p0 [sflag:s8], $0x0  }
0x24: {  	s3 =	sadd.s32 $0x88, s3;
	s6 =	simm.s32 @!p1 $0x1082;
	[sflag:s4] =	ssyncset.s32 $0xFFFFF086  }
0x25: {  	[simem:s6], [sflag:s4] =	dma.local [hbm:s3], $0xF7A  }
0x26: {  	[smem:$0x3F99] =	sst s1;
	(tag) =	ssettag s2;
	_ =	strace s9  }
0x27: {  	s1 =	sld [smem:$0x3FA9]  }
0x28: {  	s2 =	sld [smem:$0x3FAA]  }
0x29: {  	s4 =	sld [smem:$0x3FAC]  }
0x2a: {  	p0 =	seq.s32 s5, $0x0;
	s5 =	sld [smem:$0x3FAD]  }
0x2b: {  	s6 =	sld [smem:$0x3FAE]  }
0x2c: {  	s7 =	sld [smem:$0x3FAF]  }
0x2d: {  	s3 =	simm.s32 $0x108;
	s8 =	sld [smem:$0x3FB0]  }
0x2e: {  	s3 =	simm.s32 @!p0 $0x1082;
	s9 =	sld [smem:$0x3FB1]  }
0x2f: {  	lr =	sadd.s32 s0, s3;
	s0 =	sld [smem:$0x3FA8]  }
0x30: {  	s3 =	sld [smem:$0x3FAB]  }
0x31: {  	[smem:$0x3FB4] =	sst s10  }
0x32: {  	s10 =	sld [smem:$0x3FB2];
	_ =	sdelay $0x3  }
0x33: {  	p0 =	seq.s32 s10, $0x1;
	s10 =	sld [smem:$0x3FB4];
	_ =	sdelay $0x3  }
0x34: {  	[smem:$0x3FB4] =	sst s10  }
0x35: {  	s10 =	sld [smem:$0x3FB3];
	_ =	sdelay $0x3  }
0x36: {  	p1 =	seq.s32 s10, $0x1;
	s10 =	sld [smem:$0x3FB4];
	_ =	sdelay $0x3  }
0x37: {  	[smem:$0x3FB4] =	sst s10  }
0x38: {  	s10 =	sld [smem:$0x3FB5]  }
0x39: {  	_ = 	snop;
	(pc) =	sbr.ind lr, $3  }
0x3a: {  	_ = 	snop  }
0x3b: {  	_ = 	snop  }
0x3c: {  	p2 =	seq.s32 s10, $0x1;
	s10 =	sld [smem:$0x3FB4]  }
0x3d: {  	_ =	shalt  }
0x3e: {  	_ =	shalt  }
0x3f: {  	_ =	shalt  }
0x40: {  	_ =	shalt  }
0x41: {  	_ =	shalt  }
0x42: {  	_ =	shalt  }
0x43: {  	_ =	shalt  }
0x44: {  	_ =	shalt  }
0x45: {  	_ =	shalt  }
0x46: {  	_ =	shalt  }
0x47: {  	_ =	shalt  }
0x48: {  	_ =	shalt  }
0x49: {  	_ =	shalt  }
0x4a: {  	_ =	shalt  }
0x4b: {  	_ =	shalt  }
0x4c: {  	_ =	shalt  }
0x4d: {  	_ =	shalt  }
0x4e: {  	_ =	shalt  }
0x4f: {  	_ =	shalt  }
0x50: {  	_ =	shalt  }
0x51: {  	_ =	shalt  }
0x52: {  	_ =	shalt  }
0x53: {  	_ =	shalt  }
0x54: {  	_ =	shalt  }
0x55: {  	_ =	shalt  }
0x56: {  	_ =	shalt  }
0x57: {  	_ =	shalt  }
0x58: {  	_ =	shalt  }
0x59: {  	_ =	shalt  }
0x5a: {  	_ =	shalt  }
0x5b: {  	_ =	shalt  }
0x5c: {  	_ =	shalt  }
0x5d: {  	_ =	shalt  }
0x5e: {  	_ =	shalt  }
0x5f: {  	_ =	shalt  }
0x60: {  	_ =	shalt  }
0x61: {  	_ =	shalt  }
0x62: {  	_ =	shalt  }
0x63: {  	_ =	shalt  }
0x64: {  	_ =	shalt  }
0x65: {  	_ =	shalt  }
0x66: {  	_ =	shalt  }
0x67: {  	_ =	shalt  }
0x68: {  	_ =	shalt  }
0x69: {  	_ =	shalt  }
0x6a: {  	_ =	shalt  }
0x6b: {  	_ =	shalt  }
0x6c: {  	_ =	shalt  }
0x6d: {  	_ =	shalt  }
0x6e: {  	_ =	shalt  }
0x6f: {  	_ =	shalt  }
0x70: {  	_ =	shalt  }
0x71: {  	_ =	shalt  }
0x72: {  	_ =	shalt  }
0x73: {  	_ =	shalt  }
0x74: {  	_ =	shalt  }
0x75: {  	_ =	shalt  }
0x76: {  	_ =	shalt  }
0x77: {  	_ =	shalt  }
0x78: {  	_ =	shalt  }
0x79: {  	_ =	shalt  }
0x7a: {  	_ =	shalt  }
0x7b: {  	_ =	shalt  }
0x7c: {  	_ =	shalt  }
0x7d: {  	_ =	shalt  }
0x7e: {  	_ =	shalt  }
0x7f: {  	_ =	shalt  }
0x80: {  	_ =	shalt  }
0x81: {  	_ =	shalt  }
0x82: {  	_ =	shalt  }
0x83: {  	_ =	shalt  }
0x84: {  	_ =	shalt  }
0x85: {  	_ =	shalt  }
0x86: {  	_ =	shalt  }
0x87: {  	_ =	shalt  }
.Lfunc_end0:
.L_simem_size_0:
called_computation.4_lowered:
.L_overlay_start_0:
0x88: {  	s2 =	sld [smem:$0x3FD9]  }
0x89: {  	s3 =	sld [smem:$0x3FFE];
	_ =	sdelay $0x1  }
0x8a: {  	s1 =	srdreg.scid  }
0x8b: {  	s0 =	sand.u32 $0x1, s1  }
0x8c: {  	s17 =	sshll.u32 s0, $0xA;
	s2 =	sadd.s32 s3, s2  }
0x8d: {  	s2 =	sadd.s32 s2, s17  }
0x8e: {  	[smem:$0x3FC0] =	sst s2  }
0x8f: {  	_ = 	snop  }
0x90: {  	s2 =	sld [smem:$0x3FD0];
	(tm) =	ssettm $0x1  }
0x91: {  	s18 =	sld [smem:$0x3FFB];
	_ =	sdelay $0x3  }
0x92: {  	_ =	strace s18  }
0x93: {  	s3 =	sld [smem:$0x3FFC];
	_ =	sdelay $0x3  }
0x94: {  	_ =	strace s3  }
0x95: {  	s3 =	sld [smem:$0x3FFD];
	_ =	sdelay $0x3  }
0x96: {  	_ =	strace s3  }
0x97: {  	_ =	strace $0x8FFFFFFF  }
0x98: {  	s19 =	sld [smem:$0x3FDB];
	_ =	sdelay $0x1  }
0x99: {  	s4 =	simm.s32 $_scs_section_size  }
0x9a: {  	s5 =	simm.s32 $_size__tile_overlayer_lowered;
	s6 =	simm.s32 $_tile_overlayer_lowered  }
0x9b: {  	s22 =	simm.s32 $0x1BFF;
	s21 =	sshll.u32 s6, $0x1;
	s3 =	sadd.s32 s4, s19  }
0x9c: {  	s7 =	simm.s32 $0x0;
	s20 =	sshll.u32 s5, $0x1;
	s5 =	sadd.s32 s21, s3  }
0x9d: {  	[timem:s7], [sflag:s22] =	dma.local [hbm:s5], s20  }
0x9e: {  	_ =	swait.ge [sflag:s22], s20  }
0x9f: {  	s4 =	ssub.s32 $0x0, s20;
	[sflag:s22] =	ssyncset.done $0x0  }
0xa0: {  	[sflag:s22] =	ssyncadd.s32 s4;
	_ =	sdelay $0x1  }
0xa1: {  	s23 =	simm.s32 $0x1B8B  }
0xa2: {  	_ =	swait.ge [sflag:s23], $0x1  }
0xa3: {  	[sflag:s23] =	ssyncset.done $0x0  }
0xa4: {  	s25 =	simm.s32 $0x1B8E;
	s24 =	sld [smem:$0x3FFE];
	[sflag:s23] =	ssyncadd.s32 $0xFFFFFFFF  }
0xa5: {  	s26 =	simm.s32 $execute0_lowered;
	[smem:$0x3FD2] =	sst s25  }
0xa6: {  	s5 =	sshll.u32 s26, $0x1;
	_ =	strace $0x80000052;
	[dreg:$0x1] =	wrdreg $0xFFFFFFFF  }
0xa7: {  	s28 =	simm.s32 $_size_execute0_lowered;
	s3 =	sadd.s32 s3, s5;
	[dreg:$0x0] =	wrdreg $0x0  }
0xa8: {  	s5 =	sshll.u32 s28, $0x1;
	[dreg:$0x2] =	wrdreg s3  }
0xa9: {  	[dreg:$0x3] =	wrdreg s5  }
0xaa: {  	[dreg:$0x4] =	wrdreg $0xC0  }
0xab: {  	_ =	task [dreg:s7], $0x5FFFF  }
0xac: {  	[dreg:$0x1] =	wrdreg $0xFFFFFFFF  }
0xad: {  	[dreg:$0x0] =	wrdreg $0x60  }
0xae: {  	[dreg:$0x2] =	wrdreg s24  }
0xaf: {  	[dreg:$0x3] =	wrdreg s2  }
0xb0: {  	[dreg:$0x4] =	wrdreg $0xB0000  }
0xb1: {  	[dreg:$0x5] =	wrdreg $0x9  }
0xb2: {  	_ =	task.clear_ibuf [dreg:s7], $0x6FFFF;
	_ =	strace $0x90000052  }
0xb3: {  	s29 =	simm.s32 $0x9;
	_ =	strace $0x80000054  }
0xb4: {  	_ =	swait.ge [sflag:s29], $0x1  }
0xb5: {  	[sflag:s29] =	ssyncadd.s32 $0xFFFFFFFF  }
0xb6: {  	_ =	strace $0x90000054  }
0xb7: {  	_ =	sfence  }
0xb8: {  	s30 =	sld [smem:$0x0];
	_ =	sdelay $0x2  }
0xb9: {  	s31 =	sshll.u32 s1, $0xD;
	s1 =	sshrl.u32 s1, $0x2  }
0xba: {  	s3 =	sand.u32 $0x4000, s31;
	s1 =	sadd.s32 s1, s30  }
0xbb: {  	s0 =	sor.u32 s3, s0;
	s1 =	sshll.u32 s1, $0x11  }
0xbc: {  	s0 =	sor.u32 s1, s0  }
0xbd: {  	s0 =	sadd.s32 $0x8F2B, s0  }
0xbe: {  	[sflag:s0] =	ssyncadd.remote.s32 $0x1  }
0xbf: {  	_ =	sfence.sel $0xFFFF  }
0xc0: {  	[dreg:$0x0] =	wrdreg $0xFFFFFFFF;
	(pc) =	sbr.abs _section_cstart, $3  }
0xc1: {  	[dreg:$0x1] =	wrdreg $0xFFFFFFFF  }
0xc2: {  	_ =	task.clear_ibuf [dreg:s7], $0x2FFFF;
	_ =	strace $0x9FFFFFFF  }
0xc3: {  	(tm) =	ssettm $0x7FFFFFFF  }
tec
execute0_lowered:
.L_overlay_start_1:
0x0: {  	(tag) =	ssettag $0x1  }
0x1: {  	s0 =	rddreg [dreg:$0x0]  }
0x2: {  	s1 =	rddreg [dreg:$0x1]  }
0x3: {  	s2 =	rddreg [dreg:$0x2]  }
0x4: {  	s3 =	simm.s32 $0x0;
	s4 =	srdreg.scid;
	s9 =	stileid.u32  }
0x5: {  	s11 =	simm.s32 $0x30;
	[smem:$0x7FF] =	sst s3;
	s5 =	sadd.s32 $0xF200, s0  }
0x6: {  	s6 =	sadd.s32 $0x5200, s0;
	s4 =	sand.u32 $0x1, s4;
	s15 =	sadd.s32 $0x36400, s0  }
0x7: {  	s16 =	sadd.s32 $0x5E400, s0;
	s8 =	smul.u32 $0x50000, s9;
	s10 =	sshll.u32 s9, $0x6  }
0x8: {  	s29 =	smul.u32 $0x280, s9;
	_ =	strace $0x80000053;
	[dreg:$0x6] =	wrdreg s10  }
0x9: {  	s30 =	smul.u32 $0x2800, s9;
	s7 =	ssub.s32 $0x2, s4;
	[dreg:$0x5] =	wrdreg s16  }
0xa: {  	p0 =	seq.s32 s4, $0x0;
	s10 =	sadd.s32 $0x600, s10;
	[dreg:$0x4] =	wrdreg s15  }
0xb: {  	s28 =	sshrl.u32 s7, $0x1;
	s8 =	sshrl.u32 s8, $0x2;
	s11 =	simm.s32 @!p0 $0x20  }
0xc: {  	s13 =	sadd.s32 $0x80, s29;
	s18 =	sadd.s32 $0x100, s29;
	s4 =	sadd.s32 $0x200, s29  }
0xd: {  	s0 =	ssub.s32 s7, s28;
	s7 =	smul.u32 $0x60, s9;
	s12 =	sadd.s32 s8, s2  }
0xe: {  	s31 =	sshrl.u32 s11, $0x1;
	s9 =	sadd.s32 s16, s30;
	[dreg:$0xd] =	wrdreg s4  }
0xf: {  	s14 =	sshll.u32 s13, $0x7;
	s0 =	smax.u32 s0, $0x1;
	[dreg:$0x8] =	wrdreg s9  }
0x10: {  	s9 =	sadd.s32 s14, s2;
	s14 =	sadd.s32 $0x180, s29;
	[dreg:$0x7] =	wrdreg s0  }
0x11: {  	s26 =	sadd.s32 $0xFFFFFFFF, s31;
	s25 =	sadd.s32 $0x4000, s12;
	[dreg:$0x9] =	wrdreg s9  }
0x12: {  	s28 =	sadd.s32 $0x8000, s12;
	s29 =	sadd.s32 $0xC000, s12;
	[dreg:$0x13] =	wrdreg s25  }
0x13: {  	s31 =	sshll.u32 s4, $0x4;
	s4 =	simm.s32 $0x80;
	[dreg:$0x14] =	wrdreg s28  }
0x14: {  	s10 =	smov.u32 @p0 s7;
	s0 =	sshll.u32 s13, $0x4;
	[dreg:$0x15] =	wrdreg s29  }
0x15: {  	s13 =	sshll.u32 s18, $0x7;
	s7 =	sadd.s32 s15, s30;
	[dreg:$0x17] =	wrdreg s31  }
0x16: {  	s9 =	sshll.u32 s18, $0x4;
	s30 =	sadd.s32 $0x10000, s12;
	[dreg:$0xe] =	wrdreg s7  }
0x17: {  	s20 =	sshll.u32 s14, $0x7;
	s17 =	sadd.s32 s16, s0;
	[dreg:$0x16] =	wrdreg s30  }
0x18: {  	s21 =	sshll.u32 s14, $0x4;
	s13 =	sadd.s32 s13, s2;
	[dreg:$0xa] =	wrdreg s17  }
0x19: {  	s14 =	simm.s32 $0x1800;
	s19 =	sadd.s32 s16, s9;
	[dreg:$0xb] =	wrdreg s13  }
0x1a: {  	s18 =	simm.s32 $0x1;
	s0 =	sadd.s32 s15, s0;
	[dreg:$0xc] =	wrdreg s19  }
0x1b: {  	s22 =	sadd.s32 s15, s9;
	s23 =	sadd.s32 s16, s21;
	[dreg:$0xf] =	wrdreg s0  }
0x1c: {  	s24 =	sadd.s32 s15, s21;
	s9 =	simm.s32 $0x3000;
	[dreg:$0x10] =	wrdreg s22  }
0x1d: {  	s16 =	simm.s32 $0x7000;
	s21 =	simm.s32 $0x2;
	[dreg:$0x11] =	wrdreg s23  }
0x1e: {  	s7 =	simm.s32 $0x4;
	s19 =	sadd.s32 s20, s2;
	[dreg:$0x12] =	wrdreg s24  }
0x1f: {  	v0 =	vimm.f32 $0.0e+00;
	s13 =	simm.s32 $0x5;
	s22 =	simm.s32 $0x3;
	s23 =	simm.s32 $0x0  }
.LBB2_1:
0x20: {  	s0 =	sand.u32 $0xFE00, s3  }
0x21: {  	s8 =	sand.u32 $0x70, s3;
	s15 =	sshrl.u32 s0, $0x2  }
0x22: {  	s0 =	simm.s32 $0x40;
	s15 =	sor.u32 s8, s15;
	s8 =	simm.s32 $0x0  }
.LBB2_2:
0x23: {  	p1 =	sne.s32 s0, $0xFFC0  }
0x24: {  	[tilespmem:s15+$0x3000] =	vst v0;
	s8 =	sadd.s32 $0x10, s8;
	s15 =	smov.u32 s0;
	s0 =	sadd.s32 $0x40, s0  }
.Ltmp0:
0x25: {  	(pc) =	sbr.rel @p1 .LBB2_2-.Ltmp0, $4  }
0x26: {  	_ = 	snop  }
0x27: {  	s15 =	sand.u32 $0xFE00, s15  }
0x28: {  	s20 =	sand.u32 $0x70, s8;
	s15 =	sshrl.u32 s15, $0x2  }
0x29: {  	s15 =	sor.u32 s20, s15  }
0x2a: {  	[tilespmem:s15+$0x3000] =	vst v0  }
0x2b: {  	[spmem:s12] =	stream.linear.scatter [tilespmem:s9], [sflag:$0x5], $0x4000, $0x38;
	[tilespmem:$0x1F000] =	vst v63  }
0x2c: {  	_ =	swait.ge [sflag:s13], $0x4000  }
0x2d: {  	[sflag:s13] =	ssyncset.done $0x0  }
0x2e: {  	s0 =	rddreg [dreg:$0x13];
	[sflag:s13] =	ssyncadd.s32 $0xFFFFC000  }
0x2f: {  	[spmem:s0] =	stream.linear.scatter [tilespmem:s9], [sflag:$0x5], $0x4000, $0x38;
	[tilespmem:$0x1F000] =	vst v63  }
0x30: {  	_ =	swait.ge [sflag:s13], $0x4000  }
0x31: {  	[sflag:s13] =	ssyncset.done $0x0  }
0x32: {  	s29 =	rddreg [dreg:$0x14];
	[sflag:s13] =	ssyncadd.s32 $0xFFFFC000  }
0x33: {  	[spmem:s29] =	stream.linear.scatter [tilespmem:s9], [sflag:$0x5], $0x4000, $0x38;
	[tilespmem:$0x1F000] =	vst v63  }
0x34: {  	_ =	swait.ge [sflag:s13], $0x4000  }
0x35: {  	[sflag:s13] =	ssyncset.done $0x0  }
0x36: {  	s30 =	rddreg [dreg:$0x15];
	[sflag:s13] =	ssyncadd.s32 $0xFFFFC000  }
0x37: {  	[spmem:s30] =	stream.linear.scatter [tilespmem:s9], [sflag:$0x5], $0x4000, $0x38;
	[tilespmem:$0x1F000] =	vst v63  }
0x38: {  	_ =	swait.ge [sflag:s13], $0x4000  }
0x39: {  	[sflag:s13] =	ssyncset.done $0x0  }
0x3a: {  	s31 =	rddreg [dreg:$0x16];
	[sflag:s13] =	ssyncadd.s32 $0xFFFFC000  }
0x3b: {  	[spmem:s31] =	stream.linear.scatter [tilespmem:s9], [sflag:$0x5], $0x4000, $0x38;
	[tilespmem:$0x1F000] =	vst v63  }
0x3c: {  	_ =	swait.ge [sflag:s13], $0x4000  }
0x3d: {  	[sflag:s13] =	ssyncset.done $0x0  }
0x3e: {  	[sflag:s13] =	ssyncadd.s32 $0xFFFFC000  }
0x3f: {  	p2 =	por $0x1, $0x1;
	s0 =	simm.s32 $0x0;
	[bflag:$0x0] =	sbarrier.arrive $0xFFFF  }
.LBB2_4:
0x40: {  	s0 =	sadd.s32 s10, s0  }
0x41: {  	s0 =	sshll.u32 s0, $0x4  }
0x42: {  	s8 =	sadd.s32 s6, s0  }
0x43: {  	[tilespmem:s3], [sflag:$0x5] =	stream.linear.gather [hbm4b:s8+s3], $0x1800, $0x38;
	[tilespmem:$0x1F000] =	vst v63  }
0x44: {  	_ =	swait.ge [sflag:s13], $0x1800  }
0x45: {  	[sflag:s13] =	ssyncset.done $0x0  }
0x46: {  	s0 =	sadd.s32 s1, s0;
	[sflag:s13] =	ssyncadd.s32 $0xFFFFE800  }
0x47: {  	[tilespmem:s14], [sflag:$0x5] =	stream.linear.gather [hbm4b:s0+s3], $0x1800, $0x38;
	[tilespmem:$0x1F000] =	vst v63  }
0x48: {  	_ =	swait.ge [sflag:s13], $0x1800  }
0x49: {  	[sflag:s13] =	ssyncset.done $0x0  }
0x4a: {  	[sflag:s13] =	ssyncadd.s32 $0xFFFFE800  }
0x4b: {  	[tilespmem:s9], [sflag:$0x1] =	stream.indirect.gather [hbm4b:s5+s4], $0x80, s3, s4, $0xb8;
	[tilespmem:$0x1F000] =	vst v63  }
0x4c: {  	_ = 	snop  }
0x4d: {  	[tilespmem:s16], [sflag:$0x2] =	stream.indirect.gather [hbm4b:s5+s4], $0x80, s4, s4, $0xb8;
	[tilespmem:$0x1F000] =	vst v63  }
0x4e: {  	_ =	swait.ge [sflag:s18], $0x4000  }
0x4f: {  	p1 =	sle.u32 s11, $0x2;
	s25 =	simm.s32 $0x1800;
	[sflag:s18] =	ssyncset.done $0x0  }
0x50: {  	s24 =	simm.s32 $0x180;
	s8 =	simm.s32 @!p1 $0x3;
	[sflag:s18] =	ssyncadd.s32 $0xFFFFC000  }
0x51: {  	[spmem:s2] =	stream.indirect.scatter.add.f32 [tilespmem:s9], [sflag:$0x3], $0x80, s25, s4, $0xb8;
	[tilespmem:$0x1F000] =	vst v63  }
0x52: {  	p3 =	sle.u32 s11, $0x3;
	s29 =	sadd.s32 $0xFFFFFFFF, s26;
	_ =	swait.ge @!p1 [sflag:s8], $0x4000  }
0x53: {  	s28 =	simm.s32 $0x1980;
	s15 =	simm.s32 @!p1 $0x100;
	[sflag:s8] =	ssyncset.done @!p1 $0x0  }
0x54: {  	s20 =	simm.s32 @!p1 $0x80;
	s0 =	simm.s32 @!p1 $0x3000;
	[sflag:s8] =	ssyncadd.s32 @!p1 $0xFFFFC000  }
0x55: {  	[tilespmem:s0], [sflag:$0x1] =	stream.indirect.gather @!p1 [hbm4b:s5+s20], $0x80, s15, s20, $0xb8;
	[tilespmem:$0x1F000] =	vst v63  }
0x56: {  	s30 =	simm.s32 $0x180;
	p4 =	sne.s32 s29, $0x0;
	_ =	swait.ge [sflag:s21], $0x4000  }
.Ltmp1:
0x57: {  	s31 =	simm.s32 @!p3 $0x4;
	[sflag:s21] =	ssyncset.done $0x0;
	(pc) =	sbr.rel @!p4 .LBB2_6-.Ltmp1, $4  }
0x58: {  	s25 =	simm.s32 $0x5;
	s8 =	simm.s32 $0x1880;
	[sflag:s21] =	ssyncadd.s32 $0xFFFFC000  }
0x59: {  	[spmem:s2] =	stream.indirect.scatter.add.f32 [tilespmem:s16], [sflag:$0x4], $0x80, s8, s4, $0xb8;
	[tilespmem:$0x1F000] =	vst v63  }
0x5a: {  	s0 =	simm.s32 @!p3 $0x80;
	p1 =	por p2, p2;
	_ =	swait.ge @!p3 [sflag:s31], $0x4000  }
0x5b: {  	s15 =	simm.s32 @!p3 $0x7000;
	s20 =	simm.s32 $0x180;
	[sflag:s31] =	ssyncset.done @!p3 $0x0  }
.LBB2_5:
0x5c: {  	s30 =	smov.u32 s24;
	s8 =	smov.u32 s28  }
0x5d: {  	s29 =	sadd.s32 $0xFFFFFFFF, s29;
	s24 =	sadd.s32 $0x100, s24;
	[sflag:s31] =	ssyncadd.s32 @!p3 $0xFFFFC000  }
0x5e: {  	[tilespmem:s15], [sflag:$0x2] =	stream.indirect.gather @!p3 [hbm4b:s5+s0], $0x80, s20, s0, $0xb8;
	[tilespmem:$0x1F000] =	vst v63  }
0x5f: {  	p2 =	sne.s32 s29, $0x0;
	s0 =	sadd.s32 $0xFFFFFFFF, s25;
	_ =	swait.ge [sflag:s18], $0x4000  }
0x60: {  	s15 =	sadd.s32 $0xFFFFFF80, s28;
	p3 =	sge.u32 s0, s11;
	[sflag:s18] =	ssyncset.done $0x0  }
0x61: {  	s20 =	smov.u32 s24;
	s0 =	simm.s32 @!p3 $0x3;
	[sflag:s18] =	ssyncadd.s32 $0xFFFFC000  }
0x62: {  	[spmem:s2] =	stream.indirect.scatter.add.f32 [tilespmem:s9], [sflag:$0x3], $0x80, s15, s4, $0xb8;
	[tilespmem:$0x1F000] =	vst v63  }
0x63: {  	s15 =	simm.s32 @!p3 $0x3000;
	_ =	swait.ge @!p3 [sflag:s0], $0x4000  }
0x64: {  	s31 =	sadd.s32 @!p3 $0xFFFFFF80, s24;
	s17 =	simm.s32 @!p3 $0x80;
	[sflag:s0] =	ssyncset.done @!p3 $0x0  }
0x65: {  	[sflag:s0] =	ssyncadd.s32 @!p3 $0xFFFFC000  }
0x66: {  	[tilespmem:s15], [sflag:$0x1] =	stream.indirect.gather @!p3 [hbm4b:s5+s17], $0x80, s31, s17, $0xb8;
	[tilespmem:$0x1F000] =	vst v63  }
0x67: {  	_ =	swait.ge [sflag:s21], $0x4000  }
.Ltmp2:
0x68: {  	p3 =	sge.u32 s25, s11;
	[sflag:s21] =	ssyncset.done $0x0;
	(pc) =	sbr.rel @p2 .LBB2_5-.Ltmp2, $4  }
0x69: {  	s31 =	simm.s32 @!p3 $0x4;
	[sflag:s21] =	ssyncadd.s32 $0xFFFFC000  }
0x6a: {  	[spmem:s2] =	stream.indirect.scatter.add.f32 [tilespmem:s16], [sflag:$0x4], $0x80, s28, s4, $0xb8;
	[tilespmem:$0x1F000] =	vst v63  }
0x6b: {  	s25 =	sadd.s32 $0x2, s25;
	s28 =	sadd.s32 $0x100, s28;
	_ =	swait.ge @!p3 [sflag:s31], $0x4000  }
0x6c: {  	s0 =	simm.s32 @!p3 $0x80;
	s15 =	simm.s32 @!p3 $0x7000;
	[sflag:s31] =	ssyncset.done @!p3 $0x0  }
.LBB2_6:
0x6d: {  	[sflag:s31] =	ssyncadd.s32 @!p3 $0xFFFFC000  }
0x6e: {  	[tilespmem:s15], [sflag:$0x2] =	stream.indirect.gather @!p3 [hbm4b:s5+s0], $0x80, s20, s0, $0xb8;
	[tilespmem:$0x1F000] =	vst v63  }
0x6f: {  	s31 =	sadd.s32 $0xFFFFFFFF, s25;
	_ =	swait.ge [sflag:s18], $0x4000  }
0x70: {  	p2 =	sge.u32 s31, s11;
	[sflag:s18] =	ssyncset.done $0x0  }
0x71: {  	s29 =	sadd.s32 $0x80, s8;
	s0 =	simm.s32 @!p2 $0x3;
	[sflag:s18] =	ssyncadd.s32 $0xFFFFC000  }
0x72: {  	[spmem:s2] =	stream.indirect.scatter.add.f32 [tilespmem:s9], [sflag:$0x3], $0x80, s29, s4, $0xb8;
	[tilespmem:$0x1F000] =	vst v63  }
0x73: {  	_ =	swait.ge @!p2 [sflag:s0], $0x4000  }
0x74: {  	s8 =	simm.s32 @!p2 $0x80;
	[sflag:s0] =	ssyncset.done @!p2 $0x0  }
0x75: {  	s15 =	simm.s32 @!p2 $0x3000;
	[sflag:s0] =	ssyncadd.s32 @!p2 $0xFFFFC000;
	s0 =	sadd.s32 @!p2 $0x80, s30  }
0x76: {  	[tilespmem:s15], [sflag:$0x1] =	stream.indirect.gather @!p2 [hbm4b:s5+s8], $0x80, s0, s8, $0xb8;
	[tilespmem:$0x1F000] =	vst v63  }
0x77: {  	_ =	swait.ge [sflag:s21], $0x4000  }
0x78: {  	p2 =	sge.u32 s25, s11;
	[sflag:s21] =	ssyncset.done $0x0  }
0x79: {  	s0 =	simm.s32 @!p2 $0x4;
	[sflag:s21] =	ssyncadd.s32 $0xFFFFC000  }
0x7a: {  	[spmem:s2] =	stream.indirect.scatter.add.f32 [tilespmem:s16], [sflag:$0x4], $0x80, s28, s4, $0xb8;
	[tilespmem:$0x1F000] =	vst v63  }
0x7b: {  	_ =	swait.ge @!p2 [sflag:s0], $0x4000  }
0x7c: {  	s8 =	sadd.s32 $0x100, s24;
	[sflag:s0] =	ssyncset.done @!p2 $0x0  }
0x7d: {  	s15 =	simm.s32 @!p2 $0x7000;
	[sflag:s0] =	ssyncadd.s32 @!p2 $0xFFFFC000;
	s0 =	simm.s32 @!p2 $0x80  }
0x7e: {  	[tilespmem:s15], [sflag:$0x2] =	stream.indirect.gather @!p2 [hbm4b:s5+s0], $0x80, s8, s0, $0xb8;
	[tilespmem:$0x1F000] =	vst v63  }
0x7f: {  	_ =	swait.ge [sflag:s22], $0x4000  }
.Ltmp3:
0x80: {  	[sflag:s22] =	ssyncset.done $0x0;
	(pc) =	sbr.rel @p1 .LBB2_4-.Ltmp3, $4  }
0x81: {  	[sflag:s22] =	ssyncadd.s32 $0xFFFFC000  }
0x82: {  	_ =	swait.ge [sflag:s7], $0x4000  }
0x83: {  	[sflag:s7] =	ssyncset.done $0x0  }
0x84: {  	p2 =	por $0x0, $0x0;
	s0 =	smov.u32 s11;
	[sflag:s7] =	ssyncadd.s32 $0xFFFFC000  }
0x85: {  	s17 =	stileid.u32  }
0x86: {  	[bflag:$0x0] =	sbarrier.arrive $0xFFFF;
	s0 =	sshll.u32 @p0 s17, $0x6  }
0x87: {  	s8 =	sshrl.u32 @p0 s12, $0x3;
	s15 =	rddreg [dreg:$0xe];
	s0 =	sor.u32 @p0 $0x1C06, s0  }
0x88: {  	[hbm:s15], [sflag:s0] =	dma.local @p0 [spmem:s8], $0x800  }
0x89: {  	s8 =	simm.s32 @p0 $0x6  }
0x8a: {  	_ =	swait.ge @p0 [sflag:s8], $0x800  }
0x8b: {  	[sflag:s8] =	ssyncset.done @p0 $0x0;
	s24 =	rddreg [dreg:$0x9]  }
0x8c: {  	s20 =	rddreg [dreg:$0xf];
	[sflag:s8] =	ssyncadd.s32 @p0 $0xFFFFF800;
	s15 =	sshrl.u32 @p0 s24, $0x3  }
0x8d: {  	[hbm:s20], [sflag:s0] =	dma.local @p0 [spmem:s15], $0x800  }
0x8e: {  	_ =	swait.ge @p0 [sflag:s8], $0x800  }
0x8f: {  	[sflag:s8] =	ssyncset.done @p0 $0x0;
	s25 =	rddreg [dreg:$0xb]  }
0x90: {  	s20 =	rddreg [dreg:$0x10];
	[sflag:s8] =	ssyncadd.s32 @p0 $0xFFFFF800;
	s15 =	sshrl.u32 @p0 s25, $0x3  }
0x91: {  	[hbm:s20], [sflag:s0] =	dma.local @p0 [spmem:s15], $0x800  }
0x92: {  	_ =	swait.ge @p0 [sflag:s8], $0x800  }
0x93: {  	[sflag:s8] =	ssyncset.done @p0 $0x0  }
0x94: {  	s15 =	sshrl.u32 @p0 s19, $0x3;
	s20 =	rddreg [dreg:$0x12];
	[sflag:s8] =	ssyncadd.s32 @p0 $0xFFFFF800  }
0x95: {  	[hbm:s20], [sflag:s0] =	dma.local @p0 [spmem:s15], $0x800  }
0x96: {  	s0 =	sshll.u32 @!p0 s17, $0x6;
	_ =	swait.ge @p0 [sflag:s8], $0x800  }
0x97: {  	s0 =	sor.u32 @!p0 $0x1C05, s0;
	[sflag:s8] =	ssyncset.done @p0 $0x0  }
0x98: {  	s15 =	rddreg [dreg:$0x8];
	[sflag:s8] =	ssyncadd.s32 @p0 $0xFFFFF800;
	s8 =	sshrl.u32 @!p0 s12, $0x3  }
0x99: {  	[hbm:s15], [sflag:s0] =	dma.local @!p0 [spmem:s8], $0x800  }
0x9a: {  	s8 =	simm.s32 @!p0 $0x5  }
0x9b: {  	_ =	swait.ge @!p0 [sflag:s8], $0x800  }
0x9c: {  	[sflag:s8] =	ssyncset.done @!p0 $0x0  }
0x9d: {  	s15 =	sshrl.u32 @!p0 s24, $0x3;
	s17 =	rddreg [dreg:$0xa];
	[sflag:s8] =	ssyncadd.s32 @!p0 $0xFFFFF800  }
0x9e: {  	[hbm:s17], [sflag:s0] =	dma.local @!p0 [spmem:s15], $0x800  }
0x9f: {  	_ =	swait.ge @!p0 [sflag:s8], $0x800  }
0xa0: {  	[sflag:s8] =	ssyncset.done @!p0 $0x0  }
0xa1: {  	s15 =	sshrl.u32 @!p0 s25, $0x3;
	s17 =	rddreg [dreg:$0xc];
	[sflag:s8] =	ssyncadd.s32 @!p0 $0xFFFFF800  }
0xa2: {  	[hbm:s17], [sflag:s0] =	dma.local @!p0 [spmem:s15], $0x800  }
0xa3: {  	_ =	swait.ge @!p0 [sflag:s8], $0x800  }
0xa4: {  	[sflag:s8] =	ssyncset.done @!p0 $0x0  }
0xa5: {  	s15 =	sshrl.u32 @!p0 s19, $0x3;
	s17 =	rddreg [dreg:$0x11];
	[sflag:s8] =	ssyncadd.s32 @!p0 $0xFFFFF800  }
0xa6: {  	[hbm:s17], [sflag:s0] =	dma.local @!p0 [spmem:s15], $0x800  }
0xa7: {  	_ =	swait.ge @!p0 [sflag:s8], $0x800  }
0xa8: {  	s0 =	rddreg [dreg:$0x5]  }
0xa9: {  	s28 =	rddreg [dreg:$0xd]  }
0xaa: {  	s17 =	rddreg [dreg:$0x4]  }
0xab: {  	s29 =	rddreg [dreg:$0x6]  }
0xac: {  	[sflag:s8] =	ssyncset.done @!p0 $0x0;
	s30 =	rddreg [dreg:$0x17]  }
0xad: {  	[sflag:s8] =	ssyncadd.s32 @!p0 $0xFFFFF800;
	s8 =	simm.s32 @p0 $0x6;
	s15 =	sshll.u32 s28, $0x7  }
0xae: {  	s0 =	smov.u32 @p0 s17;
	s15 =	sadd.s32 s15, s2;
	s17 =	sadd.s32 s8, s29  }
0xaf: {  	s0 =	sadd.s32 s0, s30;
	s17 =	sadd.s32 $0x1C00, s17;
	s15 =	sshrl.u32 s15, $0x3  }
0xb0: {  	[hbm:s0], [sflag:s17] =	dma.local [spmem:s15], $0x800  }
0xb1: {  	_ =	swait.ge [sflag:s8], $0x800  }
0xb2: {  	s23 =	sadd.s32 $0x1, s23;
	s31 =	rddreg [dreg:$0x7]  }
0xb3: {  	p1 =	sne.s32 s23, s31  }
.Ltmp4:
0xb4: {  	_ = 	snop;
	(pc) =	sbr.rel @p1 .LBB2_1-.Ltmp4, $3  }
0xb5: {  	_ =	sdelay $0x1  }
0xb6: {  	[sflag:s8] =	ssyncset.done $0x0  }
0xb7: {  	s20 =	stileid.u32;
	[sflag:s8] =	ssyncadd.s32 $0xFFFFF800  }
0xb8: {  	_ =	sfence.sel $0x180000  }
0xb9: {  	[bflag:$0x0] =	sbarrier.arrive $0xFFFF  }
0xba: {  	_ =	strace $0x90000053  }
0xbb: {  	[bflag:$0x2] =	sbarrier.arrive $0xFFFF  }
0xbc: {  	p0 =	sne.s32 s20, $0x0;
	s0 =	rddreg [dreg:$0x3]  }
0xbd: {  	s0 =	sadd.s32 @!p0 $0x100000, s0  }
0xbe: {  	[sflag:s0] =	ssyncadd.tile.s32 @!p0 $0x1;
	_ =	shalt  }
.Lfunc_end2:
_tile_overlayer_lowered:
.L_overlay_start_2:
0xbf: {  	(tag) =	ssettag $0x2  }
0xc0: {  	s0 =	rddreg [dreg:$0x0];
	s2 =	stileid.u32  }
0xc1: {  	s1 =	rddreg [dreg:$0x1];
	p0 =	sne.s32 s2, $0x0  }
0xc2: {  	s3 =	rddreg [dreg:$0x2];
	[bflag:$0x3] =	sbarrier.arrive $0xFFFF;
	s2 =	simm.s32 @!p0 $0x1C05  }
0xc3: {  	[timem:s3], [sflag:s2] =	dma.local @!p0 [hbm:s0], s1  }
0xc4: {  	s0 =	simm.s32 @!p0 $0x5  }
0xc5: {  	_ =	swait.ge @!p0 [sflag:s0], s1  }
0xc6: {  	s1 =	ssub.s32 @!p0 $0x0, s1;
	[sflag:s0] =	ssyncset.done @!p0 $0x0  }
0xc7: {  	[sflag:s0] =	ssyncadd.s32 @!p0 s1  }
0xc8: {  	[bflag:$0x3] =	sbarrier.arrive $0xFFFF  }
0xc9: {  	_ =	shalt  }

</sc_bundles>
